<compile_context>
chip_gen: v7x
topology: tpu7x:2x2x1
jax: 0.10.2.dev20260603
libtpu: 0.0.44.dev20260713+nightly
codegen_flags: <defaults>
</compile_context>

<pallas_src>
import functools

import jax
import jax.numpy as jnp
from jax import lax
from jax.experimental import pallas as pl
from jax.experimental.pallas import tpu as pltpu
from jax.experimental.pallas import tpu_sc as plsc

_RANK = 32
_B = 16384
_LAMBD = 0.01
_NW = 32
_BPW = _B // _NW
_P = 16
_NS = 8


def _sc_body(idx0_hbm, idx1_hbm, idx2_hbm, y_hbm, u0t_hbm, u1_hbm, u2_hbm,
             out_hbm, idx_v, y_v, ring_v, c0_v, s1_v, s2_v, part_v,
             sem0, sem):
    wid = lax.axis_index("s") * 2 + lax.axis_index("c")
    base = wid * _BPW
    for j in range(_BPW // 128):
        pltpu.sync_copy(idx0_hbm.at[pl.ds(base + j * 128, 128)],
                        idx_v.at[0, j, 0])
        pltpu.sync_copy(idx1_hbm.at[pl.ds(base + j * 128, 128)],
                        idx_v.at[1, j, 0])
        pltpu.sync_copy(idx2_hbm.at[pl.ds(base + j * 128, 128)],
                        idx_v.at[2, j, 0])
    pltpu.sync_copy(y_hbm.at[pl.ds(base, _BPW)], y_v)

    lane = lax.iota(jnp.int32, 16)
    zero = jnp.zeros((16,), jnp.float32)
    seven = jnp.full((16,), 7, jnp.int32)

    def i0_window(b):
        return idx_v[0, b // 8, 0, pl.ds((b % 8) * 16, 16)]

    def fire_col(col_scalar, slot):
        g = pl.multiple_of(lax.shift_right_logical(col_scalar, 7) * 128, 128)
        return pltpu.async_copy(u0t_hbm.at[:, pl.ds(g, 128)],
                                ring_v.at[slot], sem0)

    def drain_slot(slot):
        pltpu.make_async_copy(u0t_hbm.at[:, pl.ds(0, 128)],
                              ring_v.at[slot], sem0).wait()

    w0 = i0_window(0)
    for s in range(_NS):
        fire_col(w0[s], s)

    def block(b, carry):
        regacc, lacc = carry
        jj = b // 8
        off = (b % 8) * 16
        i1 = idx_v[1, jj, 0, pl.ds(off, 16)]
        i2 = idx_v[2, jj, 0, pl.ds(off, 16)]
        g1 = lax.shift_right_logical(i1, 3) * 8
        g2 = lax.shift_right_logical(i2, 3) * 8
        copies = []
        for j in range(16):
            for u_hbm, s_v, g in ((u1_hbm, s1_v, g1), (u2_hbm, s2_v, g2)):
                g8 = pl.multiple_of(g[j], 8)
                copies.append(pltpu.async_copy(
                    u_hbm.at[pl.ds(g8, 8), :], s_v.at[j], sem))

        w = i0_window(b)
        wn = i0_window(jnp.minimum(b + 1, _BPW // 16 - 1))
        for j in range(16):
            slot = j % _NS
            item = b * 16 + j
            drain_slot(slot)
            l16 = jnp.bitwise_and(w[j], 127) + jnp.zeros((16,), jnp.int32)
            slot16 = jnp.full((16,), slot, jnp.int32)
            item16 = jnp.zeros((16,), jnp.int32) + item
            va = plsc.load_gather(ring_v, [slot16, lane, l16])
            vb = plsc.load_gather(ring_v, [slot16, lane + 16, l16])
            plsc.store_scatter(c0_v, [lane, item16], va)
            plsc.store_scatter(c0_v, [lane + 16, item16], vb)
            nxt = wn[j - (16 - _NS)] if j >= 16 - _NS else w[j + _NS]
            fire_col(nxt, slot)
        for c in copies:
            c.wait()

        item = b * 16 + lane
        s1 = jnp.bitwise_and(i1, seven)
        s2 = jnp.bitwise_and(i2, seven)
        pred = zero
        sq = zero
        for k in range(_RANK):
            kk = jnp.bitwise_and(lane + k, _RANK - 1)
            a = plsc.load_gather(c0_v, [kk, item])
            b2 = plsc.load_gather(s1_v, [lane, s1, kk])
            cc = plsc.load_gather(s2_v, [lane, s2, kk])
            pred = pred + a * b2 * cc
            sq = sq + (a * a + b2 * b2 + cc * cc)
        e = pred - y_v[pl.ds(b * 16, 16)]
        return regacc + sq, lacc + e * e

    regacc, lacc = lax.fori_loop(0, _BPW // 16, block, (zero, zero))
    for s in range(_NS):
        drain_slot(s)
    part = lacc + _LAMBD * regacc
    plsc.store_scatter(part_v, [jnp.zeros((16,), jnp.int32), lane], part)
    pltpu.sync_copy(part_v.at[pl.ds(0, 8), :],
                    out_hbm.at[pl.ds(wid * 8, 8), :])


@jax.jit
def kernel(idx0, idx1, idx2, y, U0, U1, U2):
    mesh = plsc.VectorSubcoreMesh(core_axis_name="c", subcore_axis_name="s",
                                  num_cores=2, num_subcores=16)
    sc = functools.partial(
        pl.kernel, mesh=mesh,
        compiler_params=pltpu.CompilerParams(
            needs_layout_passes=False, use_tc_tiling_on_sc=True),
        out_type=jax.ShapeDtypeStruct((_NW * 8, 128), jnp.float32),
        scratch_types=[
            pltpu.VMEM((3, _BPW // 128, 1, 128), jnp.int32),
            pltpu.VMEM((_BPW,), jnp.float32),
            pltpu.VMEM((_NS, _RANK, 128), jnp.float32),
            pltpu.VMEM((_RANK, _BPW), jnp.float32),
            pltpu.VMEM((_P, 8, _RANK), jnp.float32),
            pltpu.VMEM((_P, 8, _RANK), jnp.float32),
            pltpu.VMEM((8, 128), jnp.float32),
            pltpu.SemaphoreType.DMA,
            pltpu.SemaphoreType.DMA,
        ],
    )(_sc_body)
    parts = sc(idx0, idx1, idx2, y, U0.T, U1, U2)
    return jnp.sum(parts.reshape(_NW, 8, 128)[:, 0, :16])

# --- scband reference (transcript-rebuilt; emitter-appended) ---
"""Pipeline reference for scband-cpdecomp-pytorch3-d-83528523973071 (READ-ONLY COPY).

The authoritative reference and input builder live on the scoring server;
editing this copy changes nothing except your own understanding.
"""

import jax, jax.numpy as jnp
import numpy as np

DIMS = [1000000, 100000, 1000]
RANK = 32
B = 16384
LAMBD = 0.01


def setup_inputs(seed: int = 0) -> dict:
    key = jax.random.key(seed)
    ks = jax.random.split(key, 7)
    idx0 = jax.random.randint(ks[0], (B,), 0, DIMS[0], dtype=jnp.int32)
    idx1 = jax.random.randint(ks[1], (B,), 0, DIMS[1], dtype=jnp.int32)
    idx2 = jax.random.randint(ks[2], (B,), 0, DIMS[2], dtype=jnp.int32)
    y = jax.random.normal(ks[3], (B,), dtype=jnp.float32)
    # learned CP factor matrices (one torch.nn.Embedding per tensor mode)
    U0 = jax.random.normal(ks[4], (DIMS[0], RANK), dtype=jnp.float32) * 0.1
    U1 = jax.random.normal(ks[5], (DIMS[1], RANK), dtype=jnp.float32) * 0.1
    U2 = jax.random.normal(ks[6], (DIMS[2], RANK), dtype=jnp.float32) * 0.1
    return {"idx0": idx0, "idx1": idx1, "idx2": idx2, "y": y, "U0": U0, "U1": U1, "U2": U2}


def reference(idx0, idx1, idx2, y, U0, U1, U2):
    # Faithful translation of CPDecompPytorch3D.loss_fun for a batch of observed entries.
    # Each observed entry = ((i0, i1, i2), value). Embedding lookups per mode,
    # elementwise product accumulated into `inners`, L2 penalty on the gathered rows.
    v0 = jnp.take(U0, idx0, axis=0)   # embedding lookup, mode 0
    v1 = jnp.take(U1, idx1, axis=0)   # embedding lookup, mode 1
    v2 = jnp.take(U2, idx2, axis=0)   # embedding lookup, mode 2
    inners = v0 * v1 * v2             # inners starts at ones, multiplied per dim
    reg = LAMBD * (jnp.sum(v0 ** 2) + jnp.sum(v1 ** 2) + jnp.sum(v2 ** 2))
    pred = jnp.sum(inners, axis=1)
    loss = reg + jnp.sum((pred - y) ** 2)
    return loss

if __name__ == "__main__":
    import jax
    _d = setup_inputs()
    print(jax.jit(kernel)(*tuple(_d.values())))

</pallas_src>

<mosaic_0001>
#map = affine_map<(d0, d1) -> (0)>
#map1 = affine_map<(d0, d1) -> (0, 0)>
module attributes {stable_mosaic.version = 14 : i64} {
  func.func @_sc_body(%arg0: i32, %arg1: i32, %arg2: memref<16384xi32, #tpu.memory_space<hbm>>, %arg3: memref<16384xi32, #tpu.memory_space<hbm>>, %arg4: memref<16384xi32, #tpu.memory_space<hbm>>, %arg5: memref<16384xf32, #tpu.memory_space<hbm>>, %arg6: memref<32x1000000xf32, #tpu.memory_space<hbm>>, %arg7: memref<100000x32xf32, #tpu.memory_space<hbm>>, %arg8: memref<1000x32xf32, #tpu.memory_space<hbm>>, %arg9: memref<256x128xf32, #tpu.memory_space<hbm>>, %arg10: memref<3x4x1x128xi32, #tpu.memory_space<vmem>>, %arg11: memref<512xf32, #tpu.memory_space<vmem>>, %arg12: memref<8x32x128xf32, #tpu.memory_space<vmem>>, %arg13: memref<32x512xf32, #tpu.memory_space<vmem>>, %arg14: memref<16x8x32xf32, #tpu.memory_space<vmem>>, %arg15: memref<16x8x32xf32, #tpu.memory_space<vmem>>, %arg16: memref<8x128xf32, #tpu.memory_space<vmem>>, %arg17: memref<!tpu.dma_semaphore, #tpu.memory_space<semaphore_mem>>, %arg18: memref<!tpu.dma_semaphore, #tpu.memory_space<semaphore_mem>>) attributes {dimension_semantics = [#tpu.dimension_semantics<core_parallel>, #tpu.dimension_semantics<subcore_parallel>], iteration_bounds = array<i64: 2, 16>, scalar_prefetch = 0 : i64, scratch_operands = 9 : i64, tpu.core_type = #tpu.core_type<sc_vector_subcore>, window_params = [{transform_indices = #map}, {transform_indices = #map}, {transform_indices = #map}, {transform_indices = #map}, {transform_indices = #map1}, {transform_indices = #map1}, {transform_indices = #map1}, {transform_indices = #map1}]} {
    %mul3A = arith.constant 2 : i32
    %mul3A_0 = arith.muli %arg1, %mul3A : i32
    %add3A = arith.addi %mul3A_0, %arg0 : i32
    %mul3A_1 = arith.constant 512 : i32
    %mul3A_2 = arith.muli %add3A, %mul3A_1 : i32
    %add3A_3 = arith.constant 0 : i32
    %add3A_4 = arith.addi %mul3A_2, %add3A_3 : i32
    %run_scoped3A = arith.constant 0 : i32
    %run_scoped3A_5 = arith.constant 0 : i32
    %run_scoped3A_6 = arith.constant 0 : i32
    "tpu.region"() ({
      %run_scoped3A_359 = tpu.sem_alloc : memref<!tpu.dma_semaphore, #tpu.memory_space<semaphore_mem>>
      %dma_start3A_360 = arith.constant 0 : i32
      %dma_start3A_361 = tpu.memref_slice %arg10[%run_scoped3A, %run_scoped3A_5, %run_scoped3A_6, %dma_start3A_360] : memref<3x4x1x128xi32, #tpu.memory_space<vmem>> -> memref<1x1x1x128xi32, #tpu.memory_space<vmem>>
      %dma_start3A_362 = tpu.memref_squeeze %dma_start3A_361 : memref<1x1x1x128xi32, #tpu.memory_space<vmem>> -> memref<128xi32, #tpu.memory_space<vmem>>
      %dma_start3A_363 = tpu.memref_slice %arg2[%add3A_4] : memref<16384xi32, #tpu.memory_space<hbm>> -> memref<128xi32, #tpu.memory_space<hbm>>
      %dma_start3A_364 = arith.constant 0 : i32
      %dma_start3A_365 = tpu.memref_slice %arg10[%run_scoped3A, %run_scoped3A_5, %run_scoped3A_6, %dma_start3A_364] : memref<3x4x1x128xi32, #tpu.memory_space<vmem>> -> memref<1x1x1x128xi32, #tpu.memory_space<vmem>>
      %dma_start3A_366 = tpu.memref_squeeze %dma_start3A_365 : memref<1x1x1x128xi32, #tpu.memory_space<vmem>> -> memref<128xi32, #tpu.memory_space<vmem>>
      %dma_start3A_367 = tpu.memref_slice %arg2[%add3A_4] : memref<16384xi32, #tpu.memory_space<hbm>> -> memref<128xi32, #tpu.memory_space<hbm>>
      tpu.enqueue_dma source(%dma_start3A_367 : memref<128xi32, #tpu.memory_space<hbm>>) target(%dma_start3A_366 : memref<128xi32, #tpu.memory_space<vmem>>) target_semaphore(%run_scoped3A_359 : memref<!tpu.dma_semaphore, #tpu.memory_space<semaphore_mem>>)
      %dma_wait3A_368 = arith.constant 0 : i32
      %dma_wait3A_369 = tpu.memref_slice %arg10[%run_scoped3A, %run_scoped3A_5, %run_scoped3A_6, %dma_wait3A_368] : memref<3x4x1x128xi32, #tpu.memory_space<vmem>> -> memref<1x1x1x128xi32, #tpu.memory_space<vmem>>
      %dma_wait3A_370 = tpu.memref_squeeze %dma_wait3A_369 : memref<1x1x1x128xi32, #tpu.memory_space<vmem>> -> memref<128xi32, #tpu.memory_space<vmem>>
      %dma_wait3A_371 = tpu.memref_slice %arg2[%add3A_4] : memref<16384xi32, #tpu.memory_space<hbm>> -> memref<128xi32, #tpu.memory_space<hbm>>
      %dma_wait3A_372 = arith.constant 0 : i32
      %dma_wait3A_373 = tpu.memref_slice %arg10[%run_scoped3A, %run_scoped3A_5, %run_scoped3A_6, %dma_wait3A_372] : memref<3x4x1x128xi32, #tpu.memory_space<vmem>> -> memref<1x1x1x128xi32, #tpu.memory_space<vmem>>
      %dma_wait3A_374 = tpu.memref_squeeze %dma_wait3A_373 : memref<1x1x1x128xi32, #tpu.memory_space<vmem>> -> memref<128xi32, #tpu.memory_space<vmem>>
      %dma_wait3A_375 = tpu.memref_slice %arg2[%add3A_4] : memref<16384xi32, #tpu.memory_space<hbm>> -> memref<128xi32, #tpu.memory_space<hbm>>
      tpu.wait_dma2 semaphore(%run_scoped3A_359 : memref<!tpu.dma_semaphore, #tpu.memory_space<semaphore_mem>>) src(%dma_wait3A_375 : memref<128xi32, #tpu.memory_space<hbm>>) dst(%dma_wait3A_374 : memref<128xi32, #tpu.memory_space<vmem>>)
      tpu.yield
    }) : () -> ()
    %add3A_7 = arith.constant 0 : i32
    %add3A_8 = arith.addi %mul3A_2, %add3A_7 : i32
    %run_scoped3A_9 = arith.constant 1 : i32
    %run_scoped3A_10 = arith.constant 0 : i32
    %run_scoped3A_11 = arith.constant 0 : i32
    "tpu.region"() ({
      %run_scoped3A_359 = tpu.sem_alloc : memref<!tpu.dma_semaphore, #tpu.memory_space<semaphore_mem>>
      %dma_start3A_360 = arith.constant 0 : i32
      %dma_start3A_361 = tpu.memref_slice %arg10[%run_scoped3A_9, %run_scoped3A_10, %run_scoped3A_11, %dma_start3A_360] : memref<3x4x1x128xi32, #tpu.memory_space<vmem>> -> memref<1x1x1x128xi32, #tpu.memory_space<vmem>>
      %dma_start3A_362 = tpu.memref_squeeze %dma_start3A_361 : memref<1x1x1x128xi32, #tpu.memory_space<vmem>> -> memref<128xi32, #tpu.memory_space<vmem>>
      %dma_start3A_363 = tpu.memref_slice %arg3[%add3A_8] : memref<16384xi32, #tpu.memory_space<hbm>> -> memref<128xi32, #tpu.memory_space<hbm>>
      %dma_start3A_364 = arith.constant 0 : i32
      %dma_start3A_365 = tpu.memref_slice %arg10[%run_scoped3A_9, %run_scoped3A_10, %run_scoped3A_11, %dma_start3A_364] : memref<3x4x1x128xi32, #tpu.memory_space<vmem>> -> memref<1x1x1x128xi32, #tpu.memory_space<vmem>>
      %dma_start3A_366 = tpu.memref_squeeze %dma_start3A_365 : memref<1x1x1x128xi32, #tpu.memory_space<vmem>> -> memref<128xi32, #tpu.memory_space<vmem>>
      %dma_start3A_367 = tpu.memref_slice %arg3[%add3A_8] : memref<16384xi32, #tpu.memory_space<hbm>> -> memref<128xi32, #tpu.memory_space<hbm>>
      tpu.enqueue_dma source(%dma_start3A_367 : memref<128xi32, #tpu.memory_space<hbm>>) target(%dma_start3A_366 : memref<128xi32, #tpu.memory_space<vmem>>) target_semaphore(%run_scoped3A_359 : memref<!tpu.dma_semaphore, #tpu.memory_space<semaphore_mem>>)
      %dma_wait3A_368 = arith.constant 0 : i32
      %dma_wait3A_369 = tpu.memref_slice %arg10[%run_scoped3A_9, %run_scoped3A_10, %run_scoped3A_11, %dma_wait3A_368] : memref<3x4x1x128xi32, #tpu.memory_space<vmem>> -> memref<1x1x1x128xi32, #tpu.memory_space<vmem>>
      %dma_wait3A_370 = tpu.memref_squeeze %dma_wait3A_369 : memref<1x1x1x128xi32, #tpu.memory_space<vmem>> -> memref<128xi32, #tpu.memory_space<vmem>>
      %dma_wait3A_371 = tpu.memref_slice %arg3[%add3A_8] : memref<16384xi32, #tpu.memory_space<hbm>> -> memref<128xi32, #tpu.memory_space<hbm>>
      %dma_wait3A_372 = arith.constant 0 : i32
      %dma_wait3A_373 = tpu.memref_slice %arg10[%run_scoped3A_9, %run_scoped3A_10, %run_scoped3A_11, %dma_wait3A_372] : memref<3x4x1x128xi32, #tpu.memory_space<vmem>> -> memref<1x1x1x128xi32, #tpu.memory_space<vmem>>
      %dma_wait3A_374 = tpu.memref_squeeze %dma_wait3A_373 : memref<1x1x1x128xi32, #tpu.memory_space<vmem>> -> memref<128xi32, #tpu.memory_space<vmem>>
      %dma_wait3A_375 = tpu.memref_slice %arg3[%add3A_8] : memref<16384xi32, #tpu.memory_space<hbm>> -> memref<128xi32, #tpu.memory_space<hbm>>
      tpu.wait_dma2 semaphore(%run_scoped3A_359 : memref<!tpu.dma_semaphore, #tpu.memory_space<semaphore_mem>>) src(%dma_wait3A_375 : memref<128xi32, #tpu.memory_space<hbm>>) dst(%dma_wait3A_374 : memref<128xi32, #tpu.memory_space<vmem>>)
      tpu.yield
    }) : () -> ()
    %add3A_12 = arith.constant 0 : i32
    %add3A_13 = arith.addi %mul3A_2, %add3A_12 : i32
    %run_scoped3A_14 = arith.constant 2 : i32
    %run_scoped3A_15 = arith.constant 0 : i32
    %run_scoped3A_16 = arith.constant 0 : i32
    "tpu.region"() ({
      %run_scoped3A_359 = tpu.sem_alloc : memref<!tpu.dma_semaphore, #tpu.memory_space<semaphore_mem>>
      %dma_start3A_360 = arith.constant 0 : i32
      %dma_start3A_361 = tpu.memref_slice %arg10[%run_scoped3A_14, %run_scoped3A_15, %run_scoped3A_16, %dma_start3A_360] : memref<3x4x1x128xi32, #tpu.memory_space<vmem>> -> memref<1x1x1x128xi32, #tpu.memory_space<vmem>>
      %dma_start3A_362 = tpu.memref_squeeze %dma_start3A_361 : memref<1x1x1x128xi32, #tpu.memory_space<vmem>> -> memref<128xi32, #tpu.memory_space<vmem>>
      %dma_start3A_363 = tpu.memref_slice %arg4[%add3A_13] : memref<16384xi32, #tpu.memory_space<hbm>> -> memref<128xi32, #tpu.memory_space<hbm>>
      %dma_start3A_364 = arith.constant 0 : i32
      %dma_start3A_365 = tpu.memref_slice %arg10[%run_scoped3A_14, %run_scoped3A_15, %run_scoped3A_16, %dma_start3A_364] : memref<3x4x1x128xi32, #tpu.memory_space<vmem>> -> memref<1x1x1x128xi32, #tpu.memory_space<vmem>>
      %dma_start3A_366 = tpu.memref_squeeze %dma_start3A_365 : memref<1x1x1x128xi32, #tpu.memory_space<vmem>> -> memref<128xi32, #tpu.memory_space<vmem>>
      %dma_start3A_367 = tpu.memref_slice %arg4[%add3A_13] : memref<16384xi32, #tpu.memory_space<hbm>> -> memref<128xi32, #tpu.memory_space<hbm>>
      tpu.enqueue_dma source(%dma_start3A_367 : memref<128xi32, #tpu.memory_space<hbm>>) target(%dma_start3A_366 : memref<128xi32, #tpu.memory_space<vmem>>) target_semaphore(%run_scoped3A_359 : memref<!tpu.dma_semaphore, #tpu.memory_space<semaphore_mem>>)
      %dma_wait3A_368 = arith.constant 0 : i32
      %dma_wait3A_369 = tpu.memref_slice %arg10[%run_scoped3A_14, %run_scoped3A_15, %run_scoped3A_16, %dma_wait3A_368] : memref<3x4x1x128xi32, #tpu.memory_space<vmem>> -> memref<1x1x1x128xi32, #tpu.memory_space<vmem>>
      %dma_wait3A_370 = tpu.memref_squeeze %dma_wait3A_369 : memref<1x1x1x128xi32, #tpu.memory_space<vmem>> -> memref<128xi32, #tpu.memory_space<vmem>>
      %dma_wait3A_371 = tpu.memref_slice %arg4[%add3A_13] : memref<16384xi32, #tpu.memory_space<hbm>> -> memref<128xi32, #tpu.memory_space<hbm>>
      %dma_wait3A_372 = arith.constant 0 : i32
      %dma_wait3A_373 = tpu.memref_slice %arg10[%run_scoped3A_14, %run_scoped3A_15, %run_scoped3A_16, %dma_wait3A_372] : memref<3x4x1x128xi32, #tpu.memory_space<vmem>> -> memref<1x1x1x128xi32, #tpu.memory_space<vmem>>
      %dma_wait3A_374 = tpu.memref_squeeze %dma_wait3A_373 : memref<1x1x1x128xi32, #tpu.memory_space<vmem>> -> memref<128xi32, #tpu.memory_space<vmem>>
      %dma_wait3A_375 = tpu.memref_slice %arg4[%add3A_13] : memref<16384xi32, #tpu.memory_space<hbm>> -> memref<128xi32, #tpu.memory_space<hbm>>
      tpu.wait_dma2 semaphore(%run_scoped3A_359 : memref<!tpu.dma_semaphore, #tpu.memory_space<semaphore_mem>>) src(%dma_wait3A_375 : memref<128xi32, #tpu.memory_space<hbm>>) dst(%dma_wait3A_374 : memref<128xi32, #tpu.memory_space<vmem>>)
      tpu.yield
    }) : () -> ()
    %add3A_17 = arith.constant 128 : i32
    %add3A_18 = arith.addi %mul3A_2, %add3A_17 : i32
    %run_scoped3A_19 = arith.constant 0 : i32
    %run_scoped3A_20 = arith.constant 1 : i32
    %run_scoped3A_21 = arith.constant 0 : i32
    "tpu.region"() ({
      %run_scoped3A_359 = tpu.sem_alloc : memref<!tpu.dma_semaphore, #tpu.memory_space<semaphore_mem>>
      %dma_start3A_360 = arith.constant 0 : i32
      %dma_start3A_361 = tpu.memref_slice %arg10[%run_scoped3A_19, %run_scoped3A_20, %run_scoped3A_21, %dma_start3A_360] : memref<3x4x1x128xi32, #tpu.memory_space<vmem>> -> memref<1x1x1x128xi32, #tpu.memory_space<vmem>>
      %dma_start3A_362 = tpu.memref_squeeze %dma_start3A_361 : memref<1x1x1x128xi32, #tpu.memory_space<vmem>> -> memref<128xi32, #tpu.memory_space<vmem>>
      %dma_start3A_363 = tpu.memref_slice %arg2[%add3A_18] : memref<16384xi32, #tpu.memory_space<hbm>> -> memref<128xi32, #tpu.memory_space<hbm>>
      %dma_start3A_364 = arith.constant 0 : i32
      %dma_start3A_365 = tpu.memref_slice %arg10[%run_scoped3A_19, %run_scoped3A_20, %run_scoped3A_21, %dma_start3A_364] : memref<3x4x1x128xi32, #tpu.memory_space<vmem>> -> memref<1x1x1x128xi32, #tpu.memory_space<vmem>>
      %dma_start3A_366 = tpu.memref_squeeze %dma_start3A_365 : memref<1x1x1x128xi32, #tpu.memory_space<vmem>> -> memref<128xi32, #tpu.memory_space<vmem>>
      %dma_start3A_367 = tpu.memref_slice %arg2[%add3A_18] : memref<16384xi32, #tpu.memory_space<hbm>> -> memref<128xi32, #tpu.memory_space<hbm>>
      tpu.enqueue_dma source(%dma_start3A_367 : memref<128xi32, #tpu.memory_space<hbm>>) target(%dma_start3A_366 : memref<128xi32, #tpu.memory_space<vmem>>) target_semaphore(%run_scoped3A_359 : memref<!tpu.dma_semaphore, #tpu.memory_space<semaphore_mem>>)
      %dma_wait3A_368 = arith.constant 0 : i32
      %dma_wait3A_369 = tpu.memref_slice %arg10[%run_scoped3A_19, %run_scoped3A_20, %run_scoped3A_21, %dma_wait3A_368] : memref<3x4x1x128xi32, #tpu.memory_space<vmem>> -> memref<1x1x1x128xi32, #tpu.memory_space<vmem>>
      %dma_wait3A_370 = tpu.memref_squeeze %dma_wait3A_369 : memref<1x1x1x128xi32, #tpu.memory_space<vmem>> -> memref<128xi32, #tpu.memory_space<vmem>>
      %dma_wait3A_371 = tpu.memref_slice %arg2[%add3A_18] : memref<16384xi32, #tpu.memory_space<hbm>> -> memref<128xi32, #tpu.memory_space<hbm>>
      %dma_wait3A_372 = arith.constant 0 : i32
      %dma_wait3A_373 = tpu.memref_slice %arg10[%run_scoped3A_19, %run_scoped3A_20, %run_scoped3A_21, %dma_wait3A_372] : memref<3x4x1x128xi32, #tpu.memory_space<vmem>> -> memref<1x1x1x128xi32, #tpu.memory_space<vmem>>
      %dma_wait3A_374 = tpu.memref_squeeze %dma_wait3A_373 : memref<1x1x1x128xi32, #tpu.memory_space<vmem>> -> memref<128xi32, #tpu.memory_space<vmem>>
      %dma_wait3A_375 = tpu.memref_slice %arg2[%add3A_18] : memref<16384xi32, #tpu.memory_space<hbm>> -> memref<128xi32, #tpu.memory_space<hbm>>
      tpu.wait_dma2 semaphore(%run_scoped3A_359 : memref<!tpu.dma_semaphore, #tpu.memory_space<semaphore_mem>>) src(%dma_wait3A_375 : memref<128xi32, #tpu.memory_space<hbm>>) dst(%dma_wait3A_374 : memref<128xi32, #tpu.memory_space<vmem>>)
      tpu.yield
    }) : () -> ()
    %add3A_22 = arith.constant 128 : i32
    %add3A_23 = arith.addi %mul3A_2, %add3A_22 : i32
    %run_scoped3A_24 = arith.constant 1 : i32
    %run_scoped3A_25 = arith.constant 1 : i32
    %run_scoped3A_26 = arith.constant 0 : i32
    "tpu.region"() ({
      %run_scoped3A_359 = tpu.sem_alloc : memref<!tpu.dma_semaphore, #tpu.memory_space<semaphore_mem>>
      %dma_start3A_360 = arith.constant 0 : i32
      %dma_start3A_361 = tpu.memref_slice %arg10[%run_scoped3A_24, %run_scoped3A_25, %run_scoped3A_26, %dma_start3A_360] : memref<3x4x1x128xi32, #tpu.memory_space<vmem>> -> memref<1x1x1x128xi32, #tpu.memory_space<vmem>>
      %dma_start3A_362 = tpu.memref_squeeze %dma_start3A_361 : memref<1x1x1x128xi32, #tpu.memory_space<vmem>> -> memref<128xi32, #tpu.memory_space<vmem>>
      %dma_start3A_363 = tpu.memref_slice %arg3[%add3A_23] : memref<16384xi32, #tpu.memory_space<hbm>> -> memref<128xi32, #tpu.memory_space<hbm>>
      %dma_start3A_364 = arith.constant 0 : i32
      %dma_start3A_365 = tpu.memref_slice %arg10[%run_scoped3A_24, %run_scoped3A_25, %run_scoped3A_26, %dma_start3A_364] : memref<3x4x1x128xi32, #tpu.memory_space<vmem>> -> memref<1x1x1x128xi32, #tpu.memory_space<vmem>>
      %dma_start3A_366 = tpu.memref_squeeze %dma_start3A_365 : memref<1x1x1x128xi32, #tpu.memory_space<vmem>> -> memref<128xi32, #tpu.memory_space<vmem>>
      %dma_start3A_367 = tpu.memref_slice %arg3[%add3A_23] : memref<16384xi32, #tpu.memory_space<hbm>> -> memref<128xi32, #tpu.memory_space<hbm>>
      tpu.enqueue_dma source(%dma_start3A_367 : memref<128xi32, #tpu.memory_space<hbm>>) target(%dma_start3A_366 : memref<128xi32, #tpu.memory_space<vmem>>) target_semaphore(%run_scoped3A_359 : memref<!tpu.dma_semaphore, #tpu.memory_space<semaphore_mem>>)
      %dma_wait3A_368 = arith.constant 0 : i32
      %dma_wait3A_369 = tpu.memref_slice %arg10[%run_scoped3A_24, %run_scoped3A_25, %run_scoped3A_26, %dma_wait3A_368] : memref<3x4x1x128xi32, #tpu.memory_space<vmem>> -> memref<1x1x1x128xi32, #tpu.memory_space<vmem>>
      %dma_wait3A_370 = tpu.memref_squeeze %dma_wait3A_369 : memref<1x1x1x128xi32, #tpu.memory_space<vmem>> -> memref<128xi32, #tpu.memory_space<vmem>>
      %dma_wait3A_371 = tpu.memref_slice %arg3[%add3A_23] : memref<16384xi32, #tpu.memory_space<hbm>> -> memref<128xi32, #tpu.memory_space<hbm>>
      %dma_wait3A_372 = arith.constant 0 : i32
      %dma_wait3A_373 = tpu.memref_slice %arg10[%run_scoped3A_24, %run_scoped3A_25, %run_scoped3A_26, %dma_wait3A_372] : memref<3x4x1x128xi32, #tpu.memory_space<vmem>> -> memref<1x1x1x128xi32, #tpu.memory_space<vmem>>
      %dma_wait3A_374 = tpu.memref_squeeze %dma_wait3A_373 : memref<1x1x1x128xi32, #tpu.memory_space<vmem>> -> memref<128xi32, #tpu.memory_space<vmem>>
      %dma_wait3A_375 = tpu.memref_slice %arg3[%add3A_23] : memref<16384xi32, #tpu.memory_space<hbm>> -> memref<128xi32, #tpu.memory_space<hbm>>
      tpu.wait_dma2 semaphore(%run_scoped3A_359 : memref<!tpu.dma_semaphore, #tpu.memory_space<semaphore_mem>>) src(%dma_wait3A_375 : memref<128xi32, #tpu.memory_space<hbm>>) dst(%dma_wait3A_374 : memref<128xi32, #tpu.memory_space<vmem>>)
      tpu.yield
    }) : () -> ()
    %add3A_27 = arith.constant 128 : i32
    %add3A_28 = arith.addi %mul3A_2, %add3A_27 : i32
    %run_scoped3A_29 = arith.constant 2 : i32
    %run_scoped3A_30 = arith.constant 1 : i32
    %run_scoped3A_31 = arith.constant 0 : i32
    "tpu.region"() ({
      %run_scoped3A_359 = tpu.sem_alloc : memref<!tpu.dma_semaphore, #tpu.memory_space<semaphore_mem>>
      %dma_start3A_360 = arith.constant 0 : i32
      %dma_start3A_361 = tpu.memref_slice %arg10[%run_scoped3A_29, %run_scoped3A_30, %run_scoped3A_31, %dma_start3A_360] : memref<3x4x1x128xi32, #tpu.memory_space<vmem>> -> memref<1x1x1x128xi32, #tpu.memory_space<vmem>>
      %dma_start3A_362 = tpu.memref_squeeze %dma_start3A_361 : memref<1x1x1x128xi32, #tpu.memory_space<vmem>> -> memref<128xi32, #tpu.memory_space<vmem>>
      %dma_start3A_363 = tpu.memref_slice %arg4[%add3A_28] : memref<16384xi32, #tpu.memory_space<hbm>> -> memref<128xi32, #tpu.memory_space<hbm>>
      %dma_start3A_364 = arith.constant 0 : i32
      %dma_start3A_365 = tpu.memref_slice %arg10[%run_scoped3A_29, %run_scoped3A_30, %run_scoped3A_31, %dma_start3A_364] : memref<3x4x1x128xi32, #tpu.memory_space<vmem>> -> memref<1x1x1x128xi32, #tpu.memory_space<vmem>>
      %dma_start3A_366 = tpu.memref_squeeze %dma_start3A_365 : memref<1x1x1x128xi32, #tpu.memory_space<vmem>> -> memref<128xi32, #tpu.memory_space<vmem>>
      %dma_start3A_367 = tpu.memref_slice %arg4[%add3A_28] : memref<16384xi32, #tpu.memory_space<hbm>> -> memref<128xi32, #tpu.memory_space<hbm>>
      tpu.enqueue_dma source(%dma_start3A_367 : memref<128xi32, #tpu.memory_space<hbm>>) target(%dma_start3A_366 : memref<128xi32, #tpu.memory_space<vmem>>) target_semaphore(%run_scoped3A_359 : memref<!tpu.dma_semaphore, #tpu.memory_space<semaphore_mem>>)
      %dma_wait3A_368 = arith.constant 0 : i32
      %dma_wait3A_369 = tpu.memref_slice %arg10[%run_scoped3A_29, %run_scoped3A_30, %run_scoped3A_31, %dma_wait3A_368] : memref<3x4x1x128xi32, #tpu.memory_space<vmem>> -> memref<1x1x1x128xi32, #tpu.memory_space<vmem>>
      %dma_wait3A_370 = tpu.memref_squeeze %dma_wait3A_369 : memref<1x1x1x128xi32, #tpu.memory_space<vmem>> -> memref<128xi32, #tpu.memory_space<vmem>>
      %dma_wait3A_371 = tpu.memref_slice %arg4[%add3A_28] : memref<16384xi32, #tpu.memory_space<hbm>> -> memref<128xi32, #tpu.memory_space<hbm>>
      %dma_wait3A_372 = arith.constant 0 : i32
      %dma_wait3A_373 = tpu.memref_slice %arg10[%run_scoped3A_29, %run_scoped3A_30, %run_scoped3A_31, %dma_wait3A_372] : memref<3x4x1x128xi32, #tpu.memory_space<vmem>> -> memref<1x1x1x128xi32, #tpu.memory_space<vmem>>
      %dma_wait3A_374 = tpu.memref_squeeze %dma_wait3A_373 : memref<1x1x1x128xi32, #tpu.memory_space<vmem>> -> memref<128xi32, #tpu.memory_space<vmem>>
      %dma_wait3A_375 = tpu.memref_slice %arg4[%add3A_28] : memref<16384xi32, #tpu.memory_space<hbm>> -> memref<128xi32, #tpu.memory_space<hbm>>
      tpu.wait_dma2 semaphore(%run_scoped3A_359 : memref<!tpu.dma_semaphore, #tpu.memory_space<semaphore_mem>>) src(%dma_wait3A_375 : memref<128xi32, #tpu.memory_space<hbm>>) dst(%dma_wait3A_374 : memref<128xi32, #tpu.memory_space<vmem>>)
      tpu.yield
    }) : () -> ()
    %add3A_32 = arith.constant 256 : i32
    %add3A_33 = arith.addi %mul3A_2, %add3A_32 : i32
    %run_scoped3A_34 = arith.constant 0 : i32
    %run_scoped3A_35 = arith.constant 2 : i32
    %run_scoped3A_36 = arith.constant 0 : i32
    "tpu.region"() ({
      %run_scoped3A_359 = tpu.sem_alloc : memref<!tpu.dma_semaphore, #tpu.memory_space<semaphore_mem>>
      %dma_start3A_360 = arith.constant 0 : i32
      %dma_start3A_361 = tpu.memref_slice %arg10[%run_scoped3A_34, %run_scoped3A_35, %run_scoped3A_36, %dma_start3A_360] : memref<3x4x1x128xi32, #tpu.memory_space<vmem>> -> memref<1x1x1x128xi32, #tpu.memory_space<vmem>>
      %dma_start3A_362 = tpu.memref_squeeze %dma_start3A_361 : memref<1x1x1x128xi32, #tpu.memory_space<vmem>> -> memref<128xi32, #tpu.memory_space<vmem>>
      %dma_start3A_363 = tpu.memref_slice %arg2[%add3A_33] : memref<16384xi32, #tpu.memory_space<hbm>> -> memref<128xi32, #tpu.memory_space<hbm>>
      %dma_start3A_364 = arith.constant 0 : i32
      %dma_start3A_365 = tpu.memref_slice %arg10[%run_scoped3A_34, %run_scoped3A_35, %run_scoped3A_36, %dma_start3A_364] : memref<3x4x1x128xi32, #tpu.memory_space<vmem>> -> memref<1x1x1x128xi32, #tpu.memory_space<vmem>>
      %dma_start3A_366 = tpu.memref_squeeze %dma_start3A_365 : memref<1x1x1x128xi32, #tpu.memory_space<vmem>> -> memref<128xi32, #tpu.memory_space<vmem>>
      %dma_start3A_367 = tpu.memref_slice %arg2[%add3A_33] : memref<16384xi32, #tpu.memory_space<hbm>> -> memref<128xi32, #tpu.memory_space<hbm>>
      tpu.enqueue_dma source(%dma_start3A_367 : memref<128xi32, #tpu.memory_space<hbm>>) target(%dma_start3A_366 : memref<128xi32, #tpu.memory_space<vmem>>) target_semaphore(%run_scoped3A_359 : memref<!tpu.dma_semaphore, #tpu.memory_space<semaphore_mem>>)
      %dma_wait3A_368 = arith.constant 0 : i32
      %dma_wait3A_369 = tpu.memref_slice %arg10[%run_scoped3A_34, %run_scoped3A_35, %run_scoped3A_36, %dma_wait3A_368] : memref<3x4x1x128xi32, #tpu.memory_space<vmem>> -> memref<1x1x1x128xi32, #tpu.memory_space<vmem>>
      %dma_wait3A_370 = tpu.memref_squeeze %dma_wait3A_369 : memref<1x1x1x128xi32, #tpu.memory_space<vmem>> -> memref<128xi32, #tpu.memory_space<vmem>>
      %dma_wait3A_371 = tpu.memref_slice %arg2[%add3A_33] : memref<16384xi32, #tpu.memory_space<hbm>> -> memref<128xi32, #tpu.memory_space<hbm>>
      %dma_wait3A_372 = arith.constant 0 : i32
      %dma_wait3A_373 = tpu.memref_slice %arg10[%run_scoped3A_34, %run_scoped3A_35, %run_scoped3A_36, %dma_wait3A_372] : memref<3x4x1x128xi32, #tpu.memory_space<vmem>> -> memref<1x1x1x128xi32, #tpu.memory_space<vmem>>
      %dma_wait3A_374 = tpu.memref_squeeze %dma_wait3A_373 : memref<1x1x1x128xi32, #tpu.memory_space<vmem>> -> memref<128xi32, #tpu.memory_space<vmem>>
      %dma_wait3A_375 = tpu.memref_slice %arg2[%add3A_33] : memref<16384xi32, #tpu.memory_space<hbm>> -> memref<128xi32, #tpu.memory_space<hbm>>
      tpu.wait_dma2 semaphore(%run_scoped3A_359 : memref<!tpu.dma_semaphore, #tpu.memory_space<semaphore_mem>>) src(%dma_wait3A_375 : memref<128xi32, #tpu.memory_space<hbm>>) dst(%dma_wait3A_374 : memref<128xi32, #tpu.memory_space<vmem>>)
      tpu.yield
    }) : () -> ()
    %add3A_37 = arith.constant 256 : i32
    %add3A_38 = arith.addi %mul3A_2, %add3A_37 : i32
    %run_scoped3A_39 = arith.constant 1 : i32
    %run_scoped3A_40 = arith.constant 2 : i32
    %run_scoped3A_41 = arith.constant 0 : i32
    "tpu.region"() ({
      %run_scoped3A_359 = tpu.sem_alloc : memref<!tpu.dma_semaphore, #tpu.memory_space<semaphore_mem>>
      %dma_start3A_360 = arith.constant 0 : i32
      %dma_start3A_361 = tpu.memref_slice %arg10[%run_scoped3A_39, %run_scoped3A_40, %run_scoped3A_41, %dma_start3A_360] : memref<3x4x1x128xi32, #tpu.memory_space<vmem>> -> memref<1x1x1x128xi32, #tpu.memory_space<vmem>>
      %dma_start3A_362 = tpu.memref_squeeze %dma_start3A_361 : memref<1x1x1x128xi32, #tpu.memory_space<vmem>> -> memref<128xi32, #tpu.memory_space<vmem>>
      %dma_start3A_363 = tpu.memref_slice %arg3[%add3A_38] : memref<16384xi32, #tpu.memory_space<hbm>> -> memref<128xi32, #tpu.memory_space<hbm>>
      %dma_start3A_364 = arith.constant 0 : i32
      %dma_start3A_365 = tpu.memref_slice %arg10[%run_scoped3A_39, %run_scoped3A_40, %run_scoped3A_41, %dma_start3A_364] : memref<3x4x1x128xi32, #tpu.memory_space<vmem>> -> memref<1x1x1x128xi32, #tpu.memory_space<vmem>>
      %dma_start3A_366 = tpu.memref_squeeze %dma_start3A_365 : memref<1x1x1x128xi32, #tpu.memory_space<vmem>> -> memref<128xi32, #tpu.memory_space<vmem>>
      %dma_start3A_367 = tpu.memref_slice %arg3[%add3A_38] : memref<16384xi32, #tpu.memory_space<hbm>> -> memref<128xi32, #tpu.memory_space<hbm>>
      tpu.enqueue_dma source(%dma_start3A_367 : memref<128xi32, #tpu.memory_space<hbm>>) target(%dma_start3A_366 : memref<128xi32, #tpu.memory_space<vmem>>) target_semaphore(%run_scoped3A_359 : memref<!tpu.dma_semaphore, #tpu.memory_space<semaphore_mem>>)
      %dma_wait3A_368 = arith.constant 0 : i32
      %dma_wait3A_369 = tpu.memref_slice %arg10[%run_scoped3A_39, %run_scoped3A_40, %run_scoped3A_41, %dma_wait3A_368] : memref<3x4x1x128xi32, #tpu.memory_space<vmem>> -> memref<1x1x1x128xi32, #tpu.memory_space<vmem>>
      %dma_wait3A_370 = tpu.memref_squeeze %dma_wait3A_369 : memref<1x1x1x128xi32, #tpu.memory_space<vmem>> -> memref<128xi32, #tpu.memory_space<vmem>>
      %dma_wait3A_371 = tpu.memref_slice %arg3[%add3A_38] : memref<16384xi32, #tpu.memory_space<hbm>> -> memref<128xi32, #tpu.memory_space<hbm>>
      %dma_wait3A_372 = arith.constant 0 : i32
      %dma_wait3A_373 = tpu.memref_slice %arg10[%run_scoped3A_39, %run_scoped3A_40, %run_scoped3A_41, %dma_wait3A_372] : memref<3x4x1x128xi32, #tpu.memory_space<vmem>> -> memref<1x1x1x128xi32, #tpu.memory_space<vmem>>
      %dma_wait3A_374 = tpu.memref_squeeze %dma_wait3A_373 : memref<1x1x1x128xi32, #tpu.memory_space<vmem>> -> memref<128xi32, #tpu.memory_space<vmem>>
      %dma_wait3A_375 = tpu.memref_slice %arg3[%add3A_38] : memref<16384xi32, #tpu.memory_space<hbm>> -> memref<128xi32, #tpu.memory_space<hbm>>
      tpu.wait_dma2 semaphore(%run_scoped3A_359 : memref<!tpu.dma_semaphore, #tpu.memory_space<semaphore_mem>>) src(%dma_wait3A_375 : memref<128xi32, #tpu.memory_space<hbm>>) dst(%dma_wait3A_374 : memref<128xi32, #tpu.memory_space<vmem>>)
      tpu.yield
    }) : () -> ()
    %add3A_42 = arith.constant 256 : i32
    %add3A_43 = arith.addi %mul3A_2, %add3A_42 : i32
    %run_scoped3A_44 = arith.constant 2 : i32
    %run_scoped3A_45 = arith.constant 2 : i32
    %run_scoped3A_46 = arith.constant 0 : i32
    "tpu.region"() ({
      %run_scoped3A_359 = tpu.sem_alloc : memref<!tpu.dma_semaphore, #tpu.memory_space<semaphore_mem>>
      %dma_start3A_360 = arith.constant 0 : i32
      %dma_start3A_361 = tpu.memref_slice %arg10[%run_scoped3A_44, %run_scoped3A_45, %run_scoped3A_46, %dma_start3A_360] : memref<3x4x1x128xi32, #tpu.memory_space<vmem>> -> memref<1x1x1x128xi32, #tpu.memory_space<vmem>>
      %dma_start3A_362 = tpu.memref_squeeze %dma_start3A_361 : memref<1x1x1x128xi32, #tpu.memory_space<vmem>> -> memref<128xi32, #tpu.memory_space<vmem>>
      %dma_start3A_363 = tpu.memref_slice %arg4[%add3A_43] : memref<16384xi32, #tpu.memory_space<hbm>> -> memref<128xi32, #tpu.memory_space<hbm>>
      %dma_start3A_364 = arith.constant 0 : i32
      %dma_start3A_365 = tpu.memref_slice %arg10[%run_scoped3A_44, %run_scoped3A_45, %run_scoped3A_46, %dma_start3A_364] : memref<3x4x1x128xi32, #tpu.memory_space<vmem>> -> memref<1x1x1x128xi32, #tpu.memory_space<vmem>>
      %dma_start3A_366 = tpu.memref_squeeze %dma_start3A_365 : memref<1x1x1x128xi32, #tpu.memory_space<vmem>> -> memref<128xi32, #tpu.memory_space<vmem>>
      %dma_start3A_367 = tpu.memref_slice %arg4[%add3A_43] : memref<16384xi32, #tpu.memory_space<hbm>> -> memref<128xi32, #tpu.memory_space<hbm>>
      tpu.enqueue_dma source(%dma_start3A_367 : memref<128xi32, #tpu.memory_space<hbm>>) target(%dma_start3A_366 : memref<128xi32, #tpu.memory_space<vmem>>) target_semaphore(%run_scoped3A_359 : memref<!tpu.dma_semaphore, #tpu.memory_space<semaphore_mem>>)
      %dma_wait3A_368 = arith.constant 0 : i32
      %dma_wait3A_369 = tpu.memref_slice %arg10[%run_scoped3A_44, %run_scoped3A_45, %run_scoped3A_46, %dma_wait3A_368] : memref<3x4x1x128xi32, #tpu.memory_space<vmem>> -> memref<1x1x1x128xi32, #tpu.memory_space<vmem>>
      %dma_wait3A_370 = tpu.memref_squeeze %dma_wait3A_369 : memref<1x1x1x128xi32, #tpu.memory_space<vmem>> -> memref<128xi32, #tpu.memory_space<vmem>>
      %dma_wait3A_371 = tpu.memref_slice %arg4[%add3A_43] : memref<16384xi32, #tpu.memory_space<hbm>> -> memref<128xi32, #tpu.memory_space<hbm>>
      %dma_wait3A_372 = arith.constant 0 : i32
      %dma_wait3A_373 = tpu.memref_slice %arg10[%run_scoped3A_44, %run_scoped3A_45, %run_scoped3A_46, %dma_wait3A_372] : memref<3x4x1x128xi32, #tpu.memory_space<vmem>> -> memref<1x1x1x128xi32, #tpu.memory_space<vmem>>
      %dma_wait3A_374 = tpu.memref_squeeze %dma_wait3A_373 : memref<1x1x1x128xi32, #tpu.memory_space<vmem>> -> memref<128xi32, #tpu.memory_space<vmem>>
      %dma_wait3A_375 = tpu.memref_slice %arg4[%add3A_43] : memref<16384xi32, #tpu.memory_space<hbm>> -> memref<128xi32, #tpu.memory_space<hbm>>
      tpu.wait_dma2 semaphore(%run_scoped3A_359 : memref<!tpu.dma_semaphore, #tpu.memory_space<semaphore_mem>>) src(%dma_wait3A_375 : memref<128xi32, #tpu.memory_space<hbm>>) dst(%dma_wait3A_374 : memref<128xi32, #tpu.memory_space<vmem>>)
      tpu.yield
    }) : () -> ()
    %add3A_47 = arith.constant 384 : i32
    %add3A_48 = arith.addi %mul3A_2, %add3A_47 : i32
    %run_scoped3A_49 = arith.constant 0 : i32
    %run_scoped3A_50 = arith.constant 3 : i32
    %run_scoped3A_51 = arith.constant 0 : i32
    "tpu.region"() ({
      %run_scoped3A_359 = tpu.sem_alloc : memref<!tpu.dma_semaphore, #tpu.memory_space<semaphore_mem>>
      %dma_start3A_360 = arith.constant 0 : i32
      %dma_start3A_361 = tpu.memref_slice %arg10[%run_scoped3A_49, %run_scoped3A_50, %run_scoped3A_51, %dma_start3A_360] : memref<3x4x1x128xi32, #tpu.memory_space<vmem>> -> memref<1x1x1x128xi32, #tpu.memory_space<vmem>>
      %dma_start3A_362 = tpu.memref_squeeze %dma_start3A_361 : memref<1x1x1x128xi32, #tpu.memory_space<vmem>> -> memref<128xi32, #tpu.memory_space<vmem>>
      %dma_start3A_363 = tpu.memref_slice %arg2[%add3A_48] : memref<16384xi32, #tpu.memory_space<hbm>> -> memref<128xi32, #tpu.memory_space<hbm>>
      %dma_start3A_364 = arith.constant 0 : i32
      %dma_start3A_365 = tpu.memref_slice %arg10[%run_scoped3A_49, %run_scoped3A_50, %run_scoped3A_51, %dma_start3A_364] : memref<3x4x1x128xi32, #tpu.memory_space<vmem>> -> memref<1x1x1x128xi32, #tpu.memory_space<vmem>>
      %dma_start3A_366 = tpu.memref_squeeze %dma_start3A_365 : memref<1x1x1x128xi32, #tpu.memory_space<vmem>> -> memref<128xi32, #tpu.memory_space<vmem>>
      %dma_start3A_367 = tpu.memref_slice %arg2[%add3A_48] : memref<16384xi32, #tpu.memory_space<hbm>> -> memref<128xi32, #tpu.memory_space<hbm>>
      tpu.enqueue_dma source(%dma_start3A_367 : memref<128xi32, #tpu.memory_space<hbm>>) target(%dma_start3A_366 : memref<128xi32, #tpu.memory_space<vmem>>) target_semaphore(%run_scoped3A_359 : memref<!tpu.dma_semaphore, #tpu.memory_space<semaphore_mem>>)
      %dma_wait3A_368 = arith.constant 0 : i32
      %dma_wait3A_369 = tpu.memref_slice %arg10[%run_scoped3A_49, %run_scoped3A_50, %run_scoped3A_51, %dma_wait3A_368] : memref<3x4x1x128xi32, #tpu.memory_space<vmem>> -> memref<1x1x1x128xi32, #tpu.memory_space<vmem>>
      %dma_wait3A_370 = tpu.memref_squeeze %dma_wait3A_369 : memref<1x1x1x128xi32, #tpu.memory_space<vmem>> -> memref<128xi32, #tpu.memory_space<vmem>>
      %dma_wait3A_371 = tpu.memref_slice %arg2[%add3A_48] : memref<16384xi32, #tpu.memory_space<hbm>> -> memref<128xi32, #tpu.memory_space<hbm>>
      %dma_wait3A_372 = arith.constant 0 : i32
      %dma_wait3A_373 = tpu.memref_slice %arg10[%run_scoped3A_49, %run_scoped3A_50, %run_scoped3A_51, %dma_wait3A_372] : memref<3x4x1x128xi32, #tpu.memory_space<vmem>> -> memref<1x1x1x128xi32, #tpu.memory_space<vmem>>
      %dma_wait3A_374 = tpu.memref_squeeze %dma_wait3A_373 : memref<1x1x1x128xi32, #tpu.memory_space<vmem>> -> memref<128xi32, #tpu.memory_space<vmem>>
      %dma_wait3A_375 = tpu.memref_slice %arg2[%add3A_48] : memref<16384xi32, #tpu.memory_space<hbm>> -> memref<128xi32, #tpu.memory_space<hbm>>
      tpu.wait_dma2 semaphore(%run_scoped3A_359 : memref<!tpu.dma_semaphore, #tpu.memory_space<semaphore_mem>>) src(%dma_wait3A_375 : memref<128xi32, #tpu.memory_space<hbm>>) dst(%dma_wait3A_374 : memref<128xi32, #tpu.memory_space<vmem>>)
      tpu.yield
    }) : () -> ()
    %add3A_52 = arith.constant 384 : i32
    %add3A_53 = arith.addi %mul3A_2, %add3A_52 : i32
    %run_scoped3A_54 = arith.constant 1 : i32
    %run_scoped3A_55 = arith.constant 3 : i32
    %run_scoped3A_56 = arith.constant 0 : i32
    "tpu.region"() ({
      %run_scoped3A_359 = tpu.sem_alloc : memref<!tpu.dma_semaphore, #tpu.memory_space<semaphore_mem>>
      %dma_start3A_360 = arith.constant 0 : i32
      %dma_start3A_361 = tpu.memref_slice %arg10[%run_scoped3A_54, %run_scoped3A_55, %run_scoped3A_56, %dma_start3A_360] : memref<3x4x1x128xi32, #tpu.memory_space<vmem>> -> memref<1x1x1x128xi32, #tpu.memory_space<vmem>>
      %dma_start3A_362 = tpu.memref_squeeze %dma_start3A_361 : memref<1x1x1x128xi32, #tpu.memory_space<vmem>> -> memref<128xi32, #tpu.memory_space<vmem>>
      %dma_start3A_363 = tpu.memref_slice %arg3[%add3A_53] : memref<16384xi32, #tpu.memory_space<hbm>> -> memref<128xi32, #tpu.memory_space<hbm>>
      %dma_start3A_364 = arith.constant 0 : i32
      %dma_start3A_365 = tpu.memref_slice %arg10[%run_scoped3A_54, %run_scoped3A_55, %run_scoped3A_56, %dma_start3A_364] : memref<3x4x1x128xi32, #tpu.memory_space<vmem>> -> memref<1x1x1x128xi32, #tpu.memory_space<vmem>>
      %dma_start3A_366 = tpu.memref_squeeze %dma_start3A_365 : memref<1x1x1x128xi32, #tpu.memory_space<vmem>> -> memref<128xi32, #tpu.memory_space<vmem>>
      %dma_start3A_367 = tpu.memref_slice %arg3[%add3A_53] : memref<16384xi32, #tpu.memory_space<hbm>> -> memref<128xi32, #tpu.memory_space<hbm>>
      tpu.enqueue_dma source(%dma_start3A_367 : memref<128xi32, #tpu.memory_space<hbm>>) target(%dma_start3A_366 : memref<128xi32, #tpu.memory_space<vmem>>) target_semaphore(%run_scoped3A_359 : memref<!tpu.dma_semaphore, #tpu.memory_space<semaphore_mem>>)
      %dma_wait3A_368 = arith.constant 0 : i32
      %dma_wait3A_369 = tpu.memref_slice %arg10[%run_scoped3A_54, %run_scoped3A_55, %run_scoped3A_56, %dma_wait3A_368] : memref<3x4x1x128xi32, #tpu.memory_space<vmem>> -> memref<1x1x1x128xi32, #tpu.memory_space<vmem>>
      %dma_wait3A_370 = tpu.memref_squeeze %dma_wait3A_369 : memref<1x1x1x128xi32, #tpu.memory_space<vmem>> -> memref<128xi32, #tpu.memory_space<vmem>>
      %dma_wait3A_371 = tpu.memref_slice %arg3[%add3A_53] : memref<16384xi32, #tpu.memory_space<hbm>> -> memref<128xi32, #tpu.memory_space<hbm>>
      %dma_wait3A_372 = arith.constant 0 : i32
      %dma_wait3A_373 = tpu.memref_slice %arg10[%run_scoped3A_54, %run_scoped3A_55, %run_scoped3A_56, %dma_wait3A_372] : memref<3x4x1x128xi32, #tpu.memory_space<vmem>> -> memref<1x1x1x128xi32, #tpu.memory_space<vmem>>
      %dma_wait3A_374 = tpu.memref_squeeze %dma_wait3A_373 : memref<1x1x1x128xi32, #tpu.memory_space<vmem>> -> memref<128xi32, #tpu.memory_space<vmem>>
      %dma_wait3A_375 = tpu.memref_slice %arg3[%add3A_53] : memref<16384xi32, #tpu.memory_space<hbm>> -> memref<128xi32, #tpu.memory_space<hbm>>
      tpu.wait_dma2 semaphore(%run_scoped3A_359 : memref<!tpu.dma_semaphore, #tpu.memory_space<semaphore_mem>>) src(%dma_wait3A_375 : memref<128xi32, #tpu.memory_space<hbm>>) dst(%dma_wait3A_374 : memref<128xi32, #tpu.memory_space<vmem>>)
      tpu.yield
    }) : () -> ()
    %add3A_57 = arith.constant 384 : i32
    %add3A_58 = arith.addi %mul3A_2, %add3A_57 : i32
    %run_scoped3A_59 = arith.constant 2 : i32
    %run_scoped3A_60 = arith.constant 3 : i32
    %run_scoped3A_61 = arith.constant 0 : i32
    "tpu.region"() ({
      %run_scoped3A_359 = tpu.sem_alloc : memref<!tpu.dma_semaphore, #tpu.memory_space<semaphore_mem>>
      %dma_start3A_360 = arith.constant 0 : i32
      %dma_start3A_361 = tpu.memref_slice %arg10[%run_scoped3A_59, %run_scoped3A_60, %run_scoped3A_61, %dma_start3A_360] : memref<3x4x1x128xi32, #tpu.memory_space<vmem>> -> memref<1x1x1x128xi32, #tpu.memory_space<vmem>>
      %dma_start3A_362 = tpu.memref_squeeze %dma_start3A_361 : memref<1x1x1x128xi32, #tpu.memory_space<vmem>> -> memref<128xi32, #tpu.memory_space<vmem>>
      %dma_start3A_363 = tpu.memref_slice %arg4[%add3A_58] : memref<16384xi32, #tpu.memory_space<hbm>> -> memref<128xi32, #tpu.memory_space<hbm>>
      %dma_start3A_364 = arith.constant 0 : i32
      %dma_start3A_365 = tpu.memref_slice %arg10[%run_scoped3A_59, %run_scoped3A_60, %run_scoped3A_61, %dma_start3A_364] : memref<3x4x1x128xi32, #tpu.memory_space<vmem>> -> memref<1x1x1x128xi32, #tpu.memory_space<vmem>>
      %dma_start3A_366 = tpu.memref_squeeze %dma_start3A_365 : memref<1x1x1x128xi32, #tpu.memory_space<vmem>> -> memref<128xi32, #tpu.memory_space<vmem>>
      %dma_start3A_367 = tpu.memref_slice %arg4[%add3A_58] : memref<16384xi32, #tpu.memory_space<hbm>> -> memref<128xi32, #tpu.memory_space<hbm>>
      tpu.enqueue_dma source(%dma_start3A_367 : memref<128xi32, #tpu.memory_space<hbm>>) target(%dma_start3A_366 : memref<128xi32, #tpu.memory_space<vmem>>) target_semaphore(%run_scoped3A_359 : memref<!tpu.dma_semaphore, #tpu.memory_space<semaphore_mem>>)
      %dma_wait3A_368 = arith.constant 0 : i32
      %dma_wait3A_369 = tpu.memref_slice %arg10[%run_scoped3A_59, %run_scoped3A_60, %run_scoped3A_61, %dma_wait3A_368] : memref<3x4x1x128xi32, #tpu.memory_space<vmem>> -> memref<1x1x1x128xi32, #tpu.memory_space<vmem>>
      %dma_wait3A_370 = tpu.memref_squeeze %dma_wait3A_369 : memref<1x1x1x128xi32, #tpu.memory_space<vmem>> -> memref<128xi32, #tpu.memory_space<vmem>>
      %dma_wait3A_371 = tpu.memref_slice %arg4[%add3A_58] : memref<16384xi32, #tpu.memory_space<hbm>> -> memref<128xi32, #tpu.memory_space<hbm>>
      %dma_wait3A_372 = arith.constant 0 : i32
      %dma_wait3A_373 = tpu.memref_slice %arg10[%run_scoped3A_59, %run_scoped3A_60, %run_scoped3A_61, %dma_wait3A_372] : memref<3x4x1x128xi32, #tpu.memory_space<vmem>> -> memref<1x1x1x128xi32, #tpu.memory_space<vmem>>
      %dma_wait3A_374 = tpu.memref_squeeze %dma_wait3A_373 : memref<1x1x1x128xi32, #tpu.memory_space<vmem>> -> memref<128xi32, #tpu.memory_space<vmem>>
      %dma_wait3A_375 = tpu.memref_slice %arg4[%add3A_58] : memref<16384xi32, #tpu.memory_space<hbm>> -> memref<128xi32, #tpu.memory_space<hbm>>
      tpu.wait_dma2 semaphore(%run_scoped3A_359 : memref<!tpu.dma_semaphore, #tpu.memory_space<semaphore_mem>>) src(%dma_wait3A_375 : memref<128xi32, #tpu.memory_space<hbm>>) dst(%dma_wait3A_374 : memref<128xi32, #tpu.memory_space<vmem>>)
      tpu.yield
    }) : () -> ()
    "tpu.region"() ({
      %run_scoped3A_359 = tpu.sem_alloc : memref<!tpu.dma_semaphore, #tpu.memory_space<semaphore_mem>>
      %dma_start3A_360 = tpu.memref_slice %arg5[%mul3A_2] : memref<16384xf32, #tpu.memory_space<hbm>> -> memref<512xf32, #tpu.memory_space<hbm>>
      %dma_start3A_361 = tpu.memref_slice %arg5[%mul3A_2] : memref<16384xf32, #tpu.memory_space<hbm>> -> memref<512xf32, #tpu.memory_space<hbm>>
      tpu.enqueue_dma source(%dma_start3A_361 : memref<512xf32, #tpu.memory_space<hbm>>) target(%arg11 : memref<512xf32, #tpu.memory_space<vmem>>) target_semaphore(%run_scoped3A_359 : memref<!tpu.dma_semaphore, #tpu.memory_space<semaphore_mem>>)
      %dma_wait3A_362 = tpu.memref_slice %arg5[%mul3A_2] : memref<16384xf32, #tpu.memory_space<hbm>> -> memref<512xf32, #tpu.memory_space<hbm>>
      %dma_wait3A_363 = tpu.memref_slice %arg5[%mul3A_2] : memref<16384xf32, #tpu.memory_space<hbm>> -> memref<512xf32, #tpu.memory_space<hbm>>
      tpu.wait_dma2 semaphore(%run_scoped3A_359 : memref<!tpu.dma_semaphore, #tpu.memory_space<semaphore_mem>>) src(%dma_wait3A_363 : memref<512xf32, #tpu.memory_space<hbm>>) dst(%arg11 : memref<512xf32, #tpu.memory_space<vmem>>)
      tpu.yield
    }) : () -> ()
    %iota3A = tpu.iota {dimensions = array<i32: 0>} : vector<16xi32>
    %broadcast_in_dim3A = arith.constant 0.000000e+00 : f32
    %broadcast_in_dim3A_62 = vector.broadcast %broadcast_in_dim3A : f32 to vector<16xf32>
    %broadcast_in_dim3A_63 = arith.constant 7 : i32
    %broadcast_in_dim3A_64 = vector.broadcast %broadcast_in_dim3A_63 : i32 to vector<16xi32>
    %get3A = arith.constant 0 : i32
    %get3A_65 = arith.constant 0 : i32
    %get3A_66 = arith.constant 0 : i32
    %get3A_67 = arith.index_cast %get3A : i32 to index
    %get3A_68 = arith.index_cast %get3A_65 : i32 to index
    %get3A_69 = arith.index_cast %get3A_66 : i32 to index
    %get3A_70 = arith.constant 0 : index
    %get3A_71 = tpu.vector_load %arg10[%get3A_67, %get3A_68, %get3A_69, %get3A_70] {strides = array<i32>} : memref<3x4x1x128xi32, #tpu.memory_space<vmem>>, vector<16xi32>,
    %slice3A = vector.extract_strided_slice %get3A_71 {offsets = [0], sizes = [1], strides = [1]} : vector<16xi32> to vector<1xi32>
    %squeeze3A = vector.extract %slice3A[0] : i32 from vector<1xi32>
    %shift_right_logical3A = arith.constant 7 : i32
    %shift_right_logical3A_72 = arith.shrui %squeeze3A, %shift_right_logical3A : i32
    %mul3A_73 = arith.constant 128 : i32
    %mul3A_74 = arith.muli %shift_right_logical3A_72, %mul3A_73 : i32
    %multiple_of3A = tpu.assume_multiple %mul3A_74, 128 : i32
    %dma_start3A = arith.constant 0 : i32
    %dma_start3A_75 = arith.constant 0 : i32
    %dma_start3A_76 = arith.constant 0 : i32
    %dma_start3A_77 = tpu.memref_slice %arg12[%dma_start3A, %dma_start3A_75, %dma_start3A_76] : memref<8x32x128xf32, #tpu.memory_space<vmem>> -> memref<1x32x128xf32, #tpu.memory_space<vmem>>
    %dma_start3A_78 = tpu.memref_squeeze %dma_start3A_77 : memref<1x32x128xf32, #tpu.memory_space<vmem>> -> memref<32x128xf32, #tpu.memory_space<vmem>>
    %dma_start3A_79 = arith.constant 0 : i32
    %dma_start3A_80 = tpu.memref_slice %arg6[%dma_start3A_79, %multiple_of3A] : memref<32x1000000xf32, #tpu.memory_space<hbm>> -> memref<32x128xf32, #tpu.memory_space<hbm>>
    %dma_start3A_81 = arith.constant 0 : i32
    %dma_start3A_82 = arith.constant 0 : i32
    %dma_start3A_83 = tpu.memref_slice %arg12[%dma_start3A, %dma_start3A_81, %dma_start3A_82] : memref<8x32x128xf32, #tpu.memory_space<vmem>> -> memref<1x32x128xf32, #tpu.memory_space<vmem>>
    %dma_start3A_84 = tpu.memref_squeeze %dma_start3A_83 : memref<1x32x128xf32, #tpu.memory_space<vmem>> -> memref<32x128xf32, #tpu.memory_space<vmem>>
    %dma_start3A_85 = arith.constant 0 : i32
    %dma_start3A_86 = tpu.memref_slice %arg6[%dma_start3A_85, %multiple_of3A] : memref<32x1000000xf32, #tpu.memory_space<hbm>> -> memref<32x128xf32, #tpu.memory_space<hbm>>
    tpu.enqueue_dma source(%dma_start3A_86 : memref<32x128xf32, #tpu.memory_space<hbm>>) target(%dma_start3A_84 : memref<32x128xf32, #tpu.memory_space<vmem>>) target_semaphore(%arg17 : memref<!tpu.dma_semaphore, #tpu.memory_space<semaphore_mem>>)
    %slice3A_87 = vector.extract_strided_slice %get3A_71 {offsets = [1], sizes = [1], strides = [1]} : vector<16xi32> to vector<1xi32>
    %squeeze3A_88 = vector.extract %slice3A_87[0] : i32 from vector<1xi32>
    %shift_right_logical3A_89 = arith.constant 7 : i32
    %shift_right_logical3A_90 = arith.shrui %squeeze3A_88, %shift_right_logical3A_89 : i32
    %mul3A_91 = arith.constant 128 : i32
    %mul3A_92 = arith.muli %shift_right_logical3A_90, %mul3A_91 : i32
    %multiple_of3A_93 = tpu.assume_multiple %mul3A_92, 128 : i32
    %dma_start3A_94 = arith.constant 1 : i32
    %dma_start3A_95 = arith.constant 0 : i32
    %dma_start3A_96 = arith.constant 0 : i32
    %dma_start3A_97 = tpu.memref_slice %arg12[%dma_start3A_94, %dma_start3A_95, %dma_start3A_96] : memref<8x32x128xf32, #tpu.memory_space<vmem>> -> memref<1x32x128xf32, #tpu.memory_space<vmem>>
    %dma_start3A_98 = tpu.memref_squeeze %dma_start3A_97 : memref<1x32x128xf32, #tpu.memory_space<vmem>> -> memref<32x128xf32, #tpu.memory_space<vmem>>
    %dma_start3A_99 = arith.constant 0 : i32
    %dma_start3A_100 = tpu.memref_slice %arg6[%dma_start3A_99, %multiple_of3A_93] : memref<32x1000000xf32, #tpu.memory_space<hbm>> -> memref<32x128xf32, #tpu.memory_space<hbm>>
    %dma_start3A_101 = arith.constant 0 : i32
    %dma_start3A_102 = arith.constant 0 : i32
    %dma_start3A_103 = tpu.memref_slice %arg12[%dma_start3A_94, %dma_start3A_101, %dma_start3A_102] : memref<8x32x128xf32, #tpu.memory_space<vmem>> -> memref<1x32x128xf32, #tpu.memory_space<vmem>>
    %dma_start3A_104 = tpu.memref_squeeze %dma_start3A_103 : memref<1x32x128xf32, #tpu.memory_space<vmem>> -> memref<32x128xf32, #tpu.memory_space<vmem>>
    %dma_start3A_105 = arith.constant 0 : i32
    %dma_start3A_106 = tpu.memref_slice %arg6[%dma_start3A_105, %multiple_of3A_93] : memref<32x1000000xf32, #tpu.memory_space<hbm>> -> memref<32x128xf32, #tpu.memory_space<hbm>>
    tpu.enqueue_dma source(%dma_start3A_106 : memref<32x128xf32, #tpu.memory_space<hbm>>) target(%dma_start3A_104 : memref<32x128xf32, #tpu.memory_space<vmem>>) target_semaphore(%arg17 : memref<!tpu.dma_semaphore, #tpu.memory_space<semaphore_mem>>)
    %slice3A_107 = vector.extract_strided_slice %get3A_71 {offsets = [2], sizes = [1], strides = [1]} : vector<16xi32> to vector<1xi32>
    %squeeze3A_108 = vector.extract %slice3A_107[0] : i32 from vector<1xi32>
    %shift_right_logical3A_109 = arith.constant 7 : i32
    %shift_right_logical3A_110 = arith.shrui %squeeze3A_108, %shift_right_logical3A_109 : i32
    %mul3A_111 = arith.constant 128 : i32
    %mul3A_112 = arith.muli %shift_right_logical3A_110, %mul3A_111 : i32
    %multiple_of3A_113 = tpu.assume_multiple %mul3A_112, 128 : i32
    %dma_start3A_114 = arith.constant 2 : i32
    %dma_start3A_115 = arith.constant 0 : i32
    %dma_start3A_116 = arith.constant 0 : i32
    %dma_start3A_117 = tpu.memref_slice %arg12[%dma_start3A_114, %dma_start3A_115, %dma_start3A_116] : memref<8x32x128xf32, #tpu.memory_space<vmem>> -> memref<1x32x128xf32, #tpu.memory_space<vmem>>
    %dma_start3A_118 = tpu.memref_squeeze %dma_start3A_117 : memref<1x32x128xf32, #tpu.memory_space<vmem>> -> memref<32x128xf32, #tpu.memory_space<vmem>>
    %dma_start3A_119 = arith.constant 0 : i32
    %dma_start3A_120 = tpu.memref_slice %arg6[%dma_start3A_119, %multiple_of3A_113] : memref<32x1000000xf32, #tpu.memory_space<hbm>> -> memref<32x128xf32, #tpu.memory_space<hbm>>
    %dma_start3A_121 = arith.constant 0 : i32
    %dma_start3A_122 = arith.constant 0 : i32
    %dma_start3A_123 = tpu.memref_slice %arg12[%dma_start3A_114, %dma_start3A_121, %dma_start3A_122] : memref<8x32x128xf32, #tpu.memory_space<vmem>> -> memref<1x32x128xf32, #tpu.memory_space<vmem>>
    %dma_start3A_124 = tpu.memref_squeeze %dma_start3A_123 : memref<1x32x128xf32, #tpu.memory_space<vmem>> -> memref<32x128xf32, #tpu.memory_space<vmem>>
    %dma_start3A_125 = arith.constant 0 : i32
    %dma_start3A_126 = tpu.memref_slice %arg6[%dma_start3A_125, %multiple_of3A_113] : memref<32x1000000xf32, #tpu.memory_space<hbm>> -> memref<32x128xf32, #tpu.memory_space<hbm>>
    tpu.enqueue_dma source(%dma_start3A_126 : memref<32x128xf32, #tpu.memory_space<hbm>>) target(%dma_start3A_124 : memref<32x128xf32, #tpu.memory_space<vmem>>) target_semaphore(%arg17 : memref<!tpu.dma_semaphore, #tpu.memory_space<semaphore_mem>>)
    %slice3A_127 = vector.extract_strided_slice %get3A_71 {offsets = [3], sizes = [1], strides = [1]} : vector<16xi32> to vector<1xi32>
    %squeeze3A_128 = vector.extract %slice3A_127[0] : i32 from vector<1xi32>
    %shift_right_logical3A_129 = arith.constant 7 : i32
    %shift_right_logical3A_130 = arith.shrui %squeeze3A_128, %shift_right_logical3A_129 : i32
    %mul3A_131 = arith.constant 128 : i32
    %mul3A_132 = arith.muli %shift_right_logical3A_130, %mul3A_131 : i32
    %multiple_of3A_133 = tpu.assume_multiple %mul3A_132, 128 : i32
    %dma_start3A_134 = arith.constant 3 : i32
    %dma_start3A_135 = arith.constant 0 : i32
    %dma_start3A_136 = arith.constant 0 : i32
    %dma_start3A_137 = tpu.memref_slice %arg12[%dma_start3A_134, %dma_start3A_135, %dma_start3A_136] : memref<8x32x128xf32, #tpu.memory_space<vmem>> -> memref<1x32x128xf32, #tpu.memory_space<vmem>>
    %dma_start3A_138 = tpu.memref_squeeze %dma_start3A_137 : memref<1x32x128xf32, #tpu.memory_space<vmem>> -> memref<32x128xf32, #tpu.memory_space<vmem>>
    %dma_start3A_139 = arith.constant 0 : i32
    %dma_start3A_140 = tpu.memref_slice %arg6[%dma_start3A_139, %multiple_of3A_133] : memref<32x1000000xf32, #tpu.memory_space<hbm>> -> memref<32x128xf32, #tpu.memory_space<hbm>>
    %dma_start3A_141 = arith.constant 0 : i32
    %dma_start3A_142 = arith.constant 0 : i32
    %dma_start3A_143 = tpu.memref_slice %arg12[%dma_start3A_134, %dma_start3A_141, %dma_start3A_142] : memref<8x32x128xf32, #tpu.memory_space<vmem>> -> memref<1x32x128xf32, #tpu.memory_space<vmem>>
    %dma_start3A_144 = tpu.memref_squeeze %dma_start3A_143 : memref<1x32x128xf32, #tpu.memory_space<vmem>> -> memref<32x128xf32, #tpu.memory_space<vmem>>
    %dma_start3A_145 = arith.constant 0 : i32
    %dma_start3A_146 = tpu.memref_slice %arg6[%dma_start3A_145, %multiple_of3A_133] : memref<32x1000000xf32, #tpu.memory_space<hbm>> -> memref<32x128xf32, #tpu.memory_space<hbm>>
    tpu.enqueue_dma source(%dma_start3A_146 : memref<32x128xf32, #tpu.memory_space<hbm>>) target(%dma_start3A_144 : memref<32x128xf32, #tpu.memory_space<vmem>>) target_semaphore(%arg17 : memref<!tpu.dma_semaphore, #tpu.memory_space<semaphore_mem>>)
    %slice3A_147 = vector.extract_strided_slice %get3A_71 {offsets = [4], sizes = [1], strides = [1]} : vector<16xi32> to vector<1xi32>
    %squeeze3A_148 = vector.extract %slice3A_147[0] : i32 from vector<1xi32>
    %shift_right_logical3A_149 = arith.constant 7 : i32
    %shift_right_logical3A_150 = arith.shrui %squeeze3A_148, %shift_right_logical3A_149 : i32
    %mul3A_151 = arith.constant 128 : i32
    %mul3A_152 = arith.muli %shift_right_logical3A_150, %mul3A_151 : i32
    %multiple_of3A_153 = tpu.assume_multiple %mul3A_152, 128 : i32
    %dma_start3A_154 = arith.constant 4 : i32
    %dma_start3A_155 = arith.constant 0 : i32
    %dma_start3A_156 = arith.constant 0 : i32
    %dma_start3A_157 = tpu.memref_slice %arg12[%dma_start3A_154, %dma_start3A_155, %dma_start3A_156] : memref<8x32x128xf32, #tpu.memory_space<vmem>> -> memref<1x32x128xf32, #tpu.memory_space<vmem>>
    %dma_start3A_158 = tpu.memref_squeeze %dma_start3A_157 : memref<1x32x128xf32, #tpu.memory_space<vmem>> -> memref<32x128xf32, #tpu.memory_space<vmem>>
    %dma_start3A_159 = arith.constant 0 : i32
    %dma_start3A_160 = tpu.memref_slice %arg6[%dma_start3A_159, %multiple_of3A_153] : memref<32x1000000xf32, #tpu.memory_space<hbm>> -> memref<32x128xf32, #tpu.memory_space<hbm>>
    %dma_start3A_161 = arith.constant 0 : i32
    %dma_start3A_162 = arith.constant 0 : i32
    %dma_start3A_163 = tpu.memref_slice %arg12[%dma_start3A_154, %dma_start3A_161, %dma_start3A_162] : memref<8x32x128xf32, #tpu.memory_space<vmem>> -> memref<1x32x128xf32, #tpu.memory_space<vmem>>
    %dma_start3A_164 = tpu.memref_squeeze %dma_start3A_163 : memref<1x32x128xf32, #tpu.memory_space<vmem>> -> memref<32x128xf32, #tpu.memory_space<vmem>>
    %dma_start3A_165 = arith.constant 0 : i32
    %dma_start3A_166 = tpu.memref_slice %arg6[%dma_start3A_165, %multiple_of3A_153] : memref<32x1000000xf32, #tpu.memory_space<hbm>> -> memref<32x128xf32, #tpu.memory_space<hbm>>
    tpu.enqueue_dma source(%dma_start3A_166 : memref<32x128xf32, #tpu.memory_space<hbm>>) target(%dma_start3A_164 : memref<32x128xf32, #tpu.memory_space<vmem>>) target_semaphore(%arg17 : memref<!tpu.dma_semaphore, #tpu.memory_space<semaphore_mem>>)
    %slice3A_167 = vector.extract_strided_slice %get3A_71 {offsets = [5], sizes = [1], strides = [1]} : vector<16xi32> to vector<1xi32>
    %squeeze3A_168 = vector.extract %slice3A_167[0] : i32 from vector<1xi32>
    %shift_right_logical3A_169 = arith.constant 7 : i32
    %shift_right_logical3A_170 = arith.shrui %squeeze3A_168, %shift_right_logical3A_169 : i32
    %mul3A_171 = arith.constant 128 : i32
    %mul3A_172 = arith.muli %shift_right_logical3A_170, %mul3A_171 : i32
    %multiple_of3A_173 = tpu.assume_multiple %mul3A_172, 128 : i32
    %dma_start3A_174 = arith.constant 5 : i32
    %dma_start3A_175 = arith.constant 0 : i32
    %dma_start3A_176 = arith.constant 0 : i32
    %dma_start3A_177 = tpu.memref_slice %arg12[%dma_start3A_174, %dma_start3A_175, %dma_start3A_176] : memref<8x32x128xf32, #tpu.memory_space<vmem>> -> memref<1x32x128xf32, #tpu.memory_space<vmem>>
    %dma_start3A_178 = tpu.memref_squeeze %dma_start3A_177 : memref<1x32x128xf32, #tpu.memory_space<vmem>> -> memref<32x128xf32, #tpu.memory_space<vmem>>
    %dma_start3A_179 = arith.constant 0 : i32
    %dma_start3A_180 = tpu.memref_slice %arg6[%dma_start3A_179, %multiple_of3A_173] : memref<32x1000000xf32, #tpu.memory_space<hbm>> -> memref<32x128xf32, #tpu.memory_space<hbm>>
    %dma_start3A_181 = arith.constant 0 : i32
    %dma_start3A_182 = arith.constant 0 : i32
    %dma_start3A_183 = tpu.memref_slice %arg12[%dma_start3A_174, %dma_start3A_181, %dma_start3A_182] : memref<8x32x128xf32, #tpu.memory_space<vmem>> -> memref<1x32x128xf32, #tpu.memory_space<vmem>>
    %dma_start3A_184 = tpu.memref_squeeze %dma_start3A_183 : memref<1x32x128xf32, #tpu.memory_space<vmem>> -> memref<32x128xf32, #tpu.memory_space<vmem>>
    %dma_start3A_185 = arith.constant 0 : i32
    %dma_start3A_186 = tpu.memref_slice %arg6[%dma_start3A_185, %multiple_of3A_173] : memref<32x1000000xf32, #tpu.memory_space<hbm>> -> memref<32x128xf32, #tpu.memory_space<hbm>>
    tpu.enqueue_dma source(%dma_start3A_186 : memref<32x128xf32, #tpu.memory_space<hbm>>) target(%dma_start3A_184 : memref<32x128xf32, #tpu.memory_space<vmem>>) target_semaphore(%arg17 : memref<!tpu.dma_semaphore, #tpu.memory_space<semaphore_mem>>)
    %slice3A_187 = vector.extract_strided_slice %get3A_71 {offsets = [6], sizes = [1], strides = [1]} : vector<16xi32> to vector<1xi32>
    %squeeze3A_188 = vector.extract %slice3A_187[0] : i32 from vector<1xi32>
    %shift_right_logical3A_189 = arith.constant 7 : i32
    %shift_right_logical3A_190 = arith.shrui %squeeze3A_188, %shift_right_logical3A_189 : i32
    %mul3A_191 = arith.constant 128 : i32
    %mul3A_192 = arith.muli %shift_right_logical3A_190, %mul3A_191 : i32
    %multiple_of3A_193 = tpu.assume_multiple %mul3A_192, 128 : i32
    %dma_start3A_194 = arith.constant 6 : i32
    %dma_start3A_195 = arith.constant 0 : i32
    %dma_start3A_196 = arith.constant 0 : i32
    %dma_start3A_197 = tpu.memref_slice %arg12[%dma_start3A_194, %dma_start3A_195, %dma_start3A_196] : memref<8x32x128xf32, #tpu.memory_space<vmem>> -> memref<1x32x128xf32, #tpu.memory_space<vmem>>
    %dma_start3A_198 = tpu.memref_squeeze %dma_start3A_197 : memref<1x32x128xf32, #tpu.memory_space<vmem>> -> memref<32x128xf32, #tpu.memory_space<vmem>>
    %dma_start3A_199 = arith.constant 0 : i32
    %dma_start3A_200 = tpu.memref_slice %arg6[%dma_start3A_199, %multiple_of3A_193] : memref<32x1000000xf32, #tpu.memory_space<hbm>> -> memref<32x128xf32, #tpu.memory_space<hbm>>
    %dma_start3A_201 = arith.constant 0 : i32
    %dma_start3A_202 = arith.constant 0 : i32
    %dma_start3A_203 = tpu.memref_slice %arg12[%dma_start3A_194, %dma_start3A_201, %dma_start3A_202] : memref<8x32x128xf32, #tpu.memory_space<vmem>> -> memref<1x32x128xf32, #tpu.memory_space<vmem>>
    %dma_start3A_204 = tpu.memref_squeeze %dma_start3A_203 : memref<1x32x128xf32, #tpu.memory_space<vmem>> -> memref<32x128xf32, #tpu.memory_space<vmem>>
    %dma_start3A_205 = arith.constant 0 : i32
    %dma_start3A_206 = tpu.memref_slice %arg6[%dma_start3A_205, %multiple_of3A_193] : memref<32x1000000xf32, #tpu.memory_space<hbm>> -> memref<32x128xf32, #tpu.memory_space<hbm>>
    tpu.enqueue_dma source(%dma_start3A_206 : memref<32x128xf32, #tpu.memory_space<hbm>>) target(%dma_start3A_204 : memref<32x128xf32, #tpu.memory_space<vmem>>) target_semaphore(%arg17 : memref<!tpu.dma_semaphore, #tpu.memory_space<semaphore_mem>>)
    %slice3A_207 = vector.extract_strided_slice %get3A_71 {offsets = [7], sizes = [1], strides = [1]} : vector<16xi32> to vector<1xi32>
    %squeeze3A_208 = vector.extract %slice3A_207[0] : i32 from vector<1xi32>
    %shift_right_logical3A_209 = arith.constant 7 : i32
    %shift_right_logical3A_210 = arith.shrui %squeeze3A_208, %shift_right_logical3A_209 : i32
    %mul3A_211 = arith.constant 128 : i32
    %mul3A_212 = arith.muli %shift_right_logical3A_210, %mul3A_211 : i32
    %multiple_of3A_213 = tpu.assume_multiple %mul3A_212, 128 : i32
    %dma_start3A_214 = arith.constant 7 : i32
    %dma_start3A_215 = arith.constant 0 : i32
    %dma_start3A_216 = arith.constant 0 : i32
    %dma_start3A_217 = tpu.memref_slice %arg12[%dma_start3A_214, %dma_start3A_215, %dma_start3A_216] : memref<8x32x128xf32, #tpu.memory_space<vmem>> -> memref<1x32x128xf32, #tpu.memory_space<vmem>>
    %dma_start3A_218 = tpu.memref_squeeze %dma_start3A_217 : memref<1x32x128xf32, #tpu.memory_space<vmem>> -> memref<32x128xf32, #tpu.memory_space<vmem>>
    %dma_start3A_219 = arith.constant 0 : i32
    %dma_start3A_220 = tpu.memref_slice %arg6[%dma_start3A_219, %multiple_of3A_213] : memref<32x1000000xf32, #tpu.memory_space<hbm>> -> memref<32x128xf32, #tpu.memory_space<hbm>>
    %dma_start3A_221 = arith.constant 0 : i32
    %dma_start3A_222 = arith.constant 0 : i32
    %dma_start3A_223 = tpu.memref_slice %arg12[%dma_start3A_214, %dma_start3A_221, %dma_start3A_222] : memref<8x32x128xf32, #tpu.memory_space<vmem>> -> memref<1x32x128xf32, #tpu.memory_space<vmem>>
    %dma_start3A_224 = tpu.memref_squeeze %dma_start3A_223 : memref<1x32x128xf32, #tpu.memory_space<vmem>> -> memref<32x128xf32, #tpu.memory_space<vmem>>
    %dma_start3A_225 = arith.constant 0 : i32
    %dma_start3A_226 = tpu.memref_slice %arg6[%dma_start3A_225, %multiple_of3A_213] : memref<32x1000000xf32, #tpu.memory_space<hbm>> -> memref<32x128xf32, #tpu.memory_space<hbm>>
    tpu.enqueue_dma source(%dma_start3A_226 : memref<32x128xf32, #tpu.memory_space<hbm>>) target(%dma_start3A_224 : memref<32x128xf32, #tpu.memory_space<vmem>>) target_semaphore(%arg17 : memref<!tpu.dma_semaphore, #tpu.memory_space<semaphore_mem>>)
    %scan3A = arith.constant 0 : i32
    %scan3A_227 = arith.constant 32 : i32
    %scan3A_228 = arith.addi %scan3A, %scan3A_227 : i32
    %scan3A_229 = arith.constant 1 : i32
    %scan3A_230:2 = scf.for %scan3A_359 = %scan3A to %scan3A_228 step %scan3A_229 iter_args(%scan3A_360 = %broadcast_in_dim3A_62, %scan3A_361 = %broadcast_in_dim3A_62) -> (vector<16xf32>, vector<16xf32>)  : i32 {
      %jit3A = arith.constant 8 : i32
      %div3A = arith.divsi %scan3A_359, %jit3A : i32
      %sign3A = arith.constant 0 : i32
      %sign3A_362 = arith.cmpi sgt, %scan3A_359, %sign3A : i32
      %sign3A_363 = arith.extui %sign3A_362 : i1 to i32
      %sign3A_364 = arith.constant 0 : i32
      %sign3A_365 = arith.cmpi slt, %scan3A_359, %sign3A_364 : i32
      %sign3A_366 = arith.extui %sign3A_365 : i1 to i32
      %sign3A_367 = arith.subi %sign3A_363, %sign3A_366 : i32
      %sign3A_368 = arith.constant 0 : i32
      %sign3A_369 = arith.cmpi sgt, %jit3A, %sign3A_368 : i32
      %sign3A_370 = arith.extui %sign3A_369 : i1 to i32
      %sign3A_371 = arith.constant 0 : i32
      %sign3A_372 = arith.cmpi slt, %jit3A, %sign3A_371 : i32
      %sign3A_373 = arith.extui %sign3A_372 : i1 to i32
      %sign3A_374 = arith.subi %sign3A_370, %sign3A_373 : i32
      %ne3A = arith.cmpi ne, %sign3A_367, %sign3A_374 : i32
      %rem3A = arith.remsi %scan3A_359, %jit3A : i32
      %ne3A_375 = arith.constant 0 : i32
      %ne3A_376 = arith.cmpi ne, %rem3A, %ne3A_375 : i32
      %and3A = arith.andi %ne3A, %ne3A_376 : i1
      %sub3A = arith.constant 1 : i32
      %sub3A_377 = arith.subi %div3A, %sub3A : i32
      %select_n3A = arith.select %and3A, %sub3A_377, %div3A : i32
      %jit3A_378 = arith.constant 8 : i32
      %eq3A = arith.constant 0 : i32
      %eq3A_379 = arith.cmpi eq, %jit3A_378, %eq3A : i32
      %jit3A_380 = arith.constant 1 : i32
      %select_n3A_381 = arith.select %eq3A_379, %jit3A_380, %jit3A_378 : i32
      %rem3A_382 = arith.remsi %scan3A_359, %select_n3A_381 : i32
      %ne3A_383 = arith.constant 0 : i32
      %ne3A_384 = arith.cmpi ne, %rem3A_382, %ne3A_383 : i32
      %lt3A = arith.constant 0 : i32
      %lt3A_385 = arith.cmpi slt, %rem3A_382, %lt3A : i32
      %lt3A_386 = arith.constant 0 : i32
      %lt3A_387 = arith.cmpi slt, %select_n3A_381, %lt3A_386 : i32
      %ne3A_388 = arith.xori %lt3A_385, %lt3A_387 : i1
      %and3A_389 = arith.andi %ne3A_388, %ne3A_384 : i1
      %add3A_390 = arith.addi %rem3A_382, %select_n3A_381 : i32
      %select_n3A_391 = arith.select %and3A_389, %add3A_390, %rem3A_382 : i32
      %mul3A_392 = arith.constant 16 : i32
      %mul3A_393 = arith.muli %select_n3A_391, %mul3A_392 : i32
      %get3A_394 = arith.constant 1 : i32
      %get3A_395 = arith.constant 0 : i32
      %get3A_396 = arith.index_cast %get3A_394 : i32 to index
      %get3A_397 = arith.index_cast %select_n3A : i32 to index
      %get3A_398 = arith.index_cast %get3A_395 : i32 to index
      %get3A_399 = arith.index_cast %mul3A_393 : i32 to index
      %get3A_400 = tpu.vector_load %arg10[%get3A_396, %get3A_397, %get3A_398, %get3A_399] {strides = array<i32>} : memref<3x4x1x128xi32, #tpu.memory_space<vmem>>, vector<16xi32>,
      %get3A_401 = arith.constant 2 : i32
      %get3A_402 = arith.constant 0 : i32
      %get3A_403 = arith.index_cast %get3A_401 : i32 to index
      %get3A_404 = arith.index_cast %select_n3A : i32 to index
      %get3A_405 = arith.index_cast %get3A_402 : i32 to index
      %get3A_406 = arith.index_cast %mul3A_393 : i32 to index
      %get3A_407 = tpu.vector_load %arg10[%get3A_403, %get3A_404, %get3A_405, %get3A_406] {strides = array<i32>} : memref<3x4x1x128xi32, #tpu.memory_space<vmem>>, vector<16xi32>,
      %shift_right_logical3A_408 = arith.constant 3 : i32
      %shift_right_logical3A_409 = vector.broadcast %shift_right_logical3A_408 : i32 to vector<16xi32>
      %shift_right_logical3A_410 = arith.shrui %get3A_400, %shift_right_logical3A_409 : vector<16xi32>
      %mul3A_411 = arith.constant 8 : i32
      %mul3A_412 = vector.broadcast %mul3A_411 : i32 to vector<16xi32>
      %mul3A_413 = arith.muli %shift_right_logical3A_410, %mul3A_412 : vector<16xi32>
      %shift_right_logical3A_414 = arith.constant 3 : i32
      %shift_right_logical3A_415 = vector.broadcast %shift_right_logical3A_414 : i32 to vector<16xi32>
      %shift_right_logical3A_416 = arith.shrui %get3A_407, %shift_right_logical3A_415 : vector<16xi32>
      %mul3A_417 = arith.constant 8 : i32
      %mul3A_418 = vector.broadcast %mul3A_417 : i32 to vector<16xi32>
      %mul3A_419 = arith.muli %shift_right_logical3A_416, %mul3A_418 : vector<16xi32>
      %slice3A_420 = vector.extract_strided_slice %mul3A_413 {offsets = [0], sizes = [1], strides = [1]} : vector<16xi32> to vector<1xi32>
      %squeeze3A_421 = vector.extract %slice3A_420[0] : i32 from vector<1xi32>
      %multiple_of3A_422 = tpu.assume_multiple %squeeze3A_421, 8 : i32
      %dma_start3A_423 = arith.constant 0 : i32
      %dma_start3A_424 = arith.constant 0 : i32
      %dma_start3A_425 = arith.constant 0 : i32
      %dma_start3A_426 = tpu.memref_slice %arg14[%dma_start3A_423, %dma_start3A_424, %dma_start3A_425] : memref<16x8x32xf32, #tpu.memory_space<vmem>> -> memref<1x8x32xf32, #tpu.memory_space<vmem>>
      %dma_start3A_427 = tpu.memref_squeeze %dma_start3A_426 : memref<1x8x32xf32, #tpu.memory_space<vmem>> -> memref<8x32xf32, #tpu.memory_space<vmem>>
      %dma_start3A_428 = arith.constant 0 : i32
      %dma_start3A_429 = tpu.memref_slice %arg7[%multiple_of3A_422, %dma_start3A_428] : memref<100000x32xf32, #tpu.memory_space<hbm>> -> memref<8x32xf32, #tpu.memory_space<hbm>>
      %dma_start3A_430 = arith.constant 0 : i32
      %dma_start3A_431 = arith.constant 0 : i32
      %dma_start3A_432 = tpu.memref_slice %arg14[%dma_start3A_423, %dma_start3A_430, %dma_start3A_431] : memref<16x8x32xf32, #tpu.memory_space<vmem>> -> memref<1x8x32xf32, #tpu.memory_space<vmem>>
      %dma_start3A_433 = tpu.memref_squeeze %dma_start3A_432 : memref<1x8x32xf32, #tpu.memory_space<vmem>> -> memref<8x32xf32, #tpu.memory_space<vmem>>
      %dma_start3A_434 = arith.constant 0 : i32
      %dma_start3A_435 = tpu.memref_slice %arg7[%multiple_of3A_422, %dma_start3A_434] : memref<100000x32xf32, #tpu.memory_space<hbm>> -> memref<8x32xf32, #tpu.memory_space<hbm>>
      tpu.enqueue_dma source(%dma_start3A_435 : memref<8x32xf32, #tpu.memory_space<hbm>>) target(%dma_start3A_433 : memref<8x32xf32, #tpu.memory_space<vmem>>) target_semaphore(%arg18 : memref<!tpu.dma_semaphore, #tpu.memory_space<semaphore_mem>>)
      %slice3A_436 = vector.extract_strided_slice %mul3A_419 {offsets = [0], sizes = [1], strides = [1]} : vector<16xi32> to vector<1xi32>
      %squeeze3A_437 = vector.extract %slice3A_436[0] : i32 from vector<1xi32>
      %multiple_of3A_438 = tpu.assume_multiple %squeeze3A_437, 8 : i32
      %dma_start3A_439 = arith.constant 0 : i32
      %dma_start3A_440 = arith.constant 0 : i32
      %dma_start3A_441 = arith.constant 0 : i32
      %dma_start3A_442 = tpu.memref_slice %arg15[%dma_start3A_439, %dma_start3A_440, %dma_start3A_441] : memref<16x8x32xf32, #tpu.memory_space<vmem>> -> memref<1x8x32xf32, #tpu.memory_space<vmem>>
      %dma_start3A_443 = tpu.memref_squeeze %dma_start3A_442 : memref<1x8x32xf32, #tpu.memory_space<vmem>> -> memref<8x32xf32, #tpu.memory_space<vmem>>
      %dma_start3A_444 = arith.constant 0 : i32
      %dma_start3A_445 = tpu.memref_slice %arg8[%multiple_of3A_438, %dma_start3A_444] : memref<1000x32xf32, #tpu.memory_space<hbm>> -> memref<8x32xf32, #tpu.memory_space<hbm>>
      %dma_start3A_446 = arith.constant 0 : i32
      %dma_start3A_447 = arith.constant 0 : i32
      %dma_start3A_448 = tpu.memref_slice %arg15[%dma_start3A_439, %dma_start3A_446, %dma_start3A_447] : memref<16x8x32xf32, #tpu.memory_space<vmem>> -> memref<1x8x32xf32, #tpu.memory_space<vmem>>
      %dma_start3A_449 = tpu.memref_squeeze %dma_start3A_448 : memref<1x8x32xf32, #tpu.memory_space<vmem>> -> memref<8x32xf32, #tpu.memory_space<vmem>>
      %dma_start3A_450 = arith.constant 0 : i32
      %dma_start3A_451 = tpu.memref_slice %arg8[%multiple_of3A_438, %dma_start3A_450] : memref<1000x32xf32, #tpu.memory_space<hbm>> -> memref<8x32xf32, #tpu.memory_space<hbm>>
      tpu.enqueue_dma source(%dma_start3A_451 : memref<8x32xf32, #tpu.memory_space<hbm>>) target(%dma_start3A_449 : memref<8x32xf32, #tpu.memory_space<vmem>>) target_semaphore(%arg18 : memref<!tpu.dma_semaphore, #tpu.memory_space<semaphore_mem>>)
      %slice3A_452 = vector.extract_strided_slice %mul3A_413 {offsets = [1], sizes = [1], strides = [1]} : vector<16xi32> to vector<1xi32>
      %squeeze3A_453 = vector.extract %slice3A_452[0] : i32 from vector<1xi32>
      %multiple_of3A_454 = tpu.assume_multiple %squeeze3A_453, 8 : i32
      %dma_start3A_455 = arith.constant 1 : i32
      %dma_start3A_456 = arith.constant 0 : i32
      %dma_start3A_457 = arith.constant 0 : i32
      %dma_start3A_458 = tpu.memref_slice %arg14[%dma_start3A_455, %dma_start3A_456, %dma_start3A_457] : memref<16x8x32xf32, #tpu.memory_space<vmem>> -> memref<1x8x32xf32, #tpu.memory_space<vmem>>
      %dma_start3A_459 = tpu.memref_squeeze %dma_start3A_458 : memref<1x8x32xf32, #tpu.memory_space<vmem>> -> memref<8x32xf32, #tpu.memory_space<vmem>>
      %dma_start3A_460 = arith.constant 0 : i32
      %dma_start3A_461 = tpu.memref_slice %arg7[%multiple_of3A_454, %dma_start3A_460] : memref<100000x32xf32, #tpu.memory_space<hbm>> -> memref<8x32xf32, #tpu.memory_space<hbm>>
      %dma_start3A_462 = arith.constant 0 : i32
      %dma_start3A_463 = arith.constant 0 : i32
      %dma_start3A_464 = tpu.memref_slice %arg14[%dma_start3A_455, %dma_start3A_462, %dma_start3A_463] : memref<16x8x32xf32, #tpu.memory_space<vmem>> -> memref<1x8x32xf32, #tpu.memory_space<vmem>>
      %dma_start3A_465 = tpu.memref_squeeze %dma_start3A_464 : memref<1x8x32xf32, #tpu.memory_space<vmem>> -> memref<8x32xf32, #tpu.memory_space<vmem>>
      %dma_start3A_466 = arith.constant 0 : i32
      %dma_start3A_467 = tpu.memref_slice %arg7[%multiple_of3A_454, %dma_start3A_466] : memref<100000x32xf32, #tpu.memory_space<hbm>> -> memref<8x32xf32, #tpu.memory_space<hbm>>
      tpu.enqueue_dma source(%dma_start3A_467 : memref<8x32xf32, #tpu.memory_space<hbm>>) target(%dma_start3A_465 : memref<8x32xf32, #tpu.memory_space<vmem>>) target_semaphore(%arg18 : memref<!tpu.dma_semaphore, #tpu.memory_space<semaphore_mem>>)
      %slice3A_468 = vector.extract_strided_slice %mul3A_419 {offsets = [1], sizes = [1], strides = [1]} : vector<16xi32> to vector<1xi32>
      %squeeze3A_469 = vector.extract %slice3A_468[0] : i32 from vector<1xi32>
      %multiple_of3A_470 = tpu.assume_multiple %squeeze3A_469, 8 : i32
      %dma_start3A_471 = arith.constant 1 : i32
      %dma_start3A_472 = arith.constant 0 : i32
      %dma_start3A_473 = arith.constant 0 : i32
      %dma_start3A_474 = tpu.memref_slice %arg15[%dma_start3A_471, %dma_start3A_472, %dma_start3A_473] : memref<16x8x32xf32, #tpu.memory_space<vmem>> -> memref<1x8x32xf32, #tpu.memory_space<vmem>>
      %dma_start3A_475 = tpu.memref_squeeze %dma_start3A_474 : memref<1x8x32xf32, #tpu.memory_space<vmem>> -> memref<8x32xf32, #tpu.memory_space<vmem>>
      %dma_start3A_476 = arith.constant 0 : i32
      %dma_start3A_477 = tpu.memref_slice %arg8[%multiple_of3A_470, %dma_start3A_476] : memref<1000x32xf32, #tpu.memory_space<hbm>> -> memref<8x32xf32, #tpu.memory_space<hbm>>
      %dma_start3A_478 = arith.constant 0 : i32
      %dma_start3A_479 = arith.constant 0 : i32
      %dma_start3A_480 = tpu.memref_slice %arg15[%dma_start3A_471, %dma_start3A_478, %dma_start3A_479] : memref<16x8x32xf32, #tpu.memory_space<vmem>> -> memref<1x8x32xf32, #tpu.memory_space<vmem>>
      %dma_start3A_481 = tpu.memref_squeeze %dma_start3A_480 : memref<1x8x32xf32, #tpu.memory_space<vmem>> -> memref<8x32xf32, #tpu.memory_space<vmem>>
      %dma_start3A_482 = arith.constant 0 : i32
      %dma_start3A_483 = tpu.memref_slice %arg8[%multiple_of3A_470, %dma_start3A_482] : memref<1000x32xf32, #tpu.memory_space<hbm>> -> memref<8x32xf32, #tpu.memory_space<hbm>>
      tpu.enqueue_dma source(%dma_start3A_483 : memref<8x32xf32, #tpu.memory_space<hbm>>) target(%dma_start3A_481 : memref<8x32xf32, #tpu.memory_space<vmem>>) target_semaphore(%arg18 : memref<!tpu.dma_semaphore, #tpu.memory_space<semaphore_mem>>)
      %slice3A_484 = vector.extract_strided_slice %mul3A_413 {offsets = [2], sizes = [1], strides = [1]} : vector<16xi32> to vector<1xi32>
      %squeeze3A_485 = vector.extract %slice3A_484[0] : i32 from vector<1xi32>
      %multiple_of3A_486 = tpu.assume_multiple %squeeze3A_485, 8 : i32
      %dma_start3A_487 = arith.constant 2 : i32
      %dma_start3A_488 = arith.constant 0 : i32
      %dma_start3A_489 = arith.constant 0 : i32
      %dma_start3A_490 = tpu.memref_slice %arg14[%dma_start3A_487, %dma_start3A_488, %dma_start3A_489] : memref<16x8x32xf32, #tpu.memory_space<vmem>> -> memref<1x8x32xf32, #tpu.memory_space<vmem>>
      %dma_start3A_491 = tpu.memref_squeeze %dma_start3A_490 : memref<1x8x32xf32, #tpu.memory_space<vmem>> -> memref<8x32xf32, #tpu.memory_space<vmem>>
      %dma_start3A_492 = arith.constant 0 : i32
      %dma_start3A_493 = tpu.memref_slice %arg7[%multiple_of3A_486, %dma_start3A_492] : memref<100000x32xf32, #tpu.memory_space<hbm>> -> memref<8x32xf32, #tpu.memory_space<hbm>>
      %dma_start3A_494 = arith.constant 0 : i32
      %dma_start3A_495 = arith.constant 0 : i32
      %dma_start3A_496 = tpu.memref_slice %arg14[%dma_start3A_487, %dma_start3A_494, %dma_start3A_495] : memref<16x8x32xf32, #tpu.memory_space<vmem>> -> memref<1x8x32xf32, #tpu.memory_space<vmem>>
      %dma_start3A_497 = tpu.memref_squeeze %dma_start3A_496 : memref<1x8x32xf32, #tpu.memory_space<vmem>> -> memref<8x32xf32, #tpu.memory_space<vmem>>
      %dma_start3A_498 = arith.constant 0 : i32
      %dma_start3A_499 = tpu.memref_slice %arg7[%multiple_of3A_486, %dma_start3A_498] : memref<100000x32xf32, #tpu.memory_space<hbm>> -> memref<8x32xf32, #tpu.memory_space<hbm>>
      tpu.enqueue_dma source(%dma_start3A_499 : memref<8x32xf32, #tpu.memory_space<hbm>>) target(%dma_start3A_497 : memref<8x32xf32, #tpu.memory_space<vmem>>) target_semaphore(%arg18 : memref<!tpu.dma_semaphore, #tpu.memory_space<semaphore_mem>>)
      %slice3A_500 = vector.extract_strided_slice %mul3A_419 {offsets = [2], sizes = [1], strides = [1]} : vector<16xi32> to vector<1xi32>
      %squeeze3A_501 = vector.extract %slice3A_500[0] : i32 from vector<1xi32>
      %multiple_of3A_502 = tpu.assume_multiple %squeeze3A_501, 8 : i32
      %dma_start3A_503 = arith.constant 2 : i32
      %dma_start3A_504 = arith.constant 0 : i32
      %dma_start3A_505 = arith.constant 0 : i32
      %dma_start3A_506 = tpu.memref_slice %arg15[%dma_start3A_503, %dma_start3A_504, %dma_start3A_505] : memref<16x8x32xf32, #tpu.memory_space<vmem>> -> memref<1x8x32xf32, #tpu.memory_space<vmem>>
      %dma_start3A_507 = tpu.memref_squeeze %dma_start3A_506 : memref<1x8x32xf32, #tpu.memory_space<vmem>> -> memref<8x32xf32, #tpu.memory_space<vmem>>
      %dma_start3A_508 = arith.constant 0 : i32
      %dma_start3A_509 = tpu.memref_slice %arg8[%multiple_of3A_502, %dma_start3A_508] : memref<1000x32xf32, #tpu.memory_space<hbm>> -> memref<8x32xf32, #tpu.memory_space<hbm>>
      %dma_start3A_510 = arith.constant 0 : i32
      %dma_start3A_511 = arith.constant 0 : i32
      %dma_start3A_512 = tpu.memref_slice %arg15[%dma_start3A_503, %dma_start3A_510, %dma_start3A_511] : memref<16x8x32xf32, #tpu.memory_space<vmem>> -> memref<1x8x32xf32, #tpu.memory_space<vmem>>
      %dma_start3A_513 = tpu.memref_squeeze %dma_start3A_512 : memref<1x8x32xf32, #tpu.memory_space<vmem>> -> memref<8x32xf32, #tpu.memory_space<vmem>>
      %dma_start3A_514 = arith.constant 0 : i32
      %dma_start3A_515 = tpu.memref_slice %arg8[%multiple_of3A_502, %dma_start3A_514] : memref<1000x32xf32, #tpu.memory_space<hbm>> -> memref<8x32xf32, #tpu.memory_space<hbm>>
      tpu.enqueue_dma source(%dma_start3A_515 : memref<8x32xf32, #tpu.memory_space<hbm>>) target(%dma_start3A_513 : memref<8x32xf32, #tpu.memory_space<vmem>>) target_semaphore(%arg18 : memref<!tpu.dma_semaphore, #tpu.memory_space<semaphore_mem>>)
      %slice3A_516 = vector.extract_strided_slice %mul3A_413 {offsets = [3], sizes = [1], strides = [1]} : vector<16xi32> to vector<1xi32>
      %squeeze3A_517 = vector.extract %slice3A_516[0] : i32 from vector<1xi32>
      %multiple_of3A_518 = tpu.assume_multiple %squeeze3A_517, 8 : i32
      %dma_start3A_519 = arith.constant 3 : i32
      %dma_start3A_520 = arith.constant 0 : i32
      %dma_start3A_521 = arith.constant 0 : i32
      %dma_start3A_522 = tpu.memref_slice %arg14[%dma_start3A_519, %dma_start3A_520, %dma_start3A_521] : memref<16x8x32xf32, #tpu.memory_space<vmem>> -> memref<1x8x32xf32, #tpu.memory_space<vmem>>
      %dma_start3A_523 = tpu.memref_squeeze %dma_start3A_522 : memref<1x8x32xf32, #tpu.memory_space<vmem>> -> memref<8x32xf32, #tpu.memory_space<vmem>>
      %dma_start3A_524 = arith.constant 0 : i32
      %dma_start3A_525 = tpu.memref_slice %arg7[%multiple_of3A_518, %dma_start3A_524] : memref<100000x32xf32, #tpu.memory_space<hbm>> -> memref<8x32xf32, #tpu.memory_space<hbm>>
      %dma_start3A_526 = arith.constant 0 : i32
      %dma_start3A_527 = arith.constant 0 : i32
      %dma_start3A_528 = tpu.memref_slice %arg14[%dma_start3A_519, %dma_start3A_526, %dma_start3A_527] : memref<16x8x32xf32, #tpu.memory_space<vmem>> -> memref<1x8x32xf32, #tpu.memory_space<vmem>>
      %dma_start3A_529 = tpu.memref_squeeze %dma_start3A_528 : memref<1x8x32xf32, #tpu.memory_space<vmem>> -> memref<8x32xf32, #tpu.memory_space<vmem>>
      %dma_start3A_530 = arith.constant 0 : i32
      %dma_start3A_531 = tpu.memref_slice %arg7[%multiple_of3A_518, %dma_start3A_530] : memref<100000x32xf32, #tpu.memory_space<hbm>> -> memref<8x32xf32, #tpu.memory_space<hbm>>
      tpu.enqueue_dma source(%dma_start3A_531 : memref<8x32xf32, #tpu.memory_space<hbm>>) target(%dma_start3A_529 : memref<8x32xf32, #tpu.memory_space<vmem>>) target_semaphore(%arg18 : memref<!tpu.dma_semaphore, #tpu.memory_space<semaphore_mem>>)
      %slice3A_532 = vector.extract_strided_slice %mul3A_419 {offsets = [3], sizes = [1], strides = [1]} : vector<16xi32> to vector<1xi32>
      %squeeze3A_533 = vector.extract %slice3A_532[0] : i32 from vector<1xi32>
      %multiple_of3A_534 = tpu.assume_multiple %squeeze3A_533, 8 : i32
      %dma_start3A_535 = arith.constant 3 : i32
      %dma_start3A_536 = arith.constant 0 : i32
      %dma_start3A_537 = arith.constant 0 : i32
      %dma_start3A_538 = tpu.memref_slice %arg15[%dma_start3A_535, %dma_start3A_536, %dma_start3A_537] : memref<16x8x32xf32, #tpu.memory_space<vmem>> -> memref<1x8x32xf32, #tpu.memory_space<vmem>>
      %dma_start3A_539 = tpu.memref_squeeze %dma_start3A_538 : memref<1x8x32xf32, #tpu.memory_space<vmem>> -> memref<8x32xf32, #tpu.memory_space<vmem>>
      %dma_start3A_540 = arith.constant 0 : i32
      %dma_start3A_541 = tpu.memref_slice %arg8[%multiple_of3A_534, %dma_start3A_540] : memref<1000x32xf32, #tpu.memory_space<hbm>> -> memref<8x32xf32, #tpu.memory_space<hbm>>
      %dma_start3A_542 = arith.constant 0 : i32
      %dma_start3A_543 = arith.constant 0 : i32
      %dma_start3A_544 = tpu.memref_slice %arg15[%dma_start3A_535, %dma_start3A_542, %dma_start3A_543] : memref<16x8x32xf32, #tpu.memory_space<vmem>> -> memref<1x8x32xf32, #tpu.memory_space<vmem>>
      %dma_start3A_545 = tpu.memref_squeeze %dma_start3A_544 : memref<1x8x32xf32, #tpu.memory_space<vmem>> -> memref<8x32xf32, #tpu.memory_space<vmem>>
      %dma_start3A_546 = arith.constant 0 : i32
      %dma_start3A_547 = tpu.memref_slice %arg8[%multiple_of3A_534, %dma_start3A_546] : memref<1000x32xf32, #tpu.memory_space<hbm>> -> memref<8x32xf32, #tpu.memory_space<hbm>>
      tpu.enqueue_dma source(%dma_start3A_547 : memref<8x32xf32, #tpu.memory_space<hbm>>) target(%dma_start3A_545 : memref<8x32xf32, #tpu.memory_space<vmem>>) target_semaphore(%arg18 : memref<!tpu.dma_semaphore, #tpu.memory_space<semaphore_mem>>)
      %slice3A_548 = vector.extract_strided_slice %mul3A_413 {offsets = [4], sizes = [1], strides = [1]} : vector<16xi32> to vector<1xi32>
      %squeeze3A_549 = vector.extract %slice3A_548[0] : i32 from vector<1xi32>
      %multiple_of3A_550 = tpu.assume_multiple %squeeze3A_549, 8 : i32
      %dma_start3A_551 = arith.constant 4 : i32
      %dma_start3A_552 = arith.constant 0 : i32
      %dma_start3A_553 = arith.constant 0 : i32
      %dma_start3A_554 = tpu.memref_slice %arg14[%dma_start3A_551, %dma_start3A_552, %dma_start3A_553] : memref<16x8x32xf32, #tpu.memory_space<vmem>> -> memref<1x8x32xf32, #tpu.memory_space<vmem>>
      %dma_start3A_555 = tpu.memref_squeeze %dma_start3A_554 : memref<1x8x32xf32, #tpu.memory_space<vmem>> -> memref<8x32xf32, #tpu.memory_space<vmem>>
      %dma_start3A_556 = arith.constant 0 : i32
      %dma_start3A_557 = tpu.memref_slice %arg7[%multiple_of3A_550, %dma_start3A_556] : memref<100000x32xf32, #tpu.memory_space<hbm>> -> memref<8x32xf32, #tpu.memory_space<hbm>>
      %dma_start3A_558 = arith.constant 0 : i32
      %dma_start3A_559 = arith.constant 0 : i32
      %dma_start3A_560 = tpu.memref_slice %arg14[%dma_start3A_551, %dma_start3A_558, %dma_start3A_559] : memref<16x8x32xf32, #tpu.memory_space<vmem>> -> memref<1x8x32xf32, #tpu.memory_space<vmem>>
      %dma_start3A_561 = tpu.memref_squeeze %dma_start3A_560 : memref<1x8x32xf32, #tpu.memory_space<vmem>> -> memref<8x32xf32, #tpu.memory_space<vmem>>
      %dma_start3A_562 = arith.constant 0 : i32
      %dma_start3A_563 = tpu.memref_slice %arg7[%multiple_of3A_550, %dma_start3A_562] : memref<100000x32xf32, #tpu.memory_space<hbm>> -> memref<8x32xf32, #tpu.memory_space<hbm>>
      tpu.enqueue_dma source(%dma_start3A_563 : memref<8x32xf32, #tpu.memory_space<hbm>>) target(%dma_start3A_561 : memref<8x32xf32, #tpu.memory_space<vmem>>) target_semaphore(%arg18 : memref<!tpu.dma_semaphore, #tpu.memory_space<semaphore_mem>>)
      %slice3A_564 = vector.extract_strided_slice %mul3A_419 {offsets = [4], sizes = [1], strides = [1]} : vector<16xi32> to vector<1xi32>
      %squeeze3A_565 = vector.extract %slice3A_564[0] : i32 from vector<1xi32>
      %multiple_of3A_566 = tpu.assume_multiple %squeeze3A_565, 8 : i32
      %dma_start3A_567 = arith.constant 4 : i32
      %dma_start3A_568 = arith.constant 0 : i32
      %dma_start3A_569 = arith.constant 0 : i32
      %dma_start3A_570 = tpu.memref_slice %arg15[%dma_start3A_567, %dma_start3A_568, %dma_start3A_569] : memref<16x8x32xf32, #tpu.memory_space<vmem>> -> memref<1x8x32xf32, #tpu.memory_space<vmem>>
      %dma_start3A_571 = tpu.memref_squeeze %dma_start3A_570 : memref<1x8x32xf32, #tpu.memory_space<vmem>> -> memref<8x32xf32, #tpu.memory_space<vmem>>
      %dma_start3A_572 = arith.constant 0 : i32
      %dma_start3A_573 = tpu.memref_slice %arg8[%multiple_of3A_566, %dma_start3A_572] : memref<1000x32xf32, #tpu.memory_space<hbm>> -> memref<8x32xf32, #tpu.memory_space<hbm>>
      %dma_start3A_574 = arith.constant 0 : i32
      %dma_start3A_575 = arith.constant 0 : i32
      %dma_start3A_576 = tpu.memref_slice %arg15[%dma_start3A_567, %dma_start3A_574, %dma_start3A_575] : memref<16x8x32xf32, #tpu.memory_space<vmem>> -> memref<1x8x32xf32, #tpu.memory_space<vmem>>
      %dma_start3A_577 = tpu.memref_squeeze %dma_start3A_576 : memref<1x8x32xf32, #tpu.memory_space<vmem>> -> memref<8x32xf32, #tpu.memory_space<vmem>>
      %dma_start3A_578 = arith.constant 0 : i32
      %dma_start3A_579 = tpu.memref_slice %arg8[%multiple_of3A_566, %dma_start3A_578] : memref<1000x32xf32, #tpu.memory_space<hbm>> -> memref<8x32xf32, #tpu.memory_space<hbm>>
      tpu.enqueue_dma source(%dma_start3A_579 : memref<8x32xf32, #tpu.memory_space<hbm>>) target(%dma_start3A_577 : memref<8x32xf32, #tpu.memory_space<vmem>>) target_semaphore(%arg18 : memref<!tpu.dma_semaphore, #tpu.memory_space<semaphore_mem>>)
      %slice3A_580 = vector.extract_strided_slice %mul3A_413 {offsets = [5], sizes = [1], strides = [1]} : vector<16xi32> to vector<1xi32>
      %squeeze3A_581 = vector.extract %slice3A_580[0] : i32 from vector<1xi32>
      %multiple_of3A_582 = tpu.assume_multiple %squeeze3A_581, 8 : i32
      %dma_start3A_583 = arith.constant 5 : i32
      %dma_start3A_584 = arith.constant 0 : i32
      %dma_start3A_585 = arith.constant 0 : i32
      %dma_start3A_586 = tpu.memref_slice %arg14[%dma_start3A_583, %dma_start3A_584, %dma_start3A_585] : memref<16x8x32xf32, #tpu.memory_space<vmem>> -> memref<1x8x32xf32, #tpu.memory_space<vmem>>
      %dma_start3A_587 = tpu.memref_squeeze %dma_start3A_586 : memref<1x8x32xf32, #tpu.memory_space<vmem>> -> memref<8x32xf32, #tpu.memory_space<vmem>>
      %dma_start3A_588 = arith.constant 0 : i32
      %dma_start3A_589 = tpu.memref_slice %arg7[%multiple_of3A_582, %dma_start3A_588] : memref<100000x32xf32, #tpu.memory_space<hbm>> -> memref<8x32xf32, #tpu.memory_space<hbm>>
      %dma_start3A_590 = arith.constant 0 : i32
      %dma_start3A_591 = arith.constant 0 : i32
      %dma_start3A_592 = tpu.memref_slice %arg14[%dma_start3A_583, %dma_start3A_590, %dma_start3A_591] : memref<16x8x32xf32, #tpu.memory_space<vmem>> -> memref<1x8x32xf32, #tpu.memory_space<vmem>>
      %dma_start3A_593 = tpu.memref_squeeze %dma_start3A_592 : memref<1x8x32xf32, #tpu.memory_space<vmem>> -> memref<8x32xf32, #tpu.memory_space<vmem>>
      %dma_start3A_594 = arith.constant 0 : i32
      %dma_start3A_595 = tpu.memref_slice %arg7[%multiple_of3A_582, %dma_start3A_594] : memref<100000x32xf32, #tpu.memory_space<hbm>> -> memref<8x32xf32, #tpu.memory_space<hbm>>
      tpu.enqueue_dma source(%dma_start3A_595 : memref<8x32xf32, #tpu.memory_space<hbm>>) target(%dma_start3A_593 : memref<8x32xf32, #tpu.memory_space<vmem>>) target_semaphore(%arg18 : memref<!tpu.dma_semaphore, #tpu.memory_space<semaphore_mem>>)
      %slice3A_596 = vector.extract_strided_slice %mul3A_419 {offsets = [5], sizes = [1], strides = [1]} : vector<16xi32> to vector<1xi32>
      %squeeze3A_597 = vector.extract %slice3A_596[0] : i32 from vector<1xi32>
      %multiple_of3A_598 = tpu.assume_multiple %squeeze3A_597, 8 : i32
      %dma_start3A_599 = arith.constant 5 : i32
      %dma_start3A_600 = arith.constant 0 : i32
      %dma_start3A_601 = arith.constant 0 : i32
      %dma_start3A_602 = tpu.memref_slice %arg15[%dma_start3A_599, %dma_start3A_600, %dma_start3A_601] : memref<16x8x32xf32, #tpu.memory_space<vmem>> -> memref<1x8x32xf32, #tpu.memory_space<vmem>>
      %dma_start3A_603 = tpu.memref_squeeze %dma_start3A_602 : memref<1x8x32xf32, #tpu.memory_space<vmem>> -> memref<8x32xf32, #tpu.memory_space<vmem>>
      %dma_start3A_604 = arith.constant 0 : i32
      %dma_start3A_605 = tpu.memref_slice %arg8[%multiple_of3A_598, %dma_start3A_604] : memref<1000x32xf32, #tpu.memory_space<hbm>> -> memref<8x32xf32, #tpu.memory_space<hbm>>
      %dma_start3A_606 = arith.constant 0 : i32
      %dma_start3A_607 = arith.constant 0 : i32
      %dma_start3A_608 = tpu.memref_slice %arg15[%dma_start3A_599, %dma_start3A_606, %dma_start3A_607] : memref<16x8x32xf32, #tpu.memory_space<vmem>> -> memref<1x8x32xf32, #tpu.memory_space<vmem>>
      %dma_start3A_609 = tpu.memref_squeeze %dma_start3A_608 : memref<1x8x32xf32, #tpu.memory_space<vmem>> -> memref<8x32xf32, #tpu.memory_space<vmem>>
      %dma_start3A_610 = arith.constant 0 : i32
      %dma_start3A_611 = tpu.memref_slice %arg8[%multiple_of3A_598, %dma_start3A_610] : memref<1000x32xf32, #tpu.memory_space<hbm>> -> memref<8x32xf32, #tpu.memory_space<hbm>>
      tpu.enqueue_dma source(%dma_start3A_611 : memref<8x32xf32, #tpu.memory_space<hbm>>) target(%dma_start3A_609 : memref<8x32xf32, #tpu.memory_space<vmem>>) target_semaphore(%arg18 : memref<!tpu.dma_semaphore, #tpu.memory_space<semaphore_mem>>)
      %slice3A_612 = vector.extract_strided_slice %mul3A_413 {offsets = [6], sizes = [1], strides = [1]} : vector<16xi32> to vector<1xi32>
      %squeeze3A_613 = vector.extract %slice3A_612[0] : i32 from vector<1xi32>
      %multiple_of3A_614 = tpu.assume_multiple %squeeze3A_613, 8 : i32
      %dma_start3A_615 = arith.constant 6 : i32
      %dma_start3A_616 = arith.constant 0 : i32
      %dma_start3A_617 = arith.constant 0 : i32
      %dma_start3A_618 = tpu.memref_slice %arg14[%dma_start3A_615, %dma_start3A_616, %dma_start3A_617] : memref<16x8x32xf32, #tpu.memory_space<vmem>> -> memref<1x8x32xf32, #tpu.memory_space<vmem>>
      %dma_start3A_619 = tpu.memref_squeeze %dma_start3A_618 : memref<1x8x32xf32, #tpu.memory_space<vmem>> -> memref<8x32xf32, #tpu.memory_space<vmem>>
      %dma_start3A_620 = arith.constant 0 : i32
      %dma_start3A_621 = tpu.memref_slice %arg7[%multiple_of3A_614, %dma_start3A_620] : memref<100000x32xf32, #tpu.memory_space<hbm>> -> memref<8x32xf32, #tpu.memory_space<hbm>>
      %dma_start3A_622 = arith.constant 0 : i32
      %dma_start3A_623 = arith.constant 0 : i32
      %dma_start3A_624 = tpu.memref_slice %arg14[%dma_start3A_615, %dma_start3A_622, %dma_start3A_623] : memref<16x8x32xf32, #tpu.memory_space<vmem>> -> memref<1x8x32xf32, #tpu.memory_space<vmem>>
      %dma_start3A_625 = tpu.memref_squeeze %dma_start3A_624 : memref<1x8x32xf32, #tpu.memory_space<vmem>> -> memref<8x32xf32, #tpu.memory_space<vmem>>
      %dma_start3A_626 = arith.constant 0 : i32
      %dma_start3A_627 = tpu.memref_slice %arg7[%multiple_of3A_614, %dma_start3A_626] : memref<100000x32xf32, #tpu.memory_space<hbm>> -> memref<8x32xf32, #tpu.memory_space<hbm>>
      tpu.enqueue_dma source(%dma_start3A_627 : memref<8x32xf32, #tpu.memory_space<hbm>>) target(%dma_start3A_625 : memref<8x32xf32, #tpu.memory_space<vmem>>) target_semaphore(%arg18 : memref<!tpu.dma_semaphore, #tpu.memory_space<semaphore_mem>>)
      %slice3A_628 = vector.extract_strided_slice %mul3A_419 {offsets = [6], sizes = [1], strides = [1]} : vector<16xi32> to vector<1xi32>
      %squeeze3A_629 = vector.extract %slice3A_628[0] : i32 from vector<1xi32>
      %multiple_of3A_630 = tpu.assume_multiple %squeeze3A_629, 8 : i32
      %dma_start3A_631 = arith.constant 6 : i32
      %dma_start3A_632 = arith.constant 0 : i32
      %dma_start3A_633 = arith.constant 0 : i32
      %dma_start3A_634 = tpu.memref_slice %arg15[%dma_start3A_631, %dma_start3A_632, %dma_start3A_633] : memref<16x8x32xf32, #tpu.memory_space<vmem>> -> memref<1x8x32xf32, #tpu.memory_space<vmem>>
      %dma_start3A_635 = tpu.memref_squeeze %dma_start3A_634 : memref<1x8x32xf32, #tpu.memory_space<vmem>> -> memref<8x32xf32, #tpu.memory_space<vmem>>
      %dma_start3A_636 = arith.constant 0 : i32
      %dma_start3A_637 = tpu.memref_slice %arg8[%multiple_of3A_630, %dma_start3A_636] : memref<1000x32xf32, #tpu.memory_space<hbm>> -> memref<8x32xf32, #tpu.memory_space<hbm>>
      %dma_start3A_638 = arith.constant 0 : i32
      %dma_start3A_639 = arith.constant 0 : i32
      %dma_start3A_640 = tpu.memref_slice %arg15[%dma_start3A_631, %dma_start3A_638, %dma_start3A_639] : memref<16x8x32xf32, #tpu.memory_space<vmem>> -> memref<1x8x32xf32, #tpu.memory_space<vmem>>
      %dma_start3A_641 = tpu.memref_squeeze %dma_start3A_640 : memref<1x8x32xf32, #tpu.memory_space<vmem>> -> memref<8x32xf32, #tpu.memory_space<vmem>>
      %dma_start3A_642 = arith.constant 0 : i32
      %dma_start3A_643 = tpu.memref_slice %arg8[%multiple_of3A_630, %dma_start3A_642] : memref<1000x32xf32, #tpu.memory_space<hbm>> -> memref<8x32xf32, #tpu.memory_space<hbm>>
      tpu.enqueue_dma source(%dma_start3A_643 : memref<8x32xf32, #tpu.memory_space<hbm>>) target(%dma_start3A_641 : memref<8x32xf32, #tpu.memory_space<vmem>>) target_semaphore(%arg18 : memref<!tpu.dma_semaphore, #tpu.memory_space<semaphore_mem>>)
      %slice3A_644 = vector.extract_strided_slice %mul3A_413 {offsets = [7], sizes = [1], strides = [1]} : vector<16xi32> to vector<1xi32>
      %squeeze3A_645 = vector.extract %slice3A_644[0] : i32 from vector<1xi32>
      %multiple_of3A_646 = tpu.assume_multiple %squeeze3A_645, 8 : i32
      %dma_start3A_647 = arith.constant 7 : i32
      %dma_start3A_648 = arith.constant 0 : i32
      %dma_start3A_649 = arith.constant 0 : i32
      %dma_start3A_650 = tpu.memref_slice %arg14[%dma_start3A_647, %dma_start3A_648, %dma_start3A_649] : memref<16x8x32xf32, #tpu.memory_space<vmem>> -> memref<1x8x32xf32, #tpu.memory_space<vmem>>
      %dma_start3A_651 = tpu.memref_squeeze %dma_start3A_650 : memref<1x8x32xf32, #tpu.memory_space<vmem>> -> memref<8x32xf32, #tpu.memory_space<vmem>>
      %dma_start3A_652 = arith.constant 0 : i32
      %dma_start3A_653 = tpu.memref_slice %arg7[%multiple_of3A_646, %dma_start3A_652] : memref<100000x32xf32, #tpu.memory_space<hbm>> -> memref<8x32xf32, #tpu.memory_space<hbm>>
      %dma_start3A_654 = arith.constant 0 : i32
      %dma_start3A_655 = arith.constant 0 : i32
      %dma_start3A_656 = tpu.memref_slice %arg14[%dma_start3A_647, %dma_start3A_654, %dma_start3A_655] : memref<16x8x32xf32, #tpu.memory_space<vmem>> -> memref<1x8x32xf32, #tpu.memory_space<vmem>>
      %dma_start3A_657 = tpu.memref_squeeze %dma_start3A_656 : memref<1x8x32xf32, #tpu.memory_space<vmem>> -> memref<8x32xf32, #tpu.memory_space<vmem>>
      %dma_start3A_658 = arith.constant 0 : i32
      %dma_start3A_659 = tpu.memref_slice %arg7[%multiple_of3A_646, %dma_start3A_658] : memref<100000x32xf32, #tpu.memory_space<hbm>> -> memref<8x32xf32, #tpu.memory_space<hbm>>
      tpu.enqueue_dma source(%dma_start3A_659 : memref<8x32xf32, #tpu.memory_space<hbm>>) target(%dma_start3A_657 : memref<8x32xf32, #tpu.memory_space<vmem>>) target_semaphore(%arg18 : memref<!tpu.dma_semaphore, #tpu.memory_space<semaphore_mem>>)
      %slice3A_660 = vector.extract_strided_slice %mul3A_419 {offsets = [7], sizes = [1], strides = [1]} : vector<16xi32> to vector<1xi32>
      %squeeze3A_661 = vector.extract %slice3A_660[0] : i32 from vector<1xi32>
      %multiple_of3A_662 = tpu.assume_multiple %squeeze3A_661, 8 : i32
      %dma_start3A_663 = arith.constant 7 : i32
      %dma_start3A_664 = arith.constant 0 : i32
      %dma_start3A_665 = arith.constant 0 : i32
      %dma_start3A_666 = tpu.memref_slice %arg15[%dma_start3A_663, %dma_start3A_664, %dma_start3A_665] : memref<16x8x32xf32, #tpu.memory_space<vmem>> -> memref<1x8x32xf32, #tpu.memory_space<vmem>>
      %dma_start3A_667 = tpu.memref_squeeze %dma_start3A_666 : memref<1x8x32xf32, #tpu.memory_space<vmem>> -> memref<8x32xf32, #tpu.memory_space<vmem>>
      %dma_start3A_668 = arith.constant 0 : i32
      %dma_start3A_669 = tpu.memref_slice %arg8[%multiple_of3A_662, %dma_start3A_668] : memref<1000x32xf32, #tpu.memory_space<hbm>> -> memref<8x32xf32, #tpu.memory_space<hbm>>
      %dma_start3A_670 = arith.constant 0 : i32
      %dma_start3A_671 = arith.constant 0 : i32
      %dma_start3A_672 = tpu.memref_slice %arg15[%dma_start3A_663, %dma_start3A_670, %dma_start3A_671] : memref<16x8x32xf32, #tpu.memory_space<vmem>> -> memref<1x8x32xf32, #tpu.memory_space<vmem>>
      %dma_start3A_673 = tpu.memref_squeeze %dma_start3A_672 : memref<1x8x32xf32, #tpu.memory_space<vmem>> -> memref<8x32xf32, #tpu.memory_space<vmem>>
      %dma_start3A_674 = arith.constant 0 : i32
      %dma_start3A_675 = tpu.memref_slice %arg8[%multiple_of3A_662, %dma_start3A_674] : memref<1000x32xf32, #tpu.memory_space<hbm>> -> memref<8x32xf32, #tpu.memory_space<hbm>>
      tpu.enqueue_dma source(%dma_start3A_675 : memref<8x32xf32, #tpu.memory_space<hbm>>) target(%dma_start3A_673 : memref<8x32xf32, #tpu.memory_space<vmem>>) target_semaphore(%arg18 : memref<!tpu.dma_semaphore, #tpu.memory_space<semaphore_mem>>)
      %slice3A_676 = vector.extract_strided_slice %mul3A_413 {offsets = [8], sizes = [1], strides = [1]} : vector<16xi32> to vector<1xi32>
      %squeeze3A_677 = vector.extract %slice3A_676[0] : i32 from vector<1xi32>
      %multiple_of3A_678 = tpu.assume_multiple %squeeze3A_677, 8 : i32
      %dma_start3A_679 = arith.constant 8 : i32
      %dma_start3A_680 = arith.constant 0 : i32
      %dma_start3A_681 = arith.constant 0 : i32
      %dma_start3A_682 = tpu.memref_slice %arg14[%dma_start3A_679, %dma_start3A_680, %dma_start3A_681] : memref<16x8x32xf32, #tpu.memory_space<vmem>> -> memref<1x8x32xf32, #tpu.memory_space<vmem>>
      %dma_start3A_683 = tpu.memref_squeeze %dma_start3A_682 : memref<1x8x32xf32, #tpu.memory_space<vmem>> -> memref<8x32xf32, #tpu.memory_space<vmem>>
      %dma_start3A_684 = arith.constant 0 : i32
      %dma_start3A_685 = tpu.memref_slice %arg7[%multiple_of3A_678, %dma_start3A_684] : memref<100000x32xf32, #tpu.memory_space<hbm>> -> memref<8x32xf32, #tpu.memory_space<hbm>>
      %dma_start3A_686 = arith.constant 0 : i32
      %dma_start3A_687 = arith.constant 0 : i32
      %dma_start3A_688 = tpu.memref_slice %arg14[%dma_start3A_679, %dma_start3A_686, %dma_start3A_687] : memref<16x8x32xf32, #tpu.memory_space<vmem>> -> memref<1x8x32xf32, #tpu.memory_space<vmem>>
      %dma_start3A_689 = tpu.memref_squeeze %dma_start3A_688 : memref<1x8x32xf32, #tpu.memory_space<vmem>> -> memref<8x32xf32, #tpu.memory_space<vmem>>
      %dma_start3A_690 = arith.constant 0 : i32
      %dma_start3A_691 = tpu.memref_slice %arg7[%multiple_of3A_678, %dma_start3A_690] : memref<100000x32xf32, #tpu.memory_space<hbm>> -> memref<8x32xf32, #tpu.memory_space<hbm>>
      tpu.enqueue_dma source(%dma_start3A_691 : memref<8x32xf32, #tpu.memory_space<hbm>>) target(%dma_start3A_689 : memref<8x32xf32, #tpu.memory_space<vmem>>) target_semaphore(%arg18 : memref<!tpu.dma_semaphore, #tpu.memory_space<semaphore_mem>>)
      %slice3A_692 = vector.extract_strided_slice %mul3A_419 {offsets = [8], sizes = [1], strides = [1]} : vector<16xi32> to vector<1xi32>
      %squeeze3A_693 = vector.extract %slice3A_692[0] : i32 from vector<1xi32>
      %multiple_of3A_694 = tpu.assume_multiple %squeeze3A_693, 8 : i32
      %dma_start3A_695 = arith.constant 8 : i32
      %dma_start3A_696 = arith.constant 0 : i32
      %dma_start3A_697 = arith.constant 0 : i32
      %dma_start3A_698 = tpu.memref_slice %arg15[%dma_start3A_695, %dma_start3A_696, %dma_start3A_697] : memref<16x8x32xf32, #tpu.memory_space<vmem>> -> memref<1x8x32xf32, #tpu.memory_space<vmem>>
      %dma_start3A_699 = tpu.memref_squeeze %dma_start3A_698 : memref<1x8x32xf32, #tpu.memory_space<vmem>> -> memref<8x32xf32, #tpu.memory_space<vmem>>
      %dma_start3A_700 = arith.constant 0 : i32
      %dma_start3A_701 = tpu.memref_slice %arg8[%multiple_of3A_694, %dma_start3A_700] : memref<1000x32xf32, #tpu.memory_space<hbm>> -> memref<8x32xf32, #tpu.memory_space<hbm>>
      %dma_start3A_702 = arith.constant 0 : i32
      %dma_start3A_703 = arith.constant 0 : i32
      %dma_start3A_704 = tpu.memref_slice %arg15[%dma_start3A_695, %dma_start3A_702, %dma_start3A_703] : memref<16x8x32xf32, #tpu.memory_space<vmem>> -> memref<1x8x32xf32, #tpu.memory_space<vmem>>
      %dma_start3A_705 = tpu.memref_squeeze %dma_start3A_704 : memref<1x8x32xf32, #tpu.memory_space<vmem>> -> memref<8x32xf32, #tpu.memory_space<vmem>>
      %dma_start3A_706 = arith.constant 0 : i32
      %dma_start3A_707 = tpu.memref_slice %arg8[%multiple_of3A_694, %dma_start3A_706] : memref<1000x32xf32, #tpu.memory_space<hbm>> -> memref<8x32xf32, #tpu.memory_space<hbm>>
      tpu.enqueue_dma source(%dma_start3A_707 : memref<8x32xf32, #tpu.memory_space<hbm>>) target(%dma_start3A_705 : memref<8x32xf32, #tpu.memory_space<vmem>>) target_semaphore(%arg18 : memref<!tpu.dma_semaphore, #tpu.memory_space<semaphore_mem>>)
      %slice3A_708 = vector.extract_strided_slice %mul3A_413 {offsets = [9], sizes = [1], strides = [1]} : vector<16xi32> to vector<1xi32>
      %squeeze3A_709 = vector.extract %slice3A_708[0] : i32 from vector<1xi32>
      %multiple_of3A_710 = tpu.assume_multiple %squeeze3A_709, 8 : i32
      %dma_start3A_711 = arith.constant 9 : i32
      %dma_start3A_712 = arith.constant 0 : i32
      %dma_start3A_713 = arith.constant 0 : i32
      %dma_start3A_714 = tpu.memref_slice %arg14[%dma_start3A_711, %dma_start3A_712, %dma_start3A_713] : memref<16x8x32xf32, #tpu.memory_space<vmem>> -> memref<1x8x32xf32, #tpu.memory_space<vmem>>
      %dma_start3A_715 = tpu.memref_squeeze %dma_start3A_714 : memref<1x8x32xf32, #tpu.memory_space<vmem>> -> memref<8x32xf32, #tpu.memory_space<vmem>>
      %dma_start3A_716 = arith.constant 0 : i32
      %dma_start3A_717 = tpu.memref_slice %arg7[%multiple_of3A_710, %dma_start3A_716] : memref<100000x32xf32, #tpu.memory_space<hbm>> -> memref<8x32xf32, #tpu.memory_space<hbm>>
      %dma_start3A_718 = arith.constant 0 : i32
      %dma_start3A_719 = arith.constant 0 : i32
      %dma_start3A_720 = tpu.memref_slice %arg14[%dma_start3A_711, %dma_start3A_718, %dma_start3A_719] : memref<16x8x32xf32, #tpu.memory_space<vmem>> -> memref<1x8x32xf32, #tpu.memory_space<vmem>>
      %dma_start3A_721 = tpu.memref_squeeze %dma_start3A_720 : memref<1x8x32xf32, #tpu.memory_space<vmem>> -> memref<8x32xf32, #tpu.memory_space<vmem>>
      %dma_start3A_722 = arith.constant 0 : i32
      %dma_start3A_723 = tpu.memref_slice %arg7[%multiple_of3A_710, %dma_start3A_722] : memref<100000x32xf32, #tpu.memory_space<hbm>> -> memref<8x32xf32, #tpu.memory_space<hbm>>
      tpu.enqueue_dma source(%dma_start3A_723 : memref<8x32xf32, #tpu.memory_space<hbm>>) target(%dma_start3A_721 : memref<8x32xf32, #tpu.memory_space<vmem>>) target_semaphore(%arg18 : memref<!tpu.dma_semaphore, #tpu.memory_space<semaphore_mem>>)
      %slice3A_724 = vector.extract_strided_slice %mul3A_419 {offsets = [9], sizes = [1], strides = [1]} : vector<16xi32> to vector<1xi32>
      %squeeze3A_725 = vector.extract %slice3A_724[0] : i32 from vector<1xi32>
      %multiple_of3A_726 = tpu.assume_multiple %squeeze3A_725, 8 : i32
      %dma_start3A_727 = arith.constant 9 : i32
      %dma_start3A_728 = arith.constant 0 : i32
      %dma_start3A_729 = arith.constant 0 : i32
      %dma_start3A_730 = tpu.memref_slice %arg15[%dma_start3A_727, %dma_start3A_728, %dma_start3A_729] : memref<16x8x32xf32, #tpu.memory_space<vmem>> -> memref<1x8x32xf32, #tpu.memory_space<vmem>>
      %dma_start3A_731 = tpu.memref_squeeze %dma_start3A_730 : memref<1x8x32xf32, #tpu.memory_space<vmem>> -> memref<8x32xf32, #tpu.memory_space<vmem>>
      %dma_start3A_732 = arith.constant 0 : i32
      %dma_start3A_733 = tpu.memref_slice %arg8[%multiple_of3A_726, %dma_start3A_732] : memref<1000x32xf32, #tpu.memory_space<hbm>> -> memref<8x32xf32, #tpu.memory_space<hbm>>
      %dma_start3A_734 = arith.constant 0 : i32
      %dma_start3A_735 = arith.constant 0 : i32
      %dma_start3A_736 = tpu.memref_slice %arg15[%dma_start3A_727, %dma_start3A_734, %dma_start3A_735] : memref<16x8x32xf32, #tpu.memory_space<vmem>> -> memref<1x8x32xf32, #tpu.memory_space<vmem>>
      %dma_start3A_737 = tpu.memref_squeeze %dma_start3A_736 : memref<1x8x32xf32, #tpu.memory_space<vmem>> -> memref<8x32xf32, #tpu.memory_space<vmem>>
      %dma_start3A_738 = arith.constant 0 : i32
      %dma_start3A_739 = tpu.memref_slice %arg8[%multiple_of3A_726, %dma_start3A_738] : memref<1000x32xf32, #tpu.memory_space<hbm>> -> memref<8x32xf32, #tpu.memory_space<hbm>>
      tpu.enqueue_dma source(%dma_start3A_739 : memref<8x32xf32, #tpu.memory_space<hbm>>) target(%dma_start3A_737 : memref<8x32xf32, #tpu.memory_space<vmem>>) target_semaphore(%arg18 : memref<!tpu.dma_semaphore, #tpu.memory_space<semaphore_mem>>)
      %slice3A_740 = vector.extract_strided_slice %mul3A_413 {offsets = [10], sizes = [1], strides = [1]} : vector<16xi32> to vector<1xi32>
      %squeeze3A_741 = vector.extract %slice3A_740[0] : i32 from vector<1xi32>
      %multiple_of3A_742 = tpu.assume_multiple %squeeze3A_741, 8 : i32
      %dma_start3A_743 = arith.constant 10 : i32
      %dma_start3A_744 = arith.constant 0 : i32
      %dma_start3A_745 = arith.constant 0 : i32
      %dma_start3A_746 = tpu.memref_slice %arg14[%dma_start3A_743, %dma_start3A_744, %dma_start3A_745] : memref<16x8x32xf32, #tpu.memory_space<vmem>> -> memref<1x8x32xf32, #tpu.memory_space<vmem>>
      %dma_start3A_747 = tpu.memref_squeeze %dma_start3A_746 : memref<1x8x32xf32, #tpu.memory_space<vmem>> -> memref<8x32xf32, #tpu.memory_space<vmem>>
      %dma_start3A_748 = arith.constant 0 : i32
      %dma_start3A_749 = tpu.memref_slice %arg7[%multiple_of3A_742, %dma_start3A_748] : memref<100000x32xf32, #tpu.memory_space<hbm>> -> memref<8x32xf32, #tpu.memory_space<hbm>>
      %dma_start3A_750 = arith.constant 0 : i32
      %dma_start3A_751 = arith.constant 0 : i32
      %dma_start3A_752 = tpu.memref_slice %arg14[%dma_start3A_743, %dma_start3A_750, %dma_start3A_751] : memref<16x8x32xf32, #tpu.memory_space<vmem>> -> memref<1x8x32xf32, #tpu.memory_space<vmem>>
      %dma_start3A_753 = tpu.memref_squeeze %dma_start3A_752 : memref<1x8x32xf32, #tpu.memory_space<vmem>> -> memref<8x32xf32, #tpu.memory_space<vmem>>
      %dma_start3A_754 = arith.constant 0 : i32
      %dma_start3A_755 = tpu.memref_slice %arg7[%multiple_of3A_742, %dma_start3A_754] : memref<100000x32xf32, #tpu.memory_space<hbm>> -> memref<8x32xf32, #tpu.memory_space<hbm>>
      tpu.enqueue_dma source(%dma_start3A_755 : memref<8x32xf32, #tpu.memory_space<hbm>>) target(%dma_start3A_753 : memref<8x32xf32, #tpu.memory_space<vmem>>) target_semaphore(%arg18 : memref<!tpu.dma_semaphore, #tpu.memory_space<semaphore_mem>>)
      %slice3A_756 = vector.extract_strided_slice %mul3A_419 {offsets = [10], sizes = [1], strides = [1]} : vector<16xi32> to vector<1xi32>
      %squeeze3A_757 = vector.extract %slice3A_756[0] : i32 from vector<1xi32>
      %multiple_of3A_758 = tpu.assume_multiple %squeeze3A_757, 8 : i32
      %dma_start3A_759 = arith.constant 10 : i32
      %dma_start3A_760 = arith.constant 0 : i32
      %dma_start3A_761 = arith.constant 0 : i32
      %dma_start3A_762 = tpu.memref_slice %arg15[%dma_start3A_759, %dma_start3A_760, %dma_start3A_761] : memref<16x8x32xf32, #tpu.memory_space<vmem>> -> memref<1x8x32xf32, #tpu.memory_space<vmem>>
      %dma_start3A_763 = tpu.memref_squeeze %dma_start3A_762 : memref<1x8x32xf32, #tpu.memory_space<vmem>> -> memref<8x32xf32, #tpu.memory_space<vmem>>
      %dma_start3A_764 = arith.constant 0 : i32
      %dma_start3A_765 = tpu.memref_slice %arg8[%multiple_of3A_758, %dma_start3A_764] : memref<1000x32xf32, #tpu.memory_space<hbm>> -> memref<8x32xf32, #tpu.memory_space<hbm>>
      %dma_start3A_766 = arith.constant 0 : i32
      %dma_start3A_767 = arith.constant 0 : i32
      %dma_start3A_768 = tpu.memref_slice %arg15[%dma_start3A_759, %dma_start3A_766, %dma_start3A_767] : memref<16x8x32xf32, #tpu.memory_space<vmem>> -> memref<1x8x32xf32, #tpu.memory_space<vmem>>
      %dma_start3A_769 = tpu.memref_squeeze %dma_start3A_768 : memref<1x8x32xf32, #tpu.memory_space<vmem>> -> memref<8x32xf32, #tpu.memory_space<vmem>>
      %dma_start3A_770 = arith.constant 0 : i32
      %dma_start3A_771 = tpu.memref_slice %arg8[%multiple_of3A_758, %dma_start3A_770] : memref<1000x32xf32, #tpu.memory_space<hbm>> -> memref<8x32xf32, #tpu.memory_space<hbm>>
      tpu.enqueue_dma source(%dma_start3A_771 : memref<8x32xf32, #tpu.memory_space<hbm>>) target(%dma_start3A_769 : memref<8x32xf32, #tpu.memory_space<vmem>>) target_semaphore(%arg18 : memref<!tpu.dma_semaphore, #tpu.memory_space<semaphore_mem>>)
      %slice3A_772 = vector.extract_strided_slice %mul3A_413 {offsets = [11], sizes = [1], strides = [1]} : vector<16xi32> to vector<1xi32>
      %squeeze3A_773 = vector.extract %slice3A_772[0] : i32 from vector<1xi32>
      %multiple_of3A_774 = tpu.assume_multiple %squeeze3A_773, 8 : i32
      %dma_start3A_775 = arith.constant 11 : i32
      %dma_start3A_776 = arith.constant 0 : i32
      %dma_start3A_777 = arith.constant 0 : i32
      %dma_start3A_778 = tpu.memref_slice %arg14[%dma_start3A_775, %dma_start3A_776, %dma_start3A_777] : memref<16x8x32xf32, #tpu.memory_space<vmem>> -> memref<1x8x32xf32, #tpu.memory_space<vmem>>
      %dma_start3A_779 = tpu.memref_squeeze %dma_start3A_778 : memref<1x8x32xf32, #tpu.memory_space<vmem>> -> memref<8x32xf32, #tpu.memory_space<vmem>>
      %dma_start3A_780 = arith.constant 0 : i32
      %dma_start3A_781 = tpu.memref_slice %arg7[%multiple_of3A_774, %dma_start3A_780] : memref<100000x32xf32, #tpu.memory_space<hbm>> -> memref<8x32xf32, #tpu.memory_space<hbm>>
      %dma_start3A_782 = arith.constant 0 : i32
      %dma_start3A_783 = arith.constant 0 : i32
      %dma_start3A_784 = tpu.memref_slice %arg14[%dma_start3A_775, %dma_start3A_782, %dma_start3A_783] : memref<16x8x32xf32, #tpu.memory_space<vmem>> -> memref<1x8x32xf32, #tpu.memory_space<vmem>>
      %dma_start3A_785 = tpu.memref_squeeze %dma_start3A_784 : memref<1x8x32xf32, #tpu.memory_space<vmem>> -> memref<8x32xf32, #tpu.memory_space<vmem>>
      %dma_start3A_786 = arith.constant 0 : i32
      %dma_start3A_787 = tpu.memref_slice %arg7[%multiple_of3A_774, %dma_start3A_786] : memref<100000x32xf32, #tpu.memory_space<hbm>> -> memref<8x32xf32, #tpu.memory_space<hbm>>
      tpu.enqueue_dma source(%dma_start3A_787 : memref<8x32xf32, #tpu.memory_space<hbm>>) target(%dma_start3A_785 : memref<8x32xf32, #tpu.memory_space<vmem>>) target_semaphore(%arg18 : memref<!tpu.dma_semaphore, #tpu.memory_space<semaphore_mem>>)
      %slice3A_788 = vector.extract_strided_slice %mul3A_419 {offsets = [11], sizes = [1], strides = [1]} : vector<16xi32> to vector<1xi32>
      %squeeze3A_789 = vector.extract %slice3A_788[0] : i32 from vector<1xi32>
      %multiple_of3A_790 = tpu.assume_multiple %squeeze3A_789, 8 : i32
      %dma_start3A_791 = arith.constant 11 : i32
      %dma_start3A_792 = arith.constant 0 : i32
      %dma_start3A_793 = arith.constant 0 : i32
      %dma_start3A_794 = tpu.memref_slice %arg15[%dma_start3A_791, %dma_start3A_792, %dma_start3A_793] : memref<16x8x32xf32, #tpu.memory_space<vmem>> -> memref<1x8x32xf32, #tpu.memory_space<vmem>>
      %dma_start3A_795 = tpu.memref_squeeze %dma_start3A_794 : memref<1x8x32xf32, #tpu.memory_space<vmem>> -> memref<8x32xf32, #tpu.memory_space<vmem>>
      %dma_start3A_796 = arith.constant 0 : i32
      %dma_start3A_797 = tpu.memref_slice %arg8[%multiple_of3A_790, %dma_start3A_796] : memref<1000x32xf32, #tpu.memory_space<hbm>> -> memref<8x32xf32, #tpu.memory_space<hbm>>
      %dma_start3A_798 = arith.constant 0 : i32
      %dma_start3A_799 = arith.constant 0 : i32
      %dma_start3A_800 = tpu.memref_slice %arg15[%dma_start3A_791, %dma_start3A_798, %dma_start3A_799] : memref<16x8x32xf32, #tpu.memory_space<vmem>> -> memref<1x8x32xf32, #tpu.memory_space<vmem>>
      %dma_start3A_801 = tpu.memref_squeeze %dma_start3A_800 : memref<1x8x32xf32, #tpu.memory_space<vmem>> -> memref<8x32xf32, #tpu.memory_space<vmem>>
      %dma_start3A_802 = arith.constant 0 : i32
      %dma_start3A_803 = tpu.memref_slice %arg8[%multiple_of3A_790, %dma_start3A_802] : memref<1000x32xf32, #tpu.memory_space<hbm>> -> memref<8x32xf32, #tpu.memory_space<hbm>>
      tpu.enqueue_dma source(%dma_start3A_803 : memref<8x32xf32, #tpu.memory_space<hbm>>) target(%dma_start3A_801 : memref<8x32xf32, #tpu.memory_space<vmem>>) target_semaphore(%arg18 : memref<!tpu.dma_semaphore, #tpu.memory_space<semaphore_mem>>)
      %slice3A_804 = vector.extract_strided_slice %mul3A_413 {offsets = [12], sizes = [1], strides = [1]} : vector<16xi32> to vector<1xi32>
      %squeeze3A_805 = vector.extract %slice3A_804[0] : i32 from vector<1xi32>
      %multiple_of3A_806 = tpu.assume_multiple %squeeze3A_805, 8 : i32
      %dma_start3A_807 = arith.constant 12 : i32
      %dma_start3A_808 = arith.constant 0 : i32
      %dma_start3A_809 = arith.constant 0 : i32
      %dma_start3A_810 = tpu.memref_slice %arg14[%dma_start3A_807, %dma_start3A_808, %dma_start3A_809] : memref<16x8x32xf32, #tpu.memory_space<vmem>> -> memref<1x8x32xf32, #tpu.memory_space<vmem>>
      %dma_start3A_811 = tpu.memref_squeeze %dma_start3A_810 : memref<1x8x32xf32, #tpu.memory_space<vmem>> -> memref<8x32xf32, #tpu.memory_space<vmem>>
      %dma_start3A_812 = arith.constant 0 : i32
      %dma_start3A_813 = tpu.memref_slice %arg7[%multiple_of3A_806, %dma_start3A_812] : memref<100000x32xf32, #tpu.memory_space<hbm>> -> memref<8x32xf32, #tpu.memory_space<hbm>>
      %dma_start3A_814 = arith.constant 0 : i32
      %dma_start3A_815 = arith.constant 0 : i32
      %dma_start3A_816 = tpu.memref_slice %arg14[%dma_start3A_807, %dma_start3A_814, %dma_start3A_815] : memref<16x8x32xf32, #tpu.memory_space<vmem>> -> memref<1x8x32xf32, #tpu.memory_space<vmem>>
      %dma_start3A_817 = tpu.memref_squeeze %dma_start3A_816 : memref<1x8x32xf32, #tpu.memory_space<vmem>> -> memref<8x32xf32, #tpu.memory_space<vmem>>
      %dma_start3A_818 = arith.constant 0 : i32
      %dma_start3A_819 = tpu.memref_slice %arg7[%multiple_of3A_806, %dma_start3A_818] : memref<100000x32xf32, #tpu.memory_space<hbm>> -> memref<8x32xf32, #tpu.memory_space<hbm>>
      tpu.enqueue_dma source(%dma_start3A_819 : memref<8x32xf32, #tpu.memory_space<hbm>>) target(%dma_start3A_817 : memref<8x32xf32, #tpu.memory_space<vmem>>) target_semaphore(%arg18 : memref<!tpu.dma_semaphore, #tpu.memory_space<semaphore_mem>>)
      %slice3A_820 = vector.extract_strided_slice %mul3A_419 {offsets = [12], sizes = [1], strides = [1]} : vector<16xi32> to vector<1xi32>
      %squeeze3A_821 = vector.extract %slice3A_820[0] : i32 from vector<1xi32>
      %multiple_of3A_822 = tpu.assume_multiple %squeeze3A_821, 8 : i32
      %dma_start3A_823 = arith.constant 12 : i32
      %dma_start3A_824 = arith.constant 0 : i32
      %dma_start3A_825 = arith.constant 0 : i32
      %dma_start3A_826 = tpu.memref_slice %arg15[%dma_start3A_823, %dma_start3A_824, %dma_start3A_825] : memref<16x8x32xf32, #tpu.memory_space<vmem>> -> memref<1x8x32xf32, #tpu.memory_space<vmem>>
      %dma_start3A_827 = tpu.memref_squeeze %dma_start3A_826 : memref<1x8x32xf32, #tpu.memory_space<vmem>> -> memref<8x32xf32, #tpu.memory_space<vmem>>
      %dma_start3A_828 = arith.constant 0 : i32
      %dma_start3A_829 = tpu.memref_slice %arg8[%multiple_of3A_822, %dma_start3A_828] : memref<1000x32xf32, #tpu.memory_space<hbm>> -> memref<8x32xf32, #tpu.memory_space<hbm>>
      %dma_start3A_830 = arith.constant 0 : i32
      %dma_start3A_831 = arith.constant 0 : i32
      %dma_start3A_832 = tpu.memref_slice %arg15[%dma_start3A_823, %dma_start3A_830, %dma_start3A_831] : memref<16x8x32xf32, #tpu.memory_space<vmem>> -> memref<1x8x32xf32, #tpu.memory_space<vmem>>
      %dma_start3A_833 = tpu.memref_squeeze %dma_start3A_832 : memref<1x8x32xf32, #tpu.memory_space<vmem>> -> memref<8x32xf32, #tpu.memory_space<vmem>>
      %dma_start3A_834 = arith.constant 0 : i32
      %dma_start3A_835 = tpu.memref_slice %arg8[%multiple_of3A_822, %dma_start3A_834] : memref<1000x32xf32, #tpu.memory_space<hbm>> -> memref<8x32xf32, #tpu.memory_space<hbm>>
      tpu.enqueue_dma source(%dma_start3A_835 : memref<8x32xf32, #tpu.memory_space<hbm>>) target(%dma_start3A_833 : memref<8x32xf32, #tpu.memory_space<vmem>>) target_semaphore(%arg18 : memref<!tpu.dma_semaphore, #tpu.memory_space<semaphore_mem>>)
      %slice3A_836 = vector.extract_strided_slice %mul3A_413 {offsets = [13], sizes = [1], strides = [1]} : vector<16xi32> to vector<1xi32>
      %squeeze3A_837 = vector.extract %slice3A_836[0] : i32 from vector<1xi32>
      %multiple_of3A_838 = tpu.assume_multiple %squeeze3A_837, 8 : i32
      %dma_start3A_839 = arith.constant 13 : i32
      %dma_start3A_840 = arith.constant 0 : i32
      %dma_start3A_841 = arith.constant 0 : i32
      %dma_start3A_842 = tpu.memref_slice %arg14[%dma_start3A_839, %dma_start3A_840, %dma_start3A_841] : memref<16x8x32xf32, #tpu.memory_space<vmem>> -> memref<1x8x32xf32, #tpu.memory_space<vmem>>
      %dma_start3A_843 = tpu.memref_squeeze %dma_start3A_842 : memref<1x8x32xf32, #tpu.memory_space<vmem>> -> memref<8x32xf32, #tpu.memory_space<vmem>>
      %dma_start3A_844 = arith.constant 0 : i32
      %dma_start3A_845 = tpu.memref_slice %arg7[%multiple_of3A_838, %dma_start3A_844] : memref<100000x32xf32, #tpu.memory_space<hbm>> -> memref<8x32xf32, #tpu.memory_space<hbm>>
      %dma_start3A_846 = arith.constant 0 : i32
      %dma_start3A_847 = arith.constant 0 : i32
      %dma_start3A_848 = tpu.memref_slice %arg14[%dma_start3A_839, %dma_start3A_846, %dma_start3A_847] : memref<16x8x32xf32, #tpu.memory_space<vmem>> -> memref<1x8x32xf32, #tpu.memory_space<vmem>>
      %dma_start3A_849 = tpu.memref_squeeze %dma_start3A_848 : memref<1x8x32xf32, #tpu.memory_space<vmem>> -> memref<8x32xf32, #tpu.memory_space<vmem>>
      %dma_start3A_850 = arith.constant 0 : i32
      %dma_start3A_851 = tpu.memref_slice %arg7[%multiple_of3A_838, %dma_start3A_850] : memref<100000x32xf32, #tpu.memory_space<hbm>> -> memref<8x32xf32, #tpu.memory_space<hbm>>
      tpu.enqueue_dma source(%dma_start3A_851 : memref<8x32xf32, #tpu.memory_space<hbm>>) target(%dma_start3A_849 : memref<8x32xf32, #tpu.memory_space<vmem>>) target_semaphore(%arg18 : memref<!tpu.dma_semaphore, #tpu.memory_space<semaphore_mem>>)
      %slice3A_852 = vector.extract_strided_slice %mul3A_419 {offsets = [13], sizes = [1], strides = [1]} : vector<16xi32> to vector<1xi32>
      %squeeze3A_853 = vector.extract %slice3A_852[0] : i32 from vector<1xi32>
      %multiple_of3A_854 = tpu.assume_multiple %squeeze3A_853, 8 : i32
      %dma_start3A_855 = arith.constant 13 : i32
      %dma_start3A_856 = arith.constant 0 : i32
      %dma_start3A_857 = arith.constant 0 : i32
      %dma_start3A_858 = tpu.memref_slice %arg15[%dma_start3A_855, %dma_start3A_856, %dma_start3A_857] : memref<16x8x32xf32, #tpu.memory_space<vmem>> -> memref<1x8x32xf32, #tpu.memory_space<vmem>>
      %dma_start3A_859 = tpu.memref_squeeze %dma_start3A_858 : memref<1x8x32xf32, #tpu.memory_space<vmem>> -> memref<8x32xf32, #tpu.memory_space<vmem>>
      %dma_start3A_860 = arith.constant 0 : i32
      %dma_start3A_861 = tpu.memref_slice %arg8[%multiple_of3A_854, %dma_start3A_860] : memref<1000x32xf32, #tpu.memory_space<hbm>> -> memref<8x32xf32, #tpu.memory_space<hbm>>
      %dma_start3A_862 = arith.constant 0 : i32
      %dma_start3A_863 = arith.constant 0 : i32
      %dma_start3A_864 = tpu.memref_slice %arg15[%dma_start3A_855, %dma_start3A_862, %dma_start3A_863] : memref<16x8x32xf32, #tpu.memory_space<vmem>> -> memref<1x8x32xf32, #tpu.memory_space<vmem>>
      %dma_start3A_865 = tpu.memref_squeeze %dma_start3A_864 : memref<1x8x32xf32, #tpu.memory_space<vmem>> -> memref<8x32xf32, #tpu.memory_space<vmem>>
      %dma_start3A_866 = arith.constant 0 : i32
      %dma_start3A_867 = tpu.memref_slice %arg8[%multiple_of3A_854, %dma_start3A_866] : memref<1000x32xf32, #tpu.memory_space<hbm>> -> memref<8x32xf32, #tpu.memory_space<hbm>>
      tpu.enqueue_dma source(%dma_start3A_867 : memref<8x32xf32, #tpu.memory_space<hbm>>) target(%dma_start3A_865 : memref<8x32xf32, #tpu.memory_space<vmem>>) target_semaphore(%arg18 : memref<!tpu.dma_semaphore, #tpu.memory_space<semaphore_mem>>)
      %slice3A_868 = vector.extract_strided_slice %mul3A_413 {offsets = [14], sizes = [1], strides = [1]} : vector<16xi32> to vector<1xi32>
      %squeeze3A_869 = vector.extract %slice3A_868[0] : i32 from vector<1xi32>
      %multiple_of3A_870 = tpu.assume_multiple %squeeze3A_869, 8 : i32
      %dma_start3A_871 = arith.constant 14 : i32
      %dma_start3A_872 = arith.constant 0 : i32
      %dma_start3A_873 = arith.constant 0 : i32
      %dma_start3A_874 = tpu.memref_slice %arg14[%dma_start3A_871, %dma_start3A_872, %dma_start3A_873] : memref<16x8x32xf32, #tpu.memory_space<vmem>> -> memref<1x8x32xf32, #tpu.memory_space<vmem>>
      %dma_start3A_875 = tpu.memref_squeeze %dma_start3A_874 : memref<1x8x32xf32, #tpu.memory_space<vmem>> -> memref<8x32xf32, #tpu.memory_space<vmem>>
      %dma_start3A_876 = arith.constant 0 : i32
      %dma_start3A_877 = tpu.memref_slice %arg7[%multiple_of3A_870, %dma_start3A_876] : memref<100000x32xf32, #tpu.memory_space<hbm>> -> memref<8x32xf32, #tpu.memory_space<hbm>>
      %dma_start3A_878 = arith.constant 0 : i32
      %dma_start3A_879 = arith.constant 0 : i32
      %dma_start3A_880 = tpu.memref_slice %arg14[%dma_start3A_871, %dma_start3A_878, %dma_start3A_879] : memref<16x8x32xf32, #tpu.memory_space<vmem>> -> memref<1x8x32xf32, #tpu.memory_space<vmem>>
      %dma_start3A_881 = tpu.memref_squeeze %dma_start3A_880 : memref<1x8x32xf32, #tpu.memory_space<vmem>> -> memref<8x32xf32, #tpu.memory_space<vmem>>
      %dma_start3A_882 = arith.constant 0 : i32
      %dma_start3A_883 = tpu.memref_slice %arg7[%multiple_of3A_870, %dma_start3A_882] : memref<100000x32xf32, #tpu.memory_space<hbm>> -> memref<8x32xf32, #tpu.memory_space<hbm>>
      tpu.enqueue_dma source(%dma_start3A_883 : memref<8x32xf32, #tpu.memory_space<hbm>>) target(%dma_start3A_881 : memref<8x32xf32, #tpu.memory_space<vmem>>) target_semaphore(%arg18 : memref<!tpu.dma_semaphore, #tpu.memory_space<semaphore_mem>>)
      %slice3A_884 = vector.extract_strided_slice %mul3A_419 {offsets = [14], sizes = [1], strides = [1]} : vector<16xi32> to vector<1xi32>
      %squeeze3A_885 = vector.extract %slice3A_884[0] : i32 from vector<1xi32>
      %multiple_of3A_886 = tpu.assume_multiple %squeeze3A_885, 8 : i32
      %dma_start3A_887 = arith.constant 14 : i32
      %dma_start3A_888 = arith.constant 0 : i32
      %dma_start3A_889 = arith.constant 0 : i32
      %dma_start3A_890 = tpu.memref_slice %arg15[%dma_start3A_887, %dma_start3A_888, %dma_start3A_889] : memref<16x8x32xf32, #tpu.memory_space<vmem>> -> memref<1x8x32xf32, #tpu.memory_space<vmem>>
      %dma_start3A_891 = tpu.memref_squeeze %dma_start3A_890 : memref<1x8x32xf32, #tpu.memory_space<vmem>> -> memref<8x32xf32, #tpu.memory_space<vmem>>
      %dma_start3A_892 = arith.constant 0 : i32
      %dma_start3A_893 = tpu.memref_slice %arg8[%multiple_of3A_886, %dma_start3A_892] : memref<1000x32xf32, #tpu.memory_space<hbm>> -> memref<8x32xf32, #tpu.memory_space<hbm>>
      %dma_start3A_894 = arith.constant 0 : i32
      %dma_start3A_895 = arith.constant 0 : i32
      %dma_start3A_896 = tpu.memref_slice %arg15[%dma_start3A_887, %dma_start3A_894, %dma_start3A_895] : memref<16x8x32xf32, #tpu.memory_space<vmem>> -> memref<1x8x32xf32, #tpu.memory_space<vmem>>
      %dma_start3A_897 = tpu.memref_squeeze %dma_start3A_896 : memref<1x8x32xf32, #tpu.memory_space<vmem>> -> memref<8x32xf32, #tpu.memory_space<vmem>>
      %dma_start3A_898 = arith.constant 0 : i32
      %dma_start3A_899 = tpu.memref_slice %arg8[%multiple_of3A_886, %dma_start3A_898] : memref<1000x32xf32, #tpu.memory_space<hbm>> -> memref<8x32xf32, #tpu.memory_space<hbm>>
      tpu.enqueue_dma source(%dma_start3A_899 : memref<8x32xf32, #tpu.memory_space<hbm>>) target(%dma_start3A_897 : memref<8x32xf32, #tpu.memory_space<vmem>>) target_semaphore(%arg18 : memref<!tpu.dma_semaphore, #tpu.memory_space<semaphore_mem>>)
      %slice3A_900 = vector.extract_strided_slice %mul3A_413 {offsets = [15], sizes = [1], strides = [1]} : vector<16xi32> to vector<1xi32>
      %squeeze3A_901 = vector.extract %slice3A_900[0] : i32 from vector<1xi32>
      %multiple_of3A_902 = tpu.assume_multiple %squeeze3A_901, 8 : i32
      %dma_start3A_903 = arith.constant 15 : i32
      %dma_start3A_904 = arith.constant 0 : i32
      %dma_start3A_905 = arith.constant 0 : i32
      %dma_start3A_906 = tpu.memref_slice %arg14[%dma_start3A_903, %dma_start3A_904, %dma_start3A_905] : memref<16x8x32xf32, #tpu.memory_space<vmem>> -> memref<1x8x32xf32, #tpu.memory_space<vmem>>
      %dma_start3A_907 = tpu.memref_squeeze %dma_start3A_906 : memref<1x8x32xf32, #tpu.memory_space<vmem>> -> memref<8x32xf32, #tpu.memory_space<vmem>>
      %dma_start3A_908 = arith.constant 0 : i32
      %dma_start3A_909 = tpu.memref_slice %arg7[%multiple_of3A_902, %dma_start3A_908] : memref<100000x32xf32, #tpu.memory_space<hbm>> -> memref<8x32xf32, #tpu.memory_space<hbm>>
      %dma_start3A_910 = arith.constant 0 : i32
      %dma_start3A_911 = arith.constant 0 : i32
      %dma_start3A_912 = tpu.memref_slice %arg14[%dma_start3A_903, %dma_start3A_910, %dma_start3A_911] : memref<16x8x32xf32, #tpu.memory_space<vmem>> -> memref<1x8x32xf32, #tpu.memory_space<vmem>>
      %dma_start3A_913 = tpu.memref_squeeze %dma_start3A_912 : memref<1x8x32xf32, #tpu.memory_space<vmem>> -> memref<8x32xf32, #tpu.memory_space<vmem>>
      %dma_start3A_914 = arith.constant 0 : i32
      %dma_start3A_915 = tpu.memref_slice %arg7[%multiple_of3A_902, %dma_start3A_914] : memref<100000x32xf32, #tpu.memory_space<hbm>> -> memref<8x32xf32, #tpu.memory_space<hbm>>
      tpu.enqueue_dma source(%dma_start3A_915 : memref<8x32xf32, #tpu.memory_space<hbm>>) target(%dma_start3A_913 : memref<8x32xf32, #tpu.memory_space<vmem>>) target_semaphore(%arg18 : memref<!tpu.dma_semaphore, #tpu.memory_space<semaphore_mem>>)
      %slice3A_916 = vector.extract_strided_slice %mul3A_419 {offsets = [15], sizes = [1], strides = [1]} : vector<16xi32> to vector<1xi32>
      %squeeze3A_917 = vector.extract %slice3A_916[0] : i32 from vector<1xi32>
      %multiple_of3A_918 = tpu.assume_multiple %squeeze3A_917, 8 : i32
      %dma_start3A_919 = arith.constant 15 : i32
      %dma_start3A_920 = arith.constant 0 : i32
      %dma_start3A_921 = arith.constant 0 : i32
      %dma_start3A_922 = tpu.memref_slice %arg15[%dma_start3A_919, %dma_start3A_920, %dma_start3A_921] : memref<16x8x32xf32, #tpu.memory_space<vmem>> -> memref<1x8x32xf32, #tpu.memory_space<vmem>>
      %dma_start3A_923 = tpu.memref_squeeze %dma_start3A_922 : memref<1x8x32xf32, #tpu.memory_space<vmem>> -> memref<8x32xf32, #tpu.memory_space<vmem>>
      %dma_start3A_924 = arith.constant 0 : i32
      %dma_start3A_925 = tpu.memref_slice %arg8[%multiple_of3A_918, %dma_start3A_924] : memref<1000x32xf32, #tpu.memory_space<hbm>> -> memref<8x32xf32, #tpu.memory_space<hbm>>
      %dma_start3A_926 = arith.constant 0 : i32
      %dma_start3A_927 = arith.constant 0 : i32
      %dma_start3A_928 = tpu.memref_slice %arg15[%dma_start3A_919, %dma_start3A_926, %dma_start3A_927] : memref<16x8x32xf32, #tpu.memory_space<vmem>> -> memref<1x8x32xf32, #tpu.memory_space<vmem>>
      %dma_start3A_929 = tpu.memref_squeeze %dma_start3A_928 : memref<1x8x32xf32, #tpu.memory_space<vmem>> -> memref<8x32xf32, #tpu.memory_space<vmem>>
      %dma_start3A_930 = arith.constant 0 : i32
      %dma_start3A_931 = tpu.memref_slice %arg8[%multiple_of3A_918, %dma_start3A_930] : memref<1000x32xf32, #tpu.memory_space<hbm>> -> memref<8x32xf32, #tpu.memory_space<hbm>>
      tpu.enqueue_dma source(%dma_start3A_931 : memref<8x32xf32, #tpu.memory_space<hbm>>) target(%dma_start3A_929 : memref<8x32xf32, #tpu.memory_space<vmem>>) target_semaphore(%arg18 : memref<!tpu.dma_semaphore, #tpu.memory_space<semaphore_mem>>)
      %jit3A_932 = arith.constant 8 : i32
      %div3A_933 = arith.divsi %scan3A_359, %jit3A_932 : i32
      %sign3A_934 = arith.constant 0 : i32
      %sign3A_935 = arith.cmpi sgt, %scan3A_359, %sign3A_934 : i32
      %sign3A_936 = arith.extui %sign3A_935 : i1 to i32
      %sign3A_937 = arith.constant 0 : i32
      %sign3A_938 = arith.cmpi slt, %scan3A_359, %sign3A_937 : i32
      %sign3A_939 = arith.extui %sign3A_938 : i1 to i32
      %sign3A_940 = arith.subi %sign3A_936, %sign3A_939 : i32
      %sign3A_941 = arith.constant 0 : i32
      %sign3A_942 = arith.cmpi sgt, %jit3A_932, %sign3A_941 : i32
      %sign3A_943 = arith.extui %sign3A_942 : i1 to i32
      %sign3A_944 = arith.constant 0 : i32
      %sign3A_945 = arith.cmpi slt, %jit3A_932, %sign3A_944 : i32
      %sign3A_946 = arith.extui %sign3A_945 : i1 to i32
      %sign3A_947 = arith.subi %sign3A_943, %sign3A_946 : i32
      %ne3A_948 = arith.cmpi ne, %sign3A_940, %sign3A_947 : i32
      %rem3A_949 = arith.remsi %scan3A_359, %jit3A_932 : i32
      %ne3A_950 = arith.constant 0 : i32
      %ne3A_951 = arith.cmpi ne, %rem3A_949, %ne3A_950 : i32
      %and3A_952 = arith.andi %ne3A_948, %ne3A_951 : i1
      %sub3A_953 = arith.constant 1 : i32
      %sub3A_954 = arith.subi %div3A_933, %sub3A_953 : i32
      %select_n3A_955 = arith.select %and3A_952, %sub3A_954, %div3A_933 : i32
      %jit3A_956 = arith.constant 8 : i32
      %eq3A_957 = arith.constant 0 : i32
      %eq3A_958 = arith.cmpi eq, %jit3A_956, %eq3A_957 : i32
      %jit3A_959 = arith.constant 1 : i32
      %select_n3A_960 = arith.select %eq3A_958, %jit3A_959, %jit3A_956 : i32
      %rem3A_961 = arith.remsi %scan3A_359, %select_n3A_960 : i32
      %ne3A_962 = arith.constant 0 : i32
      %ne3A_963 = arith.cmpi ne, %rem3A_961, %ne3A_962 : i32
      %lt3A_964 = arith.constant 0 : i32
      %lt3A_965 = arith.cmpi slt, %rem3A_961, %lt3A_964 : i32
      %lt3A_966 = arith.constant 0 : i32
      %lt3A_967 = arith.cmpi slt, %select_n3A_960, %lt3A_966 : i32
      %ne3A_968 = arith.xori %lt3A_965, %lt3A_967 : i1
      %and3A_969 = arith.andi %ne3A_968, %ne3A_963 : i1
      %add3A_970 = arith.addi %rem3A_961, %select_n3A_960 : i32
      %select_n3A_971 = arith.select %and3A_969, %add3A_970, %rem3A_961 : i32
      %mul3A_972 = arith.constant 16 : i32
      %mul3A_973 = arith.muli %select_n3A_971, %mul3A_972 : i32
      %get3A_974 = arith.constant 0 : i32
      %get3A_975 = arith.constant 0 : i32
      %get3A_976 = arith.index_cast %get3A_974 : i32 to index
      %get3A_977 = arith.index_cast %select_n3A_955 : i32 to index
      %get3A_978 = arith.index_cast %get3A_975 : i32 to index
      %get3A_979 = arith.index_cast %mul3A_973 : i32 to index
      %get3A_980 = tpu.vector_load %arg10[%get3A_976, %get3A_977, %get3A_978, %get3A_979] {strides = array<i32>} : memref<3x4x1x128xi32, #tpu.memory_space<vmem>>, vector<16xi32>,
      %add3A_981 = arith.constant 1 : i32
      %add3A_982 = arith.addi %scan3A_359, %add3A_981 : i32
      %min3A = arith.constant 31 : i32
      %min3A_983 = arith.minsi %add3A_982, %min3A : i32
      %jit3A_984 = arith.constant 8 : i32
      %div3A_985 = arith.divsi %min3A_983, %jit3A_984 : i32
      %sign3A_986 = arith.constant 0 : i32
      %sign3A_987 = arith.cmpi sgt, %min3A_983, %sign3A_986 : i32
      %sign3A_988 = arith.extui %sign3A_987 : i1 to i32
      %sign3A_989 = arith.constant 0 : i32
      %sign3A_990 = arith.cmpi slt, %min3A_983, %sign3A_989 : i32
      %sign3A_991 = arith.extui %sign3A_990 : i1 to i32
      %sign3A_992 = arith.subi %sign3A_988, %sign3A_991 : i32
      %sign3A_993 = arith.constant 0 : i32
      %sign3A_994 = arith.cmpi sgt, %jit3A_984, %sign3A_993 : i32
      %sign3A_995 = arith.extui %sign3A_994 : i1 to i32
      %sign3A_996 = arith.constant 0 : i32
      %sign3A_997 = arith.cmpi slt, %jit3A_984, %sign3A_996 : i32
      %sign3A_998 = arith.extui %sign3A_997 : i1 to i32
      %sign3A_999 = arith.subi %sign3A_995, %sign3A_998 : i32
      %ne3A_1000 = arith.cmpi ne, %sign3A_992, %sign3A_999 : i32
      %rem3A_1001 = arith.remsi %min3A_983, %jit3A_984 : i32
      %ne3A_1002 = arith.constant 0 : i32
      %ne3A_1003 = arith.cmpi ne, %rem3A_1001, %ne3A_1002 : i32
      %and3A_1004 = arith.andi %ne3A_1000, %ne3A_1003 : i1
      %sub3A_1005 = arith.constant 1 : i32
      %sub3A_1006 = arith.subi %div3A_985, %sub3A_1005 : i32
      %select_n3A_1007 = arith.select %and3A_1004, %sub3A_1006, %div3A_985 : i32
      %jit3A_1008 = arith.constant 8 : i32
      %eq3A_1009 = arith.constant 0 : i32
      %eq3A_1010 = arith.cmpi eq, %jit3A_1008, %eq3A_1009 : i32
      %jit3A_1011 = arith.constant 1 : i32
      %select_n3A_1012 = arith.select %eq3A_1010, %jit3A_1011, %jit3A_1008 : i32
      %rem3A_1013 = arith.remsi %min3A_983, %select_n3A_1012 : i32
      %ne3A_1014 = arith.constant 0 : i32
      %ne3A_1015 = arith.cmpi ne, %rem3A_1013, %ne3A_1014 : i32
      %lt3A_1016 = arith.constant 0 : i32
      %lt3A_1017 = arith.cmpi slt, %rem3A_1013, %lt3A_1016 : i32
      %lt3A_1018 = arith.constant 0 : i32
      %lt3A_1019 = arith.cmpi slt, %select_n3A_1012, %lt3A_1018 : i32
      %ne3A_1020 = arith.xori %lt3A_1017, %lt3A_1019 : i1
      %and3A_1021 = arith.andi %ne3A_1020, %ne3A_1015 : i1
      %add3A_1022 = arith.addi %rem3A_1013, %select_n3A_1012 : i32
      %select_n3A_1023 = arith.select %and3A_1021, %add3A_1022, %rem3A_1013 : i32
      %mul3A_1024 = arith.constant 16 : i32
      %mul3A_1025 = arith.muli %select_n3A_1023, %mul3A_1024 : i32
      %get3A_1026 = arith.constant 0 : i32
      %get3A_1027 = arith.constant 0 : i32
      %get3A_1028 = arith.index_cast %get3A_1026 : i32 to index
      %get3A_1029 = arith.index_cast %select_n3A_1007 : i32 to index
      %get3A_1030 = arith.index_cast %get3A_1027 : i32 to index
      %get3A_1031 = arith.index_cast %mul3A_1025 : i32 to index
      %get3A_1032 = tpu.vector_load %arg10[%get3A_1028, %get3A_1029, %get3A_1030, %get3A_1031] {strides = array<i32>} : memref<3x4x1x128xi32, #tpu.memory_space<vmem>>, vector<16xi32>,
      %mul3A_1033 = arith.constant 16 : i32
      %mul3A_1034 = arith.muli %scan3A_359, %mul3A_1033 : i32
      %add3A_1035 = arith.constant 0 : i32
      %add3A_1036 = arith.addi %mul3A_1034, %add3A_1035 : i32
      %dma_wait3A_1037 = arith.constant 0 : i32
      %dma_wait3A_1038 = arith.constant 0 : i32
      %dma_wait3A_1039 = arith.constant 0 : i32
      %dma_wait3A_1040 = tpu.memref_slice %arg12[%dma_wait3A_1037, %dma_wait3A_1038, %dma_wait3A_1039] : memref<8x32x128xf32, #tpu.memory_space<vmem>> -> memref<1x32x128xf32, #tpu.memory_space<vmem>>
      %dma_wait3A_1041 = tpu.memref_squeeze %dma_wait3A_1040 : memref<1x32x128xf32, #tpu.memory_space<vmem>> -> memref<32x128xf32, #tpu.memory_space<vmem>>
      %dma_wait3A_1042 = arith.constant 0 : i32
      %dma_wait3A_1043 = arith.constant 0 : i32
      %dma_wait3A_1044 = tpu.memref_slice %arg6[%dma_wait3A_1042, %dma_wait3A_1043] : memref<32x1000000xf32, #tpu.memory_space<hbm>> -> memref<32x128xf32, #tpu.memory_space<hbm>>
      %dma_wait3A_1045 = arith.constant 0 : i32
      %dma_wait3A_1046 = arith.constant 0 : i32
      %dma_wait3A_1047 = tpu.memref_slice %arg12[%dma_wait3A_1037, %dma_wait3A_1045, %dma_wait3A_1046] : memref<8x32x128xf32, #tpu.memory_space<vmem>> -> memref<1x32x128xf32, #tpu.memory_space<vmem>>
      %dma_wait3A_1048 = tpu.memref_squeeze %dma_wait3A_1047 : memref<1x32x128xf32, #tpu.memory_space<vmem>> -> memref<32x128xf32, #tpu.memory_space<vmem>>
      %dma_wait3A_1049 = arith.constant 0 : i32
      %dma_wait3A_1050 = arith.constant 0 : i32
      %dma_wait3A_1051 = tpu.memref_slice %arg6[%dma_wait3A_1049, %dma_wait3A_1050] : memref<32x1000000xf32, #tpu.memory_space<hbm>> -> memref<32x128xf32, #tpu.memory_space<hbm>>
      tpu.wait_dma2 semaphore(%arg17 : memref<!tpu.dma_semaphore, #tpu.memory_space<semaphore_mem>>) src(%dma_wait3A_1051 : memref<32x128xf32, #tpu.memory_space<hbm>>) dst(%dma_wait3A_1048 : memref<32x128xf32, #tpu.memory_space<vmem>>)
      %slice3A_1052 = vector.extract_strided_slice %get3A_980 {offsets = [0], sizes = [1], strides = [1]} : vector<16xi32> to vector<1xi32>
      %squeeze3A_1053 = vector.extract %slice3A_1052[0] : i32 from vector<1xi32>
      %and3A_1054 = arith.constant 127 : i32
      %and3A_1055 = arith.andi %squeeze3A_1053, %and3A_1054 : i32
      %broadcast_in_dim3A_1056 = arith.constant 0 : i32
      %broadcast_in_dim3A_1057 = vector.broadcast %broadcast_in_dim3A_1056 : i32 to vector<16xi32>
      %add3A_1058 = vector.broadcast %and3A_1055 : i32 to vector<16xi32>
      %add3A_1059 = arith.addi %add3A_1058, %broadcast_in_dim3A_1057 : vector<16xi32>
      %broadcast_in_dim3A_1060 = arith.constant 0 : i32
      %broadcast_in_dim3A_1061 = vector.broadcast %broadcast_in_dim3A_1060 : i32 to vector<16xi32>
      %broadcast_in_dim3A_1062 = arith.constant 0 : i32
      %broadcast_in_dim3A_1063 = vector.broadcast %broadcast_in_dim3A_1062 : i32 to vector<16xi32>
      %add3A_1064 = vector.broadcast %add3A_1036 : i32 to vector<16xi32>
      %add3A_1065 = arith.addi %broadcast_in_dim3A_1063, %add3A_1064 : vector<16xi32>
      %gather3A = tpu.vector_load_idx %arg12[%broadcast_in_dim3A_1061, %iota3A, %add3A_1059] : memref<8x32x128xf32, #tpu.memory_space<vmem>>[vector<16xi32>, vector<16xi32>, vector<16xi32>], vector<16xf32>,
      %add3A_1066 = arith.constant 16 : i32
      %add3A_1067 = vector.broadcast %add3A_1066 : i32 to vector<16xi32>
      %add3A_1068 = arith.addi %iota3A, %add3A_1067 : vector<16xi32>
      %gather3A_1069 = tpu.vector_load_idx %arg12[%broadcast_in_dim3A_1061, %add3A_1068, %add3A_1059] : memref<8x32x128xf32, #tpu.memory_space<vmem>>[vector<16xi32>, vector<16xi32>, vector<16xi32>], vector<16xf32>,
      tpu.vector_store_idx %arg13[%iota3A, %add3A_1065], %gather3A : memref<32x512xf32, #tpu.memory_space<vmem>>[vector<16xi32>, vector<16xi32>], vector<16xf32>,
      %add3A_1070 = arith.constant 16 : i32
      %add3A_1071 = vector.broadcast %add3A_1070 : i32 to vector<16xi32>
      %add3A_1072 = arith.addi %iota3A, %add3A_1071 : vector<16xi32>
      tpu.vector_store_idx %arg13[%add3A_1072, %add3A_1065], %gather3A_1069 : memref<32x512xf32, #tpu.memory_space<vmem>>[vector<16xi32>, vector<16xi32>], vector<16xf32>,
      %slice3A_1073 = vector.extract_strided_slice %get3A_980 {offsets = [8], sizes = [1], strides = [1]} : vector<16xi32> to vector<1xi32>
      %squeeze3A_1074 = vector.extract %slice3A_1073[0] : i32 from vector<1xi32>
      %shift_right_logical3A_1075 = arith.constant 7 : i32
      %shift_right_logical3A_1076 = arith.shrui %squeeze3A_1074, %shift_right_logical3A_1075 : i32
      %mul3A_1077 = arith.constant 128 : i32
      %mul3A_1078 = arith.muli %shift_right_logical3A_1076, %mul3A_1077 : i32
      %multiple_of3A_1079 = tpu.assume_multiple %mul3A_1078, 128 : i32
      %dma_start3A_1080 = arith.constant 0 : i32
      %dma_start3A_1081 = arith.constant 0 : i32
      %dma_start3A_1082 = arith.constant 0 : i32
      %dma_start3A_1083 = tpu.memref_slice %arg12[%dma_start3A_1080, %dma_start3A_1081, %dma_start3A_1082] : memref<8x32x128xf32, #tpu.memory_space<vmem>> -> memref<1x32x128xf32, #tpu.memory_space<vmem>>
      %dma_start3A_1084 = tpu.memref_squeeze %dma_start3A_1083 : memref<1x32x128xf32, #tpu.memory_space<vmem>> -> memref<32x128xf32, #tpu.memory_space<vmem>>
      %dma_start3A_1085 = arith.constant 0 : i32
      %dma_start3A_1086 = tpu.memref_slice %arg6[%dma_start3A_1085, %multiple_of3A_1079] : memref<32x1000000xf32, #tpu.memory_space<hbm>> -> memref<32x128xf32, #tpu.memory_space<hbm>>
      %dma_start3A_1087 = arith.constant 0 : i32
      %dma_start3A_1088 = arith.constant 0 : i32
      %dma_start3A_1089 = tpu.memref_slice %arg12[%dma_start3A_1080, %dma_start3A_1087, %dma_start3A_1088] : memref<8x32x128xf32, #tpu.memory_space<vmem>> -> memref<1x32x128xf32, #tpu.memory_space<vmem>>
      %dma_start3A_1090 = tpu.memref_squeeze %dma_start3A_1089 : memref<1x32x128xf32, #tpu.memory_space<vmem>> -> memref<32x128xf32, #tpu.memory_space<vmem>>
      %dma_start3A_1091 = arith.constant 0 : i32
      %dma_start3A_1092 = tpu.memref_slice %arg6[%dma_start3A_1091, %multiple_of3A_1079] : memref<32x1000000xf32, #tpu.memory_space<hbm>> -> memref<32x128xf32, #tpu.memory_space<hbm>>
      tpu.enqueue_dma source(%dma_start3A_1092 : memref<32x128xf32, #tpu.memory_space<hbm>>) target(%dma_start3A_1090 : memref<32x128xf32, #tpu.memory_space<vmem>>) target_semaphore(%arg17 : memref<!tpu.dma_semaphore, #tpu.memory_space<semaphore_mem>>)
      %mul3A_1093 = arith.constant 16 : i32
      %mul3A_1094 = arith.muli %scan3A_359, %mul3A_1093 : i32
      %add3A_1095 = arith.constant 1 : i32
      %add3A_1096 = arith.addi %mul3A_1094, %add3A_1095 : i32
      %dma_wait3A_1097 = arith.constant 1 : i32
      %dma_wait3A_1098 = arith.constant 0 : i32
      %dma_wait3A_1099 = arith.constant 0 : i32
      %dma_wait3A_1100 = tpu.memref_slice %arg12[%dma_wait3A_1097, %dma_wait3A_1098, %dma_wait3A_1099] : memref<8x32x128xf32, #tpu.memory_space<vmem>> -> memref<1x32x128xf32, #tpu.memory_space<vmem>>
      %dma_wait3A_1101 = tpu.memref_squeeze %dma_wait3A_1100 : memref<1x32x128xf32, #tpu.memory_space<vmem>> -> memref<32x128xf32, #tpu.memory_space<vmem>>
      %dma_wait3A_1102 = arith.constant 0 : i32
      %dma_wait3A_1103 = arith.constant 0 : i32
      %dma_wait3A_1104 = tpu.memref_slice %arg6[%dma_wait3A_1102, %dma_wait3A_1103] : memref<32x1000000xf32, #tpu.memory_space<hbm>> -> memref<32x128xf32, #tpu.memory_space<hbm>>
      %dma_wait3A_1105 = arith.constant 0 : i32
      %dma_wait3A_1106 = arith.constant 0 : i32
      %dma_wait3A_1107 = tpu.memref_slice %arg12[%dma_wait3A_1097, %dma_wait3A_1105, %dma_wait3A_1106] : memref<8x32x128xf32, #tpu.memory_space<vmem>> -> memref<1x32x128xf32, #tpu.memory_space<vmem>>
      %dma_wait3A_1108 = tpu.memref_squeeze %dma_wait3A_1107 : memref<1x32x128xf32, #tpu.memory_space<vmem>> -> memref<32x128xf32, #tpu.memory_space<vmem>>
      %dma_wait3A_1109 = arith.constant 0 : i32
      %dma_wait3A_1110 = arith.constant 0 : i32
      %dma_wait3A_1111 = tpu.memref_slice %arg6[%dma_wait3A_1109, %dma_wait3A_1110] : memref<32x1000000xf32, #tpu.memory_space<hbm>> -> memref<32x128xf32, #tpu.memory_space<hbm>>
      tpu.wait_dma2 semaphore(%arg17 : memref<!tpu.dma_semaphore, #tpu.memory_space<semaphore_mem>>) src(%dma_wait3A_1111 : memref<32x128xf32, #tpu.memory_space<hbm>>) dst(%dma_wait3A_1108 : memref<32x128xf32, #tpu.memory_space<vmem>>)
      %slice3A_1112 = vector.extract_strided_slice %get3A_980 {offsets = [1], sizes = [1], strides = [1]} : vector<16xi32> to vector<1xi32>
      %squeeze3A_1113 = vector.extract %slice3A_1112[0] : i32 from vector<1xi32>
      %and3A_1114 = arith.constant 127 : i32
      %and3A_1115 = arith.andi %squeeze3A_1113, %and3A_1114 : i32
      %broadcast_in_dim3A_1116 = arith.constant 0 : i32
      %broadcast_in_dim3A_1117 = vector.broadcast %broadcast_in_dim3A_1116 : i32 to vector<16xi32>
      %add3A_1118 = vector.broadcast %and3A_1115 : i32 to vector<16xi32>
      %add3A_1119 = arith.addi %add3A_1118, %broadcast_in_dim3A_1117 : vector<16xi32>
      %broadcast_in_dim3A_1120 = arith.constant 1 : i32
      %broadcast_in_dim3A_1121 = vector.broadcast %broadcast_in_dim3A_1120 : i32 to vector<16xi32>
      %broadcast_in_dim3A_1122 = arith.constant 0 : i32
      %broadcast_in_dim3A_1123 = vector.broadcast %broadcast_in_dim3A_1122 : i32 to vector<16xi32>
      %add3A_1124 = vector.broadcast %add3A_1096 : i32 to vector<16xi32>
      %add3A_1125 = arith.addi %broadcast_in_dim3A_1123, %add3A_1124 : vector<16xi32>
      %gather3A_1126 = tpu.vector_load_idx %arg12[%broadcast_in_dim3A_1121, %iota3A, %add3A_1119] : memref<8x32x128xf32, #tpu.memory_space<vmem>>[vector<16xi32>, vector<16xi32>, vector<16xi32>], vector<16xf32>,
      %add3A_1127 = arith.constant 16 : i32
      %add3A_1128 = vector.broadcast %add3A_1127 : i32 to vector<16xi32>
      %add3A_1129 = arith.addi %iota3A, %add3A_1128 : vector<16xi32>
      %gather3A_1130 = tpu.vector_load_idx %arg12[%broadcast_in_dim3A_1121, %add3A_1129, %add3A_1119] : memref<8x32x128xf32, #tpu.memory_space<vmem>>[vector<16xi32>, vector<16xi32>, vector<16xi32>], vector<16xf32>,
      tpu.vector_store_idx %arg13[%iota3A, %add3A_1125], %gather3A_1126 : memref<32x512xf32, #tpu.memory_space<vmem>>[vector<16xi32>, vector<16xi32>], vector<16xf32>,
      %add3A_1131 = arith.constant 16 : i32
      %add3A_1132 = vector.broadcast %add3A_1131 : i32 to vector<16xi32>
      %add3A_1133 = arith.addi %iota3A, %add3A_1132 : vector<16xi32>
      tpu.vector_store_idx %arg13[%add3A_1133, %add3A_1125], %gather3A_1130 : memref<32x512xf32, #tpu.memory_space<vmem>>[vector<16xi32>, vector<16xi32>], vector<16xf32>,
      %slice3A_1134 = vector.extract_strided_slice %get3A_980 {offsets = [9], sizes = [1], strides = [1]} : vector<16xi32> to vector<1xi32>
      %squeeze3A_1135 = vector.extract %slice3A_1134[0] : i32 from vector<1xi32>
      %shift_right_logical3A_1136 = arith.constant 7 : i32
      %shift_right_logical3A_1137 = arith.shrui %squeeze3A_1135, %shift_right_logical3A_1136 : i32
      %mul3A_1138 = arith.constant 128 : i32
      %mul3A_1139 = arith.muli %shift_right_logical3A_1137, %mul3A_1138 : i32
      %multiple_of3A_1140 = tpu.assume_multiple %mul3A_1139, 128 : i32
      %dma_start3A_1141 = arith.constant 1 : i32
      %dma_start3A_1142 = arith.constant 0 : i32
      %dma_start3A_1143 = arith.constant 0 : i32
      %dma_start3A_1144 = tpu.memref_slice %arg12[%dma_start3A_1141, %dma_start3A_1142, %dma_start3A_1143] : memref<8x32x128xf32, #tpu.memory_space<vmem>> -> memref<1x32x128xf32, #tpu.memory_space<vmem>>
      %dma_start3A_1145 = tpu.memref_squeeze %dma_start3A_1144 : memref<1x32x128xf32, #tpu.memory_space<vmem>> -> memref<32x128xf32, #tpu.memory_space<vmem>>
      %dma_start3A_1146 = arith.constant 0 : i32
      %dma_start3A_1147 = tpu.memref_slice %arg6[%dma_start3A_1146, %multiple_of3A_1140] : memref<32x1000000xf32, #tpu.memory_space<hbm>> -> memref<32x128xf32, #tpu.memory_space<hbm>>
      %dma_start3A_1148 = arith.constant 0 : i32
      %dma_start3A_1149 = arith.constant 0 : i32
      %dma_start3A_1150 = tpu.memref_slice %arg12[%dma_start3A_1141, %dma_start3A_1148, %dma_start3A_1149] : memref<8x32x128xf32, #tpu.memory_space<vmem>> -> memref<1x32x128xf32, #tpu.memory_space<vmem>>
      %dma_start3A_1151 = tpu.memref_squeeze %dma_start3A_1150 : memref<1x32x128xf32, #tpu.memory_space<vmem>> -> memref<32x128xf32, #tpu.memory_space<vmem>>
      %dma_start3A_1152 = arith.constant 0 : i32
      %dma_start3A_1153 = tpu.memref_slice %arg6[%dma_start3A_1152, %multiple_of3A_1140] : memref<32x1000000xf32, #tpu.memory_space<hbm>> -> memref<32x128xf32, #tpu.memory_space<hbm>>
      tpu.enqueue_dma source(%dma_start3A_1153 : memref<32x128xf32, #tpu.memory_space<hbm>>) target(%dma_start3A_1151 : memref<32x128xf32, #tpu.memory_space<vmem>>) target_semaphore(%arg17 : memref<!tpu.dma_semaphore, #tpu.memory_space<semaphore_mem>>)
      %mul3A_1154 = arith.constant 16 : i32
      %mul3A_1155 = arith.muli %scan3A_359, %mul3A_1154 : i32
      %add3A_1156 = arith.constant 2 : i32
      %add3A_1157 = arith.addi %mul3A_1155, %add3A_1156 : i32
      %dma_wait3A_1158 = arith.constant 2 : i32
      %dma_wait3A_1159 = arith.constant 0 : i32
      %dma_wait3A_1160 = arith.constant 0 : i32
      %dma_wait3A_1161 = tpu.memref_slice %arg12[%dma_wait3A_1158, %dma_wait3A_1159, %dma_wait3A_1160] : memref<8x32x128xf32, #tpu.memory_space<vmem>> -> memref<1x32x128xf32, #tpu.memory_space<vmem>>
      %dma_wait3A_1162 = tpu.memref_squeeze %dma_wait3A_1161 : memref<1x32x128xf32, #tpu.memory_space<vmem>> -> memref<32x128xf32, #tpu.memory_space<vmem>>
      %dma_wait3A_1163 = arith.constant 0 : i32
      %dma_wait3A_1164 = arith.constant 0 : i32
      %dma_wait3A_1165 = tpu.memref_slice %arg6[%dma_wait3A_1163, %dma_wait3A_1164] : memref<32x1000000xf32, #tpu.memory_space<hbm>> -> memref<32x128xf32, #tpu.memory_space<hbm>>
      %dma_wait3A_1166 = arith.constant 0 : i32
      %dma_wait3A_1167 = arith.constant 0 : i32
      %dma_wait3A_1168 = tpu.memref_slice %arg12[%dma_wait3A_1158, %dma_wait3A_1166, %dma_wait3A_1167] : memref<8x32x128xf32, #tpu.memory_space<vmem>> -> memref<1x32x128xf32, #tpu.memory_space<vmem>>
      %dma_wait3A_1169 = tpu.memref_squeeze %dma_wait3A_1168 : memref<1x32x128xf32, #tpu.memory_space<vmem>> -> memref<32x128xf32, #tpu.memory_space<vmem>>
      %dma_wait3A_1170 = arith.constant 0 : i32
      %dma_wait3A_1171 = arith.constant 0 : i32
      %dma_wait3A_1172 = tpu.memref_slice %arg6[%dma_wait3A_1170, %dma_wait3A_1171] : memref<32x1000000xf32, #tpu.memory_space<hbm>> -> memref<32x128xf32, #tpu.memory_space<hbm>>
      tpu.wait_dma2 semaphore(%arg17 : memref<!tpu.dma_semaphore, #tpu.memory_space<semaphore_mem>>) src(%dma_wait3A_1172 : memref<32x128xf32, #tpu.memory_space<hbm>>) dst(%dma_wait3A_1169 : memref<32x128xf32, #tpu.memory_space<vmem>>)
      %slice3A_1173 = vector.extract_strided_slice %get3A_980 {offsets = [2], sizes = [1], strides = [1]} : vector<16xi32> to vector<1xi32>
      %squeeze3A_1174 = vector.extract %slice3A_1173[0] : i32 from vector<1xi32>
      %and3A_1175 = arith.constant 127 : i32
      %and3A_1176 = arith.andi %squeeze3A_1174, %and3A_1175 : i32
      %broadcast_in_dim3A_1177 = arith.constant 0 : i32
      %broadcast_in_dim3A_1178 = vector.broadcast %broadcast_in_dim3A_1177 : i32 to vector<16xi32>
      %add3A_1179 = vector.broadcast %and3A_1176 : i32 to vector<16xi32>
      %add3A_1180 = arith.addi %add3A_1179, %broadcast_in_dim3A_1178 : vector<16xi32>
      %broadcast_in_dim3A_1181 = arith.constant 2 : i32
      %broadcast_in_dim3A_1182 = vector.broadcast %broadcast_in_dim3A_1181 : i32 to vector<16xi32>
      %broadcast_in_dim3A_1183 = arith.constant 0 : i32
      %broadcast_in_dim3A_1184 = vector.broadcast %broadcast_in_dim3A_1183 : i32 to vector<16xi32>
      %add3A_1185 = vector.broadcast %add3A_1157 : i32 to vector<16xi32>
      %add3A_1186 = arith.addi %broadcast_in_dim3A_1184, %add3A_1185 : vector<16xi32>
      %gather3A_1187 = tpu.vector_load_idx %arg12[%broadcast_in_dim3A_1182, %iota3A, %add3A_1180] : memref<8x32x128xf32, #tpu.memory_space<vmem>>[vector<16xi32>, vector<16xi32>, vector<16xi32>], vector<16xf32>,
      %add3A_1188 = arith.constant 16 : i32
      %add3A_1189 = vector.broadcast %add3A_1188 : i32 to vector<16xi32>
      %add3A_1190 = arith.addi %iota3A, %add3A_1189 : vector<16xi32>
      %gather3A_1191 = tpu.vector_load_idx %arg12[%broadcast_in_dim3A_1182, %add3A_1190, %add3A_1180] : memref<8x32x128xf32, #tpu.memory_space<vmem>>[vector<16xi32>, vector<16xi32>, vector<16xi32>], vector<16xf32>,
      tpu.vector_store_idx %arg13[%iota3A, %add3A_1186], %gather3A_1187 : memref<32x512xf32, #tpu.memory_space<vmem>>[vector<16xi32>, vector<16xi32>], vector<16xf32>,
      %add3A_1192 = arith.constant 16 : i32
      %add3A_1193 = vector.broadcast %add3A_1192 : i32 to vector<16xi32>
      %add3A_1194 = arith.addi %iota3A, %add3A_1193 : vector<16xi32>
      tpu.vector_store_idx %arg13[%add3A_1194, %add3A_1186], %gather3A_1191 : memref<32x512xf32, #tpu.memory_space<vmem>>[vector<16xi32>, vector<16xi32>], vector<16xf32>,
      %slice3A_1195 = vector.extract_strided_slice %get3A_980 {offsets = [10], sizes = [1], strides = [1]} : vector<16xi32> to vector<1xi32>
      %squeeze3A_1196 = vector.extract %slice3A_1195[0] : i32 from vector<1xi32>
      %shift_right_logical3A_1197 = arith.constant 7 : i32
      %shift_right_logical3A_1198 = arith.shrui %squeeze3A_1196, %shift_right_logical3A_1197 : i32
      %mul3A_1199 = arith.constant 128 : i32
      %mul3A_1200 = arith.muli %shift_right_logical3A_1198, %mul3A_1199 : i32
      %multiple_of3A_1201 = tpu.assume_multiple %mul3A_1200, 128 : i32
      %dma_start3A_1202 = arith.constant 2 : i32
      %dma_start3A_1203 = arith.constant 0 : i32
      %dma_start3A_1204 = arith.constant 0 : i32
      %dma_start3A_1205 = tpu.memref_slice %arg12[%dma_start3A_1202, %dma_start3A_1203, %dma_start3A_1204] : memref<8x32x128xf32, #tpu.memory_space<vmem>> -> memref<1x32x128xf32, #tpu.memory_space<vmem>>
      %dma_start3A_1206 = tpu.memref_squeeze %dma_start3A_1205 : memref<1x32x128xf32, #tpu.memory_space<vmem>> -> memref<32x128xf32, #tpu.memory_space<vmem>>
      %dma_start3A_1207 = arith.constant 0 : i32
      %dma_start3A_1208 = tpu.memref_slice %arg6[%dma_start3A_1207, %multiple_of3A_1201] : memref<32x1000000xf32, #tpu.memory_space<hbm>> -> memref<32x128xf32, #tpu.memory_space<hbm>>
      %dma_start3A_1209 = arith.constant 0 : i32
      %dma_start3A_1210 = arith.constant 0 : i32
      %dma_start3A_1211 = tpu.memref_slice %arg12[%dma_start3A_1202, %dma_start3A_1209, %dma_start3A_1210] : memref<8x32x128xf32, #tpu.memory_space<vmem>> -> memref<1x32x128xf32, #tpu.memory_space<vmem>>
      %dma_start3A_1212 = tpu.memref_squeeze %dma_start3A_1211 : memref<1x32x128xf32, #tpu.memory_space<vmem>> -> memref<32x128xf32, #tpu.memory_space<vmem>>
      %dma_start3A_1213 = arith.constant 0 : i32
      %dma_start3A_1214 = tpu.memref_slice %arg6[%dma_start3A_1213, %multiple_of3A_1201] : memref<32x1000000xf32, #tpu.memory_space<hbm>> -> memref<32x128xf32, #tpu.memory_space<hbm>>
      tpu.enqueue_dma source(%dma_start3A_1214 : memref<32x128xf32, #tpu.memory_space<hbm>>) target(%dma_start3A_1212 : memref<32x128xf32, #tpu.memory_space<vmem>>) target_semaphore(%arg17 : memref<!tpu.dma_semaphore, #tpu.memory_space<semaphore_mem>>)
      %mul3A_1215 = arith.constant 16 : i32
      %mul3A_1216 = arith.muli %scan3A_359, %mul3A_1215 : i32
      %add3A_1217 = arith.constant 3 : i32
      %add3A_1218 = arith.addi %mul3A_1216, %add3A_1217 : i32
      %dma_wait3A_1219 = arith.constant 3 : i32
      %dma_wait3A_1220 = arith.constant 0 : i32
      %dma_wait3A_1221 = arith.constant 0 : i32
      %dma_wait3A_1222 = tpu.memref_slice %arg12[%dma_wait3A_1219, %dma_wait3A_1220, %dma_wait3A_1221] : memref<8x32x128xf32, #tpu.memory_space<vmem>> -> memref<1x32x128xf32, #tpu.memory_space<vmem>>
      %dma_wait3A_1223 = tpu.memref_squeeze %dma_wait3A_1222 : memref<1x32x128xf32, #tpu.memory_space<vmem>> -> memref<32x128xf32, #tpu.memory_space<vmem>>
      %dma_wait3A_1224 = arith.constant 0 : i32
      %dma_wait3A_1225 = arith.constant 0 : i32
      %dma_wait3A_1226 = tpu.memref_slice %arg6[%dma_wait3A_1224, %dma_wait3A_1225] : memref<32x1000000xf32, #tpu.memory_space<hbm>> -> memref<32x128xf32, #tpu.memory_space<hbm>>
      %dma_wait3A_1227 = arith.constant 0 : i32
      %dma_wait3A_1228 = arith.constant 0 : i32
      %dma_wait3A_1229 = tpu.memref_slice %arg12[%dma_wait3A_1219, %dma_wait3A_1227, %dma_wait3A_1228] : memref<8x32x128xf32, #tpu.memory_space<vmem>> -> memref<1x32x128xf32, #tpu.memory_space<vmem>>
      %dma_wait3A_1230 = tpu.memref_squeeze %dma_wait3A_1229 : memref<1x32x128xf32, #tpu.memory_space<vmem>> -> memref<32x128xf32, #tpu.memory_space<vmem>>
      %dma_wait3A_1231 = arith.constant 0 : i32
      %dma_wait3A_1232 = arith.constant 0 : i32
      %dma_wait3A_1233 = tpu.memref_slice %arg6[%dma_wait3A_1231, %dma_wait3A_1232] : memref<32x1000000xf32, #tpu.memory_space<hbm>> -> memref<32x128xf32, #tpu.memory_space<hbm>>
      tpu.wait_dma2 semaphore(%arg17 : memref<!tpu.dma_semaphore, #tpu.memory_space<semaphore_mem>>) src(%dma_wait3A_1233 : memref<32x128xf32, #tpu.memory_space<hbm>>) dst(%dma_wait3A_1230 : memref<32x128xf32, #tpu.memory_space<vmem>>)
      %slice3A_1234 = vector.extract_strided_slice %get3A_980 {offsets = [3], sizes = [1], strides = [1]} : vector<16xi32> to vector<1xi32>
      %squeeze3A_1235 = vector.extract %slice3A_1234[0] : i32 from vector<1xi32>
      %and3A_1236 = arith.constant 127 : i32
      %and3A_1237 = arith.andi %squeeze3A_1235, %and3A_1236 : i32
      %broadcast_in_dim3A_1238 = arith.constant 0 : i32
      %broadcast_in_dim3A_1239 = vector.broadcast %broadcast_in_dim3A_1238 : i32 to vector<16xi32>
      %add3A_1240 = vector.broadcast %and3A_1237 : i32 to vector<16xi32>
      %add3A_1241 = arith.addi %add3A_1240, %broadcast_in_dim3A_1239 : vector<16xi32>
      %broadcast_in_dim3A_1242 = arith.constant 3 : i32
      %broadcast_in_dim3A_1243 = vector.broadcast %broadcast_in_dim3A_1242 : i32 to vector<16xi32>
      %broadcast_in_dim3A_1244 = arith.constant 0 : i32
      %broadcast_in_dim3A_1245 = vector.broadcast %broadcast_in_dim3A_1244 : i32 to vector<16xi32>
      %add3A_1246 = vector.broadcast %add3A_1218 : i32 to vector<16xi32>
      %add3A_1247 = arith.addi %broadcast_in_dim3A_1245, %add3A_1246 : vector<16xi32>
      %gather3A_1248 = tpu.vector_load_idx %arg12[%broadcast_in_dim3A_1243, %iota3A, %add3A_1241] : memref<8x32x128xf32, #tpu.memory_space<vmem>>[vector<16xi32>, vector<16xi32>, vector<16xi32>], vector<16xf32>,
      %add3A_1249 = arith.constant 16 : i32
      %add3A_1250 = vector.broadcast %add3A_1249 : i32 to vector<16xi32>
      %add3A_1251 = arith.addi %iota3A, %add3A_1250 : vector<16xi32>
      %gather3A_1252 = tpu.vector_load_idx %arg12[%broadcast_in_dim3A_1243, %add3A_1251, %add3A_1241] : memref<8x32x128xf32, #tpu.memory_space<vmem>>[vector<16xi32>, vector<16xi32>, vector<16xi32>], vector<16xf32>,
      tpu.vector_store_idx %arg13[%iota3A, %add3A_1247], %gather3A_1248 : memref<32x512xf32, #tpu.memory_space<vmem>>[vector<16xi32>, vector<16xi32>], vector<16xf32>,
      %add3A_1253 = arith.constant 16 : i32
      %add3A_1254 = vector.broadcast %add3A_1253 : i32 to vector<16xi32>
      %add3A_1255 = arith.addi %iota3A, %add3A_1254 : vector<16xi32>
      tpu.vector_store_idx %arg13[%add3A_1255, %add3A_1247], %gather3A_1252 : memref<32x512xf32, #tpu.memory_space<vmem>>[vector<16xi32>, vector<16xi32>], vector<16xf32>,
      %slice3A_1256 = vector.extract_strided_slice %get3A_980 {offsets = [11], sizes = [1], strides = [1]} : vector<16xi32> to vector<1xi32>
      %squeeze3A_1257 = vector.extract %slice3A_1256[0] : i32 from vector<1xi32>
      %shift_right_logical3A_1258 = arith.constant 7 : i32
      %shift_right_logical3A_1259 = arith.shrui %squeeze3A_1257, %shift_right_logical3A_1258 : i32
      %mul3A_1260 = arith.constant 128 : i32
      %mul3A_1261 = arith.muli %shift_right_logical3A_1259, %mul3A_1260 : i32
      %multiple_of3A_1262 = tpu.assume_multiple %mul3A_1261, 128 : i32
      %dma_start3A_1263 = arith.constant 3 : i32
      %dma_start3A_1264 = arith.constant 0 : i32
      %dma_start3A_1265 = arith.constant 0 : i32
      %dma_start3A_1266 = tpu.memref_slice %arg12[%dma_start3A_1263, %dma_start3A_1264, %dma_start3A_1265] : memref<8x32x128xf32, #tpu.memory_space<vmem>> -> memref<1x32x128xf32, #tpu.memory_space<vmem>>
      %dma_start3A_1267 = tpu.memref_squeeze %dma_start3A_1266 : memref<1x32x128xf32, #tpu.memory_space<vmem>> -> memref<32x128xf32, #tpu.memory_space<vmem>>
      %dma_start3A_1268 = arith.constant 0 : i32
      %dma_start3A_1269 = tpu.memref_slice %arg6[%dma_start3A_1268, %multiple_of3A_1262] : memref<32x1000000xf32, #tpu.memory_space<hbm>> -> memref<32x128xf32, #tpu.memory_space<hbm>>
      %dma_start3A_1270 = arith.constant 0 : i32
      %dma_start3A_1271 = arith.constant 0 : i32
      %dma_start3A_1272 = tpu.memref_slice %arg12[%dma_start3A_1263, %dma_start3A_1270, %dma_start3A_1271] : memref<8x32x128xf32, #tpu.memory_space<vmem>> -> memref<1x32x128xf32, #tpu.memory_space<vmem>>
      %dma_start3A_1273 = tpu.memref_squeeze %dma_start3A_1272 : memref<1x32x128xf32, #tpu.memory_space<vmem>> -> memref<32x128xf32, #tpu.memory_space<vmem>>
      %dma_start3A_1274 = arith.constant 0 : i32
      %dma_start3A_1275 = tpu.memref_slice %arg6[%dma_start3A_1274, %multiple_of3A_1262] : memref<32x1000000xf32, #tpu.memory_space<hbm>> -> memref<32x128xf32, #tpu.memory_space<hbm>>
      tpu.enqueue_dma source(%dma_start3A_1275 : memref<32x128xf32, #tpu.memory_space<hbm>>) target(%dma_start3A_1273 : memref<32x128xf32, #tpu.memory_space<vmem>>) target_semaphore(%arg17 : memref<!tpu.dma_semaphore, #tpu.memory_space<semaphore_mem>>)
      %mul3A_1276 = arith.constant 16 : i32
      %mul3A_1277 = arith.muli %scan3A_359, %mul3A_1276 : i32
      %add3A_1278 = arith.constant 4 : i32
      %add3A_1279 = arith.addi %mul3A_1277, %add3A_1278 : i32
      %dma_wait3A_1280 = arith.constant 4 : i32
      %dma_wait3A_1281 = arith.constant 0 : i32
      %dma_wait3A_1282 = arith.constant 0 : i32
      %dma_wait3A_1283 = tpu.memref_slice %arg12[%dma_wait3A_1280, %dma_wait3A_1281, %dma_wait3A_1282] : memref<8x32x128xf32, #tpu.memory_space<vmem>> -> memref<1x32x128xf32, #tpu.memory_space<vmem>>
      %dma_wait3A_1284 = tpu.memref_squeeze %dma_wait3A_1283 : memref<1x32x128xf32, #tpu.memory_space<vmem>> -> memref<32x128xf32, #tpu.memory_space<vmem>>
      %dma_wait3A_1285 = arith.constant 0 : i32
      %dma_wait3A_1286 = arith.constant 0 : i32
      %dma_wait3A_1287 = tpu.memref_slice %arg6[%dma_wait3A_1285, %dma_wait3A_1286] : memref<32x1000000xf32, #tpu.memory_space<hbm>> -> memref<32x128xf32, #tpu.memory_space<hbm>>
      %dma_wait3A_1288 = arith.constant 0 : i32
      %dma_wait3A_1289 = arith.constant 0 : i32
      %dma_wait3A_1290 = tpu.memref_slice %arg12[%dma_wait3A_1280, %dma_wait3A_1288, %dma_wait3A_1289] : memref<8x32x128xf32, #tpu.memory_space<vmem>> -> memref<1x32x128xf32, #tpu.memory_space<vmem>>
      %dma_wait3A_1291 = tpu.memref_squeeze %dma_wait3A_1290 : memref<1x32x128xf32, #tpu.memory_space<vmem>> -> memref<32x128xf32, #tpu.memory_space<vmem>>
      %dma_wait3A_1292 = arith.constant 0 : i32
      %dma_wait3A_1293 = arith.constant 0 : i32
      %dma_wait3A_1294 = tpu.memref_slice %arg6[%dma_wait3A_1292, %dma_wait3A_1293] : memref<32x1000000xf32, #tpu.memory_space<hbm>> -> memref<32x128xf32, #tpu.memory_space<hbm>>
      tpu.wait_dma2 semaphore(%arg17 : memref<!tpu.dma_semaphore, #tpu.memory_space<semaphore_mem>>) src(%dma_wait3A_1294 : memref<32x128xf32, #tpu.memory_space<hbm>>) dst(%dma_wait3A_1291 : memref<32x128xf32, #tpu.memory_space<vmem>>)
      %slice3A_1295 = vector.extract_strided_slice %get3A_980 {offsets = [4], sizes = [1], strides = [1]} : vector<16xi32> to vector<1xi32>
      %squeeze3A_1296 = vector.extract %slice3A_1295[0] : i32 from vector<1xi32>
      %and3A_1297 = arith.constant 127 : i32
      %and3A_1298 = arith.andi %squeeze3A_1296, %and3A_1297 : i32
      %broadcast_in_dim3A_1299 = arith.constant 0 : i32
      %broadcast_in_dim3A_1300 = vector.broadcast %broadcast_in_dim3A_1299 : i32 to vector<16xi32>
      %add3A_1301 = vector.broadcast %and3A_1298 : i32 to vector<16xi32>
      %add3A_1302 = arith.addi %add3A_1301, %broadcast_in_dim3A_1300 : vector<16xi32>
      %broadcast_in_dim3A_1303 = arith.constant 4 : i32
      %broadcast_in_dim3A_1304 = vector.broadcast %broadcast_in_dim3A_1303 : i32 to vector<16xi32>
      %broadcast_in_dim3A_1305 = arith.constant 0 : i32
      %broadcast_in_dim3A_1306 = vector.broadcast %broadcast_in_dim3A_1305 : i32 to vector<16xi32>
      %add3A_1307 = vector.broadcast %add3A_1279 : i32 to vector<16xi32>
      %add3A_1308 = arith.addi %broadcast_in_dim3A_1306, %add3A_1307 : vector<16xi32>
      %gather3A_1309 = tpu.vector_load_idx %arg12[%broadcast_in_dim3A_1304, %iota3A, %add3A_1302] : memref<8x32x128xf32, #tpu.memory_space<vmem>>[vector<16xi32>, vector<16xi32>, vector<16xi32>], vector<16xf32>,
      %add3A_1310 = arith.constant 16 : i32
      %add3A_1311 = vector.broadcast %add3A_1310 : i32 to vector<16xi32>
      %add3A_1312 = arith.addi %iota3A, %add3A_1311 : vector<16xi32>
      %gather3A_1313 = tpu.vector_load_idx %arg12[%broadcast_in_dim3A_1304, %add3A_1312, %add3A_1302] : memref<8x32x128xf32, #tpu.memory_space<vmem>>[vector<16xi32>, vector<16xi32>, vector<16xi32>], vector<16xf32>,
      tpu.vector_store_idx %arg13[%iota3A, %add3A_1308], %gather3A_1309 : memref<32x512xf32, #tpu.memory_space<vmem>>[vector<16xi32>, vector<16xi32>], vector<16xf32>,
      %add3A_1314 = arith.constant 16 : i32
      %add3A_1315 = vector.broadcast %add3A_1314 : i32 to vector<16xi32>
      %add3A_1316 = arith.addi %iota3A, %add3A_1315 : vector<16xi32>
      tpu.vector_store_idx %arg13[%add3A_1316, %add3A_1308], %gather3A_1313 : memref<32x512xf32, #tpu.memory_space<vmem>>[vector<16xi32>, vector<16xi32>], vector<16xf32>,
      %slice3A_1317 = vector.extract_strided_slice %get3A_980 {offsets = [12], sizes = [1], strides = [1]} : vector<16xi32> to vector<1xi32>
      %squeeze3A_1318 = vector.extract %slice3A_1317[0] : i32 from vector<1xi32>
      %shift_right_logical3A_1319 = arith.constant 7 : i32
      %shift_right_logical3A_1320 = arith.shrui %squeeze3A_1318, %shift_right_logical3A_1319 : i32
      %mul3A_1321 = arith.constant 128 : i32
      %mul3A_1322 = arith.muli %shift_right_logical3A_1320, %mul3A_1321 : i32
      %multiple_of3A_1323 = tpu.assume_multiple %mul3A_1322, 128 : i32
      %dma_start3A_1324 = arith.constant 4 : i32
      %dma_start3A_1325 = arith.constant 0 : i32
      %dma_start3A_1326 = arith.constant 0 : i32
      %dma_start3A_1327 = tpu.memref_slice %arg12[%dma_start3A_1324, %dma_start3A_1325, %dma_start3A_1326] : memref<8x32x128xf32, #tpu.memory_space<vmem>> -> memref<1x32x128xf32, #tpu.memory_space<vmem>>
      %dma_start3A_1328 = tpu.memref_squeeze %dma_start3A_1327 : memref<1x32x128xf32, #tpu.memory_space<vmem>> -> memref<32x128xf32, #tpu.memory_space<vmem>>
      %dma_start3A_1329 = arith.constant 0 : i32
      %dma_start3A_1330 = tpu.memref_slice %arg6[%dma_start3A_1329, %multiple_of3A_1323] : memref<32x1000000xf32, #tpu.memory_space<hbm>> -> memref<32x128xf32, #tpu.memory_space<hbm>>
      %dma_start3A_1331 = arith.constant 0 : i32
      %dma_start3A_1332 = arith.constant 0 : i32
      %dma_start3A_1333 = tpu.memref_slice %arg12[%dma_start3A_1324, %dma_start3A_1331, %dma_start3A_1332] : memref<8x32x128xf32, #tpu.memory_space<vmem>> -> memref<1x32x128xf32, #tpu.memory_space<vmem>>
      %dma_start3A_1334 = tpu.memref_squeeze %dma_start3A_1333 : memref<1x32x128xf32, #tpu.memory_space<vmem>> -> memref<32x128xf32, #tpu.memory_space<vmem>>
      %dma_start3A_1335 = arith.constant 0 : i32
      %dma_start3A_1336 = tpu.memref_slice %arg6[%dma_start3A_1335, %multiple_of3A_1323] : memref<32x1000000xf32, #tpu.memory_space<hbm>> -> memref<32x128xf32, #tpu.memory_space<hbm>>
      tpu.enqueue_dma source(%dma_start3A_1336 : memref<32x128xf32, #tpu.memory_space<hbm>>) target(%dma_start3A_1334 : memref<32x128xf32, #tpu.memory_space<vmem>>) target_semaphore(%arg17 : memref<!tpu.dma_semaphore, #tpu.memory_space<semaphore_mem>>)
      %mul3A_1337 = arith.constant 16 : i32
      %mul3A_1338 = arith.muli %scan3A_359, %mul3A_1337 : i32
      %add3A_1339 = arith.constant 5 : i32
      %add3A_1340 = arith.addi %mul3A_1338, %add3A_1339 : i32
      %dma_wait3A_1341 = arith.constant 5 : i32
      %dma_wait3A_1342 = arith.constant 0 : i32
      %dma_wait3A_1343 = arith.constant 0 : i32
      %dma_wait3A_1344 = tpu.memref_slice %arg12[%dma_wait3A_1341, %dma_wait3A_1342, %dma_wait3A_1343] : memref<8x32x128xf32, #tpu.memory_space<vmem>> -> memref<1x32x128xf32, #tpu.memory_space<vmem>>
      %dma_wait3A_1345 = tpu.memref_squeeze %dma_wait3A_1344 : memref<1x32x128xf32, #tpu.memory_space<vmem>> -> memref<32x128xf32, #tpu.memory_space<vmem>>
      %dma_wait3A_1346 = arith.constant 0 : i32
      %dma_wait3A_1347 = arith.constant 0 : i32
      %dma_wait3A_1348 = tpu.memref_slice %arg6[%dma_wait3A_1346, %dma_wait3A_1347] : memref<32x1000000xf32, #tpu.memory_space<hbm>> -> memref<32x128xf32, #tpu.memory_space<hbm>>
      %dma_wait3A_1349 = arith.constant 0 : i32
      %dma_wait3A_1350 = arith.constant 0 : i32
      %dma_wait3A_1351 = tpu.memref_slice %arg12[%dma_wait3A_1341, %dma_wait3A_1349, %dma_wait3A_1350] : memref<8x32x128xf32, #tpu.memory_space<vmem>> -> memref<1x32x128xf32, #tpu.memory_space<vmem>>
      %dma_wait3A_1352 = tpu.memref_squeeze %dma_wait3A_1351 : memref<1x32x128xf32, #tpu.memory_space<vmem>> -> memref<32x128xf32, #tpu.memory_space<vmem>>
      %dma_wait3A_1353 = arith.constant 0 : i32
      %dma_wait3A_1354 = arith.constant 0 : i32
      %dma_wait3A_1355 = tpu.memref_slice %arg6[%dma_wait3A_1353, %dma_wait3A_1354] : memref<32x1000000xf32, #tpu.memory_space<hbm>> -> memref<32x128xf32, #tpu.memory_space<hbm>>
      tpu.wait_dma2 semaphore(%arg17 : memref<!tpu.dma_semaphore, #tpu.memory_space<semaphore_mem>>) src(%dma_wait3A_1355 : memref<32x128xf32, #tpu.memory_space<hbm>>) dst(%dma_wait3A_1352 : memref<32x128xf32, #tpu.memory_space<vmem>>)
      %slice3A_1356 = vector.extract_strided_slice %get3A_980 {offsets = [5], sizes = [1], strides = [1]} : vector<16xi32> to vector<1xi32>
      %squeeze3A_1357 = vector.extract %slice3A_1356[0] : i32 from vector<1xi32>
      %and3A_1358 = arith.constant 127 : i32
      %and3A_1359 = arith.andi %squeeze3A_1357, %and3A_1358 : i32
      %broadcast_in_dim3A_1360 = arith.constant 0 : i32
      %broadcast_in_dim3A_1361 = vector.broadcast %broadcast_in_dim3A_1360 : i32 to vector<16xi32>
      %add3A_1362 = vector.broadcast %and3A_1359 : i32 to vector<16xi32>
      %add3A_1363 = arith.addi %add3A_1362, %broadcast_in_dim3A_1361 : vector<16xi32>
      %broadcast_in_dim3A_1364 = arith.constant 5 : i32
      %broadcast_in_dim3A_1365 = vector.broadcast %broadcast_in_dim3A_1364 : i32 to vector<16xi32>
      %broadcast_in_dim3A_1366 = arith.constant 0 : i32
      %broadcast_in_dim3A_1367 = vector.broadcast %broadcast_in_dim3A_1366 : i32 to vector<16xi32>
      %add3A_1368 = vector.broadcast %add3A_1340 : i32 to vector<16xi32>
      %add3A_1369 = arith.addi %broadcast_in_dim3A_1367, %add3A_1368 : vector<16xi32>
      %gather3A_1370 = tpu.vector_load_idx %arg12[%broadcast_in_dim3A_1365, %iota3A, %add3A_1363] : memref<8x32x128xf32, #tpu.memory_space<vmem>>[vector<16xi32>, vector<16xi32>, vector<16xi32>], vector<16xf32>,
      %add3A_1371 = arith.constant 16 : i32
      %add3A_1372 = vector.broadcast %add3A_1371 : i32 to vector<16xi32>
      %add3A_1373 = arith.addi %iota3A, %add3A_1372 : vector<16xi32>
      %gather3A_1374 = tpu.vector_load_idx %arg12[%broadcast_in_dim3A_1365, %add3A_1373, %add3A_1363] : memref<8x32x128xf32, #tpu.memory_space<vmem>>[vector<16xi32>, vector<16xi32>, vector<16xi32>], vector<16xf32>,
      tpu.vector_store_idx %arg13[%iota3A, %add3A_1369], %gather3A_1370 : memref<32x512xf32, #tpu.memory_space<vmem>>[vector<16xi32>, vector<16xi32>], vector<16xf32>,
      %add3A_1375 = arith.constant 16 : i32
      %add3A_1376 = vector.broadcast %add3A_1375 : i32 to vector<16xi32>
      %add3A_1377 = arith.addi %iota3A, %add3A_1376 : vector<16xi32>
      tpu.vector_store_idx %arg13[%add3A_1377, %add3A_1369], %gather3A_1374 : memref<32x512xf32, #tpu.memory_space<vmem>>[vector<16xi32>, vector<16xi32>], vector<16xf32>,
      %slice3A_1378 = vector.extract_strided_slice %get3A_980 {offsets = [13], sizes = [1], strides = [1]} : vector<16xi32> to vector<1xi32>
      %squeeze3A_1379 = vector.extract %slice3A_1378[0] : i32 from vector<1xi32>
      %shift_right_logical3A_1380 = arith.constant 7 : i32
      %shift_right_logical3A_1381 = arith.shrui %squeeze3A_1379, %shift_right_logical3A_1380 : i32
      %mul3A_1382 = arith.constant 128 : i32
      %mul3A_1383 = arith.muli %shift_right_logical3A_1381, %mul3A_1382 : i32
      %multiple_of3A_1384 = tpu.assume_multiple %mul3A_1383, 128 : i32
      %dma_start3A_1385 = arith.constant 5 : i32
      %dma_start3A_1386 = arith.constant 0 : i32
      %dma_start3A_1387 = arith.constant 0 : i32
      %dma_start3A_1388 = tpu.memref_slice %arg12[%dma_start3A_1385, %dma_start3A_1386, %dma_start3A_1387] : memref<8x32x128xf32, #tpu.memory_space<vmem>> -> memref<1x32x128xf32, #tpu.memory_space<vmem>>
      %dma_start3A_1389 = tpu.memref_squeeze %dma_start3A_1388 : memref<1x32x128xf32, #tpu.memory_space<vmem>> -> memref<32x128xf32, #tpu.memory_space<vmem>>
      %dma_start3A_1390 = arith.constant 0 : i32
      %dma_start3A_1391 = tpu.memref_slice %arg6[%dma_start3A_1390, %multiple_of3A_1384] : memref<32x1000000xf32, #tpu.memory_space<hbm>> -> memref<32x128xf32, #tpu.memory_space<hbm>>
      %dma_start3A_1392 = arith.constant 0 : i32
      %dma_start3A_1393 = arith.constant 0 : i32
      %dma_start3A_1394 = tpu.memref_slice %arg12[%dma_start3A_1385, %dma_start3A_1392, %dma_start3A_1393] : memref<8x32x128xf32, #tpu.memory_space<vmem>> -> memref<1x32x128xf32, #tpu.memory_space<vmem>>
      %dma_start3A_1395 = tpu.memref_squeeze %dma_start3A_1394 : memref<1x32x128xf32, #tpu.memory_space<vmem>> -> memref<32x128xf32, #tpu.memory_space<vmem>>
      %dma_start3A_1396 = arith.constant 0 : i32
      %dma_start3A_1397 = tpu.memref_slice %arg6[%dma_start3A_1396, %multiple_of3A_1384] : memref<32x1000000xf32, #tpu.memory_space<hbm>> -> memref<32x128xf32, #tpu.memory_space<hbm>>
      tpu.enqueue_dma source(%dma_start3A_1397 : memref<32x128xf32, #tpu.memory_space<hbm>>) target(%dma_start3A_1395 : memref<32x128xf32, #tpu.memory_space<vmem>>) target_semaphore(%arg17 : memref<!tpu.dma_semaphore, #tpu.memory_space<semaphore_mem>>)
      %mul3A_1398 = arith.constant 16 : i32
      %mul3A_1399 = arith.muli %scan3A_359, %mul3A_1398 : i32
      %add3A_1400 = arith.constant 6 : i32
      %add3A_1401 = arith.addi %mul3A_1399, %add3A_1400 : i32
      %dma_wait3A_1402 = arith.constant 6 : i32
      %dma_wait3A_1403 = arith.constant 0 : i32
      %dma_wait3A_1404 = arith.constant 0 : i32
      %dma_wait3A_1405 = tpu.memref_slice %arg12[%dma_wait3A_1402, %dma_wait3A_1403, %dma_wait3A_1404] : memref<8x32x128xf32, #tpu.memory_space<vmem>> -> memref<1x32x128xf32, #tpu.memory_space<vmem>>
      %dma_wait3A_1406 = tpu.memref_squeeze %dma_wait3A_1405 : memref<1x32x128xf32, #tpu.memory_space<vmem>> -> memref<32x128xf32, #tpu.memory_space<vmem>>
      %dma_wait3A_1407 = arith.constant 0 : i32
      %dma_wait3A_1408 = arith.constant 0 : i32
      %dma_wait3A_1409 = tpu.memref_slice %arg6[%dma_wait3A_1407, %dma_wait3A_1408] : memref<32x1000000xf32, #tpu.memory_space<hbm>> -> memref<32x128xf32, #tpu.memory_space<hbm>>
      %dma_wait3A_1410 = arith.constant 0 : i32
      %dma_wait3A_1411 = arith.constant 0 : i32
      %dma_wait3A_1412 = tpu.memref_slice %arg12[%dma_wait3A_1402, %dma_wait3A_1410, %dma_wait3A_1411] : memref<8x32x128xf32, #tpu.memory_space<vmem>> -> memref<1x32x128xf32, #tpu.memory_space<vmem>>
      %dma_wait3A_1413 = tpu.memref_squeeze %dma_wait3A_1412 : memref<1x32x128xf32, #tpu.memory_space<vmem>> -> memref<32x128xf32, #tpu.memory_space<vmem>>
      %dma_wait3A_1414 = arith.constant 0 : i32
      %dma_wait3A_1415 = arith.constant 0 : i32
      %dma_wait3A_1416 = tpu.memref_slice %arg6[%dma_wait3A_1414, %dma_wait3A_1415] : memref<32x1000000xf32, #tpu.memory_space<hbm>> -> memref<32x128xf32, #tpu.memory_space<hbm>>
      tpu.wait_dma2 semaphore(%arg17 : memref<!tpu.dma_semaphore, #tpu.memory_space<semaphore_mem>>) src(%dma_wait3A_1416 : memref<32x128xf32, #tpu.memory_space<hbm>>) dst(%dma_wait3A_1413 : memref<32x128xf32, #tpu.memory_space<vmem>>)
      %slice3A_1417 = vector.extract_strided_slice %get3A_980 {offsets = [6], sizes = [1], strides = [1]} : vector<16xi32> to vector<1xi32>
      %squeeze3A_1418 = vector.extract %slice3A_1417[0] : i32 from vector<1xi32>
      %and3A_1419 = arith.constant 127 : i32
      %and3A_1420 = arith.andi %squeeze3A_1418, %and3A_1419 : i32
      %broadcast_in_dim3A_1421 = arith.constant 0 : i32
      %broadcast_in_dim3A_1422 = vector.broadcast %broadcast_in_dim3A_1421 : i32 to vector<16xi32>
      %add3A_1423 = vector.broadcast %and3A_1420 : i32 to vector<16xi32>
      %add3A_1424 = arith.addi %add3A_1423, %broadcast_in_dim3A_1422 : vector<16xi32>
      %broadcast_in_dim3A_1425 = arith.constant 6 : i32
      %broadcast_in_dim3A_1426 = vector.broadcast %broadcast_in_dim3A_1425 : i32 to vector<16xi32>
      %broadcast_in_dim3A_1427 = arith.constant 0 : i32
      %broadcast_in_dim3A_1428 = vector.broadcast %broadcast_in_dim3A_1427 : i32 to vector<16xi32>
      %add3A_1429 = vector.broadcast %add3A_1401 : i32 to vector<16xi32>
      %add3A_1430 = arith.addi %broadcast_in_dim3A_1428, %add3A_1429 : vector<16xi32>
      %gather3A_1431 = tpu.vector_load_idx %arg12[%broadcast_in_dim3A_1426, %iota3A, %add3A_1424] : memref<8x32x128xf32, #tpu.memory_space<vmem>>[vector<16xi32>, vector<16xi32>, vector<16xi32>], vector<16xf32>,
      %add3A_1432 = arith.constant 16 : i32
      %add3A_1433 = vector.broadcast %add3A_1432 : i32 to vector<16xi32>
      %add3A_1434 = arith.addi %iota3A, %add3A_1433 : vector<16xi32>
      %gather3A_1435 = tpu.vector_load_idx %arg12[%broadcast_in_dim3A_1426, %add3A_1434, %add3A_1424] : memref<8x32x128xf32, #tpu.memory_space<vmem>>[vector<16xi32>, vector<16xi32>, vector<16xi32>], vector<16xf32>,
      tpu.vector_store_idx %arg13[%iota3A, %add3A_1430], %gather3A_1431 : memref<32x512xf32, #tpu.memory_space<vmem>>[vector<16xi32>, vector<16xi32>], vector<16xf32>,
      %add3A_1436 = arith.constant 16 : i32
      %add3A_1437 = vector.broadcast %add3A_1436 : i32 to vector<16xi32>
      %add3A_1438 = arith.addi %iota3A, %add3A_1437 : vector<16xi32>
      tpu.vector_store_idx %arg13[%add3A_1438, %add3A_1430], %gather3A_1435 : memref<32x512xf32, #tpu.memory_space<vmem>>[vector<16xi32>, vector<16xi32>], vector<16xf32>,
      %slice3A_1439 = vector.extract_strided_slice %get3A_980 {offsets = [14], sizes = [1], strides = [1]} : vector<16xi32> to vector<1xi32>
      %squeeze3A_1440 = vector.extract %slice3A_1439[0] : i32 from vector<1xi32>
      %shift_right_logical3A_1441 = arith.constant 7 : i32
      %shift_right_logical3A_1442 = arith.shrui %squeeze3A_1440, %shift_right_logical3A_1441 : i32
      %mul3A_1443 = arith.constant 128 : i32
      %mul3A_1444 = arith.muli %shift_right_logical3A_1442, %mul3A_1443 : i32
      %multiple_of3A_1445 = tpu.assume_multiple %mul3A_1444, 128 : i32
      %dma_start3A_1446 = arith.constant 6 : i32
      %dma_start3A_1447 = arith.constant 0 : i32
      %dma_start3A_1448 = arith.constant 0 : i32
      %dma_start3A_1449 = tpu.memref_slice %arg12[%dma_start3A_1446, %dma_start3A_1447, %dma_start3A_1448] : memref<8x32x128xf32, #tpu.memory_space<vmem>> -> memref<1x32x128xf32, #tpu.memory_space<vmem>>
      %dma_start3A_1450 = tpu.memref_squeeze %dma_start3A_1449 : memref<1x32x128xf32, #tpu.memory_space<vmem>> -> memref<32x128xf32, #tpu.memory_space<vmem>>
      %dma_start3A_1451 = arith.constant 0 : i32
      %dma_start3A_1452 = tpu.memref_slice %arg6[%dma_start3A_1451, %multiple_of3A_1445] : memref<32x1000000xf32, #tpu.memory_space<hbm>> -> memref<32x128xf32, #tpu.memory_space<hbm>>
      %dma_start3A_1453 = arith.constant 0 : i32
      %dma_start3A_1454 = arith.constant 0 : i32
      %dma_start3A_1455 = tpu.memref_slice %arg12[%dma_start3A_1446, %dma_start3A_1453, %dma_start3A_1454] : memref<8x32x128xf32, #tpu.memory_space<vmem>> -> memref<1x32x128xf32, #tpu.memory_space<vmem>>
      %dma_start3A_1456 = tpu.memref_squeeze %dma_start3A_1455 : memref<1x32x128xf32, #tpu.memory_space<vmem>> -> memref<32x128xf32, #tpu.memory_space<vmem>>
      %dma_start3A_1457 = arith.constant 0 : i32
      %dma_start3A_1458 = tpu.memref_slice %arg6[%dma_start3A_1457, %multiple_of3A_1445] : memref<32x1000000xf32, #tpu.memory_space<hbm>> -> memref<32x128xf32, #tpu.memory_space<hbm>>
      tpu.enqueue_dma source(%dma_start3A_1458 : memref<32x128xf32, #tpu.memory_space<hbm>>) target(%dma_start3A_1456 : memref<32x128xf32, #tpu.memory_space<vmem>>) target_semaphore(%arg17 : memref<!tpu.dma_semaphore, #tpu.memory_space<semaphore_mem>>)
      %mul3A_1459 = arith.constant 16 : i32
      %mul3A_1460 = arith.muli %scan3A_359, %mul3A_1459 : i32
      %add3A_1461 = arith.constant 7 : i32
      %add3A_1462 = arith.addi %mul3A_1460, %add3A_1461 : i32
      %dma_wait3A_1463 = arith.constant 7 : i32
      %dma_wait3A_1464 = arith.constant 0 : i32
      %dma_wait3A_1465 = arith.constant 0 : i32
      %dma_wait3A_1466 = tpu.memref_slice %arg12[%dma_wait3A_1463, %dma_wait3A_1464, %dma_wait3A_1465] : memref<8x32x128xf32, #tpu.memory_space<vmem>> -> memref<1x32x128xf32, #tpu.memory_space<vmem>>
      %dma_wait3A_1467 = tpu.memref_squeeze %dma_wait3A_1466 : memref<1x32x128xf32, #tpu.memory_space<vmem>> -> memref<32x128xf32, #tpu.memory_space<vmem>>
      %dma_wait3A_1468 = arith.constant 0 : i32
      %dma_wait3A_1469 = arith.constant 0 : i32
      %dma_wait3A_1470 = tpu.memref_slice %arg6[%dma_wait3A_1468, %dma_wait3A_1469] : memref<32x1000000xf32, #tpu.memory_space<hbm>> -> memref<32x128xf32, #tpu.memory_space<hbm>>
      %dma_wait3A_1471 = arith.constant 0 : i32
      %dma_wait3A_1472 = arith.constant 0 : i32
      %dma_wait3A_1473 = tpu.memref_slice %arg12[%dma_wait3A_1463, %dma_wait3A_1471, %dma_wait3A_1472] : memref<8x32x128xf32, #tpu.memory_space<vmem>> -> memref<1x32x128xf32, #tpu.memory_space<vmem>>
      %dma_wait3A_1474 = tpu.memref_squeeze %dma_wait3A_1473 : memref<1x32x128xf32, #tpu.memory_space<vmem>> -> memref<32x128xf32, #tpu.memory_space<vmem>>
      %dma_wait3A_1475 = arith.constant 0 : i32
      %dma_wait3A_1476 = arith.constant 0 : i32
      %dma_wait3A_1477 = tpu.memref_slice %arg6[%dma_wait3A_1475, %dma_wait3A_1476] : memref<32x1000000xf32, #tpu.memory_space<hbm>> -> memref<32x128xf32, #tpu.memory_space<hbm>>
      tpu.wait_dma2 semaphore(%arg17 : memref<!tpu.dma_semaphore, #tpu.memory_space<semaphore_mem>>) src(%dma_wait3A_1477 : memref<32x128xf32, #tpu.memory_space<hbm>>) dst(%dma_wait3A_1474 : memref<32x128xf32, #tpu.memory_space<vmem>>)
      %slice3A_1478 = vector.extract_strided_slice %get3A_980 {offsets = [7], sizes = [1], strides = [1]} : vector<16xi32> to vector<1xi32>
      %squeeze3A_1479 = vector.extract %slice3A_1478[0] : i32 from vector<1xi32>
      %and3A_1480 = arith.constant 127 : i32
      %and3A_1481 = arith.andi %squeeze3A_1479, %and3A_1480 : i32
      %broadcast_in_dim3A_1482 = arith.constant 0 : i32
      %broadcast_in_dim3A_1483 = vector.broadcast %broadcast_in_dim3A_1482 : i32 to vector<16xi32>
      %add3A_1484 = vector.broadcast %and3A_1481 : i32 to vector<16xi32>
      %add3A_1485 = arith.addi %add3A_1484, %broadcast_in_dim3A_1483 : vector<16xi32>
      %broadcast_in_dim3A_1486 = arith.constant 7 : i32
      %broadcast_in_dim3A_1487 = vector.broadcast %broadcast_in_dim3A_1486 : i32 to vector<16xi32>
      %broadcast_in_dim3A_1488 = arith.constant 0 : i32
      %broadcast_in_dim3A_1489 = vector.broadcast %broadcast_in_dim3A_1488 : i32 to vector<16xi32>
      %add3A_1490 = vector.broadcast %add3A_1462 : i32 to vector<16xi32>
      %add3A_1491 = arith.addi %broadcast_in_dim3A_1489, %add3A_1490 : vector<16xi32>
      %gather3A_1492 = tpu.vector_load_idx %arg12[%broadcast_in_dim3A_1487, %iota3A, %add3A_1485] : memref<8x32x128xf32, #tpu.memory_space<vmem>>[vector<16xi32>, vector<16xi32>, vector<16xi32>], vector<16xf32>,
      %add3A_1493 = arith.constant 16 : i32
      %add3A_1494 = vector.broadcast %add3A_1493 : i32 to vector<16xi32>
      %add3A_1495 = arith.addi %iota3A, %add3A_1494 : vector<16xi32>
      %gather3A_1496 = tpu.vector_load_idx %arg12[%broadcast_in_dim3A_1487, %add3A_1495, %add3A_1485] : memref<8x32x128xf32, #tpu.memory_space<vmem>>[vector<16xi32>, vector<16xi32>, vector<16xi32>], vector<16xf32>,
      tpu.vector_store_idx %arg13[%iota3A, %add3A_1491], %gather3A_1492 : memref<32x512xf32, #tpu.memory_space<vmem>>[vector<16xi32>, vector<16xi32>], vector<16xf32>,
      %add3A_1497 = arith.constant 16 : i32
      %add3A_1498 = vector.broadcast %add3A_1497 : i32 to vector<16xi32>
      %add3A_1499 = arith.addi %iota3A, %add3A_1498 : vector<16xi32>
      tpu.vector_store_idx %arg13[%add3A_1499, %add3A_1491], %gather3A_1496 : memref<32x512xf32, #tpu.memory_space<vmem>>[vector<16xi32>, vector<16xi32>], vector<16xf32>,
      %slice3A_1500 = vector.extract_strided_slice %get3A_980 {offsets = [15], sizes = [1], strides = [1]} : vector<16xi32> to vector<1xi32>
      %squeeze3A_1501 = vector.extract %slice3A_1500[0] : i32 from vector<1xi32>
      %shift_right_logical3A_1502 = arith.constant 7 : i32
      %shift_right_logical3A_1503 = arith.shrui %squeeze3A_1501, %shift_right_logical3A_1502 : i32
      %mul3A_1504 = arith.constant 128 : i32
      %mul3A_1505 = arith.muli %shift_right_logical3A_1503, %mul3A_1504 : i32
      %multiple_of3A_1506 = tpu.assume_multiple %mul3A_1505, 128 : i32
      %dma_start3A_1507 = arith.constant 7 : i32
      %dma_start3A_1508 = arith.constant 0 : i32
      %dma_start3A_1509 = arith.constant 0 : i32
      %dma_start3A_1510 = tpu.memref_slice %arg12[%dma_start3A_1507, %dma_start3A_1508, %dma_start3A_1509] : memref<8x32x128xf32, #tpu.memory_space<vmem>> -> memref<1x32x128xf32, #tpu.memory_space<vmem>>
      %dma_start3A_1511 = tpu.memref_squeeze %dma_start3A_1510 : memref<1x32x128xf32, #tpu.memory_space<vmem>> -> memref<32x128xf32, #tpu.memory_space<vmem>>
      %dma_start3A_1512 = arith.constant 0 : i32
      %dma_start3A_1513 = tpu.memref_slice %arg6[%dma_start3A_1512, %multiple_of3A_1506] : memref<32x1000000xf32, #tpu.memory_space<hbm>> -> memref<32x128xf32, #tpu.memory_space<hbm>>
      %dma_start3A_1514 = arith.constant 0 : i32
      %dma_start3A_1515 = arith.constant 0 : i32
      %dma_start3A_1516 = tpu.memref_slice %arg12[%dma_start3A_1507, %dma_start3A_1514, %dma_start3A_1515] : memref<8x32x128xf32, #tpu.memory_space<vmem>> -> memref<1x32x128xf32, #tpu.memory_space<vmem>>
      %dma_start3A_1517 = tpu.memref_squeeze %dma_start3A_1516 : memref<1x32x128xf32, #tpu.memory_space<vmem>> -> memref<32x128xf32, #tpu.memory_space<vmem>>
      %dma_start3A_1518 = arith.constant 0 : i32
      %dma_start3A_1519 = tpu.memref_slice %arg6[%dma_start3A_1518, %multiple_of3A_1506] : memref<32x1000000xf32, #tpu.memory_space<hbm>> -> memref<32x128xf32, #tpu.memory_space<hbm>>
      tpu.enqueue_dma source(%dma_start3A_1519 : memref<32x128xf32, #tpu.memory_space<hbm>>) target(%dma_start3A_1517 : memref<32x128xf32, #tpu.memory_space<vmem>>) target_semaphore(%arg17 : memref<!tpu.dma_semaphore, #tpu.memory_space<semaphore_mem>>)
      %mul3A_1520 = arith.constant 16 : i32
      %mul3A_1521 = arith.muli %scan3A_359, %mul3A_1520 : i32
      %add3A_1522 = arith.constant 8 : i32
      %add3A_1523 = arith.addi %mul3A_1521, %add3A_1522 : i32
      %dma_wait3A_1524 = arith.constant 0 : i32
      %dma_wait3A_1525 = arith.constant 0 : i32
      %dma_wait3A_1526 = arith.constant 0 : i32
      %dma_wait3A_1527 = tpu.memref_slice %arg12[%dma_wait3A_1524, %dma_wait3A_1525, %dma_wait3A_1526] : memref<8x32x128xf32, #tpu.memory_space<vmem>> -> memref<1x32x128xf32, #tpu.memory_space<vmem>>
      %dma_wait3A_1528 = tpu.memref_squeeze %dma_wait3A_1527 : memref<1x32x128xf32, #tpu.memory_space<vmem>> -> memref<32x128xf32, #tpu.memory_space<vmem>>
      %dma_wait3A_1529 = arith.constant 0 : i32
      %dma_wait3A_1530 = arith.constant 0 : i32
      %dma_wait3A_1531 = tpu.memref_slice %arg6[%dma_wait3A_1529, %dma_wait3A_1530] : memref<32x1000000xf32, #tpu.memory_space<hbm>> -> memref<32x128xf32, #tpu.memory_space<hbm>>
      %dma_wait3A_1532 = arith.constant 0 : i32
      %dma_wait3A_1533 = arith.constant 0 : i32
      %dma_wait3A_1534 = tpu.memref_slice %arg12[%dma_wait3A_1524, %dma_wait3A_1532, %dma_wait3A_1533] : memref<8x32x128xf32, #tpu.memory_space<vmem>> -> memref<1x32x128xf32, #tpu.memory_space<vmem>>
      %dma_wait3A_1535 = tpu.memref_squeeze %dma_wait3A_1534 : memref<1x32x128xf32, #tpu.memory_space<vmem>> -> memref<32x128xf32, #tpu.memory_space<vmem>>
      %dma_wait3A_1536 = arith.constant 0 : i32
      %dma_wait3A_1537 = arith.constant 0 : i32
      %dma_wait3A_1538 = tpu.memref_slice %arg6[%dma_wait3A_1536, %dma_wait3A_1537] : memref<32x1000000xf32, #tpu.memory_space<hbm>> -> memref<32x128xf32, #tpu.memory_space<hbm>>
      tpu.wait_dma2 semaphore(%arg17 : memref<!tpu.dma_semaphore, #tpu.memory_space<semaphore_mem>>) src(%dma_wait3A_1538 : memref<32x128xf32, #tpu.memory_space<hbm>>) dst(%dma_wait3A_1535 : memref<32x128xf32, #tpu.memory_space<vmem>>)
      %slice3A_1539 = vector.extract_strided_slice %get3A_980 {offsets = [8], sizes = [1], strides = [1]} : vector<16xi32> to vector<1xi32>
      %squeeze3A_1540 = vector.extract %slice3A_1539[0] : i32 from vector<1xi32>
      %and3A_1541 = arith.constant 127 : i32
      %and3A_1542 = arith.andi %squeeze3A_1540, %and3A_1541 : i32
      %broadcast_in_dim3A_1543 = arith.constant 0 : i32
      %broadcast_in_dim3A_1544 = vector.broadcast %broadcast_in_dim3A_1543 : i32 to vector<16xi32>
      %add3A_1545 = vector.broadcast %and3A_1542 : i32 to vector<16xi32>
      %add3A_1546 = arith.addi %add3A_1545, %broadcast_in_dim3A_1544 : vector<16xi32>
      %broadcast_in_dim3A_1547 = arith.constant 0 : i32
      %broadcast_in_dim3A_1548 = vector.broadcast %broadcast_in_dim3A_1547 : i32 to vector<16xi32>
      %broadcast_in_dim3A_1549 = arith.constant 0 : i32
      %broadcast_in_dim3A_1550 = vector.broadcast %broadcast_in_dim3A_1549 : i32 to vector<16xi32>
      %add3A_1551 = vector.broadcast %add3A_1523 : i32 to vector<16xi32>
      %add3A_1552 = arith.addi %broadcast_in_dim3A_1550, %add3A_1551 : vector<16xi32>
      %gather3A_1553 = tpu.vector_load_idx %arg12[%broadcast_in_dim3A_1548, %iota3A, %add3A_1546] : memref<8x32x128xf32, #tpu.memory_space<vmem>>[vector<16xi32>, vector<16xi32>, vector<16xi32>], vector<16xf32>,
      %add3A_1554 = arith.constant 16 : i32
      %add3A_1555 = vector.broadcast %add3A_1554 : i32 to vector<16xi32>
      %add3A_1556 = arith.addi %iota3A, %add3A_1555 : vector<16xi32>
      %gather3A_1557 = tpu.vector_load_idx %arg12[%broadcast_in_dim3A_1548, %add3A_1556, %add3A_1546] : memref<8x32x128xf32, #tpu.memory_space<vmem>>[vector<16xi32>, vector<16xi32>, vector<16xi32>], vector<16xf32>,
      tpu.vector_store_idx %arg13[%iota3A, %add3A_1552], %gather3A_1553 : memref<32x512xf32, #tpu.memory_space<vmem>>[vector<16xi32>, vector<16xi32>], vector<16xf32>,
      %add3A_1558 = arith.constant 16 : i32
      %add3A_1559 = vector.broadcast %add3A_1558 : i32 to vector<16xi32>
      %add3A_1560 = arith.addi %iota3A, %add3A_1559 : vector<16xi32>
      tpu.vector_store_idx %arg13[%add3A_1560, %add3A_1552], %gather3A_1557 : memref<32x512xf32, #tpu.memory_space<vmem>>[vector<16xi32>, vector<16xi32>], vector<16xf32>,
      %slice3A_1561 = vector.extract_strided_slice %get3A_1032 {offsets = [0], sizes = [1], strides = [1]} : vector<16xi32> to vector<1xi32>
      %squeeze3A_1562 = vector.extract %slice3A_1561[0] : i32 from vector<1xi32>
      %shift_right_logical3A_1563 = arith.constant 7 : i32
      %shift_right_logical3A_1564 = arith.shrui %squeeze3A_1562, %shift_right_logical3A_1563 : i32
      %mul3A_1565 = arith.constant 128 : i32
      %mul3A_1566 = arith.muli %shift_right_logical3A_1564, %mul3A_1565 : i32
      %multiple_of3A_1567 = tpu.assume_multiple %mul3A_1566, 128 : i32
      %dma_start3A_1568 = arith.constant 0 : i32
      %dma_start3A_1569 = arith.constant 0 : i32
      %dma_start3A_1570 = arith.constant 0 : i32
      %dma_start3A_1571 = tpu.memref_slice %arg12[%dma_start3A_1568, %dma_start3A_1569, %dma_start3A_1570] : memref<8x32x128xf32, #tpu.memory_space<vmem>> -> memref<1x32x128xf32, #tpu.memory_space<vmem>>
      %dma_start3A_1572 = tpu.memref_squeeze %dma_start3A_1571 : memref<1x32x128xf32, #tpu.memory_space<vmem>> -> memref<32x128xf32, #tpu.memory_space<vmem>>
      %dma_start3A_1573 = arith.constant 0 : i32
      %dma_start3A_1574 = tpu.memref_slice %arg6[%dma_start3A_1573, %multiple_of3A_1567] : memref<32x1000000xf32, #tpu.memory_space<hbm>> -> memref<32x128xf32, #tpu.memory_space<hbm>>
      %dma_start3A_1575 = arith.constant 0 : i32
      %dma_start3A_1576 = arith.constant 0 : i32
      %dma_start3A_1577 = tpu.memref_slice %arg12[%dma_start3A_1568, %dma_start3A_1575, %dma_start3A_1576] : memref<8x32x128xf32, #tpu.memory_space<vmem>> -> memref<1x32x128xf32, #tpu.memory_space<vmem>>
      %dma_start3A_1578 = tpu.memref_squeeze %dma_start3A_1577 : memref<1x32x128xf32, #tpu.memory_space<vmem>> -> memref<32x128xf32, #tpu.memory_space<vmem>>
      %dma_start3A_1579 = arith.constant 0 : i32
      %dma_start3A_1580 = tpu.memref_slice %arg6[%dma_start3A_1579, %multiple_of3A_1567] : memref<32x1000000xf32, #tpu.memory_space<hbm>> -> memref<32x128xf32, #tpu.memory_space<hbm>>
      tpu.enqueue_dma source(%dma_start3A_1580 : memref<32x128xf32, #tpu.memory_space<hbm>>) target(%dma_start3A_1578 : memref<32x128xf32, #tpu.memory_space<vmem>>) target_semaphore(%arg17 : memref<!tpu.dma_semaphore, #tpu.memory_space<semaphore_mem>>)
      %mul3A_1581 = arith.constant 16 : i32
      %mul3A_1582 = arith.muli %scan3A_359, %mul3A_1581 : i32
      %add3A_1583 = arith.constant 9 : i32
      %add3A_1584 = arith.addi %mul3A_1582, %add3A_1583 : i32
      %dma_wait3A_1585 = arith.constant 1 : i32
      %dma_wait3A_1586 = arith.constant 0 : i32
      %dma_wait3A_1587 = arith.constant 0 : i32
      %dma_wait3A_1588 = tpu.memref_slice %arg12[%dma_wait3A_1585, %dma_wait3A_1586, %dma_wait3A_1587] : memref<8x32x128xf32, #tpu.memory_space<vmem>> -> memref<1x32x128xf32, #tpu.memory_space<vmem>>
      %dma_wait3A_1589 = tpu.memref_squeeze %dma_wait3A_1588 : memref<1x32x128xf32, #tpu.memory_space<vmem>> -> memref<32x128xf32, #tpu.memory_space<vmem>>
      %dma_wait3A_1590 = arith.constant 0 : i32
      %dma_wait3A_1591 = arith.constant 0 : i32
      %dma_wait3A_1592 = tpu.memref_slice %arg6[%dma_wait3A_1590, %dma_wait3A_1591] : memref<32x1000000xf32, #tpu.memory_space<hbm>> -> memref<32x128xf32, #tpu.memory_space<hbm>>
      %dma_wait3A_1593 = arith.constant 0 : i32
      %dma_wait3A_1594 = arith.constant 0 : i32
      %dma_wait3A_1595 = tpu.memref_slice %arg12[%dma_wait3A_1585, %dma_wait3A_1593, %dma_wait3A_1594] : memref<8x32x128xf32, #tpu.memory_space<vmem>> -> memref<1x32x128xf32, #tpu.memory_space<vmem>>
      %dma_wait3A_1596 = tpu.memref_squeeze %dma_wait3A_1595 : memref<1x32x128xf32, #tpu.memory_space<vmem>> -> memref<32x128xf32, #tpu.memory_space<vmem>>
      %dma_wait3A_1597 = arith.constant 0 : i32
      %dma_wait3A_1598 = arith.constant 0 : i32
      %dma_wait3A_1599 = tpu.memref_slice %arg6[%dma_wait3A_1597, %dma_wait3A_1598] : memref<32x1000000xf32, #tpu.memory_space<hbm>> -> memref<32x128xf32, #tpu.memory_space<hbm>>
      tpu.wait_dma2 semaphore(%arg17 : memref<!tpu.dma_semaphore, #tpu.memory_space<semaphore_mem>>) src(%dma_wait3A_1599 : memref<32x128xf32, #tpu.memory_space<hbm>>) dst(%dma_wait3A_1596 : memref<32x128xf32, #tpu.memory_space<vmem>>)
      %slice3A_1600 = vector.extract_strided_slice %get3A_980 {offsets = [9], sizes = [1], strides = [1]} : vector<16xi32> to vector<1xi32>
      %squeeze3A_1601 = vector.extract %slice3A_1600[0] : i32 from vector<1xi32>
      %and3A_1602 = arith.constant 127 : i32
      %and3A_1603 = arith.andi %squeeze3A_1601, %and3A_1602 : i32
      %broadcast_in_dim3A_1604 = arith.constant 0 : i32
      %broadcast_in_dim3A_1605 = vector.broadcast %broadcast_in_dim3A_1604 : i32 to vector<16xi32>
      %add3A_1606 = vector.broadcast %and3A_1603 : i32 to vector<16xi32>
      %add3A_1607 = arith.addi %add3A_1606, %broadcast_in_dim3A_1605 : vector<16xi32>
      %broadcast_in_dim3A_1608 = arith.constant 1 : i32
      %broadcast_in_dim3A_1609 = vector.broadcast %broadcast_in_dim3A_1608 : i32 to vector<16xi32>
      %broadcast_in_dim3A_1610 = arith.constant 0 : i32
      %broadcast_in_dim3A_1611 = vector.broadcast %broadcast_in_dim3A_1610 : i32 to vector<16xi32>
      %add3A_1612 = vector.broadcast %add3A_1584 : i32 to vector<16xi32>
      %add3A_1613 = arith.addi %broadcast_in_dim3A_1611, %add3A_1612 : vector<16xi32>
      %gather3A_1614 = tpu.vector_load_idx %arg12[%broadcast_in_dim3A_1609, %iota3A, %add3A_1607] : memref<8x32x128xf32, #tpu.memory_space<vmem>>[vector<16xi32>, vector<16xi32>, vector<16xi32>], vector<16xf32>,
      %add3A_1615 = arith.constant 16 : i32
      %add3A_1616 = vector.broadcast %add3A_1615 : i32 to vector<16xi32>
      %add3A_1617 = arith.addi %iota3A, %add3A_1616 : vector<16xi32>
      %gather3A_1618 = tpu.vector_load_idx %arg12[%broadcast_in_dim3A_1609, %add3A_1617, %add3A_1607] : memref<8x32x128xf32, #tpu.memory_space<vmem>>[vector<16xi32>, vector<16xi32>, vector<16xi32>], vector<16xf32>,
      tpu.vector_store_idx %arg13[%iota3A, %add3A_1613], %gather3A_1614 : memref<32x512xf32, #tpu.memory_space<vmem>>[vector<16xi32>, vector<16xi32>], vector<16xf32>,
      %add3A_1619 = arith.constant 16 : i32
      %add3A_1620 = vector.broadcast %add3A_1619 : i32 to vector<16xi32>
      %add3A_1621 = arith.addi %iota3A, %add3A_1620 : vector<16xi32>
      tpu.vector_store_idx %arg13[%add3A_1621, %add3A_1613], %gather3A_1618 : memref<32x512xf32, #tpu.memory_space<vmem>>[vector<16xi32>, vector<16xi32>], vector<16xf32>,
      %slice3A_1622 = vector.extract_strided_slice %get3A_1032 {offsets = [1], sizes = [1], strides = [1]} : vector<16xi32> to vector<1xi32>
      %squeeze3A_1623 = vector.extract %slice3A_1622[0] : i32 from vector<1xi32>
      %shift_right_logical3A_1624 = arith.constant 7 : i32
      %shift_right_logical3A_1625 = arith.shrui %squeeze3A_1623, %shift_right_logical3A_1624 : i32
      %mul3A_1626 = arith.constant 128 : i32
      %mul3A_1627 = arith.muli %shift_right_logical3A_1625, %mul3A_1626 : i32
      %multiple_of3A_1628 = tpu.assume_multiple %mul3A_1627, 128 : i32
      %dma_start3A_1629 = arith.constant 1 : i32
      %dma_start3A_1630 = arith.constant 0 : i32
      %dma_start3A_1631 = arith.constant 0 : i32
      %dma_start3A_1632 = tpu.memref_slice %arg12[%dma_start3A_1629, %dma_start3A_1630, %dma_start3A_1631] : memref<8x32x128xf32, #tpu.memory_space<vmem>> -> memref<1x32x128xf32, #tpu.memory_space<vmem>>
      %dma_start3A_1633 = tpu.memref_squeeze %dma_start3A_1632 : memref<1x32x128xf32, #tpu.memory_space<vmem>> -> memref<32x128xf32, #tpu.memory_space<vmem>>
      %dma_start3A_1634 = arith.constant 0 : i32
      %dma_start3A_1635 = tpu.memref_slice %arg6[%dma_start3A_1634, %multiple_of3A_1628] : memref<32x1000000xf32, #tpu.memory_space<hbm>> -> memref<32x128xf32, #tpu.memory_space<hbm>>
      %dma_start3A_1636 = arith.constant 0 : i32
      %dma_start3A_1637 = arith.constant 0 : i32
      %dma_start3A_1638 = tpu.memref_slice %arg12[%dma_start3A_1629, %dma_start3A_1636, %dma_start3A_1637] : memref<8x32x128xf32, #tpu.memory_space<vmem>> -> memref<1x32x128xf32, #tpu.memory_space<vmem>>
      %dma_start3A_1639 = tpu.memref_squeeze %dma_start3A_1638 : memref<1x32x128xf32, #tpu.memory_space<vmem>> -> memref<32x128xf32, #tpu.memory_space<vmem>>
      %dma_start3A_1640 = arith.constant 0 : i32
      %dma_start3A_1641 = tpu.memref_slice %arg6[%dma_start3A_1640, %multiple_of3A_1628] : memref<32x1000000xf32, #tpu.memory_space<hbm>> -> memref<32x128xf32, #tpu.memory_space<hbm>>
      tpu.enqueue_dma source(%dma_start3A_1641 : memref<32x128xf32, #tpu.memory_space<hbm>>) target(%dma_start3A_1639 : memref<32x128xf32, #tpu.memory_space<vmem>>) target_semaphore(%arg17 : memref<!tpu.dma_semaphore, #tpu.memory_space<semaphore_mem>>)
      %mul3A_1642 = arith.constant 16 : i32
      %mul3A_1643 = arith.muli %scan3A_359, %mul3A_1642 : i32
      %add3A_1644 = arith.constant 10 : i32
      %add3A_1645 = arith.addi %mul3A_1643, %add3A_1644 : i32
      %dma_wait3A_1646 = arith.constant 2 : i32
      %dma_wait3A_1647 = arith.constant 0 : i32
      %dma_wait3A_1648 = arith.constant 0 : i32
      %dma_wait3A_1649 = tpu.memref_slice %arg12[%dma_wait3A_1646, %dma_wait3A_1647, %dma_wait3A_1648] : memref<8x32x128xf32, #tpu.memory_space<vmem>> -> memref<1x32x128xf32, #tpu.memory_space<vmem>>
      %dma_wait3A_1650 = tpu.memref_squeeze %dma_wait3A_1649 : memref<1x32x128xf32, #tpu.memory_space<vmem>> -> memref<32x128xf32, #tpu.memory_space<vmem>>
      %dma_wait3A_1651 = arith.constant 0 : i32
      %dma_wait3A_1652 = arith.constant 0 : i32
      %dma_wait3A_1653 = tpu.memref_slice %arg6[%dma_wait3A_1651, %dma_wait3A_1652] : memref<32x1000000xf32, #tpu.memory_space<hbm>> -> memref<32x128xf32, #tpu.memory_space<hbm>>
      %dma_wait3A_1654 = arith.constant 0 : i32
      %dma_wait3A_1655 = arith.constant 0 : i32
      %dma_wait3A_1656 = tpu.memref_slice %arg12[%dma_wait3A_1646, %dma_wait3A_1654, %dma_wait3A_1655] : memref<8x32x128xf32, #tpu.memory_space<vmem>> -> memref<1x32x128xf32, #tpu.memory_space<vmem>>
      %dma_wait3A_1657 = tpu.memref_squeeze %dma_wait3A_1656 : memref<1x32x128xf32, #tpu.memory_space<vmem>> -> memref<32x128xf32, #tpu.memory_space<vmem>>
      %dma_wait3A_1658 = arith.constant 0 : i32
      %dma_wait3A_1659 = arith.constant 0 : i32
      %dma_wait3A_1660 = tpu.memref_slice %arg6[%dma_wait3A_1658, %dma_wait3A_1659] : memref<32x1000000xf32, #tpu.memory_space<hbm>> -> memref<32x128xf32, #tpu.memory_space<hbm>>
      tpu.wait_dma2 semaphore(%arg17 : memref<!tpu.dma_semaphore, #tpu.memory_space<semaphore_mem>>) src(%dma_wait3A_1660 : memref<32x128xf32, #tpu.memory_space<hbm>>) dst(%dma_wait3A_1657 : memref<32x128xf32, #tpu.memory_space<vmem>>)
      %slice3A_1661 = vector.extract_strided_slice %get3A_980 {offsets = [10], sizes = [1], strides = [1]} : vector<16xi32> to vector<1xi32>
      %squeeze3A_1662 = vector.extract %slice3A_1661[0] : i32 from vector<1xi32>
      %and3A_1663 = arith.constant 127 : i32
      %and3A_1664 = arith.andi %squeeze3A_1662, %and3A_1663 : i32
      %broadcast_in_dim3A_1665 = arith.constant 0 : i32
      %broadcast_in_dim3A_1666 = vector.broadcast %broadcast_in_dim3A_1665 : i32 to vector<16xi32>
      %add3A_1667 = vector.broadcast %and3A_1664 : i32 to vector<16xi32>
      %add3A_1668 = arith.addi %add3A_1667, %broadcast_in_dim3A_1666 : vector<16xi32>
      %broadcast_in_dim3A_1669 = arith.constant 2 : i32
      %broadcast_in_dim3A_1670 = vector.broadcast %broadcast_in_dim3A_1669 : i32 to vector<16xi32>
      %broadcast_in_dim3A_1671 = arith.constant 0 : i32
      %broadcast_in_dim3A_1672 = vector.broadcast %broadcast_in_dim3A_1671 : i32 to vector<16xi32>
      %add3A_1673 = vector.broadcast %add3A_1645 : i32 to vector<16xi32>
      %add3A_1674 = arith.addi %broadcast_in_dim3A_1672, %add3A_1673 : vector<16xi32>
      %gather3A_1675 = tpu.vector_load_idx %arg12[%broadcast_in_dim3A_1670, %iota3A, %add3A_1668] : memref<8x32x128xf32, #tpu.memory_space<vmem>>[vector<16xi32>, vector<16xi32>, vector<16xi32>], vector<16xf32>,
      %add3A_1676 = arith.constant 16 : i32
      %add3A_1677 = vector.broadcast %add3A_1676 : i32 to vector<16xi32>
      %add3A_1678 = arith.addi %iota3A, %add3A_1677 : vector<16xi32>
      %gather3A_1679 = tpu.vector_load_idx %arg12[%broadcast_in_dim3A_1670, %add3A_1678, %add3A_1668] : memref<8x32x128xf32, #tpu.memory_space<vmem>>[vector<16xi32>, vector<16xi32>, vector<16xi32>], vector<16xf32>,
      tpu.vector_store_idx %arg13[%iota3A, %add3A_1674], %gather3A_1675 : memref<32x512xf32, #tpu.memory_space<vmem>>[vector<16xi32>, vector<16xi32>], vector<16xf32>,
      %add3A_1680 = arith.constant 16 : i32
      %add3A_1681 = vector.broadcast %add3A_1680 : i32 to vector<16xi32>
      %add3A_1682 = arith.addi %iota3A, %add3A_1681 : vector<16xi32>
      tpu.vector_store_idx %arg13[%add3A_1682, %add3A_1674], %gather3A_1679 : memref<32x512xf32, #tpu.memory_space<vmem>>[vector<16xi32>, vector<16xi32>], vector<16xf32>,
      %slice3A_1683 = vector.extract_strided_slice %get3A_1032 {offsets = [2], sizes = [1], strides = [1]} : vector<16xi32> to vector<1xi32>
      %squeeze3A_1684 = vector.extract %slice3A_1683[0] : i32 from vector<1xi32>
      %shift_right_logical3A_1685 = arith.constant 7 : i32
      %shift_right_logical3A_1686 = arith.shrui %squeeze3A_1684, %shift_right_logical3A_1685 : i32
      %mul3A_1687 = arith.constant 128 : i32
      %mul3A_1688 = arith.muli %shift_right_logical3A_1686, %mul3A_1687 : i32
      %multiple_of3A_1689 = tpu.assume_multiple %mul3A_1688, 128 : i32
      %dma_start3A_1690 = arith.constant 2 : i32
      %dma_start3A_1691 = arith.constant 0 : i32
      %dma_start3A_1692 = arith.constant 0 : i32
      %dma_start3A_1693 = tpu.memref_slice %arg12[%dma_start3A_1690, %dma_start3A_1691, %dma_start3A_1692] : memref<8x32x128xf32, #tpu.memory_space<vmem>> -> memref<1x32x128xf32, #tpu.memory_space<vmem>>
      %dma_start3A_1694 = tpu.memref_squeeze %dma_start3A_1693 : memref<1x32x128xf32, #tpu.memory_space<vmem>> -> memref<32x128xf32, #tpu.memory_space<vmem>>
      %dma_start3A_1695 = arith.constant 0 : i32
      %dma_start3A_1696 = tpu.memref_slice %arg6[%dma_start3A_1695, %multiple_of3A_1689] : memref<32x1000000xf32, #tpu.memory_space<hbm>> -> memref<32x128xf32, #tpu.memory_space<hbm>>
      %dma_start3A_1697 = arith.constant 0 : i32
      %dma_start3A_1698 = arith.constant 0 : i32
      %dma_start3A_1699 = tpu.memref_slice %arg12[%dma_start3A_1690, %dma_start3A_1697, %dma_start3A_1698] : memref<8x32x128xf32, #tpu.memory_space<vmem>> -> memref<1x32x128xf32, #tpu.memory_space<vmem>>
      %dma_start3A_1700 = tpu.memref_squeeze %dma_start3A_1699 : memref<1x32x128xf32, #tpu.memory_space<vmem>> -> memref<32x128xf32, #tpu.memory_space<vmem>>
      %dma_start3A_1701 = arith.constant 0 : i32
      %dma_start3A_1702 = tpu.memref_slice %arg6[%dma_start3A_1701, %multiple_of3A_1689] : memref<32x1000000xf32, #tpu.memory_space<hbm>> -> memref<32x128xf32, #tpu.memory_space<hbm>>
      tpu.enqueue_dma source(%dma_start3A_1702 : memref<32x128xf32, #tpu.memory_space<hbm>>) target(%dma_start3A_1700 : memref<32x128xf32, #tpu.memory_space<vmem>>) target_semaphore(%arg17 : memref<!tpu.dma_semaphore, #tpu.memory_space<semaphore_mem>>)
      %mul3A_1703 = arith.constant 16 : i32
      %mul3A_1704 = arith.muli %scan3A_359, %mul3A_1703 : i32
      %add3A_1705 = arith.constant 11 : i32
      %add3A_1706 = arith.addi %mul3A_1704, %add3A_1705 : i32
      %dma_wait3A_1707 = arith.constant 3 : i32
      %dma_wait3A_1708 = arith.constant 0 : i32
      %dma_wait3A_1709 = arith.constant 0 : i32
      %dma_wait3A_1710 = tpu.memref_slice %arg12[%dma_wait3A_1707, %dma_wait3A_1708, %dma_wait3A_1709] : memref<8x32x128xf32, #tpu.memory_space<vmem>> -> memref<1x32x128xf32, #tpu.memory_space<vmem>>
      %dma_wait3A_1711 = tpu.memref_squeeze %dma_wait3A_1710 : memref<1x32x128xf32, #tpu.memory_space<vmem>> -> memref<32x128xf32, #tpu.memory_space<vmem>>
      %dma_wait3A_1712 = arith.constant 0 : i32
      %dma_wait3A_1713 = arith.constant 0 : i32
      %dma_wait3A_1714 = tpu.memref_slice %arg6[%dma_wait3A_1712, %dma_wait3A_1713] : memref<32x1000000xf32, #tpu.memory_space<hbm>> -> memref<32x128xf32, #tpu.memory_space<hbm>>
      %dma_wait3A_1715 = arith.constant 0 : i32
      %dma_wait3A_1716 = arith.constant 0 : i32
      %dma_wait3A_1717 = tpu.memref_slice %arg12[%dma_wait3A_1707, %dma_wait3A_1715, %dma_wait3A_1716] : memref<8x32x128xf32, #tpu.memory_space<vmem>> -> memref<1x32x128xf32, #tpu.memory_space<vmem>>
      %dma_wait3A_1718 = tpu.memref_squeeze %dma_wait3A_1717 : memref<1x32x128xf32, #tpu.memory_space<vmem>> -> memref<32x128xf32, #tpu.memory_space<vmem>>
      %dma_wait3A_1719 = arith.constant 0 : i32
      %dma_wait3A_1720 = arith.constant 0 : i32
      %dma_wait3A_1721 = tpu.memref_slice %arg6[%dma_wait3A_1719, %dma_wait3A_1720] : memref<32x1000000xf32, #tpu.memory_space<hbm>> -> memref<32x128xf32, #tpu.memory_space<hbm>>
      tpu.wait_dma2 semaphore(%arg17 : memref<!tpu.dma_semaphore, #tpu.memory_space<semaphore_mem>>) src(%dma_wait3A_1721 : memref<32x128xf32, #tpu.memory_space<hbm>>) dst(%dma_wait3A_1718 : memref<32x128xf32, #tpu.memory_space<vmem>>)
      %slice3A_1722 = vector.extract_strided_slice %get3A_980 {offsets = [11], sizes = [1], strides = [1]} : vector<16xi32> to vector<1xi32>
      %squeeze3A_1723 = vector.extract %slice3A_1722[0] : i32 from vector<1xi32>
      %and3A_1724 = arith.constant 127 : i32
      %and3A_1725 = arith.andi %squeeze3A_1723, %and3A_1724 : i32
      %broadcast_in_dim3A_1726 = arith.constant 0 : i32
      %broadcast_in_dim3A_1727 = vector.broadcast %broadcast_in_dim3A_1726 : i32 to vector<16xi32>
      %add3A_1728 = vector.broadcast %and3A_1725 : i32 to vector<16xi32>
      %add3A_1729 = arith.addi %add3A_1728, %broadcast_in_dim3A_1727 : vector<16xi32>
      %broadcast_in_dim3A_1730 = arith.constant 3 : i32
      %broadcast_in_dim3A_1731 = vector.broadcast %broadcast_in_dim3A_1730 : i32 to vector<16xi32>
      %broadcast_in_dim3A_1732 = arith.constant 0 : i32
      %broadcast_in_dim3A_1733 = vector.broadcast %broadcast_in_dim3A_1732 : i32 to vector<16xi32>
      %add3A_1734 = vector.broadcast %add3A_1706 : i32 to vector<16xi32>
      %add3A_1735 = arith.addi %broadcast_in_dim3A_1733, %add3A_1734 : vector<16xi32>
      %gather3A_1736 = tpu.vector_load_idx %arg12[%broadcast_in_dim3A_1731, %iota3A, %add3A_1729] : memref<8x32x128xf32, #tpu.memory_space<vmem>>[vector<16xi32>, vector<16xi32>, vector<16xi32>], vector<16xf32>,
      %add3A_1737 = arith.constant 16 : i32
      %add3A_1738 = vector.broadcast %add3A_1737 : i32 to vector<16xi32>
      %add3A_1739 = arith.addi %iota3A, %add3A_1738 : vector<16xi32>
      %gather3A_1740 = tpu.vector_load_idx %arg12[%broadcast_in_dim3A_1731, %add3A_1739, %add3A_1729] : memref<8x32x128xf32, #tpu.memory_space<vmem>>[vector<16xi32>, vector<16xi32>, vector<16xi32>], vector<16xf32>,
      tpu.vector_store_idx %arg13[%iota3A, %add3A_1735], %gather3A_1736 : memref<32x512xf32, #tpu.memory_space<vmem>>[vector<16xi32>, vector<16xi32>], vector<16xf32>,
      %add3A_1741 = arith.constant 16 : i32
      %add3A_1742 = vector.broadcast %add3A_1741 : i32 to vector<16xi32>
      %add3A_1743 = arith.addi %iota3A, %add3A_1742 : vector<16xi32>
      tpu.vector_store_idx %arg13[%add3A_1743, %add3A_1735], %gather3A_1740 : memref<32x512xf32, #tpu.memory_space<vmem>>[vector<16xi32>, vector<16xi32>], vector<16xf32>,
      %slice3A_1744 = vector.extract_strided_slice %get3A_1032 {offsets = [3], sizes = [1], strides = [1]} : vector<16xi32> to vector<1xi32>
      %squeeze3A_1745 = vector.extract %slice3A_1744[0] : i32 from vector<1xi32>
      %shift_right_logical3A_1746 = arith.constant 7 : i32
      %shift_right_logical3A_1747 = arith.shrui %squeeze3A_1745, %shift_right_logical3A_1746 : i32
      %mul3A_1748 = arith.constant 128 : i32
      %mul3A_1749 = arith.muli %shift_right_logical3A_1747, %mul3A_1748 : i32
      %multiple_of3A_1750 = tpu.assume_multiple %mul3A_1749, 128 : i32
      %dma_start3A_1751 = arith.constant 3 : i32
      %dma_start3A_1752 = arith.constant 0 : i32
      %dma_start3A_1753 = arith.constant 0 : i32
      %dma_start3A_1754 = tpu.memref_slice %arg12[%dma_start3A_1751, %dma_start3A_1752, %dma_start3A_1753] : memref<8x32x128xf32, #tpu.memory_space<vmem>> -> memref<1x32x128xf32, #tpu.memory_space<vmem>>
      %dma_start3A_1755 = tpu.memref_squeeze %dma_start3A_1754 : memref<1x32x128xf32, #tpu.memory_space<vmem>> -> memref<32x128xf32, #tpu.memory_space<vmem>>
      %dma_start3A_1756 = arith.constant 0 : i32
      %dma_start3A_1757 = tpu.memref_slice %arg6[%dma_start3A_1756, %multiple_of3A_1750] : memref<32x1000000xf32, #tpu.memory_space<hbm>> -> memref<32x128xf32, #tpu.memory_space<hbm>>
      %dma_start3A_1758 = arith.constant 0 : i32
      %dma_start3A_1759 = arith.constant 0 : i32
      %dma_start3A_1760 = tpu.memref_slice %arg12[%dma_start3A_1751, %dma_start3A_1758, %dma_start3A_1759] : memref<8x32x128xf32, #tpu.memory_space<vmem>> -> memref<1x32x128xf32, #tpu.memory_space<vmem>>
      %dma_start3A_1761 = tpu.memref_squeeze %dma_start3A_1760 : memref<1x32x128xf32, #tpu.memory_space<vmem>> -> memref<32x128xf32, #tpu.memory_space<vmem>>
      %dma_start3A_1762 = arith.constant 0 : i32
      %dma_start3A_1763 = tpu.memref_slice %arg6[%dma_start3A_1762, %multiple_of3A_1750] : memref<32x1000000xf32, #tpu.memory_space<hbm>> -> memref<32x128xf32, #tpu.memory_space<hbm>>
      tpu.enqueue_dma source(%dma_start3A_1763 : memref<32x128xf32, #tpu.memory_space<hbm>>) target(%dma_start3A_1761 : memref<32x128xf32, #tpu.memory_space<vmem>>) target_semaphore(%arg17 : memref<!tpu.dma_semaphore, #tpu.memory_space<semaphore_mem>>)
      %mul3A_1764 = arith.constant 16 : i32
      %mul3A_1765 = arith.muli %scan3A_359, %mul3A_1764 : i32
      %add3A_1766 = arith.constant 12 : i32
      %add3A_1767 = arith.addi %mul3A_1765, %add3A_1766 : i32
      %dma_wait3A_1768 = arith.constant 4 : i32
      %dma_wait3A_1769 = arith.constant 0 : i32
      %dma_wait3A_1770 = arith.constant 0 : i32
      %dma_wait3A_1771 = tpu.memref_slice %arg12[%dma_wait3A_1768, %dma_wait3A_1769, %dma_wait3A_1770] : memref<8x32x128xf32, #tpu.memory_space<vmem>> -> memref<1x32x128xf32, #tpu.memory_space<vmem>>
      %dma_wait3A_1772 = tpu.memref_squeeze %dma_wait3A_1771 : memref<1x32x128xf32, #tpu.memory_space<vmem>> -> memref<32x128xf32, #tpu.memory_space<vmem>>
      %dma_wait3A_1773 = arith.constant 0 : i32
      %dma_wait3A_1774 = arith.constant 0 : i32
      %dma_wait3A_1775 = tpu.memref_slice %arg6[%dma_wait3A_1773, %dma_wait3A_1774] : memref<32x1000000xf32, #tpu.memory_space<hbm>> -> memref<32x128xf32, #tpu.memory_space<hbm>>
      %dma_wait3A_1776 = arith.constant 0 : i32
      %dma_wait3A_1777 = arith.constant 0 : i32
      %dma_wait3A_1778 = tpu.memref_slice %arg12[%dma_wait3A_1768, %dma_wait3A_1776, %dma_wait3A_1777] : memref<8x32x128xf32, #tpu.memory_space<vmem>> -> memref<1x32x128xf32, #tpu.memory_space<vmem>>
      %dma_wait3A_1779 = tpu.memref_squeeze %dma_wait3A_1778 : memref<1x32x128xf32, #tpu.memory_space<vmem>> -> memref<32x128xf32, #tpu.memory_space<vmem>>
      %dma_wait3A_1780 = arith.constant 0 : i32
      %dma_wait3A_1781 = arith.constant 0 : i32
      %dma_wait3A_1782 = tpu.memref_slice %arg6[%dma_wait3A_1780, %dma_wait3A_1781] : memref<32x1000000xf32, #tpu.memory_space<hbm>> -> memref<32x128xf32, #tpu.memory_space<hbm>>
      tpu.wait_dma2 semaphore(%arg17 : memref<!tpu.dma_semaphore, #tpu.memory_space<semaphore_mem>>) src(%dma_wait3A_1782 : memref<32x128xf32, #tpu.memory_space<hbm>>) dst(%dma_wait3A_1779 : memref<32x128xf32, #tpu.memory_space<vmem>>)
      %slice3A_1783 = vector.extract_strided_slice %get3A_980 {offsets = [12], sizes = [1], strides = [1]} : vector<16xi32> to vector<1xi32>
      %squeeze3A_1784 = vector.extract %slice3A_1783[0] : i32 from vector<1xi32>
      %and3A_1785 = arith.constant 127 : i32
      %and3A_1786 = arith.andi %squeeze3A_1784, %and3A_1785 : i32
      %broadcast_in_dim3A_1787 = arith.constant 0 : i32
      %broadcast_in_dim3A_1788 = vector.broadcast %broadcast_in_dim3A_1787 : i32 to vector<16xi32>
      %add3A_1789 = vector.broadcast %and3A_1786 : i32 to vector<16xi32>
      %add3A_1790 = arith.addi %add3A_1789, %broadcast_in_dim3A_1788 : vector<16xi32>
      %broadcast_in_dim3A_1791 = arith.constant 4 : i32
      %broadcast_in_dim3A_1792 = vector.broadcast %broadcast_in_dim3A_1791 : i32 to vector<16xi32>
      %broadcast_in_dim3A_1793 = arith.constant 0 : i32
      %broadcast_in_dim3A_1794 = vector.broadcast %broadcast_in_dim3A_1793 : i32 to vector<16xi32>
      %add3A_1795 = vector.broadcast %add3A_1767 : i32 to vector<16xi32>
      %add3A_1796 = arith.addi %broadcast_in_dim3A_1794, %add3A_1795 : vector<16xi32>
      %gather3A_1797 = tpu.vector_load_idx %arg12[%broadcast_in_dim3A_1792, %iota3A, %add3A_1790] : memref<8x32x128xf32, #tpu.memory_space<vmem>>[vector<16xi32>, vector<16xi32>, vector<16xi32>], vector<16xf32>,
      %add3A_1798 = arith.constant 16 : i32
      %add3A_1799 = vector.broadcast %add3A_1798 : i32 to vector<16xi32>
      %add3A_1800 = arith.addi %iota3A, %add3A_1799 : vector<16xi32>
      %gather3A_1801 = tpu.vector_load_idx %arg12[%broadcast_in_dim3A_1792, %add3A_1800, %add3A_1790] : memref<8x32x128xf32, #tpu.memory_space<vmem>>[vector<16xi32>, vector<16xi32>, vector<16xi32>], vector<16xf32>,
      tpu.vector_store_idx %arg13[%iota3A, %add3A_1796], %gather3A_1797 : memref<32x512xf32, #tpu.memory_space<vmem>>[vector<16xi32>, vector<16xi32>], vector<16xf32>,
      %add3A_1802 = arith.constant 16 : i32
      %add3A_1803 = vector.broadcast %add3A_1802 : i32 to vector<16xi32>
      %add3A_1804 = arith.addi %iota3A, %add3A_1803 : vector<16xi32>
      tpu.vector_store_idx %arg13[%add3A_1804, %add3A_1796], %gather3A_1801 : memref<32x512xf32, #tpu.memory_space<vmem>>[vector<16xi32>, vector<16xi32>], vector<16xf32>,
      %slice3A_1805 = vector.extract_strided_slice %get3A_1032 {offsets = [4], sizes = [1], strides = [1]} : vector<16xi32> to vector<1xi32>
      %squeeze3A_1806 = vector.extract %slice3A_1805[0] : i32 from vector<1xi32>
      %shift_right_logical3A_1807 = arith.constant 7 : i32
      %shift_right_logical3A_1808 = arith.shrui %squeeze3A_1806, %shift_right_logical3A_1807 : i32
      %mul3A_1809 = arith.constant 128 : i32
      %mul3A_1810 = arith.muli %shift_right_logical3A_1808, %mul3A_1809 : i32
      %multiple_of3A_1811 = tpu.assume_multiple %mul3A_1810, 128 : i32
      %dma_start3A_1812 = arith.constant 4 : i32
      %dma_start3A_1813 = arith.constant 0 : i32
      %dma_start3A_1814 = arith.constant 0 : i32
      %dma_start3A_1815 = tpu.memref_slice %arg12[%dma_start3A_1812, %dma_start3A_1813, %dma_start3A_1814] : memref<8x32x128xf32, #tpu.memory_space<vmem>> -> memref<1x32x128xf32, #tpu.memory_space<vmem>>
      %dma_start3A_1816 = tpu.memref_squeeze %dma_start3A_1815 : memref<1x32x128xf32, #tpu.memory_space<vmem>> -> memref<32x128xf32, #tpu.memory_space<vmem>>
      %dma_start3A_1817 = arith.constant 0 : i32
      %dma_start3A_1818 = tpu.memref_slice %arg6[%dma_start3A_1817, %multiple_of3A_1811] : memref<32x1000000xf32, #tpu.memory_space<hbm>> -> memref<32x128xf32, #tpu.memory_space<hbm>>
      %dma_start3A_1819 = arith.constant 0 : i32
      %dma_start3A_1820 = arith.constant 0 : i32
      %dma_start3A_1821 = tpu.memref_slice %arg12[%dma_start3A_1812, %dma_start3A_1819, %dma_start3A_1820] : memref<8x32x128xf32, #tpu.memory_space<vmem>> -> memref<1x32x128xf32, #tpu.memory_space<vmem>>
      %dma_start3A_1822 = tpu.memref_squeeze %dma_start3A_1821 : memref<1x32x128xf32, #tpu.memory_space<vmem>> -> memref<32x128xf32, #tpu.memory_space<vmem>>
      %dma_start3A_1823 = arith.constant 0 : i32
      %dma_start3A_1824 = tpu.memref_slice %arg6[%dma_start3A_1823, %multiple_of3A_1811] : memref<32x1000000xf32, #tpu.memory_space<hbm>> -> memref<32x128xf32, #tpu.memory_space<hbm>>
      tpu.enqueue_dma source(%dma_start3A_1824 : memref<32x128xf32, #tpu.memory_space<hbm>>) target(%dma_start3A_1822 : memref<32x128xf32, #tpu.memory_space<vmem>>) target_semaphore(%arg17 : memref<!tpu.dma_semaphore, #tpu.memory_space<semaphore_mem>>)
      %mul3A_1825 = arith.constant 16 : i32
      %mul3A_1826 = arith.muli %scan3A_359, %mul3A_1825 : i32
      %add3A_1827 = arith.constant 13 : i32
      %add3A_1828 = arith.addi %mul3A_1826, %add3A_1827 : i32
      %dma_wait3A_1829 = arith.constant 5 : i32
      %dma_wait3A_1830 = arith.constant 0 : i32
      %dma_wait3A_1831 = arith.constant 0 : i32
      %dma_wait3A_1832 = tpu.memref_slice %arg12[%dma_wait3A_1829, %dma_wait3A_1830, %dma_wait3A_1831] : memref<8x32x128xf32, #tpu.memory_space<vmem>> -> memref<1x32x128xf32, #tpu.memory_space<vmem>>
      %dma_wait3A_1833 = tpu.memref_squeeze %dma_wait3A_1832 : memref<1x32x128xf32, #tpu.memory_space<vmem>> -> memref<32x128xf32, #tpu.memory_space<vmem>>
      %dma_wait3A_1834 = arith.constant 0 : i32
      %dma_wait3A_1835 = arith.constant 0 : i32
      %dma_wait3A_1836 = tpu.memref_slice %arg6[%dma_wait3A_1834, %dma_wait3A_1835] : memref<32x1000000xf32, #tpu.memory_space<hbm>> -> memref<32x128xf32, #tpu.memory_space<hbm>>
      %dma_wait3A_1837 = arith.constant 0 : i32
      %dma_wait3A_1838 = arith.constant 0 : i32
      %dma_wait3A_1839 = tpu.memref_slice %arg12[%dma_wait3A_1829, %dma_wait3A_1837, %dma_wait3A_1838] : memref<8x32x128xf32, #tpu.memory_space<vmem>> -> memref<1x32x128xf32, #tpu.memory_space<vmem>>
      %dma_wait3A_1840 = tpu.memref_squeeze %dma_wait3A_1839 : memref<1x32x128xf32, #tpu.memory_space<vmem>> -> memref<32x128xf32, #tpu.memory_space<vmem>>
      %dma_wait3A_1841 = arith.constant 0 : i32
      %dma_wait3A_1842 = arith.constant 0 : i32
      %dma_wait3A_1843 = tpu.memref_slice %arg6[%dma_wait3A_1841, %dma_wait3A_1842] : memref<32x1000000xf32, #tpu.memory_space<hbm>> -> memref<32x128xf32, #tpu.memory_space<hbm>>
      tpu.wait_dma2 semaphore(%arg17 : memref<!tpu.dma_semaphore, #tpu.memory_space<semaphore_mem>>) src(%dma_wait3A_1843 : memref<32x128xf32, #tpu.memory_space<hbm>>) dst(%dma_wait3A_1840 : memref<32x128xf32, #tpu.memory_space<vmem>>)
      %slice3A_1844 = vector.extract_strided_slice %get3A_980 {offsets = [13], sizes = [1], strides = [1]} : vector<16xi32> to vector<1xi32>
      %squeeze3A_1845 = vector.extract %slice3A_1844[0] : i32 from vector<1xi32>
      %and3A_1846 = arith.constant 127 : i32
      %and3A_1847 = arith.andi %squeeze3A_1845, %and3A_1846 : i32
      %broadcast_in_dim3A_1848 = arith.constant 0 : i32
      %broadcast_in_dim3A_1849 = vector.broadcast %broadcast_in_dim3A_1848 : i32 to vector<16xi32>
      %add3A_1850 = vector.broadcast %and3A_1847 : i32 to vector<16xi32>
      %add3A_1851 = arith.addi %add3A_1850, %broadcast_in_dim3A_1849 : vector<16xi32>
      %broadcast_in_dim3A_1852 = arith.constant 5 : i32
      %broadcast_in_dim3A_1853 = vector.broadcast %broadcast_in_dim3A_1852 : i32 to vector<16xi32>
      %broadcast_in_dim3A_1854 = arith.constant 0 : i32
      %broadcast_in_dim3A_1855 = vector.broadcast %broadcast_in_dim3A_1854 : i32 to vector<16xi32>
      %add3A_1856 = vector.broadcast %add3A_1828 : i32 to vector<16xi32>
      %add3A_1857 = arith.addi %broadcast_in_dim3A_1855, %add3A_1856 : vector<16xi32>
      %gather3A_1858 = tpu.vector_load_idx %arg12[%broadcast_in_dim3A_1853, %iota3A, %add3A_1851] : memref<8x32x128xf32, #tpu.memory_space<vmem>>[vector<16xi32>, vector<16xi32>, vector<16xi32>], vector<16xf32>,
      %add3A_1859 = arith.constant 16 : i32
      %add3A_1860 = vector.broadcast %add3A_1859 : i32 to vector<16xi32>
      %add3A_1861 = arith.addi %iota3A, %add3A_1860 : vector<16xi32>
      %gather3A_1862 = tpu.vector_load_idx %arg12[%broadcast_in_dim3A_1853, %add3A_1861, %add3A_1851] : memref<8x32x128xf32, #tpu.memory_space<vmem>>[vector<16xi32>, vector<16xi32>, vector<16xi32>], vector<16xf32>,
      tpu.vector_store_idx %arg13[%iota3A, %add3A_1857], %gather3A_1858 : memref<32x512xf32, #tpu.memory_space<vmem>>[vector<16xi32>, vector<16xi32>], vector<16xf32>,
      %add3A_1863 = arith.constant 16 : i32
      %add3A_1864 = vector.broadcast %add3A_1863 : i32 to vector<16xi32>
      %add3A_1865 = arith.addi %iota3A, %add3A_1864 : vector<16xi32>
      tpu.vector_store_idx %arg13[%add3A_1865, %add3A_1857], %gather3A_1862 : memref<32x512xf32, #tpu.memory_space<vmem>>[vector<16xi32>, vector<16xi32>], vector<16xf32>,
      %slice3A_1866 = vector.extract_strided_slice %get3A_1032 {offsets = [5], sizes = [1], strides = [1]} : vector<16xi32> to vector<1xi32>
      %squeeze3A_1867 = vector.extract %slice3A_1866[0] : i32 from vector<1xi32>
      %shift_right_logical3A_1868 = arith.constant 7 : i32
      %shift_right_logical3A_1869 = arith.shrui %squeeze3A_1867, %shift_right_logical3A_1868 : i32
      %mul3A_1870 = arith.constant 128 : i32
      %mul3A_1871 = arith.muli %shift_right_logical3A_1869, %mul3A_1870 : i32
      %multiple_of3A_1872 = tpu.assume_multiple %mul3A_1871, 128 : i32
      %dma_start3A_1873 = arith.constant 5 : i32
      %dma_start3A_1874 = arith.constant 0 : i32
      %dma_start3A_1875 = arith.constant 0 : i32
      %dma_start3A_1876 = tpu.memref_slice %arg12[%dma_start3A_1873, %dma_start3A_1874, %dma_start3A_1875] : memref<8x32x128xf32, #tpu.memory_space<vmem>> -> memref<1x32x128xf32, #tpu.memory_space<vmem>>
      %dma_start3A_1877 = tpu.memref_squeeze %dma_start3A_1876 : memref<1x32x128xf32, #tpu.memory_space<vmem>> -> memref<32x128xf32, #tpu.memory_space<vmem>>
      %dma_start3A_1878 = arith.constant 0 : i32
      %dma_start3A_1879 = tpu.memref_slice %arg6[%dma_start3A_1878, %multiple_of3A_1872] : memref<32x1000000xf32, #tpu.memory_space<hbm>> -> memref<32x128xf32, #tpu.memory_space<hbm>>
      %dma_start3A_1880 = arith.constant 0 : i32
      %dma_start3A_1881 = arith.constant 0 : i32
      %dma_start3A_1882 = tpu.memref_slice %arg12[%dma_start3A_1873, %dma_start3A_1880, %dma_start3A_1881] : memref<8x32x128xf32, #tpu.memory_space<vmem>> -> memref<1x32x128xf32, #tpu.memory_space<vmem>>
      %dma_start3A_1883 = tpu.memref_squeeze %dma_start3A_1882 : memref<1x32x128xf32, #tpu.memory_space<vmem>> -> memref<32x128xf32, #tpu.memory_space<vmem>>
      %dma_start3A_1884 = arith.constant 0 : i32
      %dma_start3A_1885 = tpu.memref_slice %arg6[%dma_start3A_1884, %multiple_of3A_1872] : memref<32x1000000xf32, #tpu.memory_space<hbm>> -> memref<32x128xf32, #tpu.memory_space<hbm>>
      tpu.enqueue_dma source(%dma_start3A_1885 : memref<32x128xf32, #tpu.memory_space<hbm>>) target(%dma_start3A_1883 : memref<32x128xf32, #tpu.memory_space<vmem>>) target_semaphore(%arg17 : memref<!tpu.dma_semaphore, #tpu.memory_space<semaphore_mem>>)
      %mul3A_1886 = arith.constant 16 : i32
      %mul3A_1887 = arith.muli %scan3A_359, %mul3A_1886 : i32
      %add3A_1888 = arith.constant 14 : i32
      %add3A_1889 = arith.addi %mul3A_1887, %add3A_1888 : i32
      %dma_wait3A_1890 = arith.constant 6 : i32
      %dma_wait3A_1891 = arith.constant 0 : i32
      %dma_wait3A_1892 = arith.constant 0 : i32
      %dma_wait3A_1893 = tpu.memref_slice %arg12[%dma_wait3A_1890, %dma_wait3A_1891, %dma_wait3A_1892] : memref<8x32x128xf32, #tpu.memory_space<vmem>> -> memref<1x32x128xf32, #tpu.memory_space<vmem>>
      %dma_wait3A_1894 = tpu.memref_squeeze %dma_wait3A_1893 : memref<1x32x128xf32, #tpu.memory_space<vmem>> -> memref<32x128xf32, #tpu.memory_space<vmem>>
      %dma_wait3A_1895 = arith.constant 0 : i32
      %dma_wait3A_1896 = arith.constant 0 : i32
      %dma_wait3A_1897 = tpu.memref_slice %arg6[%dma_wait3A_1895, %dma_wait3A_1896] : memref<32x1000000xf32, #tpu.memory_space<hbm>> -> memref<32x128xf32, #tpu.memory_space<hbm>>
      %dma_wait3A_1898 = arith.constant 0 : i32
      %dma_wait3A_1899 = arith.constant 0 : i32
      %dma_wait3A_1900 = tpu.memref_slice %arg12[%dma_wait3A_1890, %dma_wait3A_1898, %dma_wait3A_1899] : memref<8x32x128xf32, #tpu.memory_space<vmem>> -> memref<1x32x128xf32, #tpu.memory_space<vmem>>
      %dma_wait3A_1901 = tpu.memref_squeeze %dma_wait3A_1900 : memref<1x32x128xf32, #tpu.memory_space<vmem>> -> memref<32x128xf32, #tpu.memory_space<vmem>>
      %dma_wait3A_1902 = arith.constant 0 : i32
      %dma_wait3A_1903 = arith.constant 0 : i32
      %dma_wait3A_1904 = tpu.memref_slice %arg6[%dma_wait3A_1902, %dma_wait3A_1903] : memref<32x1000000xf32, #tpu.memory_space<hbm>> -> memref<32x128xf32, #tpu.memory_space<hbm>>
      tpu.wait_dma2 semaphore(%arg17 : memref<!tpu.dma_semaphore, #tpu.memory_space<semaphore_mem>>) src(%dma_wait3A_1904 : memref<32x128xf32, #tpu.memory_space<hbm>>) dst(%dma_wait3A_1901 : memref<32x128xf32, #tpu.memory_space<vmem>>)
      %slice3A_1905 = vector.extract_strided_slice %get3A_980 {offsets = [14], sizes = [1], strides = [1]} : vector<16xi32> to vector<1xi32>
      %squeeze3A_1906 = vector.extract %slice3A_1905[0] : i32 from vector<1xi32>
      %and3A_1907 = arith.constant 127 : i32
      %and3A_1908 = arith.andi %squeeze3A_1906, %and3A_1907 : i32
      %broadcast_in_dim3A_1909 = arith.constant 0 : i32
      %broadcast_in_dim3A_1910 = vector.broadcast %broadcast_in_dim3A_1909 : i32 to vector<16xi32>
      %add3A_1911 = vector.broadcast %and3A_1908 : i32 to vector<16xi32>
      %add3A_1912 = arith.addi %add3A_1911, %broadcast_in_dim3A_1910 : vector<16xi32>
      %broadcast_in_dim3A_1913 = arith.constant 6 : i32
      %broadcast_in_dim3A_1914 = vector.broadcast %broadcast_in_dim3A_1913 : i32 to vector<16xi32>
      %broadcast_in_dim3A_1915 = arith.constant 0 : i32
      %broadcast_in_dim3A_1916 = vector.broadcast %broadcast_in_dim3A_1915 : i32 to vector<16xi32>
      %add3A_1917 = vector.broadcast %add3A_1889 : i32 to vector<16xi32>
      %add3A_1918 = arith.addi %broadcast_in_dim3A_1916, %add3A_1917 : vector<16xi32>
      %gather3A_1919 = tpu.vector_load_idx %arg12[%broadcast_in_dim3A_1914, %iota3A, %add3A_1912] : memref<8x32x128xf32, #tpu.memory_space<vmem>>[vector<16xi32>, vector<16xi32>, vector<16xi32>], vector<16xf32>,
      %add3A_1920 = arith.constant 16 : i32
      %add3A_1921 = vector.broadcast %add3A_1920 : i32 to vector<16xi32>
      %add3A_1922 = arith.addi %iota3A, %add3A_1921 : vector<16xi32>
      %gather3A_1923 = tpu.vector_load_idx %arg12[%broadcast_in_dim3A_1914, %add3A_1922, %add3A_1912] : memref<8x32x128xf32, #tpu.memory_space<vmem>>[vector<16xi32>, vector<16xi32>, vector<16xi32>], vector<16xf32>,
      tpu.vector_store_idx %arg13[%iota3A, %add3A_1918], %gather3A_1919 : memref<32x512xf32, #tpu.memory_space<vmem>>[vector<16xi32>, vector<16xi32>], vector<16xf32>,
      %add3A_1924 = arith.constant 16 : i32
      %add3A_1925 = vector.broadcast %add3A_1924 : i32 to vector<16xi32>
      %add3A_1926 = arith.addi %iota3A, %add3A_1925 : vector<16xi32>
      tpu.vector_store_idx %arg13[%add3A_1926, %add3A_1918], %gather3A_1923 : memref<32x512xf32, #tpu.memory_space<vmem>>[vector<16xi32>, vector<16xi32>], vector<16xf32>,
      %slice3A_1927 = vector.extract_strided_slice %get3A_1032 {offsets = [6], sizes = [1], strides = [1]} : vector<16xi32> to vector<1xi32>
      %squeeze3A_1928 = vector.extract %slice3A_1927[0] : i32 from vector<1xi32>
      %shift_right_logical3A_1929 = arith.constant 7 : i32
      %shift_right_logical3A_1930 = arith.shrui %squeeze3A_1928, %shift_right_logical3A_1929 : i32
      %mul3A_1931 = arith.constant 128 : i32
      %mul3A_1932 = arith.muli %shift_right_logical3A_1930, %mul3A_1931 : i32
      %multiple_of3A_1933 = tpu.assume_multiple %mul3A_1932, 128 : i32
      %dma_start3A_1934 = arith.constant 6 : i32
      %dma_start3A_1935 = arith.constant 0 : i32
      %dma_start3A_1936 = arith.constant 0 : i32
      %dma_start3A_1937 = tpu.memref_slice %arg12[%dma_start3A_1934, %dma_start3A_1935, %dma_start3A_1936] : memref<8x32x128xf32, #tpu.memory_space<vmem>> -> memref<1x32x128xf32, #tpu.memory_space<vmem>>
      %dma_start3A_1938 = tpu.memref_squeeze %dma_start3A_1937 : memref<1x32x128xf32, #tpu.memory_space<vmem>> -> memref<32x128xf32, #tpu.memory_space<vmem>>
      %dma_start3A_1939 = arith.constant 0 : i32
      %dma_start3A_1940 = tpu.memref_slice %arg6[%dma_start3A_1939, %multiple_of3A_1933] : memref<32x1000000xf32, #tpu.memory_space<hbm>> -> memref<32x128xf32, #tpu.memory_space<hbm>>
      %dma_start3A_1941 = arith.constant 0 : i32
      %dma_start3A_1942 = arith.constant 0 : i32
      %dma_start3A_1943 = tpu.memref_slice %arg12[%dma_start3A_1934, %dma_start3A_1941, %dma_start3A_1942] : memref<8x32x128xf32, #tpu.memory_space<vmem>> -> memref<1x32x128xf32, #tpu.memory_space<vmem>>
      %dma_start3A_1944 = tpu.memref_squeeze %dma_start3A_1943 : memref<1x32x128xf32, #tpu.memory_space<vmem>> -> memref<32x128xf32, #tpu.memory_space<vmem>>
      %dma_start3A_1945 = arith.constant 0 : i32
      %dma_start3A_1946 = tpu.memref_slice %arg6[%dma_start3A_1945, %multiple_of3A_1933] : memref<32x1000000xf32, #tpu.memory_space<hbm>> -> memref<32x128xf32, #tpu.memory_space<hbm>>
      tpu.enqueue_dma source(%dma_start3A_1946 : memref<32x128xf32, #tpu.memory_space<hbm>>) target(%dma_start3A_1944 : memref<32x128xf32, #tpu.memory_space<vmem>>) target_semaphore(%arg17 : memref<!tpu.dma_semaphore, #tpu.memory_space<semaphore_mem>>)
      %mul3A_1947 = arith.constant 16 : i32
      %mul3A_1948 = arith.muli %scan3A_359, %mul3A_1947 : i32
      %add3A_1949 = arith.constant 15 : i32
      %add3A_1950 = arith.addi %mul3A_1948, %add3A_1949 : i32
      %dma_wait3A_1951 = arith.constant 7 : i32
      %dma_wait3A_1952 = arith.constant 0 : i32
      %dma_wait3A_1953 = arith.constant 0 : i32
      %dma_wait3A_1954 = tpu.memref_slice %arg12[%dma_wait3A_1951, %dma_wait3A_1952, %dma_wait3A_1953] : memref<8x32x128xf32, #tpu.memory_space<vmem>> -> memref<1x32x128xf32, #tpu.memory_space<vmem>>
      %dma_wait3A_1955 = tpu.memref_squeeze %dma_wait3A_1954 : memref<1x32x128xf32, #tpu.memory_space<vmem>> -> memref<32x128xf32, #tpu.memory_space<vmem>>
      %dma_wait3A_1956 = arith.constant 0 : i32
      %dma_wait3A_1957 = arith.constant 0 : i32
      %dma_wait3A_1958 = tpu.memref_slice %arg6[%dma_wait3A_1956, %dma_wait3A_1957] : memref<32x1000000xf32, #tpu.memory_space<hbm>> -> memref<32x128xf32, #tpu.memory_space<hbm>>
      %dma_wait3A_1959 = arith.constant 0 : i32
      %dma_wait3A_1960 = arith.constant 0 : i32
      %dma_wait3A_1961 = tpu.memref_slice %arg12[%dma_wait3A_1951, %dma_wait3A_1959, %dma_wait3A_1960] : memref<8x32x128xf32, #tpu.memory_space<vmem>> -> memref<1x32x128xf32, #tpu.memory_space<vmem>>
      %dma_wait3A_1962 = tpu.memref_squeeze %dma_wait3A_1961 : memref<1x32x128xf32, #tpu.memory_space<vmem>> -> memref<32x128xf32, #tpu.memory_space<vmem>>
      %dma_wait3A_1963 = arith.constant 0 : i32
      %dma_wait3A_1964 = arith.constant 0 : i32
      %dma_wait3A_1965 = tpu.memref_slice %arg6[%dma_wait3A_1963, %dma_wait3A_1964] : memref<32x1000000xf32, #tpu.memory_space<hbm>> -> memref<32x128xf32, #tpu.memory_space<hbm>>
      tpu.wait_dma2 semaphore(%arg17 : memref<!tpu.dma_semaphore, #tpu.memory_space<semaphore_mem>>) src(%dma_wait3A_1965 : memref<32x128xf32, #tpu.memory_space<hbm>>) dst(%dma_wait3A_1962 : memref<32x128xf32, #tpu.memory_space<vmem>>)
      %slice3A_1966 = vector.extract_strided_slice %get3A_980 {offsets = [15], sizes = [1], strides = [1]} : vector<16xi32> to vector<1xi32>
      %squeeze3A_1967 = vector.extract %slice3A_1966[0] : i32 from vector<1xi32>
      %and3A_1968 = arith.constant 127 : i32
      %and3A_1969 = arith.andi %squeeze3A_1967, %and3A_1968 : i32
      %broadcast_in_dim3A_1970 = arith.constant 0 : i32
      %broadcast_in_dim3A_1971 = vector.broadcast %broadcast_in_dim3A_1970 : i32 to vector<16xi32>
      %add3A_1972 = vector.broadcast %and3A_1969 : i32 to vector<16xi32>
      %add3A_1973 = arith.addi %add3A_1972, %broadcast_in_dim3A_1971 : vector<16xi32>
      %broadcast_in_dim3A_1974 = arith.constant 7 : i32
      %broadcast_in_dim3A_1975 = vector.broadcast %broadcast_in_dim3A_1974 : i32 to vector<16xi32>
      %broadcast_in_dim3A_1976 = arith.constant 0 : i32
      %broadcast_in_dim3A_1977 = vector.broadcast %broadcast_in_dim3A_1976 : i32 to vector<16xi32>
      %add3A_1978 = vector.broadcast %add3A_1950 : i32 to vector<16xi32>
      %add3A_1979 = arith.addi %broadcast_in_dim3A_1977, %add3A_1978 : vector<16xi32>
      %gather3A_1980 = tpu.vector_load_idx %arg12[%broadcast_in_dim3A_1975, %iota3A, %add3A_1973] : memref<8x32x128xf32, #tpu.memory_space<vmem>>[vector<16xi32>, vector<16xi32>, vector<16xi32>], vector<16xf32>,
      %add3A_1981 = arith.constant 16 : i32
      %add3A_1982 = vector.broadcast %add3A_1981 : i32 to vector<16xi32>
      %add3A_1983 = arith.addi %iota3A, %add3A_1982 : vector<16xi32>
      %gather3A_1984 = tpu.vector_load_idx %arg12[%broadcast_in_dim3A_1975, %add3A_1983, %add3A_1973] : memref<8x32x128xf32, #tpu.memory_space<vmem>>[vector<16xi32>, vector<16xi32>, vector<16xi32>], vector<16xf32>,
      tpu.vector_store_idx %arg13[%iota3A, %add3A_1979], %gather3A_1980 : memref<32x512xf32, #tpu.memory_space<vmem>>[vector<16xi32>, vector<16xi32>], vector<16xf32>,
      %add3A_1985 = arith.constant 16 : i32
      %add3A_1986 = vector.broadcast %add3A_1985 : i32 to vector<16xi32>
      %add3A_1987 = arith.addi %iota3A, %add3A_1986 : vector<16xi32>
      tpu.vector_store_idx %arg13[%add3A_1987, %add3A_1979], %gather3A_1984 : memref<32x512xf32, #tpu.memory_space<vmem>>[vector<16xi32>, vector<16xi32>], vector<16xf32>,
      %slice3A_1988 = vector.extract_strided_slice %get3A_1032 {offsets = [7], sizes = [1], strides = [1]} : vector<16xi32> to vector<1xi32>
      %squeeze3A_1989 = vector.extract %slice3A_1988[0] : i32 from vector<1xi32>
      %shift_right_logical3A_1990 = arith.constant 7 : i32
      %shift_right_logical3A_1991 = arith.shrui %squeeze3A_1989, %shift_right_logical3A_1990 : i32
      %mul3A_1992 = arith.constant 128 : i32
      %mul3A_1993 = arith.muli %shift_right_logical3A_1991, %mul3A_1992 : i32
      %multiple_of3A_1994 = tpu.assume_multiple %mul3A_1993, 128 : i32
      %dma_start3A_1995 = arith.constant 7 : i32
      %dma_start3A_1996 = arith.constant 0 : i32
      %dma_start3A_1997 = arith.constant 0 : i32
      %dma_start3A_1998 = tpu.memref_slice %arg12[%dma_start3A_1995, %dma_start3A_1996, %dma_start3A_1997] : memref<8x32x128xf32, #tpu.memory_space<vmem>> -> memref<1x32x128xf32, #tpu.memory_space<vmem>>
      %dma_start3A_1999 = tpu.memref_squeeze %dma_start3A_1998 : memref<1x32x128xf32, #tpu.memory_space<vmem>> -> memref<32x128xf32, #tpu.memory_space<vmem>>
      %dma_start3A_2000 = arith.constant 0 : i32
      %dma_start3A_2001 = tpu.memref_slice %arg6[%dma_start3A_2000, %multiple_of3A_1994] : memref<32x1000000xf32, #tpu.memory_space<hbm>> -> memref<32x128xf32, #tpu.memory_space<hbm>>
      %dma_start3A_2002 = arith.constant 0 : i32
      %dma_start3A_2003 = arith.constant 0 : i32
      %dma_start3A_2004 = tpu.memref_slice %arg12[%dma_start3A_1995, %dma_start3A_2002, %dma_start3A_2003] : memref<8x32x128xf32, #tpu.memory_space<vmem>> -> memref<1x32x128xf32, #tpu.memory_space<vmem>>
      %dma_start3A_2005 = tpu.memref_squeeze %dma_start3A_2004 : memref<1x32x128xf32, #tpu.memory_space<vmem>> -> memref<32x128xf32, #tpu.memory_space<vmem>>
      %dma_start3A_2006 = arith.constant 0 : i32
      %dma_start3A_2007 = tpu.memref_slice %arg6[%dma_start3A_2006, %multiple_of3A_1994] : memref<32x1000000xf32, #tpu.memory_space<hbm>> -> memref<32x128xf32, #tpu.memory_space<hbm>>
      tpu.enqueue_dma source(%dma_start3A_2007 : memref<32x128xf32, #tpu.memory_space<hbm>>) target(%dma_start3A_2005 : memref<32x128xf32, #tpu.memory_space<vmem>>) target_semaphore(%arg17 : memref<!tpu.dma_semaphore, #tpu.memory_space<semaphore_mem>>)
      %dma_wait3A_2008 = arith.constant 0 : i32
      %dma_wait3A_2009 = arith.constant 0 : i32
      %dma_wait3A_2010 = arith.constant 0 : i32
      %dma_wait3A_2011 = tpu.memref_slice %arg14[%dma_wait3A_2008, %dma_wait3A_2009, %dma_wait3A_2010] : memref<16x8x32xf32, #tpu.memory_space<vmem>> -> memref<1x8x32xf32, #tpu.memory_space<vmem>>
      %dma_wait3A_2012 = tpu.memref_squeeze %dma_wait3A_2011 : memref<1x8x32xf32, #tpu.memory_space<vmem>> -> memref<8x32xf32, #tpu.memory_space<vmem>>
      %dma_wait3A_2013 = arith.constant 0 : i32
      %dma_wait3A_2014 = tpu.memref_slice %arg7[%multiple_of3A_422, %dma_wait3A_2013] : memref<100000x32xf32, #tpu.memory_space<hbm>> -> memref<8x32xf32, #tpu.memory_space<hbm>>
      %dma_wait3A_2015 = arith.constant 0 : i32
      %dma_wait3A_2016 = arith.constant 0 : i32
      %dma_wait3A_2017 = tpu.memref_slice %arg14[%dma_wait3A_2008, %dma_wait3A_2015, %dma_wait3A_2016] : memref<16x8x32xf32, #tpu.memory_space<vmem>> -> memref<1x8x32xf32, #tpu.memory_space<vmem>>
      %dma_wait3A_2018 = tpu.memref_squeeze %dma_wait3A_2017 : memref<1x8x32xf32, #tpu.memory_space<vmem>> -> memref<8x32xf32, #tpu.memory_space<vmem>>
      %dma_wait3A_2019 = arith.constant 0 : i32
      %dma_wait3A_2020 = tpu.memref_slice %arg7[%multiple_of3A_422, %dma_wait3A_2019] : memref<100000x32xf32, #tpu.memory_space<hbm>> -> memref<8x32xf32, #tpu.memory_space<hbm>>
      tpu.wait_dma2 semaphore(%arg18 : memref<!tpu.dma_semaphore, #tpu.memory_space<semaphore_mem>>) src(%dma_wait3A_2020 : memref<8x32xf32, #tpu.memory_space<hbm>>) dst(%dma_wait3A_2018 : memref<8x32xf32, #tpu.memory_space<vmem>>)
      %dma_wait3A_2021 = arith.constant 0 : i32
      %dma_wait3A_2022 = arith.constant 0 : i32
      %dma_wait3A_2023 = arith.constant 0 : i32
      %dma_wait3A_2024 = tpu.memref_slice %arg15[%dma_wait3A_2021, %dma_wait3A_2022, %dma_wait3A_2023] : memref<16x8x32xf32, #tpu.memory_space<vmem>> -> memref<1x8x32xf32, #tpu.memory_space<vmem>>
      %dma_wait3A_2025 = tpu.memref_squeeze %dma_wait3A_2024 : memref<1x8x32xf32, #tpu.memory_space<vmem>> -> memref<8x32xf32, #tpu.memory_space<vmem>>
      %dma_wait3A_2026 = arith.constant 0 : i32
      %dma_wait3A_2027 = tpu.memref_slice %arg8[%multiple_of3A_438, %dma_wait3A_2026] : memref<1000x32xf32, #tpu.memory_space<hbm>> -> memref<8x32xf32, #tpu.memory_space<hbm>>
      %dma_wait3A_2028 = arith.constant 0 : i32
      %dma_wait3A_2029 = arith.constant 0 : i32
      %dma_wait3A_2030 = tpu.memref_slice %arg15[%dma_wait3A_2021, %dma_wait3A_2028, %dma_wait3A_2029] : memref<16x8x32xf32, #tpu.memory_space<vmem>> -> memref<1x8x32xf32, #tpu.memory_space<vmem>>
      %dma_wait3A_2031 = tpu.memref_squeeze %dma_wait3A_2030 : memref<1x8x32xf32, #tpu.memory_space<vmem>> -> memref<8x32xf32, #tpu.memory_space<vmem>>
      %dma_wait3A_2032 = arith.constant 0 : i32
      %dma_wait3A_2033 = tpu.memref_slice %arg8[%multiple_of3A_438, %dma_wait3A_2032] : memref<1000x32xf32, #tpu.memory_space<hbm>> -> memref<8x32xf32, #tpu.memory_space<hbm>>
      tpu.wait_dma2 semaphore(%arg18 : memref<!tpu.dma_semaphore, #tpu.memory_space<semaphore_mem>>) src(%dma_wait3A_2033 : memref<8x32xf32, #tpu.memory_space<hbm>>) dst(%dma_wait3A_2031 : memref<8x32xf32, #tpu.memory_space<vmem>>)
      %dma_wait3A_2034 = arith.constant 1 : i32
      %dma_wait3A_2035 = arith.constant 0 : i32
      %dma_wait3A_2036 = arith.constant 0 : i32
      %dma_wait3A_2037 = tpu.memref_slice %arg14[%dma_wait3A_2034, %dma_wait3A_2035, %dma_wait3A_2036] : memref<16x8x32xf32, #tpu.memory_space<vmem>> -> memref<1x8x32xf32, #tpu.memory_space<vmem>>
      %dma_wait3A_2038 = tpu.memref_squeeze %dma_wait3A_2037 : memref<1x8x32xf32, #tpu.memory_space<vmem>> -> memref<8x32xf32, #tpu.memory_space<vmem>>
      %dma_wait3A_2039 = arith.constant 0 : i32
      %dma_wait3A_2040 = tpu.memref_slice %arg7[%multiple_of3A_454, %dma_wait3A_2039] : memref<100000x32xf32, #tpu.memory_space<hbm>> -> memref<8x32xf32, #tpu.memory_space<hbm>>
      %dma_wait3A_2041 = arith.constant 0 : i32
      %dma_wait3A_2042 = arith.constant 0 : i32
      %dma_wait3A_2043 = tpu.memref_slice %arg14[%dma_wait3A_2034, %dma_wait3A_2041, %dma_wait3A_2042] : memref<16x8x32xf32, #tpu.memory_space<vmem>> -> memref<1x8x32xf32, #tpu.memory_space<vmem>>
      %dma_wait3A_2044 = tpu.memref_squeeze %dma_wait3A_2043 : memref<1x8x32xf32, #tpu.memory_space<vmem>> -> memref<8x32xf32, #tpu.memory_space<vmem>>
      %dma_wait3A_2045 = arith.constant 0 : i32
      %dma_wait3A_2046 = tpu.memref_slice %arg7[%multiple_of3A_454, %dma_wait3A_2045] : memref<100000x32xf32, #tpu.memory_space<hbm>> -> memref<8x32xf32, #tpu.memory_space<hbm>>
      tpu.wait_dma2 semaphore(%arg18 : memref<!tpu.dma_semaphore, #tpu.memory_space<semaphore_mem>>) src(%dma_wait3A_2046 : memref<8x32xf32, #tpu.memory_space<hbm>>) dst(%dma_wait3A_2044 : memref<8x32xf32, #tpu.memory_space<vmem>>)
      %dma_wait3A_2047 = arith.constant 1 : i32
      %dma_wait3A_2048 = arith.constant 0 : i32
      %dma_wait3A_2049 = arith.constant 0 : i32
      %dma_wait3A_2050 = tpu.memref_slice %arg15[%dma_wait3A_2047, %dma_wait3A_2048, %dma_wait3A_2049] : memref<16x8x32xf32, #tpu.memory_space<vmem>> -> memref<1x8x32xf32, #tpu.memory_space<vmem>>
      %dma_wait3A_2051 = tpu.memref_squeeze %dma_wait3A_2050 : memref<1x8x32xf32, #tpu.memory_space<vmem>> -> memref<8x32xf32, #tpu.memory_space<vmem>>
      %dma_wait3A_2052 = arith.constant 0 : i32
      %dma_wait3A_2053 = tpu.memref_slice %arg8[%multiple_of3A_470, %dma_wait3A_2052] : memref<1000x32xf32, #tpu.memory_space<hbm>> -> memref<8x32xf32, #tpu.memory_space<hbm>>
      %dma_wait3A_2054 = arith.constant 0 : i32
      %dma_wait3A_2055 = arith.constant 0 : i32
      %dma_wait3A_2056 = tpu.memref_slice %arg15[%dma_wait3A_2047, %dma_wait3A_2054, %dma_wait3A_2055] : memref<16x8x32xf32, #tpu.memory_space<vmem>> -> memref<1x8x32xf32, #tpu.memory_space<vmem>>
      %dma_wait3A_2057 = tpu.memref_squeeze %dma_wait3A_2056 : memref<1x8x32xf32, #tpu.memory_space<vmem>> -> memref<8x32xf32, #tpu.memory_space<vmem>>
      %dma_wait3A_2058 = arith.constant 0 : i32
      %dma_wait3A_2059 = tpu.memref_slice %arg8[%multiple_of3A_470, %dma_wait3A_2058] : memref<1000x32xf32, #tpu.memory_space<hbm>> -> memref<8x32xf32, #tpu.memory_space<hbm>>
      tpu.wait_dma2 semaphore(%arg18 : memref<!tpu.dma_semaphore, #tpu.memory_space<semaphore_mem>>) src(%dma_wait3A_2059 : memref<8x32xf32, #tpu.memory_space<hbm>>) dst(%dma_wait3A_2057 : memref<8x32xf32, #tpu.memory_space<vmem>>)
      %dma_wait3A_2060 = arith.constant 2 : i32
      %dma_wait3A_2061 = arith.constant 0 : i32
      %dma_wait3A_2062 = arith.constant 0 : i32
      %dma_wait3A_2063 = tpu.memref_slice %arg14[%dma_wait3A_2060, %dma_wait3A_2061, %dma_wait3A_2062] : memref<16x8x32xf32, #tpu.memory_space<vmem>> -> memref<1x8x32xf32, #tpu.memory_space<vmem>>
      %dma_wait3A_2064 = tpu.memref_squeeze %dma_wait3A_2063 : memref<1x8x32xf32, #tpu.memory_space<vmem>> -> memref<8x32xf32, #tpu.memory_space<vmem>>
      %dma_wait3A_2065 = arith.constant 0 : i32
      %dma_wait3A_2066 = tpu.memref_slice %arg7[%multiple_of3A_486, %dma_wait3A_2065] : memref<100000x32xf32, #tpu.memory_space<hbm>> -> memref<8x32xf32, #tpu.memory_space<hbm>>
      %dma_wait3A_2067 = arith.constant 0 : i32
      %dma_wait3A_2068 = arith.constant 0 : i32
      %dma_wait3A_2069 = tpu.memref_slice %arg14[%dma_wait3A_2060, %dma_wait3A_2067, %dma_wait3A_2068] : memref<16x8x32xf32, #tpu.memory_space<vmem>> -> memref<1x8x32xf32, #tpu.memory_space<vmem>>
      %dma_wait3A_2070 = tpu.memref_squeeze %dma_wait3A_2069 : memref<1x8x32xf32, #tpu.memory_space<vmem>> -> memref<8x32xf32, #tpu.memory_space<vmem>>
      %dma_wait3A_2071 = arith.constant 0 : i32
      %dma_wait3A_2072 = tpu.memref_slice %arg7[%multiple_of3A_486, %dma_wait3A_2071] : memref<100000x32xf32, #tpu.memory_space<hbm>> -> memref<8x32xf32, #tpu.memory_space<hbm>>
      tpu.wait_dma2 semaphore(%arg18 : memref<!tpu.dma_semaphore, #tpu.memory_space<semaphore_mem>>) src(%dma_wait3A_2072 : memref<8x32xf32, #tpu.memory_space<hbm>>) dst(%dma_wait3A_2070 : memref<8x32xf32, #tpu.memory_space<vmem>>)
      %dma_wait3A_2073 = arith.constant 2 : i32
      %dma_wait3A_2074 = arith.constant 0 : i32
      %dma_wait3A_2075 = arith.constant 0 : i32
      %dma_wait3A_2076 = tpu.memref_slice %arg15[%dma_wait3A_2073, %dma_wait3A_2074, %dma_wait3A_2075] : memref<16x8x32xf32, #tpu.memory_space<vmem>> -> memref<1x8x32xf32, #tpu.memory_space<vmem>>
      %dma_wait3A_2077 = tpu.memref_squeeze %dma_wait3A_2076 : memref<1x8x32xf32, #tpu.memory_space<vmem>> -> memref<8x32xf32, #tpu.memory_space<vmem>>
      %dma_wait3A_2078 = arith.constant 0 : i32
      %dma_wait3A_2079 = tpu.memref_slice %arg8[%multiple_of3A_502, %dma_wait3A_2078] : memref<1000x32xf32, #tpu.memory_space<hbm>> -> memref<8x32xf32, #tpu.memory_space<hbm>>
      %dma_wait3A_2080 = arith.constant 0 : i32
      %dma_wait3A_2081 = arith.constant 0 : i32
      %dma_wait3A_2082 = tpu.memref_slice %arg15[%dma_wait3A_2073, %dma_wait3A_2080, %dma_wait3A_2081] : memref<16x8x32xf32, #tpu.memory_space<vmem>> -> memref<1x8x32xf32, #tpu.memory_space<vmem>>
      %dma_wait3A_2083 = tpu.memref_squeeze %dma_wait3A_2082 : memref<1x8x32xf32, #tpu.memory_space<vmem>> -> memref<8x32xf32, #tpu.memory_space<vmem>>
      %dma_wait3A_2084 = arith.constant 0 : i32
      %dma_wait3A_2085 = tpu.memref_slice %arg8[%multiple_of3A_502, %dma_wait3A_2084] : memref<1000x32xf32, #tpu.memory_space<hbm>> -> memref<8x32xf32, #tpu.memory_space<hbm>>
      tpu.wait_dma2 semaphore(%arg18 : memref<!tpu.dma_semaphore, #tpu.memory_space<semaphore_mem>>) src(%dma_wait3A_2085 : memref<8x32xf32, #tpu.memory_space<hbm>>) dst(%dma_wait3A_2083 : memref<8x32xf32, #tpu.memory_space<vmem>>)
      %dma_wait3A_2086 = arith.constant 3 : i32
      %dma_wait3A_2087 = arith.constant 0 : i32
      %dma_wait3A_2088 = arith.constant 0 : i32
      %dma_wait3A_2089 = tpu.memref_slice %arg14[%dma_wait3A_2086, %dma_wait3A_2087, %dma_wait3A_2088] : memref<16x8x32xf32, #tpu.memory_space<vmem>> -> memref<1x8x32xf32, #tpu.memory_space<vmem>>
      %dma_wait3A_2090 = tpu.memref_squeeze %dma_wait3A_2089 : memref<1x8x32xf32, #tpu.memory_space<vmem>> -> memref<8x32xf32, #tpu.memory_space<vmem>>
      %dma_wait3A_2091 = arith.constant 0 : i32
      %dma_wait3A_2092 = tpu.memref_slice %arg7[%multiple_of3A_518, %dma_wait3A_2091] : memref<100000x32xf32, #tpu.memory_space<hbm>> -> memref<8x32xf32, #tpu.memory_space<hbm>>
      %dma_wait3A_2093 = arith.constant 0 : i32
      %dma_wait3A_2094 = arith.constant 0 : i32
      %dma_wait3A_2095 = tpu.memref_slice %arg14[%dma_wait3A_2086, %dma_wait3A_2093, %dma_wait3A_2094] : memref<16x8x32xf32, #tpu.memory_space<vmem>> -> memref<1x8x32xf32, #tpu.memory_space<vmem>>
      %dma_wait3A_2096 = tpu.memref_squeeze %dma_wait3A_2095 : memref<1x8x32xf32, #tpu.memory_space<vmem>> -> memref<8x32xf32, #tpu.memory_space<vmem>>
      %dma_wait3A_2097 = arith.constant 0 : i32
      %dma_wait3A_2098 = tpu.memref_slice %arg7[%multiple_of3A_518, %dma_wait3A_2097] : memref<100000x32xf32, #tpu.memory_space<hbm>> -> memref<8x32xf32, #tpu.memory_space<hbm>>
      tpu.wait_dma2 semaphore(%arg18 : memref<!tpu.dma_semaphore, #tpu.memory_space<semaphore_mem>>) src(%dma_wait3A_2098 : memref<8x32xf32, #tpu.memory_space<hbm>>) dst(%dma_wait3A_2096 : memref<8x32xf32, #tpu.memory_space<vmem>>)
      %dma_wait3A_2099 = arith.constant 3 : i32
      %dma_wait3A_2100 = arith.constant 0 : i32
      %dma_wait3A_2101 = arith.constant 0 : i32
      %dma_wait3A_2102 = tpu.memref_slice %arg15[%dma_wait3A_2099, %dma_wait3A_2100, %dma_wait3A_2101] : memref<16x8x32xf32, #tpu.memory_space<vmem>> -> memref<1x8x32xf32, #tpu.memory_space<vmem>>
      %dma_wait3A_2103 = tpu.memref_squeeze %dma_wait3A_2102 : memref<1x8x32xf32, #tpu.memory_space<vmem>> -> memref<8x32xf32, #tpu.memory_space<vmem>>
      %dma_wait3A_2104 = arith.constant 0 : i32
      %dma_wait3A_2105 = tpu.memref_slice %arg8[%multiple_of3A_534, %dma_wait3A_2104] : memref<1000x32xf32, #tpu.memory_space<hbm>> -> memref<8x32xf32, #tpu.memory_space<hbm>>
      %dma_wait3A_2106 = arith.constant 0 : i32
      %dma_wait3A_2107 = arith.constant 0 : i32
      %dma_wait3A_2108 = tpu.memref_slice %arg15[%dma_wait3A_2099, %dma_wait3A_2106, %dma_wait3A_2107] : memref<16x8x32xf32, #tpu.memory_space<vmem>> -> memref<1x8x32xf32, #tpu.memory_space<vmem>>
      %dma_wait3A_2109 = tpu.memref_squeeze %dma_wait3A_2108 : memref<1x8x32xf32, #tpu.memory_space<vmem>> -> memref<8x32xf32, #tpu.memory_space<vmem>>
      %dma_wait3A_2110 = arith.constant 0 : i32
      %dma_wait3A_2111 = tpu.memref_slice %arg8[%multiple_of3A_534, %dma_wait3A_2110] : memref<1000x32xf32, #tpu.memory_space<hbm>> -> memref<8x32xf32, #tpu.memory_space<hbm>>
      tpu.wait_dma2 semaphore(%arg18 : memref<!tpu.dma_semaphore, #tpu.memory_space<semaphore_mem>>) src(%dma_wait3A_2111 : memref<8x32xf32, #tpu.memory_space<hbm>>) dst(%dma_wait3A_2109 : memref<8x32xf32, #tpu.memory_space<vmem>>)
      %dma_wait3A_2112 = arith.constant 4 : i32
      %dma_wait3A_2113 = arith.constant 0 : i32
      %dma_wait3A_2114 = arith.constant 0 : i32
      %dma_wait3A_2115 = tpu.memref_slice %arg14[%dma_wait3A_2112, %dma_wait3A_2113, %dma_wait3A_2114] : memref<16x8x32xf32, #tpu.memory_space<vmem>> -> memref<1x8x32xf32, #tpu.memory_space<vmem>>
      %dma_wait3A_2116 = tpu.memref_squeeze %dma_wait3A_2115 : memref<1x8x32xf32, #tpu.memory_space<vmem>> -> memref<8x32xf32, #tpu.memory_space<vmem>>
      %dma_wait3A_2117 = arith.constant 0 : i32
      %dma_wait3A_2118 = tpu.memref_slice %arg7[%multiple_of3A_550, %dma_wait3A_2117] : memref<100000x32xf32, #tpu.memory_space<hbm>> -> memref<8x32xf32, #tpu.memory_space<hbm>>
      %dma_wait3A_2119 = arith.constant 0 : i32
      %dma_wait3A_2120 = arith.constant 0 : i32
      %dma_wait3A_2121 = tpu.memref_slice %arg14[%dma_wait3A_2112, %dma_wait3A_2119, %dma_wait3A_2120] : memref<16x8x32xf32, #tpu.memory_space<vmem>> -> memref<1x8x32xf32, #tpu.memory_space<vmem>>
      %dma_wait3A_2122 = tpu.memref_squeeze %dma_wait3A_2121 : memref<1x8x32xf32, #tpu.memory_space<vmem>> -> memref<8x32xf32, #tpu.memory_space<vmem>>
      %dma_wait3A_2123 = arith.constant 0 : i32
      %dma_wait3A_2124 = tpu.memref_slice %arg7[%multiple_of3A_550, %dma_wait3A_2123] : memref<100000x32xf32, #tpu.memory_space<hbm>> -> memref<8x32xf32, #tpu.memory_space<hbm>>
      tpu.wait_dma2 semaphore(%arg18 : memref<!tpu.dma_semaphore, #tpu.memory_space<semaphore_mem>>) src(%dma_wait3A_2124 : memref<8x32xf32, #tpu.memory_space<hbm>>) dst(%dma_wait3A_2122 : memref<8x32xf32, #tpu.memory_space<vmem>>)
      %dma_wait3A_2125 = arith.constant 4 : i32
      %dma_wait3A_2126 = arith.constant 0 : i32
      %dma_wait3A_2127 = arith.constant 0 : i32
      %dma_wait3A_2128 = tpu.memref_slice %arg15[%dma_wait3A_2125, %dma_wait3A_2126, %dma_wait3A_2127] : memref<16x8x32xf32, #tpu.memory_space<vmem>> -> memref<1x8x32xf32, #tpu.memory_space<vmem>>
      %dma_wait3A_2129 = tpu.memref_squeeze %dma_wait3A_2128 : memref<1x8x32xf32, #tpu.memory_space<vmem>> -> memref<8x32xf32, #tpu.memory_space<vmem>>
      %dma_wait3A_2130 = arith.constant 0 : i32
      %dma_wait3A_2131 = tpu.memref_slice %arg8[%multiple_of3A_566, %dma_wait3A_2130] : memref<1000x32xf32, #tpu.memory_space<hbm>> -> memref<8x32xf32, #tpu.memory_space<hbm>>
      %dma_wait3A_2132 = arith.constant 0 : i32
      %dma_wait3A_2133 = arith.constant 0 : i32
      %dma_wait3A_2134 = tpu.memref_slice %arg15[%dma_wait3A_2125, %dma_wait3A_2132, %dma_wait3A_2133] : memref<16x8x32xf32, #tpu.memory_space<vmem>> -> memref<1x8x32xf32, #tpu.memory_space<vmem>>
      %dma_wait3A_2135 = tpu.memref_squeeze %dma_wait3A_2134 : memref<1x8x32xf32, #tpu.memory_space<vmem>> -> memref<8x32xf32, #tpu.memory_space<vmem>>
      %dma_wait3A_2136 = arith.constant 0 : i32
      %dma_wait3A_2137 = tpu.memref_slice %arg8[%multiple_of3A_566, %dma_wait3A_2136] : memref<1000x32xf32, #tpu.memory_space<hbm>> -> memref<8x32xf32, #tpu.memory_space<hbm>>
      tpu.wait_dma2 semaphore(%arg18 : memref<!tpu.dma_semaphore, #tpu.memory_space<semaphore_mem>>) src(%dma_wait3A_2137 : memref<8x32xf32, #tpu.memory_space<hbm>>) dst(%dma_wait3A_2135 : memref<8x32xf32, #tpu.memory_space<vmem>>)
      %dma_wait3A_2138 = arith.constant 5 : i32
      %dma_wait3A_2139 = arith.constant 0 : i32
      %dma_wait3A_2140 = arith.constant 0 : i32
      %dma_wait3A_2141 = tpu.memref_slice %arg14[%dma_wait3A_2138, %dma_wait3A_2139, %dma_wait3A_2140] : memref<16x8x32xf32, #tpu.memory_space<vmem>> -> memref<1x8x32xf32, #tpu.memory_space<vmem>>
      %dma_wait3A_2142 = tpu.memref_squeeze %dma_wait3A_2141 : memref<1x8x32xf32, #tpu.memory_space<vmem>> -> memref<8x32xf32, #tpu.memory_space<vmem>>
      %dma_wait3A_2143 = arith.constant 0 : i32
      %dma_wait3A_2144 = tpu.memref_slice %arg7[%multiple_of3A_582, %dma_wait3A_2143] : memref<100000x32xf32, #tpu.memory_space<hbm>> -> memref<8x32xf32, #tpu.memory_space<hbm>>
      %dma_wait3A_2145 = arith.constant 0 : i32
      %dma_wait3A_2146 = arith.constant 0 : i32
      %dma_wait3A_2147 = tpu.memref_slice %arg14[%dma_wait3A_2138, %dma_wait3A_2145, %dma_wait3A_2146] : memref<16x8x32xf32, #tpu.memory_space<vmem>> -> memref<1x8x32xf32, #tpu.memory_space<vmem>>
      %dma_wait3A_2148 = tpu.memref_squeeze %dma_wait3A_2147 : memref<1x8x32xf32, #tpu.memory_space<vmem>> -> memref<8x32xf32, #tpu.memory_space<vmem>>
      %dma_wait3A_2149 = arith.constant 0 : i32
      %dma_wait3A_2150 = tpu.memref_slice %arg7[%multiple_of3A_582, %dma_wait3A_2149] : memref<100000x32xf32, #tpu.memory_space<hbm>> -> memref<8x32xf32, #tpu.memory_space<hbm>>
      tpu.wait_dma2 semaphore(%arg18 : memref<!tpu.dma_semaphore, #tpu.memory_space<semaphore_mem>>) src(%dma_wait3A_2150 : memref<8x32xf32, #tpu.memory_space<hbm>>) dst(%dma_wait3A_2148 : memref<8x32xf32, #tpu.memory_space<vmem>>)
      %dma_wait3A_2151 = arith.constant 5 : i32
      %dma_wait3A_2152 = arith.constant 0 : i32
      %dma_wait3A_2153 = arith.constant 0 : i32
      %dma_wait3A_2154 = tpu.memref_slice %arg15[%dma_wait3A_2151, %dma_wait3A_2152, %dma_wait3A_2153] : memref<16x8x32xf32, #tpu.memory_space<vmem>> -> memref<1x8x32xf32, #tpu.memory_space<vmem>>
      %dma_wait3A_2155 = tpu.memref_squeeze %dma_wait3A_2154 : memref<1x8x32xf32, #tpu.memory_space<vmem>> -> memref<8x32xf32, #tpu.memory_space<vmem>>
      %dma_wait3A_2156 = arith.constant 0 : i32
      %dma_wait3A_2157 = tpu.memref_slice %arg8[%multiple_of3A_598, %dma_wait3A_2156] : memref<1000x32xf32, #tpu.memory_space<hbm>> -> memref<8x32xf32, #tpu.memory_space<hbm>>
      %dma_wait3A_2158 = arith.constant 0 : i32
      %dma_wait3A_2159 = arith.constant 0 : i32
      %dma_wait3A_2160 = tpu.memref_slice %arg15[%dma_wait3A_2151, %dma_wait3A_2158, %dma_wait3A_2159] : memref<16x8x32xf32, #tpu.memory_space<vmem>> -> memref<1x8x32xf32, #tpu.memory_space<vmem>>
      %dma_wait3A_2161 = tpu.memref_squeeze %dma_wait3A_2160 : memref<1x8x32xf32, #tpu.memory_space<vmem>> -> memref<8x32xf32, #tpu.memory_space<vmem>>
      %dma_wait3A_2162 = arith.constant 0 : i32
      %dma_wait3A_2163 = tpu.memref_slice %arg8[%multiple_of3A_598, %dma_wait3A_2162] : memref<1000x32xf32, #tpu.memory_space<hbm>> -> memref<8x32xf32, #tpu.memory_space<hbm>>
      tpu.wait_dma2 semaphore(%arg18 : memref<!tpu.dma_semaphore, #tpu.memory_space<semaphore_mem>>) src(%dma_wait3A_2163 : memref<8x32xf32, #tpu.memory_space<hbm>>) dst(%dma_wait3A_2161 : memref<8x32xf32, #tpu.memory_space<vmem>>)
      %dma_wait3A_2164 = arith.constant 6 : i32
      %dma_wait3A_2165 = arith.constant 0 : i32
      %dma_wait3A_2166 = arith.constant 0 : i32
      %dma_wait3A_2167 = tpu.memref_slice %arg14[%dma_wait3A_2164, %dma_wait3A_2165, %dma_wait3A_2166] : memref<16x8x32xf32, #tpu.memory_space<vmem>> -> memref<1x8x32xf32, #tpu.memory_space<vmem>>
      %dma_wait3A_2168 = tpu.memref_squeeze %dma_wait3A_2167 : memref<1x8x32xf32, #tpu.memory_space<vmem>> -> memref<8x32xf32, #tpu.memory_space<vmem>>
      %dma_wait3A_2169 = arith.constant 0 : i32
      %dma_wait3A_2170 = tpu.memref_slice %arg7[%multiple_of3A_614, %dma_wait3A_2169] : memref<100000x32xf32, #tpu.memory_space<hbm>> -> memref<8x32xf32, #tpu.memory_space<hbm>>
      %dma_wait3A_2171 = arith.constant 0 : i32
      %dma_wait3A_2172 = arith.constant 0 : i32
      %dma_wait3A_2173 = tpu.memref_slice %arg14[%dma_wait3A_2164, %dma_wait3A_2171, %dma_wait3A_2172] : memref<16x8x32xf32, #tpu.memory_space<vmem>> -> memref<1x8x32xf32, #tpu.memory_space<vmem>>
      %dma_wait3A_2174 = tpu.memref_squeeze %dma_wait3A_2173 : memref<1x8x32xf32, #tpu.memory_space<vmem>> -> memref<8x32xf32, #tpu.memory_space<vmem>>
      %dma_wait3A_2175 = arith.constant 0 : i32
      %dma_wait3A_2176 = tpu.memref_slice %arg7[%multiple_of3A_614, %dma_wait3A_2175] : memref<100000x32xf32, #tpu.memory_space<hbm>> -> memref<8x32xf32, #tpu.memory_space<hbm>>
      tpu.wait_dma2 semaphore(%arg18 : memref<!tpu.dma_semaphore, #tpu.memory_space<semaphore_mem>>) src(%dma_wait3A_2176 : memref<8x32xf32, #tpu.memory_space<hbm>>) dst(%dma_wait3A_2174 : memref<8x32xf32, #tpu.memory_space<vmem>>)
      %dma_wait3A_2177 = arith.constant 6 : i32
      %dma_wait3A_2178 = arith.constant 0 : i32
      %dma_wait3A_2179 = arith.constant 0 : i32
      %dma_wait3A_2180 = tpu.memref_slice %arg15[%dma_wait3A_2177, %dma_wait3A_2178, %dma_wait3A_2179] : memref<16x8x32xf32, #tpu.memory_space<vmem>> -> memref<1x8x32xf32, #tpu.memory_space<vmem>>
      %dma_wait3A_2181 = tpu.memref_squeeze %dma_wait3A_2180 : memref<1x8x32xf32, #tpu.memory_space<vmem>> -> memref<8x32xf32, #tpu.memory_space<vmem>>
      %dma_wait3A_2182 = arith.constant 0 : i32
      %dma_wait3A_2183 = tpu.memref_slice %arg8[%multiple_of3A_630, %dma_wait3A_2182] : memref<1000x32xf32, #tpu.memory_space<hbm>> -> memref<8x32xf32, #tpu.memory_space<hbm>>
      %dma_wait3A_2184 = arith.constant 0 : i32
      %dma_wait3A_2185 = arith.constant 0 : i32
      %dma_wait3A_2186 = tpu.memref_slice %arg15[%dma_wait3A_2177, %dma_wait3A_2184, %dma_wait3A_2185] : memref<16x8x32xf32, #tpu.memory_space<vmem>> -> memref<1x8x32xf32, #tpu.memory_space<vmem>>
      %dma_wait3A_2187 = tpu.memref_squeeze %dma_wait3A_2186 : memref<1x8x32xf32, #tpu.memory_space<vmem>> -> memref<8x32xf32, #tpu.memory_space<vmem>>
      %dma_wait3A_2188 = arith.constant 0 : i32
      %dma_wait3A_2189 = tpu.memref_slice %arg8[%multiple_of3A_630, %dma_wait3A_2188] : memref<1000x32xf32, #tpu.memory_space<hbm>> -> memref<8x32xf32, #tpu.memory_space<hbm>>
      tpu.wait_dma2 semaphore(%arg18 : memref<!tpu.dma_semaphore, #tpu.memory_space<semaphore_mem>>) src(%dma_wait3A_2189 : memref<8x32xf32, #tpu.memory_space<hbm>>) dst(%dma_wait3A_2187 : memref<8x32xf32, #tpu.memory_space<vmem>>)
      %dma_wait3A_2190 = arith.constant 7 : i32
      %dma_wait3A_2191 = arith.constant 0 : i32
      %dma_wait3A_2192 = arith.constant 0 : i32
      %dma_wait3A_2193 = tpu.memref_slice %arg14[%dma_wait3A_2190, %dma_wait3A_2191, %dma_wait3A_2192] : memref<16x8x32xf32, #tpu.memory_space<vmem>> -> memref<1x8x32xf32, #tpu.memory_space<vmem>>
      %dma_wait3A_2194 = tpu.memref_squeeze %dma_wait3A_2193 : memref<1x8x32xf32, #tpu.memory_space<vmem>> -> memref<8x32xf32, #tpu.memory_space<vmem>>
      %dma_wait3A_2195 = arith.constant 0 : i32
      %dma_wait3A_2196 = tpu.memref_slice %arg7[%multiple_of3A_646, %dma_wait3A_2195] : memref<100000x32xf32, #tpu.memory_space<hbm>> -> memref<8x32xf32, #tpu.memory_space<hbm>>
      %dma_wait3A_2197 = arith.constant 0 : i32
      %dma_wait3A_2198 = arith.constant 0 : i32
      %dma_wait3A_2199 = tpu.memref_slice %arg14[%dma_wait3A_2190, %dma_wait3A_2197, %dma_wait3A_2198] : memref<16x8x32xf32, #tpu.memory_space<vmem>> -> memref<1x8x32xf32, #tpu.memory_space<vmem>>
      %dma_wait3A_2200 = tpu.memref_squeeze %dma_wait3A_2199 : memref<1x8x32xf32, #tpu.memory_space<vmem>> -> memref<8x32xf32, #tpu.memory_space<vmem>>
      %dma_wait3A_2201 = arith.constant 0 : i32
      %dma_wait3A_2202 = tpu.memref_slice %arg7[%multiple_of3A_646, %dma_wait3A_2201] : memref<100000x32xf32, #tpu.memory_space<hbm>> -> memref<8x32xf32, #tpu.memory_space<hbm>>
      tpu.wait_dma2 semaphore(%arg18 : memref<!tpu.dma_semaphore, #tpu.memory_space<semaphore_mem>>) src(%dma_wait3A_2202 : memref<8x32xf32, #tpu.memory_space<hbm>>) dst(%dma_wait3A_2200 : memref<8x32xf32, #tpu.memory_space<vmem>>)
      %dma_wait3A_2203 = arith.constant 7 : i32
      %dma_wait3A_2204 = arith.constant 0 : i32
      %dma_wait3A_2205 = arith.constant 0 : i32
      %dma_wait3A_2206 = tpu.memref_slice %arg15[%dma_wait3A_2203, %dma_wait3A_2204, %dma_wait3A_2205] : memref<16x8x32xf32, #tpu.memory_space<vmem>> -> memref<1x8x32xf32, #tpu.memory_space<vmem>>
      %dma_wait3A_2207 = tpu.memref_squeeze %dma_wait3A_2206 : memref<1x8x32xf32, #tpu.memory_space<vmem>> -> memref<8x32xf32, #tpu.memory_space<vmem>>
      %dma_wait3A_2208 = arith.constant 0 : i32
      %dma_wait3A_2209 = tpu.memref_slice %arg8[%multiple_of3A_662, %dma_wait3A_2208] : memref<1000x32xf32, #tpu.memory_space<hbm>> -> memref<8x32xf32, #tpu.memory_space<hbm>>
      %dma_wait3A_2210 = arith.constant 0 : i32
      %dma_wait3A_2211 = arith.constant 0 : i32
      %dma_wait3A_2212 = tpu.memref_slice %arg15[%dma_wait3A_2203, %dma_wait3A_2210, %dma_wait3A_2211] : memref<16x8x32xf32, #tpu.memory_space<vmem>> -> memref<1x8x32xf32, #tpu.memory_space<vmem>>
      %dma_wait3A_2213 = tpu.memref_squeeze %dma_wait3A_2212 : memref<1x8x32xf32, #tpu.memory_space<vmem>> -> memref<8x32xf32, #tpu.memory_space<vmem>>
      %dma_wait3A_2214 = arith.constant 0 : i32
      %dma_wait3A_2215 = tpu.memref_slice %arg8[%multiple_of3A_662, %dma_wait3A_2214] : memref<1000x32xf32, #tpu.memory_space<hbm>> -> memref<8x32xf32, #tpu.memory_space<hbm>>
      tpu.wait_dma2 semaphore(%arg18 : memref<!tpu.dma_semaphore, #tpu.memory_space<semaphore_mem>>) src(%dma_wait3A_2215 : memref<8x32xf32, #tpu.memory_space<hbm>>) dst(%dma_wait3A_2213 : memref<8x32xf32, #tpu.memory_space<vmem>>)
      %dma_wait3A_2216 = arith.constant 8 : i32
      %dma_wait3A_2217 = arith.constant 0 : i32
      %dma_wait3A_2218 = arith.constant 0 : i32
      %dma_wait3A_2219 = tpu.memref_slice %arg14[%dma_wait3A_2216, %dma_wait3A_2217, %dma_wait3A_2218] : memref<16x8x32xf32, #tpu.memory_space<vmem>> -> memref<1x8x32xf32, #tpu.memory_space<vmem>>
      %dma_wait3A_2220 = tpu.memref_squeeze %dma_wait3A_2219 : memref<1x8x32xf32, #tpu.memory_space<vmem>> -> memref<8x32xf32, #tpu.memory_space<vmem>>
      %dma_wait3A_2221 = arith.constant 0 : i32
      %dma_wait3A_2222 = tpu.memref_slice %arg7[%multiple_of3A_678, %dma_wait3A_2221] : memref<100000x32xf32, #tpu.memory_space<hbm>> -> memref<8x32xf32, #tpu.memory_space<hbm>>
      %dma_wait3A_2223 = arith.constant 0 : i32
      %dma_wait3A_2224 = arith.constant 0 : i32
      %dma_wait3A_2225 = tpu.memref_slice %arg14[%dma_wait3A_2216, %dma_wait3A_2223, %dma_wait3A_2224] : memref<16x8x32xf32, #tpu.memory_space<vmem>> -> memref<1x8x32xf32, #tpu.memory_space<vmem>>
      %dma_wait3A_2226 = tpu.memref_squeeze %dma_wait3A_2225 : memref<1x8x32xf32, #tpu.memory_space<vmem>> -> memref<8x32xf32, #tpu.memory_space<vmem>>
      %dma_wait3A_2227 = arith.constant 0 : i32
      %dma_wait3A_2228 = tpu.memref_slice %arg7[%multiple_of3A_678, %dma_wait3A_2227] : memref<100000x32xf32, #tpu.memory_space<hbm>> -> memref<8x32xf32, #tpu.memory_space<hbm>>
      tpu.wait_dma2 semaphore(%arg18 : memref<!tpu.dma_semaphore, #tpu.memory_space<semaphore_mem>>) src(%dma_wait3A_2228 : memref<8x32xf32, #tpu.memory_space<hbm>>) dst(%dma_wait3A_2226 : memref<8x32xf32, #tpu.memory_space<vmem>>)
      %dma_wait3A_2229 = arith.constant 8 : i32
      %dma_wait3A_2230 = arith.constant 0 : i32
      %dma_wait3A_2231 = arith.constant 0 : i32
      %dma_wait3A_2232 = tpu.memref_slice %arg15[%dma_wait3A_2229, %dma_wait3A_2230, %dma_wait3A_2231] : memref<16x8x32xf32, #tpu.memory_space<vmem>> -> memref<1x8x32xf32, #tpu.memory_space<vmem>>
      %dma_wait3A_2233 = tpu.memref_squeeze %dma_wait3A_2232 : memref<1x8x32xf32, #tpu.memory_space<vmem>> -> memref<8x32xf32, #tpu.memory_space<vmem>>
      %dma_wait3A_2234 = arith.constant 0 : i32
      %dma_wait3A_2235 = tpu.memref_slice %arg8[%multiple_of3A_694, %dma_wait3A_2234] : memref<1000x32xf32, #tpu.memory_space<hbm>> -> memref<8x32xf32, #tpu.memory_space<hbm>>
      %dma_wait3A_2236 = arith.constant 0 : i32
      %dma_wait3A_2237 = arith.constant 0 : i32
      %dma_wait3A_2238 = tpu.memref_slice %arg15[%dma_wait3A_2229, %dma_wait3A_2236, %dma_wait3A_2237] : memref<16x8x32xf32, #tpu.memory_space<vmem>> -> memref<1x8x32xf32, #tpu.memory_space<vmem>>
      %dma_wait3A_2239 = tpu.memref_squeeze %dma_wait3A_2238 : memref<1x8x32xf32, #tpu.memory_space<vmem>> -> memref<8x32xf32, #tpu.memory_space<vmem>>
      %dma_wait3A_2240 = arith.constant 0 : i32
      %dma_wait3A_2241 = tpu.memref_slice %arg8[%multiple_of3A_694, %dma_wait3A_2240] : memref<1000x32xf32, #tpu.memory_space<hbm>> -> memref<8x32xf32, #tpu.memory_space<hbm>>
      tpu.wait_dma2 semaphore(%arg18 : memref<!tpu.dma_semaphore, #tpu.memory_space<semaphore_mem>>) src(%dma_wait3A_2241 : memref<8x32xf32, #tpu.memory_space<hbm>>) dst(%dma_wait3A_2239 : memref<8x32xf32, #tpu.memory_space<vmem>>)
      %dma_wait3A_2242 = arith.constant 9 : i32
      %dma_wait3A_2243 = arith.constant 0 : i32
      %dma_wait3A_2244 = arith.constant 0 : i32
      %dma_wait3A_2245 = tpu.memref_slice %arg14[%dma_wait3A_2242, %dma_wait3A_2243, %dma_wait3A_2244] : memref<16x8x32xf32, #tpu.memory_space<vmem>> -> memref<1x8x32xf32, #tpu.memory_space<vmem>>
      %dma_wait3A_2246 = tpu.memref_squeeze %dma_wait3A_2245 : memref<1x8x32xf32, #tpu.memory_space<vmem>> -> memref<8x32xf32, #tpu.memory_space<vmem>>
      %dma_wait3A_2247 = arith.constant 0 : i32
      %dma_wait3A_2248 = tpu.memref_slice %arg7[%multiple_of3A_710, %dma_wait3A_2247] : memref<100000x32xf32, #tpu.memory_space<hbm>> -> memref<8x32xf32, #tpu.memory_space<hbm>>
      %dma_wait3A_2249 = arith.constant 0 : i32
      %dma_wait3A_2250 = arith.constant 0 : i32
      %dma_wait3A_2251 = tpu.memref_slice %arg14[%dma_wait3A_2242, %dma_wait3A_2249, %dma_wait3A_2250] : memref<16x8x32xf32, #tpu.memory_space<vmem>> -> memref<1x8x32xf32, #tpu.memory_space<vmem>>
      %dma_wait3A_2252 = tpu.memref_squeeze %dma_wait3A_2251 : memref<1x8x32xf32, #tpu.memory_space<vmem>> -> memref<8x32xf32, #tpu.memory_space<vmem>>
      %dma_wait3A_2253 = arith.constant 0 : i32
      %dma_wait3A_2254 = tpu.memref_slice %arg7[%multiple_of3A_710, %dma_wait3A_2253] : memref<100000x32xf32, #tpu.memory_space<hbm>> -> memref<8x32xf32, #tpu.memory_space<hbm>>
      tpu.wait_dma2 semaphore(%arg18 : memref<!tpu.dma_semaphore, #tpu.memory_space<semaphore_mem>>) src(%dma_wait3A_2254 : memref<8x32xf32, #tpu.memory_space<hbm>>) dst(%dma_wait3A_2252 : memref<8x32xf32, #tpu.memory_space<vmem>>)
      %dma_wait3A_2255 = arith.constant 9 : i32
      %dma_wait3A_2256 = arith.constant 0 : i32
      %dma_wait3A_2257 = arith.constant 0 : i32
      %dma_wait3A_2258 = tpu.memref_slice %arg15[%dma_wait3A_2255, %dma_wait3A_2256, %dma_wait3A_2257] : memref<16x8x32xf32, #tpu.memory_space<vmem>> -> memref<1x8x32xf32, #tpu.memory_space<vmem>>
      %dma_wait3A_2259 = tpu.memref_squeeze %dma_wait3A_2258 : memref<1x8x32xf32, #tpu.memory_space<vmem>> -> memref<8x32xf32, #tpu.memory_space<vmem>>
      %dma_wait3A_2260 = arith.constant 0 : i32
      %dma_wait3A_2261 = tpu.memref_slice %arg8[%multiple_of3A_726, %dma_wait3A_2260] : memref<1000x32xf32, #tpu.memory_space<hbm>> -> memref<8x32xf32, #tpu.memory_space<hbm>>
      %dma_wait3A_2262 = arith.constant 0 : i32
      %dma_wait3A_2263 = arith.constant 0 : i32
      %dma_wait3A_2264 = tpu.memref_slice %arg15[%dma_wait3A_2255, %dma_wait3A_2262, %dma_wait3A_2263] : memref<16x8x32xf32, #tpu.memory_space<vmem>> -> memref<1x8x32xf32, #tpu.memory_space<vmem>>
      %dma_wait3A_2265 = tpu.memref_squeeze %dma_wait3A_2264 : memref<1x8x32xf32, #tpu.memory_space<vmem>> -> memref<8x32xf32, #tpu.memory_space<vmem>>
      %dma_wait3A_2266 = arith.constant 0 : i32
      %dma_wait3A_2267 = tpu.memref_slice %arg8[%multiple_of3A_726, %dma_wait3A_2266] : memref<1000x32xf32, #tpu.memory_space<hbm>> -> memref<8x32xf32, #tpu.memory_space<hbm>>
      tpu.wait_dma2 semaphore(%arg18 : memref<!tpu.dma_semaphore, #tpu.memory_space<semaphore_mem>>) src(%dma_wait3A_2267 : memref<8x32xf32, #tpu.memory_space<hbm>>) dst(%dma_wait3A_2265 : memref<8x32xf32, #tpu.memory_space<vmem>>)
      %dma_wait3A_2268 = arith.constant 10 : i32
      %dma_wait3A_2269 = arith.constant 0 : i32
      %dma_wait3A_2270 = arith.constant 0 : i32
      %dma_wait3A_2271 = tpu.memref_slice %arg14[%dma_wait3A_2268, %dma_wait3A_2269, %dma_wait3A_2270] : memref<16x8x32xf32, #tpu.memory_space<vmem>> -> memref<1x8x32xf32, #tpu.memory_space<vmem>>
      %dma_wait3A_2272 = tpu.memref_squeeze %dma_wait3A_2271 : memref<1x8x32xf32, #tpu.memory_space<vmem>> -> memref<8x32xf32, #tpu.memory_space<vmem>>
      %dma_wait3A_2273 = arith.constant 0 : i32
      %dma_wait3A_2274 = tpu.memref_slice %arg7[%multiple_of3A_742, %dma_wait3A_2273] : memref<100000x32xf32, #tpu.memory_space<hbm>> -> memref<8x32xf32, #tpu.memory_space<hbm>>
      %dma_wait3A_2275 = arith.constant 0 : i32
      %dma_wait3A_2276 = arith.constant 0 : i32
      %dma_wait3A_2277 = tpu.memref_slice %arg14[%dma_wait3A_2268, %dma_wait3A_2275, %dma_wait3A_2276] : memref<16x8x32xf32, #tpu.memory_space<vmem>> -> memref<1x8x32xf32, #tpu.memory_space<vmem>>
      %dma_wait3A_2278 = tpu.memref_squeeze %dma_wait3A_2277 : memref<1x8x32xf32, #tpu.memory_space<vmem>> -> memref<8x32xf32, #tpu.memory_space<vmem>>
      %dma_wait3A_2279 = arith.constant 0 : i32
      %dma_wait3A_2280 = tpu.memref_slice %arg7[%multiple_of3A_742, %dma_wait3A_2279] : memref<100000x32xf32, #tpu.memory_space<hbm>> -> memref<8x32xf32, #tpu.memory_space<hbm>>
      tpu.wait_dma2 semaphore(%arg18 : memref<!tpu.dma_semaphore, #tpu.memory_space<semaphore_mem>>) src(%dma_wait3A_2280 : memref<8x32xf32, #tpu.memory_space<hbm>>) dst(%dma_wait3A_2278 : memref<8x32xf32, #tpu.memory_space<vmem>>)
      %dma_wait3A_2281 = arith.constant 10 : i32
      %dma_wait3A_2282 = arith.constant 0 : i32
      %dma_wait3A_2283 = arith.constant 0 : i32
      %dma_wait3A_2284 = tpu.memref_slice %arg15[%dma_wait3A_2281, %dma_wait3A_2282, %dma_wait3A_2283] : memref<16x8x32xf32, #tpu.memory_space<vmem>> -> memref<1x8x32xf32, #tpu.memory_space<vmem>>
      %dma_wait3A_2285 = tpu.memref_squeeze %dma_wait3A_2284 : memref<1x8x32xf32, #tpu.memory_space<vmem>> -> memref<8x32xf32, #tpu.memory_space<vmem>>
      %dma_wait3A_2286 = arith.constant 0 : i32
      %dma_wait3A_2287 = tpu.memref_slice %arg8[%multiple_of3A_758, %dma_wait3A_2286] : memref<1000x32xf32, #tpu.memory_space<hbm>> -> memref<8x32xf32, #tpu.memory_space<hbm>>
      %dma_wait3A_2288 = arith.constant 0 : i32
      %dma_wait3A_2289 = arith.constant 0 : i32
      %dma_wait3A_2290 = tpu.memref_slice %arg15[%dma_wait3A_2281, %dma_wait3A_2288, %dma_wait3A_2289] : memref<16x8x32xf32, #tpu.memory_space<vmem>> -> memref<1x8x32xf32, #tpu.memory_space<vmem>>
      %dma_wait3A_2291 = tpu.memref_squeeze %dma_wait3A_2290 : memref<1x8x32xf32, #tpu.memory_space<vmem>> -> memref<8x32xf32, #tpu.memory_space<vmem>>
      %dma_wait3A_2292 = arith.constant 0 : i32
      %dma_wait3A_2293 = tpu.memref_slice %arg8[%multiple_of3A_758, %dma_wait3A_2292] : memref<1000x32xf32, #tpu.memory_space<hbm>> -> memref<8x32xf32, #tpu.memory_space<hbm>>
      tpu.wait_dma2 semaphore(%arg18 : memref<!tpu.dma_semaphore, #tpu.memory_space<semaphore_mem>>) src(%dma_wait3A_2293 : memref<8x32xf32, #tpu.memory_space<hbm>>) dst(%dma_wait3A_2291 : memref<8x32xf32, #tpu.memory_space<vmem>>)
      %dma_wait3A_2294 = arith.constant 11 : i32
      %dma_wait3A_2295 = arith.constant 0 : i32
      %dma_wait3A_2296 = arith.constant 0 : i32
      %dma_wait3A_2297 = tpu.memref_slice %arg14[%dma_wait3A_2294, %dma_wait3A_2295, %dma_wait3A_2296] : memref<16x8x32xf32, #tpu.memory_space<vmem>> -> memref<1x8x32xf32, #tpu.memory_space<vmem>>
      %dma_wait3A_2298 = tpu.memref_squeeze %dma_wait3A_2297 : memref<1x8x32xf32, #tpu.memory_space<vmem>> -> memref<8x32xf32, #tpu.memory_space<vmem>>
      %dma_wait3A_2299 = arith.constant 0 : i32
      %dma_wait3A_2300 = tpu.memref_slice %arg7[%multiple_of3A_774, %dma_wait3A_2299] : memref<100000x32xf32, #tpu.memory_space<hbm>> -> memref<8x32xf32, #tpu.memory_space<hbm>>
      %dma_wait3A_2301 = arith.constant 0 : i32
      %dma_wait3A_2302 = arith.constant 0 : i32
      %dma_wait3A_2303 = tpu.memref_slice %arg14[%dma_wait3A_2294, %dma_wait3A_2301, %dma_wait3A_2302] : memref<16x8x32xf32, #tpu.memory_space<vmem>> -> memref<1x8x32xf32, #tpu.memory_space<vmem>>
      %dma_wait3A_2304 = tpu.memref_squeeze %dma_wait3A_2303 : memref<1x8x32xf32, #tpu.memory_space<vmem>> -> memref<8x32xf32, #tpu.memory_space<vmem>>
      %dma_wait3A_2305 = arith.constant 0 : i32
      %dma_wait3A_2306 = tpu.memref_slice %arg7[%multiple_of3A_774, %dma_wait3A_2305] : memref<100000x32xf32, #tpu.memory_space<hbm>> -> memref<8x32xf32, #tpu.memory_space<hbm>>
      tpu.wait_dma2 semaphore(%arg18 : memref<!tpu.dma_semaphore, #tpu.memory_space<semaphore_mem>>) src(%dma_wait3A_2306 : memref<8x32xf32, #tpu.memory_space<hbm>>) dst(%dma_wait3A_2304 : memref<8x32xf32, #tpu.memory_space<vmem>>)
      %dma_wait3A_2307 = arith.constant 11 : i32
      %dma_wait3A_2308 = arith.constant 0 : i32
      %dma_wait3A_2309 = arith.constant 0 : i32
      %dma_wait3A_2310 = tpu.memref_slice %arg15[%dma_wait3A_2307, %dma_wait3A_2308, %dma_wait3A_2309] : memref<16x8x32xf32, #tpu.memory_space<vmem>> -> memref<1x8x32xf32, #tpu.memory_space<vmem>>
      %dma_wait3A_2311 = tpu.memref_squeeze %dma_wait3A_2310 : memref<1x8x32xf32, #tpu.memory_space<vmem>> -> memref<8x32xf32, #tpu.memory_space<vmem>>
      %dma_wait3A_2312 = arith.constant 0 : i32
      %dma_wait3A_2313 = tpu.memref_slice %arg8[%multiple_of3A_790, %dma_wait3A_2312] : memref<1000x32xf32, #tpu.memory_space<hbm>> -> memref<8x32xf32, #tpu.memory_space<hbm>>
      %dma_wait3A_2314 = arith.constant 0 : i32
      %dma_wait3A_2315 = arith.constant 0 : i32
      %dma_wait3A_2316 = tpu.memref_slice %arg15[%dma_wait3A_2307, %dma_wait3A_2314, %dma_wait3A_2315] : memref<16x8x32xf32, #tpu.memory_space<vmem>> -> memref<1x8x32xf32, #tpu.memory_space<vmem>>
      %dma_wait3A_2317 = tpu.memref_squeeze %dma_wait3A_2316 : memref<1x8x32xf32, #tpu.memory_space<vmem>> -> memref<8x32xf32, #tpu.memory_space<vmem>>
      %dma_wait3A_2318 = arith.constant 0 : i32
      %dma_wait3A_2319 = tpu.memref_slice %arg8[%multiple_of3A_790, %dma_wait3A_2318] : memref<1000x32xf32, #tpu.memory_space<hbm>> -> memref<8x32xf32, #tpu.memory_space<hbm>>
      tpu.wait_dma2 semaphore(%arg18 : memref<!tpu.dma_semaphore, #tpu.memory_space<semaphore_mem>>) src(%dma_wait3A_2319 : memref<8x32xf32, #tpu.memory_space<hbm>>) dst(%dma_wait3A_2317 : memref<8x32xf32, #tpu.memory_space<vmem>>)
      %dma_wait3A_2320 = arith.constant 12 : i32
      %dma_wait3A_2321 = arith.constant 0 : i32
      %dma_wait3A_2322 = arith.constant 0 : i32
      %dma_wait3A_2323 = tpu.memref_slice %arg14[%dma_wait3A_2320, %dma_wait3A_2321, %dma_wait3A_2322] : memref<16x8x32xf32, #tpu.memory_space<vmem>> -> memref<1x8x32xf32, #tpu.memory_space<vmem>>
      %dma_wait3A_2324 = tpu.memref_squeeze %dma_wait3A_2323 : memref<1x8x32xf32, #tpu.memory_space<vmem>> -> memref<8x32xf32, #tpu.memory_space<vmem>>
      %dma_wait3A_2325 = arith.constant 0 : i32
      %dma_wait3A_2326 = tpu.memref_slice %arg7[%multiple_of3A_806, %dma_wait3A_2325] : memref<100000x32xf32, #tpu.memory_space<hbm>> -> memref<8x32xf32, #tpu.memory_space<hbm>>
      %dma_wait3A_2327 = arith.constant 0 : i32
      %dma_wait3A_2328 = arith.constant 0 : i32
      %dma_wait3A_2329 = tpu.memref_slice %arg14[%dma_wait3A_2320, %dma_wait3A_2327, %dma_wait3A_2328] : memref<16x8x32xf32, #tpu.memory_space<vmem>> -> memref<1x8x32xf32, #tpu.memory_space<vmem>>
      %dma_wait3A_2330 = tpu.memref_squeeze %dma_wait3A_2329 : memref<1x8x32xf32, #tpu.memory_space<vmem>> -> memref<8x32xf32, #tpu.memory_space<vmem>>
      %dma_wait3A_2331 = arith.constant 0 : i32
      %dma_wait3A_2332 = tpu.memref_slice %arg7[%multiple_of3A_806, %dma_wait3A_2331] : memref<100000x32xf32, #tpu.memory_space<hbm>> -> memref<8x32xf32, #tpu.memory_space<hbm>>
      tpu.wait_dma2 semaphore(%arg18 : memref<!tpu.dma_semaphore, #tpu.memory_space<semaphore_mem>>) src(%dma_wait3A_2332 : memref<8x32xf32, #tpu.memory_space<hbm>>) dst(%dma_wait3A_2330 : memref<8x32xf32, #tpu.memory_space<vmem>>)
      %dma_wait3A_2333 = arith.constant 12 : i32
      %dma_wait3A_2334 = arith.constant 0 : i32
      %dma_wait3A_2335 = arith.constant 0 : i32
      %dma_wait3A_2336 = tpu.memref_slice %arg15[%dma_wait3A_2333, %dma_wait3A_2334, %dma_wait3A_2335] : memref<16x8x32xf32, #tpu.memory_space<vmem>> -> memref<1x8x32xf32, #tpu.memory_space<vmem>>
      %dma_wait3A_2337 = tpu.memref_squeeze %dma_wait3A_2336 : memref<1x8x32xf32, #tpu.memory_space<vmem>> -> memref<8x32xf32, #tpu.memory_space<vmem>>
      %dma_wait3A_2338 = arith.constant 0 : i32
      %dma_wait3A_2339 = tpu.memref_slice %arg8[%multiple_of3A_822, %dma_wait3A_2338] : memref<1000x32xf32, #tpu.memory_space<hbm>> -> memref<8x32xf32, #tpu.memory_space<hbm>>
      %dma_wait3A_2340 = arith.constant 0 : i32
      %dma_wait3A_2341 = arith.constant 0 : i32
      %dma_wait3A_2342 = tpu.memref_slice %arg15[%dma_wait3A_2333, %dma_wait3A_2340, %dma_wait3A_2341] : memref<16x8x32xf32, #tpu.memory_space<vmem>> -> memref<1x8x32xf32, #tpu.memory_space<vmem>>
      %dma_wait3A_2343 = tpu.memref_squeeze %dma_wait3A_2342 : memref<1x8x32xf32, #tpu.memory_space<vmem>> -> memref<8x32xf32, #tpu.memory_space<vmem>>
      %dma_wait3A_2344 = arith.constant 0 : i32
      %dma_wait3A_2345 = tpu.memref_slice %arg8[%multiple_of3A_822, %dma_wait3A_2344] : memref<1000x32xf32, #tpu.memory_space<hbm>> -> memref<8x32xf32, #tpu.memory_space<hbm>>
      tpu.wait_dma2 semaphore(%arg18 : memref<!tpu.dma_semaphore, #tpu.memory_space<semaphore_mem>>) src(%dma_wait3A_2345 : memref<8x32xf32, #tpu.memory_space<hbm>>) dst(%dma_wait3A_2343 : memref<8x32xf32, #tpu.memory_space<vmem>>)
      %dma_wait3A_2346 = arith.constant 13 : i32
      %dma_wait3A_2347 = arith.constant 0 : i32
      %dma_wait3A_2348 = arith.constant 0 : i32
      %dma_wait3A_2349 = tpu.memref_slice %arg14[%dma_wait3A_2346, %dma_wait3A_2347, %dma_wait3A_2348] : memref<16x8x32xf32, #tpu.memory_space<vmem>> -> memref<1x8x32xf32, #tpu.memory_space<vmem>>
      %dma_wait3A_2350 = tpu.memref_squeeze %dma_wait3A_2349 : memref<1x8x32xf32, #tpu.memory_space<vmem>> -> memref<8x32xf32, #tpu.memory_space<vmem>>
      %dma_wait3A_2351 = arith.constant 0 : i32
      %dma_wait3A_2352 = tpu.memref_slice %arg7[%multiple_of3A_838, %dma_wait3A_2351] : memref<100000x32xf32, #tpu.memory_space<hbm>> -> memref<8x32xf32, #tpu.memory_space<hbm>>
      %dma_wait3A_2353 = arith.constant 0 : i32
      %dma_wait3A_2354 = arith.constant 0 : i32
      %dma_wait3A_2355 = tpu.memref_slice %arg14[%dma_wait3A_2346, %dma_wait3A_2353, %dma_wait3A_2354] : memref<16x8x32xf32, #tpu.memory_space<vmem>> -> memref<1x8x32xf32, #tpu.memory_space<vmem>>
      %dma_wait3A_2356 = tpu.memref_squeeze %dma_wait3A_2355 : memref<1x8x32xf32, #tpu.memory_space<vmem>> -> memref<8x32xf32, #tpu.memory_space<vmem>>
      %dma_wait3A_2357 = arith.constant 0 : i32
      %dma_wait3A_2358 = tpu.memref_slice %arg7[%multiple_of3A_838, %dma_wait3A_2357] : memref<100000x32xf32, #tpu.memory_space<hbm>> -> memref<8x32xf32, #tpu.memory_space<hbm>>
      tpu.wait_dma2 semaphore(%arg18 : memref<!tpu.dma_semaphore, #tpu.memory_space<semaphore_mem>>) src(%dma_wait3A_2358 : memref<8x32xf32, #tpu.memory_space<hbm>>) dst(%dma_wait3A_2356 : memref<8x32xf32, #tpu.memory_space<vmem>>)
      %dma_wait3A_2359 = arith.constant 13 : i32
      %dma_wait3A_2360 = arith.constant 0 : i32
      %dma_wait3A_2361 = arith.constant 0 : i32
      %dma_wait3A_2362 = tpu.memref_slice %arg15[%dma_wait3A_2359, %dma_wait3A_2360, %dma_wait3A_2361] : memref<16x8x32xf32, #tpu.memory_space<vmem>> -> memref<1x8x32xf32, #tpu.memory_space<vmem>>
      %dma_wait3A_2363 = tpu.memref_squeeze %dma_wait3A_2362 : memref<1x8x32xf32, #tpu.memory_space<vmem>> -> memref<8x32xf32, #tpu.memory_space<vmem>>
      %dma_wait3A_2364 = arith.constant 0 : i32
      %dma_wait3A_2365 = tpu.memref_slice %arg8[%multiple_of3A_854, %dma_wait3A_2364] : memref<1000x32xf32, #tpu.memory_space<hbm>> -> memref<8x32xf32, #tpu.memory_space<hbm>>
      %dma_wait3A_2366 = arith.constant 0 : i32
      %dma_wait3A_2367 = arith.constant 0 : i32
      %dma_wait3A_2368 = tpu.memref_slice %arg15[%dma_wait3A_2359, %dma_wait3A_2366, %dma_wait3A_2367] : memref<16x8x32xf32, #tpu.memory_space<vmem>> -> memref<1x8x32xf32, #tpu.memory_space<vmem>>
      %dma_wait3A_2369 = tpu.memref_squeeze %dma_wait3A_2368 : memref<1x8x32xf32, #tpu.memory_space<vmem>> -> memref<8x32xf32, #tpu.memory_space<vmem>>
      %dma_wait3A_2370 = arith.constant 0 : i32
      %dma_wait3A_2371 = tpu.memref_slice %arg8[%multiple_of3A_854, %dma_wait3A_2370] : memref<1000x32xf32, #tpu.memory_space<hbm>> -> memref<8x32xf32, #tpu.memory_space<hbm>>
      tpu.wait_dma2 semaphore(%arg18 : memref<!tpu.dma_semaphore, #tpu.memory_space<semaphore_mem>>) src(%dma_wait3A_2371 : memref<8x32xf32, #tpu.memory_space<hbm>>) dst(%dma_wait3A_2369 : memref<8x32xf32, #tpu.memory_space<vmem>>)
      %dma_wait3A_2372 = arith.constant 14 : i32
      %dma_wait3A_2373 = arith.constant 0 : i32
      %dma_wait3A_2374 = arith.constant 0 : i32
      %dma_wait3A_2375 = tpu.memref_slice %arg14[%dma_wait3A_2372, %dma_wait3A_2373, %dma_wait3A_2374] : memref<16x8x32xf32, #tpu.memory_space<vmem>> -> memref<1x8x32xf32, #tpu.memory_space<vmem>>
      %dma_wait3A_2376 = tpu.memref_squeeze %dma_wait3A_2375 : memref<1x8x32xf32, #tpu.memory_space<vmem>> -> memref<8x32xf32, #tpu.memory_space<vmem>>
      %dma_wait3A_2377 = arith.constant 0 : i32
      %dma_wait3A_2378 = tpu.memref_slice %arg7[%multiple_of3A_870, %dma_wait3A_2377] : memref<100000x32xf32, #tpu.memory_space<hbm>> -> memref<8x32xf32, #tpu.memory_space<hbm>>
      %dma_wait3A_2379 = arith.constant 0 : i32
      %dma_wait3A_2380 = arith.constant 0 : i32
      %dma_wait3A_2381 = tpu.memref_slice %arg14[%dma_wait3A_2372, %dma_wait3A_2379, %dma_wait3A_2380] : memref<16x8x32xf32, #tpu.memory_space<vmem>> -> memref<1x8x32xf32, #tpu.memory_space<vmem>>
      %dma_wait3A_2382 = tpu.memref_squeeze %dma_wait3A_2381 : memref<1x8x32xf32, #tpu.memory_space<vmem>> -> memref<8x32xf32, #tpu.memory_space<vmem>>
      %dma_wait3A_2383 = arith.constant 0 : i32
      %dma_wait3A_2384 = tpu.memref_slice %arg7[%multiple_of3A_870, %dma_wait3A_2383] : memref<100000x32xf32, #tpu.memory_space<hbm>> -> memref<8x32xf32, #tpu.memory_space<hbm>>
      tpu.wait_dma2 semaphore(%arg18 : memref<!tpu.dma_semaphore, #tpu.memory_space<semaphore_mem>>) src(%dma_wait3A_2384 : memref<8x32xf32, #tpu.memory_space<hbm>>) dst(%dma_wait3A_2382 : memref<8x32xf32, #tpu.memory_space<vmem>>)
      %dma_wait3A_2385 = arith.constant 14 : i32
      %dma_wait3A_2386 = arith.constant 0 : i32
      %dma_wait3A_2387 = arith.constant 0 : i32
      %dma_wait3A_2388 = tpu.memref_slice %arg15[%dma_wait3A_2385, %dma_wait3A_2386, %dma_wait3A_2387] : memref<16x8x32xf32, #tpu.memory_space<vmem>> -> memref<1x8x32xf32, #tpu.memory_space<vmem>>
      %dma_wait3A_2389 = tpu.memref_squeeze %dma_wait3A_2388 : memref<1x8x32xf32, #tpu.memory_space<vmem>> -> memref<8x32xf32, #tpu.memory_space<vmem>>
      %dma_wait3A_2390 = arith.constant 0 : i32
      %dma_wait3A_2391 = tpu.memref_slice %arg8[%multiple_of3A_886, %dma_wait3A_2390] : memref<1000x32xf32, #tpu.memory_space<hbm>> -> memref<8x32xf32, #tpu.memory_space<hbm>>
      %dma_wait3A_2392 = arith.constant 0 : i32
      %dma_wait3A_2393 = arith.constant 0 : i32
      %dma_wait3A_2394 = tpu.memref_slice %arg15[%dma_wait3A_2385, %dma_wait3A_2392, %dma_wait3A_2393] : memref<16x8x32xf32, #tpu.memory_space<vmem>> -> memref<1x8x32xf32, #tpu.memory_space<vmem>>
      %dma_wait3A_2395 = tpu.memref_squeeze %dma_wait3A_2394 : memref<1x8x32xf32, #tpu.memory_space<vmem>> -> memref<8x32xf32, #tpu.memory_space<vmem>>
      %dma_wait3A_2396 = arith.constant 0 : i32
      %dma_wait3A_2397 = tpu.memref_slice %arg8[%multiple_of3A_886, %dma_wait3A_2396] : memref<1000x32xf32, #tpu.memory_space<hbm>> -> memref<8x32xf32, #tpu.memory_space<hbm>>
      tpu.wait_dma2 semaphore(%arg18 : memref<!tpu.dma_semaphore, #tpu.memory_space<semaphore_mem>>) src(%dma_wait3A_2397 : memref<8x32xf32, #tpu.memory_space<hbm>>) dst(%dma_wait3A_2395 : memref<8x32xf32, #tpu.memory_space<vmem>>)
      %dma_wait3A_2398 = arith.constant 15 : i32
      %dma_wait3A_2399 = arith.constant 0 : i32
      %dma_wait3A_2400 = arith.constant 0 : i32
      %dma_wait3A_2401 = tpu.memref_slice %arg14[%dma_wait3A_2398, %dma_wait3A_2399, %dma_wait3A_2400] : memref<16x8x32xf32, #tpu.memory_space<vmem>> -> memref<1x8x32xf32, #tpu.memory_space<vmem>>
      %dma_wait3A_2402 = tpu.memref_squeeze %dma_wait3A_2401 : memref<1x8x32xf32, #tpu.memory_space<vmem>> -> memref<8x32xf32, #tpu.memory_space<vmem>>
      %dma_wait3A_2403 = arith.constant 0 : i32
      %dma_wait3A_2404 = tpu.memref_slice %arg7[%multiple_of3A_902, %dma_wait3A_2403] : memref<100000x32xf32, #tpu.memory_space<hbm>> -> memref<8x32xf32, #tpu.memory_space<hbm>>
      %dma_wait3A_2405 = arith.constant 0 : i32
      %dma_wait3A_2406 = arith.constant 0 : i32
      %dma_wait3A_2407 = tpu.memref_slice %arg14[%dma_wait3A_2398, %dma_wait3A_2405, %dma_wait3A_2406] : memref<16x8x32xf32, #tpu.memory_space<vmem>> -> memref<1x8x32xf32, #tpu.memory_space<vmem>>
      %dma_wait3A_2408 = tpu.memref_squeeze %dma_wait3A_2407 : memref<1x8x32xf32, #tpu.memory_space<vmem>> -> memref<8x32xf32, #tpu.memory_space<vmem>>
      %dma_wait3A_2409 = arith.constant 0 : i32
      %dma_wait3A_2410 = tpu.memref_slice %arg7[%multiple_of3A_902, %dma_wait3A_2409] : memref<100000x32xf32, #tpu.memory_space<hbm>> -> memref<8x32xf32, #tpu.memory_space<hbm>>
      tpu.wait_dma2 semaphore(%arg18 : memref<!tpu.dma_semaphore, #tpu.memory_space<semaphore_mem>>) src(%dma_wait3A_2410 : memref<8x32xf32, #tpu.memory_space<hbm>>) dst(%dma_wait3A_2408 : memref<8x32xf32, #tpu.memory_space<vmem>>)
      %dma_wait3A_2411 = arith.constant 15 : i32
      %dma_wait3A_2412 = arith.constant 0 : i32
      %dma_wait3A_2413 = arith.constant 0 : i32
      %dma_wait3A_2414 = tpu.memref_slice %arg15[%dma_wait3A_2411, %dma_wait3A_2412, %dma_wait3A_2413] : memref<16x8x32xf32, #tpu.memory_space<vmem>> -> memref<1x8x32xf32, #tpu.memory_space<vmem>>
      %dma_wait3A_2415 = tpu.memref_squeeze %dma_wait3A_2414 : memref<1x8x32xf32, #tpu.memory_space<vmem>> -> memref<8x32xf32, #tpu.memory_space<vmem>>
      %dma_wait3A_2416 = arith.constant 0 : i32
      %dma_wait3A_2417 = tpu.memref_slice %arg8[%multiple_of3A_918, %dma_wait3A_2416] : memref<1000x32xf32, #tpu.memory_space<hbm>> -> memref<8x32xf32, #tpu.memory_space<hbm>>
      %dma_wait3A_2418 = arith.constant 0 : i32
      %dma_wait3A_2419 = arith.constant 0 : i32
      %dma_wait3A_2420 = tpu.memref_slice %arg15[%dma_wait3A_2411, %dma_wait3A_2418, %dma_wait3A_2419] : memref<16x8x32xf32, #tpu.memory_space<vmem>> -> memref<1x8x32xf32, #tpu.memory_space<vmem>>
      %dma_wait3A_2421 = tpu.memref_squeeze %dma_wait3A_2420 : memref<1x8x32xf32, #tpu.memory_space<vmem>> -> memref<8x32xf32, #tpu.memory_space<vmem>>
      %dma_wait3A_2422 = arith.constant 0 : i32
      %dma_wait3A_2423 = tpu.memref_slice %arg8[%multiple_of3A_918, %dma_wait3A_2422] : memref<1000x32xf32, #tpu.memory_space<hbm>> -> memref<8x32xf32, #tpu.memory_space<hbm>>
      tpu.wait_dma2 semaphore(%arg18 : memref<!tpu.dma_semaphore, #tpu.memory_space<semaphore_mem>>) src(%dma_wait3A_2423 : memref<8x32xf32, #tpu.memory_space<hbm>>) dst(%dma_wait3A_2421 : memref<8x32xf32, #tpu.memory_space<vmem>>)
      %mul3A_2424 = arith.constant 16 : i32
      %mul3A_2425 = arith.muli %scan3A_359, %mul3A_2424 : i32
      %add3A_2426 = vector.broadcast %mul3A_2425 : i32 to vector<16xi32>
      %add3A_2427 = arith.addi %add3A_2426, %iota3A : vector<16xi32>
      %and3A_2428 = arith.andi %get3A_400, %broadcast_in_dim3A_64 : vector<16xi32>
      %and3A_2429 = arith.andi %get3A_407, %broadcast_in_dim3A_64 : vector<16xi32>
      %add3A_2430 = arith.constant 0 : i32
      %add3A_2431 = vector.broadcast %add3A_2430 : i32 to vector<16xi32>
      %add3A_2432 = arith.addi %iota3A, %add3A_2431 : vector<16xi32>
      %and3A_2433 = arith.constant 31 : i32
      %and3A_2434 = vector.broadcast %and3A_2433 : i32 to vector<16xi32>
      %and3A_2435 = arith.andi %add3A_2432, %and3A_2434 : vector<16xi32>
      %gather3A_2436 = tpu.vector_load_idx %arg13[%and3A_2435, %add3A_2427] : memref<32x512xf32, #tpu.memory_space<vmem>>[vector<16xi32>, vector<16xi32>], vector<16xf32>,
      %gather3A_2437 = tpu.vector_load_idx %arg14[%iota3A, %and3A_2428, %and3A_2435] : memref<16x8x32xf32, #tpu.memory_space<vmem>>[vector<16xi32>, vector<16xi32>, vector<16xi32>], vector<16xf32>,
      %gather3A_2438 = tpu.vector_load_idx %arg15[%iota3A, %and3A_2429, %and3A_2435] : memref<16x8x32xf32, #tpu.memory_space<vmem>>[vector<16xi32>, vector<16xi32>, vector<16xi32>], vector<16xf32>,
      %mul3A_2439 = arith.mulf %gather3A_2436, %gather3A_2437 : vector<16xf32>
      %mul3A_2440 = arith.mulf %mul3A_2439, %gather3A_2438 : vector<16xf32>
      %add3A_2441 = arith.addf %broadcast_in_dim3A_62, %mul3A_2440 : vector<16xf32>
      %mul3A_2442 = arith.mulf %gather3A_2436, %gather3A_2436 : vector<16xf32>
      %mul3A_2443 = arith.mulf %gather3A_2437, %gather3A_2437 : vector<16xf32>
      %add3A_2444 = arith.addf %mul3A_2442, %mul3A_2443 : vector<16xf32>
      %mul3A_2445 = arith.mulf %gather3A_2438, %gather3A_2438 : vector<16xf32>
      %add3A_2446 = arith.addf %add3A_2444, %mul3A_2445 : vector<16xf32>
      %add3A_2447 = arith.addf %broadcast_in_dim3A_62, %add3A_2446 : vector<16xf32>
      %add3A_2448 = arith.constant 1 : i32
      %add3A_2449 = vector.broadcast %add3A_2448 : i32 to vector<16xi32>
      %add3A_2450 = arith.addi %iota3A, %add3A_2449 : vector<16xi32>
      %and3A_2451 = arith.constant 31 : i32
      %and3A_2452 = vector.broadcast %and3A_2451 : i32 to vector<16xi32>
      %and3A_2453 = arith.andi %add3A_2450, %and3A_2452 : vector<16xi32>
      %gather3A_2454 = tpu.vector_load_idx %arg13[%and3A_2453, %add3A_2427] : memref<32x512xf32, #tpu.memory_space<vmem>>[vector<16xi32>, vector<16xi32>], vector<16xf32>,
      %gather3A_2455 = tpu.vector_load_idx %arg14[%iota3A, %and3A_2428, %and3A_2453] : memref<16x8x32xf32, #tpu.memory_space<vmem>>[vector<16xi32>, vector<16xi32>, vector<16xi32>], vector<16xf32>,
      %gather3A_2456 = tpu.vector_load_idx %arg15[%iota3A, %and3A_2429, %and3A_2453] : memref<16x8x32xf32, #tpu.memory_space<vmem>>[vector<16xi32>, vector<16xi32>, vector<16xi32>], vector<16xf32>,
      %mul3A_2457 = arith.mulf %gather3A_2454, %gather3A_2455 : vector<16xf32>
      %mul3A_2458 = arith.mulf %mul3A_2457, %gather3A_2456 : vector<16xf32>
      %add3A_2459 = arith.addf %add3A_2441, %mul3A_2458 : vector<16xf32>
      %mul3A_2460 = arith.mulf %gather3A_2454, %gather3A_2454 : vector<16xf32>
      %mul3A_2461 = arith.mulf %gather3A_2455, %gather3A_2455 : vector<16xf32>
      %add3A_2462 = arith.addf %mul3A_2460, %mul3A_2461 : vector<16xf32>
      %mul3A_2463 = arith.mulf %gather3A_2456, %gather3A_2456 : vector<16xf32>
      %add3A_2464 = arith.addf %add3A_2462, %mul3A_2463 : vector<16xf32>
      %add3A_2465 = arith.addf %add3A_2447, %add3A_2464 : vector<16xf32>
      %add3A_2466 = arith.constant 2 : i32
      %add3A_2467 = vector.broadcast %add3A_2466 : i32 to vector<16xi32>
      %add3A_2468 = arith.addi %iota3A, %add3A_2467 : vector<16xi32>
      %and3A_2469 = arith.constant 31 : i32
      %and3A_2470 = vector.broadcast %and3A_2469 : i32 to vector<16xi32>
      %and3A_2471 = arith.andi %add3A_2468, %and3A_2470 : vector<16xi32>
      %gather3A_2472 = tpu.vector_load_idx %arg13[%and3A_2471, %add3A_2427] : memref<32x512xf32, #tpu.memory_space<vmem>>[vector<16xi32>, vector<16xi32>], vector<16xf32>,
      %gather3A_2473 = tpu.vector_load_idx %arg14[%iota3A, %and3A_2428, %and3A_2471] : memref<16x8x32xf32, #tpu.memory_space<vmem>>[vector<16xi32>, vector<16xi32>, vector<16xi32>], vector<16xf32>,
      %gather3A_2474 = tpu.vector_load_idx %arg15[%iota3A, %and3A_2429, %and3A_2471] : memref<16x8x32xf32, #tpu.memory_space<vmem>>[vector<16xi32>, vector<16xi32>, vector<16xi32>], vector<16xf32>,
      %mul3A_2475 = arith.mulf %gather3A_2472, %gather3A_2473 : vector<16xf32>
      %mul3A_2476 = arith.mulf %mul3A_2475, %gather3A_2474 : vector<16xf32>
      %add3A_2477 = arith.addf %add3A_2459, %mul3A_2476 : vector<16xf32>
      %mul3A_2478 = arith.mulf %gather3A_2472, %gather3A_2472 : vector<16xf32>
      %mul3A_2479 = arith.mulf %gather3A_2473, %gather3A_2473 : vector<16xf32>
      %add3A_2480 = arith.addf %mul3A_2478, %mul3A_2479 : vector<16xf32>
      %mul3A_2481 = arith.mulf %gather3A_2474, %gather3A_2474 : vector<16xf32>
      %add3A_2482 = arith.addf %add3A_2480, %mul3A_2481 : vector<16xf32>
      %add3A_2483 = arith.addf %add3A_2465, %add3A_2482 : vector<16xf32>
      %add3A_2484 = arith.constant 3 : i32
      %add3A_2485 = vector.broadcast %add3A_2484 : i32 to vector<16xi32>
      %add3A_2486 = arith.addi %iota3A, %add3A_2485 : vector<16xi32>
      %and3A_2487 = arith.constant 31 : i32
      %and3A_2488 = vector.broadcast %and3A_2487 : i32 to vector<16xi32>
      %and3A_2489 = arith.andi %add3A_2486, %and3A_2488 : vector<16xi32>
      %gather3A_2490 = tpu.vector_load_idx %arg13[%and3A_2489, %add3A_2427] : memref<32x512xf32, #tpu.memory_space<vmem>>[vector<16xi32>, vector<16xi32>], vector<16xf32>,
      %gather3A_2491 = tpu.vector_load_idx %arg14[%iota3A, %and3A_2428, %and3A_2489] : memref<16x8x32xf32, #tpu.memory_space<vmem>>[vector<16xi32>, vector<16xi32>, vector<16xi32>], vector<16xf32>,
      %gather3A_2492 = tpu.vector_load_idx %arg15[%iota3A, %and3A_2429, %and3A_2489] : memref<16x8x32xf32, #tpu.memory_space<vmem>>[vector<16xi32>, vector<16xi32>, vector<16xi32>], vector<16xf32>,
      %mul3A_2493 = arith.mulf %gather3A_2490, %gather3A_2491 : vector<16xf32>
      %mul3A_2494 = arith.mulf %mul3A_2493, %gather3A_2492 : vector<16xf32>
      %add3A_2495 = arith.addf %add3A_2477, %mul3A_2494 : vector<16xf32>
      %mul3A_2496 = arith.mulf %gather3A_2490, %gather3A_2490 : vector<16xf32>
      %mul3A_2497 = arith.mulf %gather3A_2491, %gather3A_2491 : vector<16xf32>
      %add3A_2498 = arith.addf %mul3A_2496, %mul3A_2497 : vector<16xf32>
      %mul3A_2499 = arith.mulf %gather3A_2492, %gather3A_2492 : vector<16xf32>
      %add3A_2500 = arith.addf %add3A_2498, %mul3A_2499 : vector<16xf32>
      %add3A_2501 = arith.addf %add3A_2483, %add3A_2500 : vector<16xf32>
      %add3A_2502 = arith.constant 4 : i32
      %add3A_2503 = vector.broadcast %add3A_2502 : i32 to vector<16xi32>
      %add3A_2504 = arith.addi %iota3A, %add3A_2503 : vector<16xi32>
      %and3A_2505 = arith.constant 31 : i32
      %and3A_2506 = vector.broadcast %and3A_2505 : i32 to vector<16xi32>
      %and3A_2507 = arith.andi %add3A_2504, %and3A_2506 : vector<16xi32>
      %gather3A_2508 = tpu.vector_load_idx %arg13[%and3A_2507, %add3A_2427] : memref<32x512xf32, #tpu.memory_space<vmem>>[vector<16xi32>, vector<16xi32>], vector<16xf32>,
      %gather3A_2509 = tpu.vector_load_idx %arg14[%iota3A, %and3A_2428, %and3A_2507] : memref<16x8x32xf32, #tpu.memory_space<vmem>>[vector<16xi32>, vector<16xi32>, vector<16xi32>], vector<16xf32>,
      %gather3A_2510 = tpu.vector_load_idx %arg15[%iota3A, %and3A_2429, %and3A_2507] : memref<16x8x32xf32, #tpu.memory_space<vmem>>[vector<16xi32>, vector<16xi32>, vector<16xi32>], vector<16xf32>,
      %mul3A_2511 = arith.mulf %gather3A_2508, %gather3A_2509 : vector<16xf32>
      %mul3A_2512 = arith.mulf %mul3A_2511, %gather3A_2510 : vector<16xf32>
      %add3A_2513 = arith.addf %add3A_2495, %mul3A_2512 : vector<16xf32>
      %mul3A_2514 = arith.mulf %gather3A_2508, %gather3A_2508 : vector<16xf32>
      %mul3A_2515 = arith.mulf %gather3A_2509, %gather3A_2509 : vector<16xf32>
      %add3A_2516 = arith.addf %mul3A_2514, %mul3A_2515 : vector<16xf32>
      %mul3A_2517 = arith.mulf %gather3A_2510, %gather3A_2510 : vector<16xf32>
      %add3A_2518 = arith.addf %add3A_2516, %mul3A_2517 : vector<16xf32>
      %add3A_2519 = arith.addf %add3A_2501, %add3A_2518 : vector<16xf32>
      %add3A_2520 = arith.constant 5 : i32
      %add3A_2521 = vector.broadcast %add3A_2520 : i32 to vector<16xi32>
      %add3A_2522 = arith.addi %iota3A, %add3A_2521 : vector<16xi32>
      %and3A_2523 = arith.constant 31 : i32
      %and3A_2524 = vector.broadcast %and3A_2523 : i32 to vector<16xi32>
      %and3A_2525 = arith.andi %add3A_2522, %and3A_2524 : vector<16xi32>
      %gather3A_2526 = tpu.vector_load_idx %arg13[%and3A_2525, %add3A_2427] : memref<32x512xf32, #tpu.memory_space<vmem>>[vector<16xi32>, vector<16xi32>], vector<16xf32>,
      %gather3A_2527 = tpu.vector_load_idx %arg14[%iota3A, %and3A_2428, %and3A_2525] : memref<16x8x32xf32, #tpu.memory_space<vmem>>[vector<16xi32>, vector<16xi32>, vector<16xi32>], vector<16xf32>,
      %gather3A_2528 = tpu.vector_load_idx %arg15[%iota3A, %and3A_2429, %and3A_2525] : memref<16x8x32xf32, #tpu.memory_space<vmem>>[vector<16xi32>, vector<16xi32>, vector<16xi32>], vector<16xf32>,
      %mul3A_2529 = arith.mulf %gather3A_2526, %gather3A_2527 : vector<16xf32>
      %mul3A_2530 = arith.mulf %mul3A_2529, %gather3A_2528 : vector<16xf32>
      %add3A_2531 = arith.addf %add3A_2513, %mul3A_2530 : vector<16xf32>
      %mul3A_2532 = arith.mulf %gather3A_2526, %gather3A_2526 : vector<16xf32>
      %mul3A_2533 = arith.mulf %gather3A_2527, %gather3A_2527 : vector<16xf32>
      %add3A_2534 = arith.addf %mul3A_2532, %mul3A_2533 : vector<16xf32>
      %mul3A_2535 = arith.mulf %gather3A_2528, %gather3A_2528 : vector<16xf32>
      %add3A_2536 = arith.addf %add3A_2534, %mul3A_2535 : vector<16xf32>
      %add3A_2537 = arith.addf %add3A_2519, %add3A_2536 : vector<16xf32>
      %add3A_2538 = arith.constant 6 : i32
      %add3A_2539 = vector.broadcast %add3A_2538 : i32 to vector<16xi32>
      %add3A_2540 = arith.addi %iota3A, %add3A_2539 : vector<16xi32>
      %and3A_2541 = arith.constant 31 : i32
      %and3A_2542 = vector.broadcast %and3A_2541 : i32 to vector<16xi32>
      %and3A_2543 = arith.andi %add3A_2540, %and3A_2542 : vector<16xi32>
      %gather3A_2544 = tpu.vector_load_idx %arg13[%and3A_2543, %add3A_2427] : memref<32x512xf32, #tpu.memory_space<vmem>>[vector<16xi32>, vector<16xi32>], vector<16xf32>,
      %gather3A_2545 = tpu.vector_load_idx %arg14[%iota3A, %and3A_2428, %and3A_2543] : memref<16x8x32xf32, #tpu.memory_space<vmem>>[vector<16xi32>, vector<16xi32>, vector<16xi32>], vector<16xf32>,
      %gather3A_2546 = tpu.vector_load_idx %arg15[%iota3A, %and3A_2429, %and3A_2543] : memref<16x8x32xf32, #tpu.memory_space<vmem>>[vector<16xi32>, vector<16xi32>, vector<16xi32>], vector<16xf32>,
      %mul3A_2547 = arith.mulf %gather3A_2544, %gather3A_2545 : vector<16xf32>
      %mul3A_2548 = arith.mulf %mul3A_2547, %gather3A_2546 : vector<16xf32>
      %add3A_2549 = arith.addf %add3A_2531, %mul3A_2548 : vector<16xf32>
      %mul3A_2550 = arith.mulf %gather3A_2544, %gather3A_2544 : vector<16xf32>
      %mul3A_2551 = arith.mulf %gather3A_2545, %gather3A_2545 : vector<16xf32>
      %add3A_2552 = arith.addf %mul3A_2550, %mul3A_2551 : vector<16xf32>
      %mul3A_2553 = arith.mulf %gather3A_2546, %gather3A_2546 : vector<16xf32>
      %add3A_2554 = arith.addf %add3A_2552, %mul3A_2553 : vector<16xf32>
      %add3A_2555 = arith.addf %add3A_2537, %add3A_2554 : vector<16xf32>
      %add3A_2556 = arith.constant 7 : i32
      %add3A_2557 = vector.broadcast %add3A_2556 : i32 to vector<16xi32>
      %add3A_2558 = arith.addi %iota3A, %add3A_2557 : vector<16xi32>
      %and3A_2559 = arith.constant 31 : i32
      %and3A_2560 = vector.broadcast %and3A_2559 : i32 to vector<16xi32>
      %and3A_2561 = arith.andi %add3A_2558, %and3A_2560 : vector<16xi32>
      %gather3A_2562 = tpu.vector_load_idx %arg13[%and3A_2561, %add3A_2427] : memref<32x512xf32, #tpu.memory_space<vmem>>[vector<16xi32>, vector<16xi32>], vector<16xf32>,
      %gather3A_2563 = tpu.vector_load_idx %arg14[%iota3A, %and3A_2428, %and3A_2561] : memref<16x8x32xf32, #tpu.memory_space<vmem>>[vector<16xi32>, vector<16xi32>, vector<16xi32>], vector<16xf32>,
      %gather3A_2564 = tpu.vector_load_idx %arg15[%iota3A, %and3A_2429, %and3A_2561] : memref<16x8x32xf32, #tpu.memory_space<vmem>>[vector<16xi32>, vector<16xi32>, vector<16xi32>], vector<16xf32>,
      %mul3A_2565 = arith.mulf %gather3A_2562, %gather3A_2563 : vector<16xf32>
      %mul3A_2566 = arith.mulf %mul3A_2565, %gather3A_2564 : vector<16xf32>
      %add3A_2567 = arith.addf %add3A_2549, %mul3A_2566 : vector<16xf32>
      %mul3A_2568 = arith.mulf %gather3A_2562, %gather3A_2562 : vector<16xf32>
      %mul3A_2569 = arith.mulf %gather3A_2563, %gather3A_2563 : vector<16xf32>
      %add3A_2570 = arith.addf %mul3A_2568, %mul3A_2569 : vector<16xf32>
      %mul3A_2571 = arith.mulf %gather3A_2564, %gather3A_2564 : vector<16xf32>
      %add3A_2572 = arith.addf %add3A_2570, %mul3A_2571 : vector<16xf32>
      %add3A_2573 = arith.addf %add3A_2555, %add3A_2572 : vector<16xf32>
      %add3A_2574 = arith.constant 8 : i32
      %add3A_2575 = vector.broadcast %add3A_2574 : i32 to vector<16xi32>
      %add3A_2576 = arith.addi %iota3A, %add3A_2575 : vector<16xi32>
      %and3A_2577 = arith.constant 31 : i32
      %and3A_2578 = vector.broadcast %and3A_2577 : i32 to vector<16xi32>
      %and3A_2579 = arith.andi %add3A_2576, %and3A_2578 : vector<16xi32>
      %gather3A_2580 = tpu.vector_load_idx %arg13[%and3A_2579, %add3A_2427] : memref<32x512xf32, #tpu.memory_space<vmem>>[vector<16xi32>, vector<16xi32>], vector<16xf32>,
      %gather3A_2581 = tpu.vector_load_idx %arg14[%iota3A, %and3A_2428, %and3A_2579] : memref<16x8x32xf32, #tpu.memory_space<vmem>>[vector<16xi32>, vector<16xi32>, vector<16xi32>], vector<16xf32>,
      %gather3A_2582 = tpu.vector_load_idx %arg15[%iota3A, %and3A_2429, %and3A_2579] : memref<16x8x32xf32, #tpu.memory_space<vmem>>[vector<16xi32>, vector<16xi32>, vector<16xi32>], vector<16xf32>,
      %mul3A_2583 = arith.mulf %gather3A_2580, %gather3A_2581 : vector<16xf32>
      %mul3A_2584 = arith.mulf %mul3A_2583, %gather3A_2582 : vector<16xf32>
      %add3A_2585 = arith.addf %add3A_2567, %mul3A_2584 : vector<16xf32>
      %mul3A_2586 = arith.mulf %gather3A_2580, %gather3A_2580 : vector<16xf32>
      %mul3A_2587 = arith.mulf %gather3A_2581, %gather3A_2581 : vector<16xf32>
      %add3A_2588 = arith.addf %mul3A_2586, %mul3A_2587 : vector<16xf32>
      %mul3A_2589 = arith.mulf %gather3A_2582, %gather3A_2582 : vector<16xf32>
      %add3A_2590 = arith.addf %add3A_2588, %mul3A_2589 : vector<16xf32>
      %add3A_2591 = arith.addf %add3A_2573, %add3A_2590 : vector<16xf32>
      %add3A_2592 = arith.constant 9 : i32
      %add3A_2593 = vector.broadcast %add3A_2592 : i32 to vector<16xi32>
      %add3A_2594 = arith.addi %iota3A, %add3A_2593 : vector<16xi32>
      %and3A_2595 = arith.constant 31 : i32
      %and3A_2596 = vector.broadcast %and3A_2595 : i32 to vector<16xi32>
      %and3A_2597 = arith.andi %add3A_2594, %and3A_2596 : vector<16xi32>
      %gather3A_2598 = tpu.vector_load_idx %arg13[%and3A_2597, %add3A_2427] : memref<32x512xf32, #tpu.memory_space<vmem>>[vector<16xi32>, vector<16xi32>], vector<16xf32>,
      %gather3A_2599 = tpu.vector_load_idx %arg14[%iota3A, %and3A_2428, %and3A_2597] : memref<16x8x32xf32, #tpu.memory_space<vmem>>[vector<16xi32>, vector<16xi32>, vector<16xi32>], vector<16xf32>,
      %gather3A_2600 = tpu.vector_load_idx %arg15[%iota3A, %and3A_2429, %and3A_2597] : memref<16x8x32xf32, #tpu.memory_space<vmem>>[vector<16xi32>, vector<16xi32>, vector<16xi32>], vector<16xf32>,
      %mul3A_2601 = arith.mulf %gather3A_2598, %gather3A_2599 : vector<16xf32>
      %mul3A_2602 = arith.mulf %mul3A_2601, %gather3A_2600 : vector<16xf32>
      %add3A_2603 = arith.addf %add3A_2585, %mul3A_2602 : vector<16xf32>
      %mul3A_2604 = arith.mulf %gather3A_2598, %gather3A_2598 : vector<16xf32>
      %mul3A_2605 = arith.mulf %gather3A_2599, %gather3A_2599 : vector<16xf32>
      %add3A_2606 = arith.addf %mul3A_2604, %mul3A_2605 : vector<16xf32>
      %mul3A_2607 = arith.mulf %gather3A_2600, %gather3A_2600 : vector<16xf32>
      %add3A_2608 = arith.addf %add3A_2606, %mul3A_2607 : vector<16xf32>
      %add3A_2609 = arith.addf %add3A_2591, %add3A_2608 : vector<16xf32>
      %add3A_2610 = arith.constant 10 : i32
      %add3A_2611 = vector.broadcast %add3A_2610 : i32 to vector<16xi32>
      %add3A_2612 = arith.addi %iota3A, %add3A_2611 : vector<16xi32>
      %and3A_2613 = arith.constant 31 : i32
      %and3A_2614 = vector.broadcast %and3A_2613 : i32 to vector<16xi32>
      %and3A_2615 = arith.andi %add3A_2612, %and3A_2614 : vector<16xi32>
      %gather3A_2616 = tpu.vector_load_idx %arg13[%and3A_2615, %add3A_2427] : memref<32x512xf32, #tpu.memory_space<vmem>>[vector<16xi32>, vector<16xi32>], vector<16xf32>,
      %gather3A_2617 = tpu.vector_load_idx %arg14[%iota3A, %and3A_2428, %and3A_2615] : memref<16x8x32xf32, #tpu.memory_space<vmem>>[vector<16xi32>, vector<16xi32>, vector<16xi32>], vector<16xf32>,
      %gather3A_2618 = tpu.vector_load_idx %arg15[%iota3A, %and3A_2429, %and3A_2615] : memref<16x8x32xf32, #tpu.memory_space<vmem>>[vector<16xi32>, vector<16xi32>, vector<16xi32>], vector<16xf32>,
      %mul3A_2619 = arith.mulf %gather3A_2616, %gather3A_2617 : vector<16xf32>
      %mul3A_2620 = arith.mulf %mul3A_2619, %gather3A_2618 : vector<16xf32>
      %add3A_2621 = arith.addf %add3A_2603, %mul3A_2620 : vector<16xf32>
      %mul3A_2622 = arith.mulf %gather3A_2616, %gather3A_2616 : vector<16xf32>
      %mul3A_2623 = arith.mulf %gather3A_2617, %gather3A_2617 : vector<16xf32>
      %add3A_2624 = arith.addf %mul3A_2622, %mul3A_2623 : vector<16xf32>
      %mul3A_2625 = arith.mulf %gather3A_2618, %gather3A_2618 : vector<16xf32>
      %add3A_2626 = arith.addf %add3A_2624, %mul3A_2625 : vector<16xf32>
      %add3A_2627 = arith.addf %add3A_2609, %add3A_2626 : vector<16xf32>
      %add3A_2628 = arith.constant 11 : i32
      %add3A_2629 = vector.broadcast %add3A_2628 : i32 to vector<16xi32>
      %add3A_2630 = arith.addi %iota3A, %add3A_2629 : vector<16xi32>
      %and3A_2631 = arith.constant 31 : i32
      %and3A_2632 = vector.broadcast %and3A_2631 : i32 to vector<16xi32>
      %and3A_2633 = arith.andi %add3A_2630, %and3A_2632 : vector<16xi32>
      %gather3A_2634 = tpu.vector_load_idx %arg13[%and3A_2633, %add3A_2427] : memref<32x512xf32, #tpu.memory_space<vmem>>[vector<16xi32>, vector<16xi32>], vector<16xf32>,
      %gather3A_2635 = tpu.vector_load_idx %arg14[%iota3A, %and3A_2428, %and3A_2633] : memref<16x8x32xf32, #tpu.memory_space<vmem>>[vector<16xi32>, vector<16xi32>, vector<16xi32>], vector<16xf32>,
      %gather3A_2636 = tpu.vector_load_idx %arg15[%iota3A, %and3A_2429, %and3A_2633] : memref<16x8x32xf32, #tpu.memory_space<vmem>>[vector<16xi32>, vector<16xi32>, vector<16xi32>], vector<16xf32>,
      %mul3A_2637 = arith.mulf %gather3A_2634, %gather3A_2635 : vector<16xf32>
      %mul3A_2638 = arith.mulf %mul3A_2637, %gather3A_2636 : vector<16xf32>
      %add3A_2639 = arith.addf %add3A_2621, %mul3A_2638 : vector<16xf32>
      %mul3A_2640 = arith.mulf %gather3A_2634, %gather3A_2634 : vector<16xf32>
      %mul3A_2641 = arith.mulf %gather3A_2635, %gather3A_2635 : vector<16xf32>
      %add3A_2642 = arith.addf %mul3A_2640, %mul3A_2641 : vector<16xf32>
      %mul3A_2643 = arith.mulf %gather3A_2636, %gather3A_2636 : vector<16xf32>
      %add3A_2644 = arith.addf %add3A_2642, %mul3A_2643 : vector<16xf32>
      %add3A_2645 = arith.addf %add3A_2627, %add3A_2644 : vector<16xf32>
      %add3A_2646 = arith.constant 12 : i32
      %add3A_2647 = vector.broadcast %add3A_2646 : i32 to vector<16xi32>
      %add3A_2648 = arith.addi %iota3A, %add3A_2647 : vector<16xi32>
      %and3A_2649 = arith.constant 31 : i32
      %and3A_2650 = vector.broadcast %and3A_2649 : i32 to vector<16xi32>
      %and3A_2651 = arith.andi %add3A_2648, %and3A_2650 : vector<16xi32>
      %gather3A_2652 = tpu.vector_load_idx %arg13[%and3A_2651, %add3A_2427] : memref<32x512xf32, #tpu.memory_space<vmem>>[vector<16xi32>, vector<16xi32>], vector<16xf32>,
      %gather3A_2653 = tpu.vector_load_idx %arg14[%iota3A, %and3A_2428, %and3A_2651] : memref<16x8x32xf32, #tpu.memory_space<vmem>>[vector<16xi32>, vector<16xi32>, vector<16xi32>], vector<16xf32>,
      %gather3A_2654 = tpu.vector_load_idx %arg15[%iota3A, %and3A_2429, %and3A_2651] : memref<16x8x32xf32, #tpu.memory_space<vmem>>[vector<16xi32>, vector<16xi32>, vector<16xi32>], vector<16xf32>,
      %mul3A_2655 = arith.mulf %gather3A_2652, %gather3A_2653 : vector<16xf32>
      %mul3A_2656 = arith.mulf %mul3A_2655, %gather3A_2654 : vector<16xf32>
      %add3A_2657 = arith.addf %add3A_2639, %mul3A_2656 : vector<16xf32>
      %mul3A_2658 = arith.mulf %gather3A_2652, %gather3A_2652 : vector<16xf32>
      %mul3A_2659 = arith.mulf %gather3A_2653, %gather3A_2653 : vector<16xf32>
      %add3A_2660 = arith.addf %mul3A_2658, %mul3A_2659 : vector<16xf32>
      %mul3A_2661 = arith.mulf %gather3A_2654, %gather3A_2654 : vector<16xf32>
      %add3A_2662 = arith.addf %add3A_2660, %mul3A_2661 : vector<16xf32>
      %add3A_2663 = arith.addf %add3A_2645, %add3A_2662 : vector<16xf32>
      %add3A_2664 = arith.constant 13 : i32
      %add3A_2665 = vector.broadcast %add3A_2664 : i32 to vector<16xi32>
      %add3A_2666 = arith.addi %iota3A, %add3A_2665 : vector<16xi32>
      %and3A_2667 = arith.constant 31 : i32
      %and3A_2668 = vector.broadcast %and3A_2667 : i32 to vector<16xi32>
      %and3A_2669 = arith.andi %add3A_2666, %and3A_2668 : vector<16xi32>
      %gather3A_2670 = tpu.vector_load_idx %arg13[%and3A_2669, %add3A_2427] : memref<32x512xf32, #tpu.memory_space<vmem>>[vector<16xi32>, vector<16xi32>], vector<16xf32>,
      %gather3A_2671 = tpu.vector_load_idx %arg14[%iota3A, %and3A_2428, %and3A_2669] : memref<16x8x32xf32, #tpu.memory_space<vmem>>[vector<16xi32>, vector<16xi32>, vector<16xi32>], vector<16xf32>,
      %gather3A_2672 = tpu.vector_load_idx %arg15[%iota3A, %and3A_2429, %and3A_2669] : memref<16x8x32xf32, #tpu.memory_space<vmem>>[vector<16xi32>, vector<16xi32>, vector<16xi32>], vector<16xf32>,
      %mul3A_2673 = arith.mulf %gather3A_2670, %gather3A_2671 : vector<16xf32>
      %mul3A_2674 = arith.mulf %mul3A_2673, %gather3A_2672 : vector<16xf32>
      %add3A_2675 = arith.addf %add3A_2657, %mul3A_2674 : vector<16xf32>
      %mul3A_2676 = arith.mulf %gather3A_2670, %gather3A_2670 : vector<16xf32>
      %mul3A_2677 = arith.mulf %gather3A_2671, %gather3A_2671 : vector<16xf32>
      %add3A_2678 = arith.addf %mul3A_2676, %mul3A_2677 : vector<16xf32>
      %mul3A_2679 = arith.mulf %gather3A_2672, %gather3A_2672 : vector<16xf32>
      %add3A_2680 = arith.addf %add3A_2678, %mul3A_2679 : vector<16xf32>
      %add3A_2681 = arith.addf %add3A_2663, %add3A_2680 : vector<16xf32>
      %add3A_2682 = arith.constant 14 : i32
      %add3A_2683 = vector.broadcast %add3A_2682 : i32 to vector<16xi32>
      %add3A_2684 = arith.addi %iota3A, %add3A_2683 : vector<16xi32>
      %and3A_2685 = arith.constant 31 : i32
      %and3A_2686 = vector.broadcast %and3A_2685 : i32 to vector<16xi32>
      %and3A_2687 = arith.andi %add3A_2684, %and3A_2686 : vector<16xi32>
      %gather3A_2688 = tpu.vector_load_idx %arg13[%and3A_2687, %add3A_2427] : memref<32x512xf32, #tpu.memory_space<vmem>>[vector<16xi32>, vector<16xi32>], vector<16xf32>,
      %gather3A_2689 = tpu.vector_load_idx %arg14[%iota3A, %and3A_2428, %and3A_2687] : memref<16x8x32xf32, #tpu.memory_space<vmem>>[vector<16xi32>, vector<16xi32>, vector<16xi32>], vector<16xf32>,
      %gather3A_2690 = tpu.vector_load_idx %arg15[%iota3A, %and3A_2429, %and3A_2687] : memref<16x8x32xf32, #tpu.memory_space<vmem>>[vector<16xi32>, vector<16xi32>, vector<16xi32>], vector<16xf32>,
      %mul3A_2691 = arith.mulf %gather3A_2688, %gather3A_2689 : vector<16xf32>
      %mul3A_2692 = arith.mulf %mul3A_2691, %gather3A_2690 : vector<16xf32>
      %add3A_2693 = arith.addf %add3A_2675, %mul3A_2692 : vector<16xf32>
      %mul3A_2694 = arith.mulf %gather3A_2688, %gather3A_2688 : vector<16xf32>
      %mul3A_2695 = arith.mulf %gather3A_2689, %gather3A_2689 : vector<16xf32>
      %add3A_2696 = arith.addf %mul3A_2694, %mul3A_2695 : vector<16xf32>
      %mul3A_2697 = arith.mulf %gather3A_2690, %gather3A_2690 : vector<16xf32>
      %add3A_2698 = arith.addf %add3A_2696, %mul3A_2697 : vector<16xf32>
      %add3A_2699 = arith.addf %add3A_2681, %add3A_2698 : vector<16xf32>
      %add3A_2700 = arith.constant 15 : i32
      %add3A_2701 = vector.broadcast %add3A_2700 : i32 to vector<16xi32>
      %add3A_2702 = arith.addi %iota3A, %add3A_2701 : vector<16xi32>
      %and3A_2703 = arith.constant 31 : i32
      %and3A_2704 = vector.broadcast %and3A_2703 : i32 to vector<16xi32>
      %and3A_2705 = arith.andi %add3A_2702, %and3A_2704 : vector<16xi32>
      %gather3A_2706 = tpu.vector_load_idx %arg13[%and3A_2705, %add3A_2427] : memref<32x512xf32, #tpu.memory_space<vmem>>[vector<16xi32>, vector<16xi32>], vector<16xf32>,
      %gather3A_2707 = tpu.vector_load_idx %arg14[%iota3A, %and3A_2428, %and3A_2705] : memref<16x8x32xf32, #tpu.memory_space<vmem>>[vector<16xi32>, vector<16xi32>, vector<16xi32>], vector<16xf32>,
      %gather3A_2708 = tpu.vector_load_idx %arg15[%iota3A, %and3A_2429, %and3A_2705] : memref<16x8x32xf32, #tpu.memory_space<vmem>>[vector<16xi32>, vector<16xi32>, vector<16xi32>], vector<16xf32>,
      %mul3A_2709 = arith.mulf %gather3A_2706, %gather3A_2707 : vector<16xf32>
      %mul3A_2710 = arith.mulf %mul3A_2709, %gather3A_2708 : vector<16xf32>
      %add3A_2711 = arith.addf %add3A_2693, %mul3A_2710 : vector<16xf32>
      %mul3A_2712 = arith.mulf %gather3A_2706, %gather3A_2706 : vector<16xf32>
      %mul3A_2713 = arith.mulf %gather3A_2707, %gather3A_2707 : vector<16xf32>
      %add3A_2714 = arith.addf %mul3A_2712, %mul3A_2713 : vector<16xf32>
      %mul3A_2715 = arith.mulf %gather3A_2708, %gather3A_2708 : vector<16xf32>
      %add3A_2716 = arith.addf %add3A_2714, %mul3A_2715 : vector<16xf32>
      %add3A_2717 = arith.addf %add3A_2699, %add3A_2716 : vector<16xf32>
      %add3A_2718 = arith.constant 16 : i32
      %add3A_2719 = vector.broadcast %add3A_2718 : i32 to vector<16xi32>
      %add3A_2720 = arith.addi %iota3A, %add3A_2719 : vector<16xi32>
      %and3A_2721 = arith.constant 31 : i32
      %and3A_2722 = vector.broadcast %and3A_2721 : i32 to vector<16xi32>
      %and3A_2723 = arith.andi %add3A_2720, %and3A_2722 : vector<16xi32>
      %gather3A_2724 = tpu.vector_load_idx %arg13[%and3A_2723, %add3A_2427] : memref<32x512xf32, #tpu.memory_space<vmem>>[vector<16xi32>, vector<16xi32>], vector<16xf32>,
      %gather3A_2725 = tpu.vector_load_idx %arg14[%iota3A, %and3A_2428, %and3A_2723] : memref<16x8x32xf32, #tpu.memory_space<vmem>>[vector<16xi32>, vector<16xi32>, vector<16xi32>], vector<16xf32>,
      %gather3A_2726 = tpu.vector_load_idx %arg15[%iota3A, %and3A_2429, %and3A_2723] : memref<16x8x32xf32, #tpu.memory_space<vmem>>[vector<16xi32>, vector<16xi32>, vector<16xi32>], vector<16xf32>,
      %mul3A_2727 = arith.mulf %gather3A_2724, %gather3A_2725 : vector<16xf32>
      %mul3A_2728 = arith.mulf %mul3A_2727, %gather3A_2726 : vector<16xf32>
      %add3A_2729 = arith.addf %add3A_2711, %mul3A_2728 : vector<16xf32>
      %mul3A_2730 = arith.mulf %gather3A_2724, %gather3A_2724 : vector<16xf32>
      %mul3A_2731 = arith.mulf %gather3A_2725, %gather3A_2725 : vector<16xf32>
      %add3A_2732 = arith.addf %mul3A_2730, %mul3A_2731 : vector<16xf32>
      %mul3A_2733 = arith.mulf %gather3A_2726, %gather3A_2726 : vector<16xf32>
      %add3A_2734 = arith.addf %add3A_2732, %mul3A_2733 : vector<16xf32>
      %add3A_2735 = arith.addf %add3A_2717, %add3A_2734 : vector<16xf32>
      %add3A_2736 = arith.constant 17 : i32
      %add3A_2737 = vector.broadcast %add3A_2736 : i32 to vector<16xi32>
      %add3A_2738 = arith.addi %iota3A, %add3A_2737 : vector<16xi32>
      %and3A_2739 = arith.constant 31 : i32
      %and3A_2740 = vector.broadcast %and3A_2739 : i32 to vector<16xi32>
      %and3A_2741 = arith.andi %add3A_2738, %and3A_2740 : vector<16xi32>
      %gather3A_2742 = tpu.vector_load_idx %arg13[%and3A_2741, %add3A_2427] : memref<32x512xf32, #tpu.memory_space<vmem>>[vector<16xi32>, vector<16xi32>], vector<16xf32>,
      %gather3A_2743 = tpu.vector_load_idx %arg14[%iota3A, %and3A_2428, %and3A_2741] : memref<16x8x32xf32, #tpu.memory_space<vmem>>[vector<16xi32>, vector<16xi32>, vector<16xi32>], vector<16xf32>,
      %gather3A_2744 = tpu.vector_load_idx %arg15[%iota3A, %and3A_2429, %and3A_2741] : memref<16x8x32xf32, #tpu.memory_space<vmem>>[vector<16xi32>, vector<16xi32>, vector<16xi32>], vector<16xf32>,
      %mul3A_2745 = arith.mulf %gather3A_2742, %gather3A_2743 : vector<16xf32>
      %mul3A_2746 = arith.mulf %mul3A_2745, %gather3A_2744 : vector<16xf32>
      %add3A_2747 = arith.addf %add3A_2729, %mul3A_2746 : vector<16xf32>
      %mul3A_2748 = arith.mulf %gather3A_2742, %gather3A_2742 : vector<16xf32>
      %mul3A_2749 = arith.mulf %gather3A_2743, %gather3A_2743 : vector<16xf32>
      %add3A_2750 = arith.addf %mul3A_2748, %mul3A_2749 : vector<16xf32>
      %mul3A_2751 = arith.mulf %gather3A_2744, %gather3A_2744 : vector<16xf32>
      %add3A_2752 = arith.addf %add3A_2750, %mul3A_2751 : vector<16xf32>
      %add3A_2753 = arith.addf %add3A_2735, %add3A_2752 : vector<16xf32>
      %add3A_2754 = arith.constant 18 : i32
      %add3A_2755 = vector.broadcast %add3A_2754 : i32 to vector<16xi32>
      %add3A_2756 = arith.addi %iota3A, %add3A_2755 : vector<16xi32>
      %and3A_2757 = arith.constant 31 : i32
      %and3A_2758 = vector.broadcast %and3A_2757 : i32 to vector<16xi32>
      %and3A_2759 = arith.andi %add3A_2756, %and3A_2758 : vector<16xi32>
      %gather3A_2760 = tpu.vector_load_idx %arg13[%and3A_2759, %add3A_2427] : memref<32x512xf32, #tpu.memory_space<vmem>>[vector<16xi32>, vector<16xi32>], vector<16xf32>,
      %gather3A_2761 = tpu.vector_load_idx %arg14[%iota3A, %and3A_2428, %and3A_2759] : memref<16x8x32xf32, #tpu.memory_space<vmem>>[vector<16xi32>, vector<16xi32>, vector<16xi32>], vector<16xf32>,
      %gather3A_2762 = tpu.vector_load_idx %arg15[%iota3A, %and3A_2429, %and3A_2759] : memref<16x8x32xf32, #tpu.memory_space<vmem>>[vector<16xi32>, vector<16xi32>, vector<16xi32>], vector<16xf32>,
      %mul3A_2763 = arith.mulf %gather3A_2760, %gather3A_2761 : vector<16xf32>
      %mul3A_2764 = arith.mulf %mul3A_2763, %gather3A_2762 : vector<16xf32>
      %add3A_2765 = arith.addf %add3A_2747, %mul3A_2764 : vector<16xf32>
      %mul3A_2766 = arith.mulf %gather3A_2760, %gather3A_2760 : vector<16xf32>
      %mul3A_2767 = arith.mulf %gather3A_2761, %gather3A_2761 : vector<16xf32>
      %add3A_2768 = arith.addf %mul3A_2766, %mul3A_2767 : vector<16xf32>
      %mul3A_2769 = arith.mulf %gather3A_2762, %gather3A_2762 : vector<16xf32>
      %add3A_2770 = arith.addf %add3A_2768, %mul3A_2769 : vector<16xf32>
      %add3A_2771 = arith.addf %add3A_2753, %add3A_2770 : vector<16xf32>
      %add3A_2772 = arith.constant 19 : i32
      %add3A_2773 = vector.broadcast %add3A_2772 : i32 to vector<16xi32>
      %add3A_2774 = arith.addi %iota3A, %add3A_2773 : vector<16xi32>
      %and3A_2775 = arith.constant 31 : i32
      %and3A_2776 = vector.broadcast %and3A_2775 : i32 to vector<16xi32>
      %and3A_2777 = arith.andi %add3A_2774, %and3A_2776 : vector<16xi32>
      %gather3A_2778 = tpu.vector_load_idx %arg13[%and3A_2777, %add3A_2427] : memref<32x512xf32, #tpu.memory_space<vmem>>[vector<16xi32>, vector<16xi32>], vector<16xf32>,
      %gather3A_2779 = tpu.vector_load_idx %arg14[%iota3A, %and3A_2428, %and3A_2777] : memref<16x8x32xf32, #tpu.memory_space<vmem>>[vector<16xi32>, vector<16xi32>, vector<16xi32>], vector<16xf32>,
      %gather3A_2780 = tpu.vector_load_idx %arg15[%iota3A, %and3A_2429, %and3A_2777] : memref<16x8x32xf32, #tpu.memory_space<vmem>>[vector<16xi32>, vector<16xi32>, vector<16xi32>], vector<16xf32>,
      %mul3A_2781 = arith.mulf %gather3A_2778, %gather3A_2779 : vector<16xf32>
      %mul3A_2782 = arith.mulf %mul3A_2781, %gather3A_2780 : vector<16xf32>
      %add3A_2783 = arith.addf %add3A_2765, %mul3A_2782 : vector<16xf32>
      %mul3A_2784 = arith.mulf %gather3A_2778, %gather3A_2778 : vector<16xf32>
      %mul3A_2785 = arith.mulf %gather3A_2779, %gather3A_2779 : vector<16xf32>
      %add3A_2786 = arith.addf %mul3A_2784, %mul3A_2785 : vector<16xf32>
      %mul3A_2787 = arith.mulf %gather3A_2780, %gather3A_2780 : vector<16xf32>
      %add3A_2788 = arith.addf %add3A_2786, %mul3A_2787 : vector<16xf32>
      %add3A_2789 = arith.addf %add3A_2771, %add3A_2788 : vector<16xf32>
      %add3A_2790 = arith.constant 20 : i32
      %add3A_2791 = vector.broadcast %add3A_2790 : i32 to vector<16xi32>
      %add3A_2792 = arith.addi %iota3A, %add3A_2791 : vector<16xi32>
      %and3A_2793 = arith.constant 31 : i32
      %and3A_2794 = vector.broadcast %and3A_2793 : i32 to vector<16xi32>
      %and3A_2795 = arith.andi %add3A_2792, %and3A_2794 : vector<16xi32>
      %gather3A_2796 = tpu.vector_load_idx %arg13[%and3A_2795, %add3A_2427] : memref<32x512xf32, #tpu.memory_space<vmem>>[vector<16xi32>, vector<16xi32>], vector<16xf32>,
      %gather3A_2797 = tpu.vector_load_idx %arg14[%iota3A, %and3A_2428, %and3A_2795] : memref<16x8x32xf32, #tpu.memory_space<vmem>>[vector<16xi32>, vector<16xi32>, vector<16xi32>], vector<16xf32>,
      %gather3A_2798 = tpu.vector_load_idx %arg15[%iota3A, %and3A_2429, %and3A_2795] : memref<16x8x32xf32, #tpu.memory_space<vmem>>[vector<16xi32>, vector<16xi32>, vector<16xi32>], vector<16xf32>,
      %mul3A_2799 = arith.mulf %gather3A_2796, %gather3A_2797 : vector<16xf32>
      %mul3A_2800 = arith.mulf %mul3A_2799, %gather3A_2798 : vector<16xf32>
      %add3A_2801 = arith.addf %add3A_2783, %mul3A_2800 : vector<16xf32>
      %mul3A_2802 = arith.mulf %gather3A_2796, %gather3A_2796 : vector<16xf32>
      %mul3A_2803 = arith.mulf %gather3A_2797, %gather3A_2797 : vector<16xf32>
      %add3A_2804 = arith.addf %mul3A_2802, %mul3A_2803 : vector<16xf32>
      %mul3A_2805 = arith.mulf %gather3A_2798, %gather3A_2798 : vector<16xf32>
      %add3A_2806 = arith.addf %add3A_2804, %mul3A_2805 : vector<16xf32>
      %add3A_2807 = arith.addf %add3A_2789, %add3A_2806 : vector<16xf32>
      %add3A_2808 = arith.constant 21 : i32
      %add3A_2809 = vector.broadcast %add3A_2808 : i32 to vector<16xi32>
      %add3A_2810 = arith.addi %iota3A, %add3A_2809 : vector<16xi32>
      %and3A_2811 = arith.constant 31 : i32
      %and3A_2812 = vector.broadcast %and3A_2811 : i32 to vector<16xi32>
      %and3A_2813 = arith.andi %add3A_2810, %and3A_2812 : vector<16xi32>
      %gather3A_2814 = tpu.vector_load_idx %arg13[%and3A_2813, %add3A_2427] : memref<32x512xf32, #tpu.memory_space<vmem>>[vector<16xi32>, vector<16xi32>], vector<16xf32>,
      %gather3A_2815 = tpu.vector_load_idx %arg14[%iota3A, %and3A_2428, %and3A_2813] : memref<16x8x32xf32, #tpu.memory_space<vmem>>[vector<16xi32>, vector<16xi32>, vector<16xi32>], vector<16xf32>,
      %gather3A_2816 = tpu.vector_load_idx %arg15[%iota3A, %and3A_2429, %and3A_2813] : memref<16x8x32xf32, #tpu.memory_space<vmem>>[vector<16xi32>, vector<16xi32>, vector<16xi32>], vector<16xf32>,
      %mul3A_2817 = arith.mulf %gather3A_2814, %gather3A_2815 : vector<16xf32>
      %mul3A_2818 = arith.mulf %mul3A_2817, %gather3A_2816 : vector<16xf32>
      %add3A_2819 = arith.addf %add3A_2801, %mul3A_2818 : vector<16xf32>
      %mul3A_2820 = arith.mulf %gather3A_2814, %gather3A_2814 : vector<16xf32>
      %mul3A_2821 = arith.mulf %gather3A_2815, %gather3A_2815 : vector<16xf32>
      %add3A_2822 = arith.addf %mul3A_2820, %mul3A_2821 : vector<16xf32>
      %mul3A_2823 = arith.mulf %gather3A_2816, %gather3A_2816 : vector<16xf32>
      %add3A_2824 = arith.addf %add3A_2822, %mul3A_2823 : vector<16xf32>
      %add3A_2825 = arith.addf %add3A_2807, %add3A_2824 : vector<16xf32>
      %add3A_2826 = arith.constant 22 : i32
      %add3A_2827 = vector.broadcast %add3A_2826 : i32 to vector<16xi32>
      %add3A_2828 = arith.addi %iota3A, %add3A_2827 : vector<16xi32>
      %and3A_2829 = arith.constant 31 : i32
      %and3A_2830 = vector.broadcast %and3A_2829 : i32 to vector<16xi32>
      %and3A_2831 = arith.andi %add3A_2828, %and3A_2830 : vector<16xi32>
      %gather3A_2832 = tpu.vector_load_idx %arg13[%and3A_2831, %add3A_2427] : memref<32x512xf32, #tpu.memory_space<vmem>>[vector<16xi32>, vector<16xi32>], vector<16xf32>,
      %gather3A_2833 = tpu.vector_load_idx %arg14[%iota3A, %and3A_2428, %and3A_2831] : memref<16x8x32xf32, #tpu.memory_space<vmem>>[vector<16xi32>, vector<16xi32>, vector<16xi32>], vector<16xf32>,
      %gather3A_2834 = tpu.vector_load_idx %arg15[%iota3A, %and3A_2429, %and3A_2831] : memref<16x8x32xf32, #tpu.memory_space<vmem>>[vector<16xi32>, vector<16xi32>, vector<16xi32>], vector<16xf32>,
      %mul3A_2835 = arith.mulf %gather3A_2832, %gather3A_2833 : vector<16xf32>
      %mul3A_2836 = arith.mulf %mul3A_2835, %gather3A_2834 : vector<16xf32>
      %add3A_2837 = arith.addf %add3A_2819, %mul3A_2836 : vector<16xf32>
      %mul3A_2838 = arith.mulf %gather3A_2832, %gather3A_2832 : vector<16xf32>
      %mul3A_2839 = arith.mulf %gather3A_2833, %gather3A_2833 : vector<16xf32>
      %add3A_2840 = arith.addf %mul3A_2838, %mul3A_2839 : vector<16xf32>
      %mul3A_2841 = arith.mulf %gather3A_2834, %gather3A_2834 : vector<16xf32>
      %add3A_2842 = arith.addf %add3A_2840, %mul3A_2841 : vector<16xf32>
      %add3A_2843 = arith.addf %add3A_2825, %add3A_2842 : vector<16xf32>
      %add3A_2844 = arith.constant 23 : i32
      %add3A_2845 = vector.broadcast %add3A_2844 : i32 to vector<16xi32>
      %add3A_2846 = arith.addi %iota3A, %add3A_2845 : vector<16xi32>
      %and3A_2847 = arith.constant 31 : i32
      %and3A_2848 = vector.broadcast %and3A_2847 : i32 to vector<16xi32>
      %and3A_2849 = arith.andi %add3A_2846, %and3A_2848 : vector<16xi32>
      %gather3A_2850 = tpu.vector_load_idx %arg13[%and3A_2849, %add3A_2427] : memref<32x512xf32, #tpu.memory_space<vmem>>[vector<16xi32>, vector<16xi32>], vector<16xf32>,
      %gather3A_2851 = tpu.vector_load_idx %arg14[%iota3A, %and3A_2428, %and3A_2849] : memref<16x8x32xf32, #tpu.memory_space<vmem>>[vector<16xi32>, vector<16xi32>, vector<16xi32>], vector<16xf32>,
      %gather3A_2852 = tpu.vector_load_idx %arg15[%iota3A, %and3A_2429, %and3A_2849] : memref<16x8x32xf32, #tpu.memory_space<vmem>>[vector<16xi32>, vector<16xi32>, vector<16xi32>], vector<16xf32>,
      %mul3A_2853 = arith.mulf %gather3A_2850, %gather3A_2851 : vector<16xf32>
      %mul3A_2854 = arith.mulf %mul3A_2853, %gather3A_2852 : vector<16xf32>
      %add3A_2855 = arith.addf %add3A_2837, %mul3A_2854 : vector<16xf32>
      %mul3A_2856 = arith.mulf %gather3A_2850, %gather3A_2850 : vector<16xf32>
      %mul3A_2857 = arith.mulf %gather3A_2851, %gather3A_2851 : vector<16xf32>
      %add3A_2858 = arith.addf %mul3A_2856, %mul3A_2857 : vector<16xf32>
      %mul3A_2859 = arith.mulf %gather3A_2852, %gather3A_2852 : vector<16xf32>
      %add3A_2860 = arith.addf %add3A_2858, %mul3A_2859 : vector<16xf32>
      %add3A_2861 = arith.addf %add3A_2843, %add3A_2860 : vector<16xf32>
      %add3A_2862 = arith.constant 24 : i32
      %add3A_2863 = vector.broadcast %add3A_2862 : i32 to vector<16xi32>
      %add3A_2864 = arith.addi %iota3A, %add3A_2863 : vector<16xi32>
      %and3A_2865 = arith.constant 31 : i32
      %and3A_2866 = vector.broadcast %and3A_2865 : i32 to vector<16xi32>
      %and3A_2867 = arith.andi %add3A_2864, %and3A_2866 : vector<16xi32>
      %gather3A_2868 = tpu.vector_load_idx %arg13[%and3A_2867, %add3A_2427] : memref<32x512xf32, #tpu.memory_space<vmem>>[vector<16xi32>, vector<16xi32>], vector<16xf32>,
      %gather3A_2869 = tpu.vector_load_idx %arg14[%iota3A, %and3A_2428, %and3A_2867] : memref<16x8x32xf32, #tpu.memory_space<vmem>>[vector<16xi32>, vector<16xi32>, vector<16xi32>], vector<16xf32>,
      %gather3A_2870 = tpu.vector_load_idx %arg15[%iota3A, %and3A_2429, %and3A_2867] : memref<16x8x32xf32, #tpu.memory_space<vmem>>[vector<16xi32>, vector<16xi32>, vector<16xi32>], vector<16xf32>,
      %mul3A_2871 = arith.mulf %gather3A_2868, %gather3A_2869 : vector<16xf32>
      %mul3A_2872 = arith.mulf %mul3A_2871, %gather3A_2870 : vector<16xf32>
      %add3A_2873 = arith.addf %add3A_2855, %mul3A_2872 : vector<16xf32>
      %mul3A_2874 = arith.mulf %gather3A_2868, %gather3A_2868 : vector<16xf32>
      %mul3A_2875 = arith.mulf %gather3A_2869, %gather3A_2869 : vector<16xf32>
      %add3A_2876 = arith.addf %mul3A_2874, %mul3A_2875 : vector<16xf32>
      %mul3A_2877 = arith.mulf %gather3A_2870, %gather3A_2870 : vector<16xf32>
      %add3A_2878 = arith.addf %add3A_2876, %mul3A_2877 : vector<16xf32>
      %add3A_2879 = arith.addf %add3A_2861, %add3A_2878 : vector<16xf32>
      %add3A_2880 = arith.constant 25 : i32
      %add3A_2881 = vector.broadcast %add3A_2880 : i32 to vector<16xi32>
      %add3A_2882 = arith.addi %iota3A, %add3A_2881 : vector<16xi32>
      %and3A_2883 = arith.constant 31 : i32
      %and3A_2884 = vector.broadcast %and3A_2883 : i32 to vector<16xi32>
      %and3A_2885 = arith.andi %add3A_2882, %and3A_2884 : vector<16xi32>
      %gather3A_2886 = tpu.vector_load_idx %arg13[%and3A_2885, %add3A_2427] : memref<32x512xf32, #tpu.memory_space<vmem>>[vector<16xi32>, vector<16xi32>], vector<16xf32>,
      %gather3A_2887 = tpu.vector_load_idx %arg14[%iota3A, %and3A_2428, %and3A_2885] : memref<16x8x32xf32, #tpu.memory_space<vmem>>[vector<16xi32>, vector<16xi32>, vector<16xi32>], vector<16xf32>,
      %gather3A_2888 = tpu.vector_load_idx %arg15[%iota3A, %and3A_2429, %and3A_2885] : memref<16x8x32xf32, #tpu.memory_space<vmem>>[vector<16xi32>, vector<16xi32>, vector<16xi32>], vector<16xf32>,
      %mul3A_2889 = arith.mulf %gather3A_2886, %gather3A_2887 : vector<16xf32>
      %mul3A_2890 = arith.mulf %mul3A_2889, %gather3A_2888 : vector<16xf32>
      %add3A_2891 = arith.addf %add3A_2873, %mul3A_2890 : vector<16xf32>
      %mul3A_2892 = arith.mulf %gather3A_2886, %gather3A_2886 : vector<16xf32>
      %mul3A_2893 = arith.mulf %gather3A_2887, %gather3A_2887 : vector<16xf32>
      %add3A_2894 = arith.addf %mul3A_2892, %mul3A_2893 : vector<16xf32>
      %mul3A_2895 = arith.mulf %gather3A_2888, %gather3A_2888 : vector<16xf32>
      %add3A_2896 = arith.addf %add3A_2894, %mul3A_2895 : vector<16xf32>
      %add3A_2897 = arith.addf %add3A_2879, %add3A_2896 : vector<16xf32>
      %add3A_2898 = arith.constant 26 : i32
      %add3A_2899 = vector.broadcast %add3A_2898 : i32 to vector<16xi32>
      %add3A_2900 = arith.addi %iota3A, %add3A_2899 : vector<16xi32>
      %and3A_2901 = arith.constant 31 : i32
      %and3A_2902 = vector.broadcast %and3A_2901 : i32 to vector<16xi32>
      %and3A_2903 = arith.andi %add3A_2900, %and3A_2902 : vector<16xi32>
      %gather3A_2904 = tpu.vector_load_idx %arg13[%and3A_2903, %add3A_2427] : memref<32x512xf32, #tpu.memory_space<vmem>>[vector<16xi32>, vector<16xi32>], vector<16xf32>,
      %gather3A_2905 = tpu.vector_load_idx %arg14[%iota3A, %and3A_2428, %and3A_2903] : memref<16x8x32xf32, #tpu.memory_space<vmem>>[vector<16xi32>, vector<16xi32>, vector<16xi32>], vector<16xf32>,
      %gather3A_2906 = tpu.vector_load_idx %arg15[%iota3A, %and3A_2429, %and3A_2903] : memref<16x8x32xf32, #tpu.memory_space<vmem>>[vector<16xi32>, vector<16xi32>, vector<16xi32>], vector<16xf32>,
      %mul3A_2907 = arith.mulf %gather3A_2904, %gather3A_2905 : vector<16xf32>
      %mul3A_2908 = arith.mulf %mul3A_2907, %gather3A_2906 : vector<16xf32>
      %add3A_2909 = arith.addf %add3A_2891, %mul3A_2908 : vector<16xf32>
      %mul3A_2910 = arith.mulf %gather3A_2904, %gather3A_2904 : vector<16xf32>
      %mul3A_2911 = arith.mulf %gather3A_2905, %gather3A_2905 : vector<16xf32>
      %add3A_2912 = arith.addf %mul3A_2910, %mul3A_2911 : vector<16xf32>
      %mul3A_2913 = arith.mulf %gather3A_2906, %gather3A_2906 : vector<16xf32>
      %add3A_2914 = arith.addf %add3A_2912, %mul3A_2913 : vector<16xf32>
      %add3A_2915 = arith.addf %add3A_2897, %add3A_2914 : vector<16xf32>
      %add3A_2916 = arith.constant 27 : i32
      %add3A_2917 = vector.broadcast %add3A_2916 : i32 to vector<16xi32>
      %add3A_2918 = arith.addi %iota3A, %add3A_2917 : vector<16xi32>
      %and3A_2919 = arith.constant 31 : i32
      %and3A_2920 = vector.broadcast %and3A_2919 : i32 to vector<16xi32>
      %and3A_2921 = arith.andi %add3A_2918, %and3A_2920 : vector<16xi32>
      %gather3A_2922 = tpu.vector_load_idx %arg13[%and3A_2921, %add3A_2427] : memref<32x512xf32, #tpu.memory_space<vmem>>[vector<16xi32>, vector<16xi32>], vector<16xf32>,
      %gather3A_2923 = tpu.vector_load_idx %arg14[%iota3A, %and3A_2428, %and3A_2921] : memref<16x8x32xf32, #tpu.memory_space<vmem>>[vector<16xi32>, vector<16xi32>, vector<16xi32>], vector<16xf32>,
      %gather3A_2924 = tpu.vector_load_idx %arg15[%iota3A, %and3A_2429, %and3A_2921] : memref<16x8x32xf32, #tpu.memory_space<vmem>>[vector<16xi32>, vector<16xi32>, vector<16xi32>], vector<16xf32>,
      %mul3A_2925 = arith.mulf %gather3A_2922, %gather3A_2923 : vector<16xf32>
      %mul3A_2926 = arith.mulf %mul3A_2925, %gather3A_2924 : vector<16xf32>
      %add3A_2927 = arith.addf %add3A_2909, %mul3A_2926 : vector<16xf32>
      %mul3A_2928 = arith.mulf %gather3A_2922, %gather3A_2922 : vector<16xf32>
      %mul3A_2929 = arith.mulf %gather3A_2923, %gather3A_2923 : vector<16xf32>
      %add3A_2930 = arith.addf %mul3A_2928, %mul3A_2929 : vector<16xf32>
      %mul3A_2931 = arith.mulf %gather3A_2924, %gather3A_2924 : vector<16xf32>
      %add3A_2932 = arith.addf %add3A_2930, %mul3A_2931 : vector<16xf32>
      %add3A_2933 = arith.addf %add3A_2915, %add3A_2932 : vector<16xf32>
      %add3A_2934 = arith.constant 28 : i32
      %add3A_2935 = vector.broadcast %add3A_2934 : i32 to vector<16xi32>
      %add3A_2936 = arith.addi %iota3A, %add3A_2935 : vector<16xi32>
      %and3A_2937 = arith.constant 31 : i32
      %and3A_2938 = vector.broadcast %and3A_2937 : i32 to vector<16xi32>
      %and3A_2939 = arith.andi %add3A_2936, %and3A_2938 : vector<16xi32>
      %gather3A_2940 = tpu.vector_load_idx %arg13[%and3A_2939, %add3A_2427] : memref<32x512xf32, #tpu.memory_space<vmem>>[vector<16xi32>, vector<16xi32>], vector<16xf32>,
      %gather3A_2941 = tpu.vector_load_idx %arg14[%iota3A, %and3A_2428, %and3A_2939] : memref<16x8x32xf32, #tpu.memory_space<vmem>>[vector<16xi32>, vector<16xi32>, vector<16xi32>], vector<16xf32>,
      %gather3A_2942 = tpu.vector_load_idx %arg15[%iota3A, %and3A_2429, %and3A_2939] : memref<16x8x32xf32, #tpu.memory_space<vmem>>[vector<16xi32>, vector<16xi32>, vector<16xi32>], vector<16xf32>,
      %mul3A_2943 = arith.mulf %gather3A_2940, %gather3A_2941 : vector<16xf32>
      %mul3A_2944 = arith.mulf %mul3A_2943, %gather3A_2942 : vector<16xf32>
      %add3A_2945 = arith.addf %add3A_2927, %mul3A_2944 : vector<16xf32>
      %mul3A_2946 = arith.mulf %gather3A_2940, %gather3A_2940 : vector<16xf32>
      %mul3A_2947 = arith.mulf %gather3A_2941, %gather3A_2941 : vector<16xf32>
      %add3A_2948 = arith.addf %mul3A_2946, %mul3A_2947 : vector<16xf32>
      %mul3A_2949 = arith.mulf %gather3A_2942, %gather3A_2942 : vector<16xf32>
      %add3A_2950 = arith.addf %add3A_2948, %mul3A_2949 : vector<16xf32>
      %add3A_2951 = arith.addf %add3A_2933, %add3A_2950 : vector<16xf32>
      %add3A_2952 = arith.constant 29 : i32
      %add3A_2953 = vector.broadcast %add3A_2952 : i32 to vector<16xi32>
      %add3A_2954 = arith.addi %iota3A, %add3A_2953 : vector<16xi32>
      %and3A_2955 = arith.constant 31 : i32
      %and3A_2956 = vector.broadcast %and3A_2955 : i32 to vector<16xi32>
      %and3A_2957 = arith.andi %add3A_2954, %and3A_2956 : vector<16xi32>
      %gather3A_2958 = tpu.vector_load_idx %arg13[%and3A_2957, %add3A_2427] : memref<32x512xf32, #tpu.memory_space<vmem>>[vector<16xi32>, vector<16xi32>], vector<16xf32>,
      %gather3A_2959 = tpu.vector_load_idx %arg14[%iota3A, %and3A_2428, %and3A_2957] : memref<16x8x32xf32, #tpu.memory_space<vmem>>[vector<16xi32>, vector<16xi32>, vector<16xi32>], vector<16xf32>,
      %gather3A_2960 = tpu.vector_load_idx %arg15[%iota3A, %and3A_2429, %and3A_2957] : memref<16x8x32xf32, #tpu.memory_space<vmem>>[vector<16xi32>, vector<16xi32>, vector<16xi32>], vector<16xf32>,
      %mul3A_2961 = arith.mulf %gather3A_2958, %gather3A_2959 : vector<16xf32>
      %mul3A_2962 = arith.mulf %mul3A_2961, %gather3A_2960 : vector<16xf32>
      %add3A_2963 = arith.addf %add3A_2945, %mul3A_2962 : vector<16xf32>
      %mul3A_2964 = arith.mulf %gather3A_2958, %gather3A_2958 : vector<16xf32>
      %mul3A_2965 = arith.mulf %gather3A_2959, %gather3A_2959 : vector<16xf32>
      %add3A_2966 = arith.addf %mul3A_2964, %mul3A_2965 : vector<16xf32>
      %mul3A_2967 = arith.mulf %gather3A_2960, %gather3A_2960 : vector<16xf32>
      %add3A_2968 = arith.addf %add3A_2966, %mul3A_2967 : vector<16xf32>
      %add3A_2969 = arith.addf %add3A_2951, %add3A_2968 : vector<16xf32>
      %add3A_2970 = arith.constant 30 : i32
      %add3A_2971 = vector.broadcast %add3A_2970 : i32 to vector<16xi32>
      %add3A_2972 = arith.addi %iota3A, %add3A_2971 : vector<16xi32>
      %and3A_2973 = arith.constant 31 : i32
      %and3A_2974 = vector.broadcast %and3A_2973 : i32 to vector<16xi32>
      %and3A_2975 = arith.andi %add3A_2972, %and3A_2974 : vector<16xi32>
      %gather3A_2976 = tpu.vector_load_idx %arg13[%and3A_2975, %add3A_2427] : memref<32x512xf32, #tpu.memory_space<vmem>>[vector<16xi32>, vector<16xi32>], vector<16xf32>,
      %gather3A_2977 = tpu.vector_load_idx %arg14[%iota3A, %and3A_2428, %and3A_2975] : memref<16x8x32xf32, #tpu.memory_space<vmem>>[vector<16xi32>, vector<16xi32>, vector<16xi32>], vector<16xf32>,
      %gather3A_2978 = tpu.vector_load_idx %arg15[%iota3A, %and3A_2429, %and3A_2975] : memref<16x8x32xf32, #tpu.memory_space<vmem>>[vector<16xi32>, vector<16xi32>, vector<16xi32>], vector<16xf32>,
      %mul3A_2979 = arith.mulf %gather3A_2976, %gather3A_2977 : vector<16xf32>
      %mul3A_2980 = arith.mulf %mul3A_2979, %gather3A_2978 : vector<16xf32>
      %add3A_2981 = arith.addf %add3A_2963, %mul3A_2980 : vector<16xf32>
      %mul3A_2982 = arith.mulf %gather3A_2976, %gather3A_2976 : vector<16xf32>
      %mul3A_2983 = arith.mulf %gather3A_2977, %gather3A_2977 : vector<16xf32>
      %add3A_2984 = arith.addf %mul3A_2982, %mul3A_2983 : vector<16xf32>
      %mul3A_2985 = arith.mulf %gather3A_2978, %gather3A_2978 : vector<16xf32>
      %add3A_2986 = arith.addf %add3A_2984, %mul3A_2985 : vector<16xf32>
      %add3A_2987 = arith.addf %add3A_2969, %add3A_2986 : vector<16xf32>
      %add3A_2988 = arith.constant 31 : i32
      %add3A_2989 = vector.broadcast %add3A_2988 : i32 to vector<16xi32>
      %add3A_2990 = arith.addi %iota3A, %add3A_2989 : vector<16xi32>
      %and3A_2991 = arith.constant 31 : i32
      %and3A_2992 = vector.broadcast %and3A_2991 : i32 to vector<16xi32>
      %and3A_2993 = arith.andi %add3A_2990, %and3A_2992 : vector<16xi32>
      %gather3A_2994 = tpu.vector_load_idx %arg13[%and3A_2993, %add3A_2427] : memref<32x512xf32, #tpu.memory_space<vmem>>[vector<16xi32>, vector<16xi32>], vector<16xf32>,
      %gather3A_2995 = tpu.vector_load_idx %arg14[%iota3A, %and3A_2428, %and3A_2993] : memref<16x8x32xf32, #tpu.memory_space<vmem>>[vector<16xi32>, vector<16xi32>, vector<16xi32>], vector<16xf32>,
      %gather3A_2996 = tpu.vector_load_idx %arg15[%iota3A, %and3A_2429, %and3A_2993] : memref<16x8x32xf32, #tpu.memory_space<vmem>>[vector<16xi32>, vector<16xi32>, vector<16xi32>], vector<16xf32>,
      %mul3A_2997 = arith.mulf %gather3A_2994, %gather3A_2995 : vector<16xf32>
      %mul3A_2998 = arith.mulf %mul3A_2997, %gather3A_2996 : vector<16xf32>
      %add3A_2999 = arith.addf %add3A_2981, %mul3A_2998 : vector<16xf32>
      %mul3A_3000 = arith.mulf %gather3A_2994, %gather3A_2994 : vector<16xf32>
      %mul3A_3001 = arith.mulf %gather3A_2995, %gather3A_2995 : vector<16xf32>
      %add3A_3002 = arith.addf %mul3A_3000, %mul3A_3001 : vector<16xf32>
      %mul3A_3003 = arith.mulf %gather3A_2996, %gather3A_2996 : vector<16xf32>
      %add3A_3004 = arith.addf %add3A_3002, %mul3A_3003 : vector<16xf32>
      %add3A_3005 = arith.addf %add3A_2987, %add3A_3004 : vector<16xf32>
      %mul3A_3006 = arith.constant 16 : i32
      %mul3A_3007 = arith.muli %scan3A_359, %mul3A_3006 : i32
      %get3A_3008 = arith.index_cast %mul3A_3007 : i32 to index
      %get3A_3009 = tpu.vector_load %arg11[%get3A_3008] {strides = array<i32>} : memref<512xf32, #tpu.memory_space<vmem>>, vector<16xf32>,
      %sub3A_3010 = arith.subf %add3A_2999, %get3A_3009 : vector<16xf32>
      %add3A_3011 = arith.addf %scan3A_360, %add3A_3005 : vector<16xf32>
      %mul3A_3012 = arith.mulf %sub3A_3010, %sub3A_3010 : vector<16xf32>
      %add3A_3013 = arith.addf %scan3A_361, %mul3A_3012 : vector<16xf32>
      scf.yield %add3A_3011, %add3A_3013 : vector<16xf32>, vector<16xf32>
    }
    %scan3A_231 = arith.constant 32 : i32
    %dma_wait3A = arith.constant 0 : i32
    %dma_wait3A_232 = arith.constant 0 : i32
    %dma_wait3A_233 = arith.constant 0 : i32
    %dma_wait3A_234 = tpu.memref_slice %arg12[%dma_wait3A, %dma_wait3A_232, %dma_wait3A_233] : memref<8x32x128xf32, #tpu.memory_space<vmem>> -> memref<1x32x128xf32, #tpu.memory_space<vmem>>
    %dma_wait3A_235 = tpu.memref_squeeze %dma_wait3A_234 : memref<1x32x128xf32, #tpu.memory_space<vmem>> -> memref<32x128xf32, #tpu.memory_space<vmem>>
    %dma_wait3A_236 = arith.constant 0 : i32
    %dma_wait3A_237 = arith.constant 0 : i32
    %dma_wait3A_238 = tpu.memref_slice %arg6[%dma_wait3A_236, %dma_wait3A_237] : memref<32x1000000xf32, #tpu.memory_space<hbm>> -> memref<32x128xf32, #tpu.memory_space<hbm>>
    %dma_wait3A_239 = arith.constant 0 : i32
    %dma_wait3A_240 = arith.constant 0 : i32
    %dma_wait3A_241 = tpu.memref_slice %arg12[%dma_wait3A, %dma_wait3A_239, %dma_wait3A_240] : memref<8x32x128xf32, #tpu.memory_space<vmem>> -> memref<1x32x128xf32, #tpu.memory_space<vmem>>
    %dma_wait3A_242 = tpu.memref_squeeze %dma_wait3A_241 : memref<1x32x128xf32, #tpu.memory_space<vmem>> -> memref<32x128xf32, #tpu.memory_space<vmem>>
    %dma_wait3A_243 = arith.constant 0 : i32
    %dma_wait3A_244 = arith.constant 0 : i32
    %dma_wait3A_245 = tpu.memref_slice %arg6[%dma_wait3A_243, %dma_wait3A_244] : memref<32x1000000xf32, #tpu.memory_space<hbm>> -> memref<32x128xf32, #tpu.memory_space<hbm>>
    tpu.wait_dma2 semaphore(%arg17 : memref<!tpu.dma_semaphore, #tpu.memory_space<semaphore_mem>>) src(%dma_wait3A_245 : memref<32x128xf32, #tpu.memory_space<hbm>>) dst(%dma_wait3A_242 : memref<32x128xf32, #tpu.memory_space<vmem>>)
    %dma_wait3A_246 = arith.constant 1 : i32
    %dma_wait3A_247 = arith.constant 0 : i32
    %dma_wait3A_248 = arith.constant 0 : i32
    %dma_wait3A_249 = tpu.memref_slice %arg12[%dma_wait3A_246, %dma_wait3A_247, %dma_wait3A_248] : memref<8x32x128xf32, #tpu.memory_space<vmem>> -> memref<1x32x128xf32, #tpu.memory_space<vmem>>
    %dma_wait3A_250 = tpu.memref_squeeze %dma_wait3A_249 : memref<1x32x128xf32, #tpu.memory_space<vmem>> -> memref<32x128xf32, #tpu.memory_space<vmem>>
    %dma_wait3A_251 = arith.constant 0 : i32
    %dma_wait3A_252 = arith.constant 0 : i32
    %dma_wait3A_253 = tpu.memref_slice %arg6[%dma_wait3A_251, %dma_wait3A_252] : memref<32x1000000xf32, #tpu.memory_space<hbm>> -> memref<32x128xf32, #tpu.memory_space<hbm>>
    %dma_wait3A_254 = arith.constant 0 : i32
    %dma_wait3A_255 = arith.constant 0 : i32
    %dma_wait3A_256 = tpu.memref_slice %arg12[%dma_wait3A_246, %dma_wait3A_254, %dma_wait3A_255] : memref<8x32x128xf32, #tpu.memory_space<vmem>> -> memref<1x32x128xf32, #tpu.memory_space<vmem>>
    %dma_wait3A_257 = tpu.memref_squeeze %dma_wait3A_256 : memref<1x32x128xf32, #tpu.memory_space<vmem>> -> memref<32x128xf32, #tpu.memory_space<vmem>>
    %dma_wait3A_258 = arith.constant 0 : i32
    %dma_wait3A_259 = arith.constant 0 : i32
    %dma_wait3A_260 = tpu.memref_slice %arg6[%dma_wait3A_258, %dma_wait3A_259] : memref<32x1000000xf32, #tpu.memory_space<hbm>> -> memref<32x128xf32, #tpu.memory_space<hbm>>
    tpu.wait_dma2 semaphore(%arg17 : memref<!tpu.dma_semaphore, #tpu.memory_space<semaphore_mem>>) src(%dma_wait3A_260 : memref<32x128xf32, #tpu.memory_space<hbm>>) dst(%dma_wait3A_257 : memref<32x128xf32, #tpu.memory_space<vmem>>)
    %dma_wait3A_261 = arith.constant 2 : i32
    %dma_wait3A_262 = arith.constant 0 : i32
    %dma_wait3A_263 = arith.constant 0 : i32
    %dma_wait3A_264 = tpu.memref_slice %arg12[%dma_wait3A_261, %dma_wait3A_262, %dma_wait3A_263] : memref<8x32x128xf32, #tpu.memory_space<vmem>> -> memref<1x32x128xf32, #tpu.memory_space<vmem>>
    %dma_wait3A_265 = tpu.memref_squeeze %dma_wait3A_264 : memref<1x32x128xf32, #tpu.memory_space<vmem>> -> memref<32x128xf32, #tpu.memory_space<vmem>>
    %dma_wait3A_266 = arith.constant 0 : i32
    %dma_wait3A_267 = arith.constant 0 : i32
    %dma_wait3A_268 = tpu.memref_slice %arg6[%dma_wait3A_266, %dma_wait3A_267] : memref<32x1000000xf32, #tpu.memory_space<hbm>> -> memref<32x128xf32, #tpu.memory_space<hbm>>
    %dma_wait3A_269 = arith.constant 0 : i32
    %dma_wait3A_270 = arith.constant 0 : i32
    %dma_wait3A_271 = tpu.memref_slice %arg12[%dma_wait3A_261, %dma_wait3A_269, %dma_wait3A_270] : memref<8x32x128xf32, #tpu.memory_space<vmem>> -> memref<1x32x128xf32, #tpu.memory_space<vmem>>
    %dma_wait3A_272 = tpu.memref_squeeze %dma_wait3A_271 : memref<1x32x128xf32, #tpu.memory_space<vmem>> -> memref<32x128xf32, #tpu.memory_space<vmem>>
    %dma_wait3A_273 = arith.constant 0 : i32
    %dma_wait3A_274 = arith.constant 0 : i32
    %dma_wait3A_275 = tpu.memref_slice %arg6[%dma_wait3A_273, %dma_wait3A_274] : memref<32x1000000xf32, #tpu.memory_space<hbm>> -> memref<32x128xf32, #tpu.memory_space<hbm>>
    tpu.wait_dma2 semaphore(%arg17 : memref<!tpu.dma_semaphore, #tpu.memory_space<semaphore_mem>>) src(%dma_wait3A_275 : memref<32x128xf32, #tpu.memory_space<hbm>>) dst(%dma_wait3A_272 : memref<32x128xf32, #tpu.memory_space<vmem>>)
    %dma_wait3A_276 = arith.constant 3 : i32
    %dma_wait3A_277 = arith.constant 0 : i32
    %dma_wait3A_278 = arith.constant 0 : i32
    %dma_wait3A_279 = tpu.memref_slice %arg12[%dma_wait3A_276, %dma_wait3A_277, %dma_wait3A_278] : memref<8x32x128xf32, #tpu.memory_space<vmem>> -> memref<1x32x128xf32, #tpu.memory_space<vmem>>
    %dma_wait3A_280 = tpu.memref_squeeze %dma_wait3A_279 : memref<1x32x128xf32, #tpu.memory_space<vmem>> -> memref<32x128xf32, #tpu.memory_space<vmem>>
    %dma_wait3A_281 = arith.constant 0 : i32
    %dma_wait3A_282 = arith.constant 0 : i32
    %dma_wait3A_283 = tpu.memref_slice %arg6[%dma_wait3A_281, %dma_wait3A_282] : memref<32x1000000xf32, #tpu.memory_space<hbm>> -> memref<32x128xf32, #tpu.memory_space<hbm>>
    %dma_wait3A_284 = arith.constant 0 : i32
    %dma_wait3A_285 = arith.constant 0 : i32
    %dma_wait3A_286 = tpu.memref_slice %arg12[%dma_wait3A_276, %dma_wait3A_284, %dma_wait3A_285] : memref<8x32x128xf32, #tpu.memory_space<vmem>> -> memref<1x32x128xf32, #tpu.memory_space<vmem>>
    %dma_wait3A_287 = tpu.memref_squeeze %dma_wait3A_286 : memref<1x32x128xf32, #tpu.memory_space<vmem>> -> memref<32x128xf32, #tpu.memory_space<vmem>>
    %dma_wait3A_288 = arith.constant 0 : i32
    %dma_wait3A_289 = arith.constant 0 : i32
    %dma_wait3A_290 = tpu.memref_slice %arg6[%dma_wait3A_288, %dma_wait3A_289] : memref<32x1000000xf32, #tpu.memory_space<hbm>> -> memref<32x128xf32, #tpu.memory_space<hbm>>
    tpu.wait_dma2 semaphore(%arg17 : memref<!tpu.dma_semaphore, #tpu.memory_space<semaphore_mem>>) src(%dma_wait3A_290 : memref<32x128xf32, #tpu.memory_space<hbm>>) dst(%dma_wait3A_287 : memref<32x128xf32, #tpu.memory_space<vmem>>)
    %dma_wait3A_291 = arith.constant 4 : i32
    %dma_wait3A_292 = arith.constant 0 : i32
    %dma_wait3A_293 = arith.constant 0 : i32
    %dma_wait3A_294 = tpu.memref_slice %arg12[%dma_wait3A_291, %dma_wait3A_292, %dma_wait3A_293] : memref<8x32x128xf32, #tpu.memory_space<vmem>> -> memref<1x32x128xf32, #tpu.memory_space<vmem>>
    %dma_wait3A_295 = tpu.memref_squeeze %dma_wait3A_294 : memref<1x32x128xf32, #tpu.memory_space<vmem>> -> memref<32x128xf32, #tpu.memory_space<vmem>>
    %dma_wait3A_296 = arith.constant 0 : i32
    %dma_wait3A_297 = arith.constant 0 : i32
    %dma_wait3A_298 = tpu.memref_slice %arg6[%dma_wait3A_296, %dma_wait3A_297] : memref<32x1000000xf32, #tpu.memory_space<hbm>> -> memref<32x128xf32, #tpu.memory_space<hbm>>
    %dma_wait3A_299 = arith.constant 0 : i32
    %dma_wait3A_300 = arith.constant 0 : i32
    %dma_wait3A_301 = tpu.memref_slice %arg12[%dma_wait3A_291, %dma_wait3A_299, %dma_wait3A_300] : memref<8x32x128xf32, #tpu.memory_space<vmem>> -> memref<1x32x128xf32, #tpu.memory_space<vmem>>
    %dma_wait3A_302 = tpu.memref_squeeze %dma_wait3A_301 : memref<1x32x128xf32, #tpu.memory_space<vmem>> -> memref<32x128xf32, #tpu.memory_space<vmem>>
    %dma_wait3A_303 = arith.constant 0 : i32
    %dma_wait3A_304 = arith.constant 0 : i32
    %dma_wait3A_305 = tpu.memref_slice %arg6[%dma_wait3A_303, %dma_wait3A_304] : memref<32x1000000xf32, #tpu.memory_space<hbm>> -> memref<32x128xf32, #tpu.memory_space<hbm>>
    tpu.wait_dma2 semaphore(%arg17 : memref<!tpu.dma_semaphore, #tpu.memory_space<semaphore_mem>>) src(%dma_wait3A_305 : memref<32x128xf32, #tpu.memory_space<hbm>>) dst(%dma_wait3A_302 : memref<32x128xf32, #tpu.memory_space<vmem>>)
    %dma_wait3A_306 = arith.constant 5 : i32
    %dma_wait3A_307 = arith.constant 0 : i32
    %dma_wait3A_308 = arith.constant 0 : i32
    %dma_wait3A_309 = tpu.memref_slice %arg12[%dma_wait3A_306, %dma_wait3A_307, %dma_wait3A_308] : memref<8x32x128xf32, #tpu.memory_space<vmem>> -> memref<1x32x128xf32, #tpu.memory_space<vmem>>
    %dma_wait3A_310 = tpu.memref_squeeze %dma_wait3A_309 : memref<1x32x128xf32, #tpu.memory_space<vmem>> -> memref<32x128xf32, #tpu.memory_space<vmem>>
    %dma_wait3A_311 = arith.constant 0 : i32
    %dma_wait3A_312 = arith.constant 0 : i32
    %dma_wait3A_313 = tpu.memref_slice %arg6[%dma_wait3A_311, %dma_wait3A_312] : memref<32x1000000xf32, #tpu.memory_space<hbm>> -> memref<32x128xf32, #tpu.memory_space<hbm>>
    %dma_wait3A_314 = arith.constant 0 : i32
    %dma_wait3A_315 = arith.constant 0 : i32
    %dma_wait3A_316 = tpu.memref_slice %arg12[%dma_wait3A_306, %dma_wait3A_314, %dma_wait3A_315] : memref<8x32x128xf32, #tpu.memory_space<vmem>> -> memref<1x32x128xf32, #tpu.memory_space<vmem>>
    %dma_wait3A_317 = tpu.memref_squeeze %dma_wait3A_316 : memref<1x32x128xf32, #tpu.memory_space<vmem>> -> memref<32x128xf32, #tpu.memory_space<vmem>>
    %dma_wait3A_318 = arith.constant 0 : i32
    %dma_wait3A_319 = arith.constant 0 : i32
    %dma_wait3A_320 = tpu.memref_slice %arg6[%dma_wait3A_318, %dma_wait3A_319] : memref<32x1000000xf32, #tpu.memory_space<hbm>> -> memref<32x128xf32, #tpu.memory_space<hbm>>
    tpu.wait_dma2 semaphore(%arg17 : memref<!tpu.dma_semaphore, #tpu.memory_space<semaphore_mem>>) src(%dma_wait3A_320 : memref<32x128xf32, #tpu.memory_space<hbm>>) dst(%dma_wait3A_317 : memref<32x128xf32, #tpu.memory_space<vmem>>)
    %dma_wait3A_321 = arith.constant 6 : i32
    %dma_wait3A_322 = arith.constant 0 : i32
    %dma_wait3A_323 = arith.constant 0 : i32
    %dma_wait3A_324 = tpu.memref_slice %arg12[%dma_wait3A_321, %dma_wait3A_322, %dma_wait3A_323] : memref<8x32x128xf32, #tpu.memory_space<vmem>> -> memref<1x32x128xf32, #tpu.memory_space<vmem>>
    %dma_wait3A_325 = tpu.memref_squeeze %dma_wait3A_324 : memref<1x32x128xf32, #tpu.memory_space<vmem>> -> memref<32x128xf32, #tpu.memory_space<vmem>>
    %dma_wait3A_326 = arith.constant 0 : i32
    %dma_wait3A_327 = arith.constant 0 : i32
    %dma_wait3A_328 = tpu.memref_slice %arg6[%dma_wait3A_326, %dma_wait3A_327] : memref<32x1000000xf32, #tpu.memory_space<hbm>> -> memref<32x128xf32, #tpu.memory_space<hbm>>
    %dma_wait3A_329 = arith.constant 0 : i32
    %dma_wait3A_330 = arith.constant 0 : i32
    %dma_wait3A_331 = tpu.memref_slice %arg12[%dma_wait3A_321, %dma_wait3A_329, %dma_wait3A_330] : memref<8x32x128xf32, #tpu.memory_space<vmem>> -> memref<1x32x128xf32, #tpu.memory_space<vmem>>
    %dma_wait3A_332 = tpu.memref_squeeze %dma_wait3A_331 : memref<1x32x128xf32, #tpu.memory_space<vmem>> -> memref<32x128xf32, #tpu.memory_space<vmem>>
    %dma_wait3A_333 = arith.constant 0 : i32
    %dma_wait3A_334 = arith.constant 0 : i32
    %dma_wait3A_335 = tpu.memref_slice %arg6[%dma_wait3A_333, %dma_wait3A_334] : memref<32x1000000xf32, #tpu.memory_space<hbm>> -> memref<32x128xf32, #tpu.memory_space<hbm>>
    tpu.wait_dma2 semaphore(%arg17 : memref<!tpu.dma_semaphore, #tpu.memory_space<semaphore_mem>>) src(%dma_wait3A_335 : memref<32x128xf32, #tpu.memory_space<hbm>>) dst(%dma_wait3A_332 : memref<32x128xf32, #tpu.memory_space<vmem>>)
    %dma_wait3A_336 = arith.constant 7 : i32
    %dma_wait3A_337 = arith.constant 0 : i32
    %dma_wait3A_338 = arith.constant 0 : i32
    %dma_wait3A_339 = tpu.memref_slice %arg12[%dma_wait3A_336, %dma_wait3A_337, %dma_wait3A_338] : memref<8x32x128xf32, #tpu.memory_space<vmem>> -> memref<1x32x128xf32, #tpu.memory_space<vmem>>
    %dma_wait3A_340 = tpu.memref_squeeze %dma_wait3A_339 : memref<1x32x128xf32, #tpu.memory_space<vmem>> -> memref<32x128xf32, #tpu.memory_space<vmem>>
    %dma_wait3A_341 = arith.constant 0 : i32
    %dma_wait3A_342 = arith.constant 0 : i32
    %dma_wait3A_343 = tpu.memref_slice %arg6[%dma_wait3A_341, %dma_wait3A_342] : memref<32x1000000xf32, #tpu.memory_space<hbm>> -> memref<32x128xf32, #tpu.memory_space<hbm>>
    %dma_wait3A_344 = arith.constant 0 : i32
    %dma_wait3A_345 = arith.constant 0 : i32
    %dma_wait3A_346 = tpu.memref_slice %arg12[%dma_wait3A_336, %dma_wait3A_344, %dma_wait3A_345] : memref<8x32x128xf32, #tpu.memory_space<vmem>> -> memref<1x32x128xf32, #tpu.memory_space<vmem>>
    %dma_wait3A_347 = tpu.memref_squeeze %dma_wait3A_346 : memref<1x32x128xf32, #tpu.memory_space<vmem>> -> memref<32x128xf32, #tpu.memory_space<vmem>>
    %dma_wait3A_348 = arith.constant 0 : i32
    %dma_wait3A_349 = arith.constant 0 : i32
    %dma_wait3A_350 = tpu.memref_slice %arg6[%dma_wait3A_348, %dma_wait3A_349] : memref<32x1000000xf32, #tpu.memory_space<hbm>> -> memref<32x128xf32, #tpu.memory_space<hbm>>
    tpu.wait_dma2 semaphore(%arg17 : memref<!tpu.dma_semaphore, #tpu.memory_space<semaphore_mem>>) src(%dma_wait3A_350 : memref<32x128xf32, #tpu.memory_space<hbm>>) dst(%dma_wait3A_347 : memref<32x128xf32, #tpu.memory_space<vmem>>)
    %mul3A_351 = arith.constant 0.00999999977 : f32
    %mul3A_352 = vector.broadcast %mul3A_351 : f32 to vector<16xf32>
    %mul3A_353 = arith.mulf %mul3A_352, %scan3A_230#0 : vector<16xf32>
    %add3A_354 = arith.addf %scan3A_230#1, %mul3A_353 : vector<16xf32>
    %broadcast_in_dim3A_355 = arith.constant 0 : i32
    %broadcast_in_dim3A_356 = vector.broadcast %broadcast_in_dim3A_355 : i32 to vector<16xi32>
    tpu.vector_store_idx %arg16[%broadcast_in_dim3A_356, %iota3A], %add3A_354 : memref<8x128xf32, #tpu.memory_space<vmem>>[vector<16xi32>, vector<16xi32>], vector<16xf32>,
    %mul3A_357 = arith.constant 8 : i32
    %mul3A_358 = arith.muli %add3A, %mul3A_357 : i32
    "tpu.region"() ({
      %run_scoped3A_359 = tpu.sem_alloc : memref<!tpu.dma_semaphore, #tpu.memory_space<semaphore_mem>>
      %dma_start3A_360 = arith.constant 0 : i32
      %dma_start3A_361 = arith.constant 0 : i32
      %dma_start3A_362 = tpu.memref_slice %arg16[%dma_start3A_360, %dma_start3A_361] : memref<8x128xf32, #tpu.memory_space<vmem>> -> memref<8x128xf32, #tpu.memory_space<vmem>>
      %dma_start3A_363 = arith.constant 0 : i32
      %dma_start3A_364 = tpu.memref_slice %arg9[%mul3A_358, %dma_start3A_363] : memref<256x128xf32, #tpu.memory_space<hbm>> -> memref<8x128xf32, #tpu.memory_space<hbm>>
      %dma_start3A_365 = arith.constant 0 : i32
      %dma_start3A_366 = tpu.memref_slice %arg9[%mul3A_358, %dma_start3A_365] : memref<256x128xf32, #tpu.memory_space<hbm>> -> memref<8x128xf32, #tpu.memory_space<hbm>>
      %dma_start3A_367 = arith.constant 0 : i32
      %dma_start3A_368 = arith.constant 0 : i32
      %dma_start3A_369 = tpu.memref_slice %arg16[%dma_start3A_367, %dma_start3A_368] : memref<8x128xf32, #tpu.memory_space<vmem>> -> memref<8x128xf32, #tpu.memory_space<vmem>>
      tpu.enqueue_dma source(%dma_start3A_369 : memref<8x128xf32, #tpu.memory_space<vmem>>) target(%dma_start3A_366 : memref<8x128xf32, #tpu.memory_space<hbm>>) target_semaphore(%run_scoped3A_359 : memref<!tpu.dma_semaphore, #tpu.memory_space<semaphore_mem>>)
      %dma_wait3A_370 = arith.constant 0 : i32
      %dma_wait3A_371 = arith.constant 0 : i32
      %dma_wait3A_372 = tpu.memref_slice %arg16[%dma_wait3A_370, %dma_wait3A_371] : memref<8x128xf32, #tpu.memory_space<vmem>> -> memref<8x128xf32, #tpu.memory_space<vmem>>
      %dma_wait3A_373 = arith.constant 0 : i32
      %dma_wait3A_374 = tpu.memref_slice %arg9[%mul3A_358, %dma_wait3A_373] : memref<256x128xf32, #tpu.memory_space<hbm>> -> memref<8x128xf32, #tpu.memory_space<hbm>>
      %dma_wait3A_375 = arith.constant 0 : i32
      %dma_wait3A_376 = tpu.memref_slice %arg9[%mul3A_358, %dma_wait3A_375] : memref<256x128xf32, #tpu.memory_space<hbm>> -> memref<8x128xf32, #tpu.memory_space<hbm>>
      %dma_wait3A_377 = arith.constant 0 : i32
      %dma_wait3A_378 = arith.constant 0 : i32
      %dma_wait3A_379 = tpu.memref_slice %arg16[%dma_wait3A_377, %dma_wait3A_378] : memref<8x128xf32, #tpu.memory_space<vmem>> -> memref<8x128xf32, #tpu.memory_space<vmem>>
      tpu.wait_dma2 semaphore(%run_scoped3A_359 : memref<!tpu.dma_semaphore, #tpu.memory_space<semaphore_mem>>) src(%dma_wait3A_379 : memref<8x128xf32, #tpu.memory_space<vmem>>) dst(%dma_wait3A_376 : memref<8x128xf32, #tpu.memory_space<hbm>>)
      tpu.yield
    }) : () -> ()
    return
  }
}

</mosaic_0001>

<sc_bundles>
// kernel: kernel.3.cloned.1.call-start
scs
__scs_entry_jumppad:
0x0: {  	(pc) =	sbr.rel $0x88, $3  }
0x1: {  	(tag) =	ssettag $0x0;
	lr =	simm.s32 $0x1  }
0x2: {  	[smem:$0x3F9A] =	sst lr;
	_ =	strace $0xD0000000  }
0x3: {  	_ = 	snop  }
0x4: {  	_ = 	snop  }
0x5: {  	_ = 	snop  }
0x6: {  	_ = 	snop  }
0x7: {  	_ = 	snop  }
__scs_overlays_trampoline_lowered:
0x8: {  	[smem:$0x3FA9] =	sst s0  }
0x9: {  	[smem:$0x3FAA] =	sst s1  }
0xa: {  	[smem:$0x3FAB] =	sst s2  }
0xb: {  	[smem:$0x3FAC] =	sst s3  }
0xc: {  	[smem:$0x3FAD] =	sst s4  }
0xd: {  	[smem:$0x3FAE] =	sst s5  }
0xe: {  	[smem:$0x3FAF] =	sst s6  }
0xf: {  	[smem:$0x3FB0] =	sst s7  }
0x10: {  	[smem:$0x3FB1] =	sst s8  }
0x11: {  	[smem:$0x3FB2] =	sst s9;
	s0 =	simm.s32 @!p0 $0x0  }
0x12: {  	s1 =	sld [smem:$0x3F98];
	s0 =	simm.s32 @p0 $0x1  }
0x13: {  	[smem:$0x3FB3] =	sst s0;
	s0 =	simm.s32 @!p1 $0x0  }
0x14: {  	s2 =	sld [smem:$0x3F97];
	s0 =	simm.s32 @p1 $0x1  }
0x15: {  	[smem:$0x3FB4] =	sst s0;
	s0 =	simm.s32 @!p2 $0x0  }
0x16: {  	s3 =	sld [smem:$0x3FDB];
	s0 =	simm.s32 @p2 $0x1  }
0x17: {  	s4 =	simm.s32 $0x1BF5;
	[smem:$0x3FB6] =	sst s0  }
0x18: {  	s0 =	sld [smem:$0x3F99];
	_ =	swait.ge [sflag:s4], $0x0  }
0x19: {  	s7 =	sld [smem:$0x3F9A]  }
0x1a: {  	s8 =	sadd.s32 $0xFFFFE003, lr  }
0x1b: {  	s9 =	sadd.s32 $0xFFFFFEF7, lr;
	s5 =	simm.s32 $0xFFFFFFFF;
	p2 =	slt.u32 s8, $0xFFFFF086  }
0x1c: {  	p1 =	slt.u32 s9, $0xF7A;
	s5 =	simm.s32 @!p2 $0x0  }
0x1d: {  	s5 =	simm.s32 @p1 $0x1;
	p0 =	seq.s32 s7, s2  }
0x1e: {  	s7 =	smul.u32 @!p0 $0xF7A, s2;
	p2 =	seq.s32 @!p0 s5, $0x0  }
0x1f: {  	s9 =	smul.u32 $0xF7A, s1;
	s8 =	simm.s32 @!p0 $0x1BF5;
	p2 =	por !p2, p0  }
0x20: {  	[sflag:s8] =	ssyncset.s32 @!p0 $0xFFFFF086;
	s6 =	sadd.s32 @!p0 s3, s7;
	s7 =	simm.s32 @!p0 $0x108  }
0x21: {  	s3 =	sadd.s32 s3, s9;
	s6 =	sadd.s32 @!p0 $0x88, s6;
	s7 =	simm.s32 @p2 $0x1082  }
0x22: {  	[simem:s7], [sflag:s8] =	dma.local @!p0 [hbm:s6], $0xF7A  }
0x23: {  	s9 =	sor.u32 $0xD0000000, s2;
	s6 =	simm.s32 $0x108;
	_ =	swait.ge @!p0 [sflag:s8], $0x0  }
0x24: {  	s3 =	sadd.s32 $0x88, s3;
	s6 =	simm.s32 @!p1 $0x1082;
	[sflag:s4] =	ssyncset.s32 $0xFFFFF086  }
0x25: {  	[simem:s6], [sflag:s4] =	dma.local [hbm:s3], $0xF7A  }
0x26: {  	[smem:$0x3F9A] =	sst s1;
	(tag) =	ssettag s2;
	_ =	strace s9  }
0x27: {  	s1 =	sld [smem:$0x3FAA]  }
0x28: {  	s2 =	sld [smem:$0x3FAB]  }
0x29: {  	s4 =	sld [smem:$0x3FAD]  }
0x2a: {  	p0 =	seq.s32 s5, $0x0;
	s5 =	sld [smem:$0x3FAE]  }
0x2b: {  	s6 =	sld [smem:$0x3FAF]  }
0x2c: {  	s7 =	sld [smem:$0x3FB0]  }
0x2d: {  	s3 =	simm.s32 $0x108;
	s8 =	sld [smem:$0x3FB1]  }
0x2e: {  	s3 =	simm.s32 @!p0 $0x1082;
	s9 =	sld [smem:$0x3FB2]  }
0x2f: {  	lr =	sadd.s32 s0, s3;
	s0 =	sld [smem:$0x3FA9]  }
0x30: {  	s3 =	sld [smem:$0x3FAC]  }
0x31: {  	[smem:$0x3FB5] =	sst s10  }
0x32: {  	s10 =	sld [smem:$0x3FB3];
	_ =	sdelay $0x3  }
0x33: {  	p0 =	seq.s32 s10, $0x1;
	s10 =	sld [smem:$0x3FB5];
	_ =	sdelay $0x3  }
0x34: {  	[smem:$0x3FB5] =	sst s10  }
0x35: {  	s10 =	sld [smem:$0x3FB4];
	_ =	sdelay $0x3  }
0x36: {  	p1 =	seq.s32 s10, $0x1;
	s10 =	sld [smem:$0x3FB5];
	_ =	sdelay $0x3  }
0x37: {  	[smem:$0x3FB5] =	sst s10  }
0x38: {  	s10 =	sld [smem:$0x3FB6]  }
0x39: {  	_ = 	snop;
	(pc) =	sbr.ind lr, $3  }
0x3a: {  	_ = 	snop  }
0x3b: {  	_ = 	snop  }
0x3c: {  	p2 =	seq.s32 s10, $0x1;
	s10 =	sld [smem:$0x3FB5]  }
0x3d: {  	_ =	shalt  }
0x3e: {  	_ =	shalt  }
0x3f: {  	_ =	shalt  }
0x40: {  	_ =	shalt  }
0x41: {  	_ =	shalt  }
0x42: {  	_ =	shalt  }
0x43: {  	_ =	shalt  }
0x44: {  	_ =	shalt  }
0x45: {  	_ =	shalt  }
0x46: {  	_ =	shalt  }
0x47: {  	_ =	shalt  }
0x48: {  	_ =	shalt  }
0x49: {  	_ =	shalt  }
0x4a: {  	_ =	shalt  }
0x4b: {  	_ =	shalt  }
0x4c: {  	_ =	shalt  }
0x4d: {  	_ =	shalt  }
0x4e: {  	_ =	shalt  }
0x4f: {  	_ =	shalt  }
0x50: {  	_ =	shalt  }
0x51: {  	_ =	shalt  }
0x52: {  	_ =	shalt  }
0x53: {  	_ =	shalt  }
0x54: {  	_ =	shalt  }
0x55: {  	_ =	shalt  }
0x56: {  	_ =	shalt  }
0x57: {  	_ =	shalt  }
0x58: {  	_ =	shalt  }
0x59: {  	_ =	shalt  }
0x5a: {  	_ =	shalt  }
0x5b: {  	_ =	shalt  }
0x5c: {  	_ =	shalt  }
0x5d: {  	_ =	shalt  }
0x5e: {  	_ =	shalt  }
0x5f: {  	_ =	shalt  }
0x60: {  	_ =	shalt  }
0x61: {  	_ =	shalt  }
0x62: {  	_ =	shalt  }
0x63: {  	_ =	shalt  }
0x64: {  	_ =	shalt  }
0x65: {  	_ =	shalt  }
0x66: {  	_ =	shalt  }
0x67: {  	_ =	shalt  }
0x68: {  	_ =	shalt  }
0x69: {  	_ =	shalt  }
0x6a: {  	_ =	shalt  }
0x6b: {  	_ =	shalt  }
0x6c: {  	_ =	shalt  }
0x6d: {  	_ =	shalt  }
0x6e: {  	_ =	shalt  }
0x6f: {  	_ =	shalt  }
0x70: {  	_ =	shalt  }
0x71: {  	_ =	shalt  }
0x72: {  	_ =	shalt  }
0x73: {  	_ =	shalt  }
0x74: {  	_ =	shalt  }
0x75: {  	_ =	shalt  }
0x76: {  	_ =	shalt  }
0x77: {  	_ =	shalt  }
0x78: {  	_ =	shalt  }
0x79: {  	_ =	shalt  }
0x7a: {  	_ =	shalt  }
0x7b: {  	_ =	shalt  }
0x7c: {  	_ =	shalt  }
0x7d: {  	_ =	shalt  }
0x7e: {  	_ =	shalt  }
0x7f: {  	_ =	shalt  }
0x80: {  	_ =	shalt  }
0x81: {  	_ =	shalt  }
0x82: {  	_ =	shalt  }
0x83: {  	_ =	shalt  }
0x84: {  	_ =	shalt  }
0x85: {  	_ =	shalt  }
0x86: {  	_ =	shalt  }
0x87: {  	_ =	shalt  }
.Lfunc_end0:
.L_simem_size_0:
called_computation_lowered:
.L_overlay_start_0:
0x88: {  	s2 =	sld [smem:$0x3FD9]  }
0x89: {  	s3 =	sld [smem:$0x3FFE];
	_ =	sdelay $0x1  }
0x8a: {  	s1 =	srdreg.scid  }
0x8b: {  	s0 =	sand.u32 $0x1, s1  }
0x8c: {  	s17 =	sshll.u32 s0, $0xA;
	s2 =	sadd.s32 s3, s2  }
0x8d: {  	s2 =	sadd.s32 s2, s17  }
0x8e: {  	[smem:$0x3FC1] =	sst s2  }
0x8f: {  	_ = 	snop  }
0x90: {  	s2 =	sld [smem:$0x3FC9]  }
0x91: {  	s18 =	sld [smem:$0x3FC8]  }
0x92: {  	s4 =	sld [smem:$0x3FC7]  }
0x93: {  	s5 =	sld [smem:$0x3FC6]  }
0x94: {  	s6 =	sld [smem:$0x3FC5];
	(tm) =	ssettm $0x1  }
0x95: {  	s7 =	sld [smem:$0x3FFB];
	_ =	sdelay $0x3  }
0x96: {  	_ =	strace s7  }
0x97: {  	s7 =	sld [smem:$0x3FFC];
	_ =	sdelay $0x3  }
0x98: {  	_ =	strace s7  }
0x99: {  	s7 =	sld [smem:$0x3FFD];
	_ =	sdelay $0x3  }
0x9a: {  	_ =	strace s7  }
0x9b: {  	_ =	strace $0x8FFFFFFF  }
0x9c: {  	s19 =	sld [smem:$0x3FDB];
	_ =	sdelay $0x1  }
0x9d: {  	s8 =	simm.s32 $_scs_section_size  }
0x9e: {  	s9 =	simm.s32 $_size__tile_overlayer_lowered;
	s10 =	simm.s32 $_tile_overlayer_lowered  }
0x9f: {  	s22 =	simm.s32 $0x1BFF;
	s21 =	sshll.u32 s10, $0x1;
	s7 =	sadd.s32 s8, s19  }
0xa0: {  	s11 =	simm.s32 $0x0;
	s20 =	sshll.u32 s9, $0x1;
	s9 =	sadd.s32 s21, s7  }
0xa1: {  	[timem:s11], [sflag:s22] =	dma.local [hbm:s9], s20  }
0xa2: {  	_ =	swait.ge [sflag:s22], s20  }
0xa3: {  	s8 =	ssub.s32 $0x0, s20;
	[sflag:s22] =	ssyncset.done $0x0  }
0xa4: {  	[sflag:s22] =	ssyncadd.s32 s8;
	_ =	sdelay $0x1  }
0xa5: {  	s23 =	simm.s32 $0x1B8B  }
0xa6: {  	_ =	swait.ge [sflag:s23], $0x1  }
0xa7: {  	[sflag:s23] =	ssyncset.done $0x0  }
0xa8: {  	s25 =	simm.s32 $0x1B8E;
	s24 =	sld [smem:$0x3FFE];
	[sflag:s23] =	ssyncadd.s32 $0xFFFFFFFF  }
0xa9: {  	s26 =	simm.s32 $execute0_lowered;
	[smem:$0x3FD2] =	sst s25  }
0xaa: {  	s9 =	sshll.u32 s26, $0x1;
	_ =	strace $0x80000046;
	[dreg:$0x1] =	wrdreg $0xFFFFFFFF  }
0xab: {  	s28 =	simm.s32 $_size_execute0_lowered;
	s7 =	sadd.s32 s7, s9;
	[dreg:$0x0] =	wrdreg $0x0  }
0xac: {  	s9 =	sshll.u32 s28, $0x1;
	[dreg:$0x2] =	wrdreg s7  }
0xad: {  	[dreg:$0x3] =	wrdreg s9  }
0xae: {  	[dreg:$0x4] =	wrdreg $0xC0  }
0xaf: {  	_ =	task [dreg:s11], $0x5FFFF  }
0xb0: {  	[dreg:$0x1] =	wrdreg $0xFFFFFFFF  }
0xb1: {  	[dreg:$0x0] =	wrdreg $0x60  }
0xb2: {  	[dreg:$0x2] =	wrdreg s2  }
0xb3: {  	[dreg:$0x3] =	wrdreg s18  }
0xb4: {  	[dreg:$0x4] =	wrdreg s4  }
0xb5: {  	[dreg:$0x5] =	wrdreg s5  }
0xb6: {  	[dreg:$0x6] =	wrdreg s6  }
0xb7: {  	[dreg:$0x7] =	wrdreg s24  }
0xb8: {  	[dreg:$0x8] =	wrdreg $0x9  }
0xb9: {  	_ =	task.clear_ibuf [dreg:s11], $0x9FFFF;
	_ =	strace $0x90000046  }
0xba: {  	s29 =	simm.s32 $0x9;
	_ =	strace $0x80000048  }
0xbb: {  	_ =	swait.ge [sflag:s29], $0x1  }
0xbc: {  	[sflag:s29] =	ssyncadd.s32 $0xFFFFFFFF  }
0xbd: {  	_ =	strace $0x90000048  }
0xbe: {  	_ =	sfence  }
0xbf: {  	s30 =	sld [smem:$0x0];
	_ =	sdelay $0x2  }
0xc0: {  	s31 =	sshll.u32 s1, $0xD;
	s1 =	sshrl.u32 s1, $0x2  }
0xc1: {  	s3 =	sand.u32 $0x4000, s31;
	s1 =	sadd.s32 s1, s30  }
0xc2: {  	s0 =	sor.u32 s3, s0;
	s1 =	sshll.u32 s1, $0x11  }
0xc3: {  	s0 =	sor.u32 s1, s0  }
0xc4: {  	s0 =	sadd.s32 $0x8F2B, s0  }
0xc5: {  	[sflag:s0] =	ssyncadd.remote.s32 $0x1  }
0xc6: {  	_ =	sfence.sel $0xFFFF  }
0xc7: {  	[dreg:$0x0] =	wrdreg $0xFFFFFFFF;
	(pc) =	sbr.abs _section_cstart, $3  }
0xc8: {  	[dreg:$0x1] =	wrdreg $0xFFFFFFFF  }
0xc9: {  	_ =	task.clear_ibuf [dreg:s11], $0x2FFFF;
	_ =	strace $0x9FFFFFFF  }
0xca: {  	(tm) =	ssettm $0x7FFFFFFF  }
0xcb: {  	_ =	shalt  }
tec
execute0_lowered:
.L_overlay_start_1:
0x0: {  	(tag) =	ssettag $0x1  }
0x1: {  	vm14 =	vcmask $0x300;
	v0 =	vimm.s32 $0x1380;
	v3 =	vimm.s32 $0x3380  }
0x2: {  	vm13 =	vcmask $0x704;
	vm12 =	vcmask $0xB08;
	v0 =	vsel vm14, $0x0, v0  }
0x3: {  	vm11 =	vcmask $0xF0C;
	v3 =	vsel vm14, $0x2000, v3;
	v0 =	vsel vm13, $0x80, v0  }
0x4: {  	vm10 =	vcmask $0x1310;
	v3 =	vsel vm13, $0x2080, v3;
	v0 =	vsel vm12, $0x100, v0  }
0x5: {  	vm9 =	vcmask $0x1714;
	v3 =	vsel vm12, $0x2100, v3;
	v0 =	vsel vm11, $0x180, v0  }
0x6: {  	vm8 =	vcmask $0x1B18;
	v3 =	vsel vm11, $0x2180, v3;
	v0 =	vsel vm10, $0x200, v0  }
0x7: {  	vm7 =	vcmask $0x1F1C;
	v3 =	vsel vm10, $0x2200, v3;
	v0 =	vsel vm9, $0x280, v0  }
0x8: {  	vm6 =	vcmask $0x2320;
	v3 =	vsel vm9, $0x2280, v3;
	v0 =	vsel vm8, $0x300, v0  }
0x9: {  	vm5 =	vcmask $0x2724;
	v3 =	vsel vm8, $0x2300, v3;
	v0 =	vsel vm7, $0x380, v0  }
0xa: {  	vm4 =	vcmask $0x2B28;
	v3 =	vsel vm7, $0x2380, v3;
	v0 =	vsel vm6, $0x1000, v0  }
0xb: {  	vm3 =	vcmask $0x2F2C;
	v3 =	vsel vm6, $0x3000, v3;
	v0 =	vsel vm5, $0x1080, v0  }
0xc: {  	vm2 =	vcmask $0x3330;
	v3 =	vsel vm5, $0x3080, v3;
	v0 =	vsel vm4, $0x1100, v0  }
0xd: {  	vm1 =	vcmask $0x3734;
	v3 =	vsel vm4, $0x3100, v3;
	v0 =	vsel vm3, $0x1180, v0  }
0xe: {  	vm0 =	vcmask $0x3B38;
	v3 =	vsel vm3, $0x3180, v3;
	v0 =	vsel vm2, $0x1200, v0  }
0xf: {  	v19 =	vimm.s32 $0x2080;
	v3 =	vsel vm2, $0x3200, v3;
	v0 =	vsel vm1, $0x1280, v0  }
0x10: {  	v4 =	vsel vm1, $0x3280, v3;
	v3 =	vsel vm0, $0x1300, v0;
	v0 =	vimm.s32 $0x2000  }
0x11: {  	v20 =	vimm.s32 $0x2100;
	v19 =	vsel vm14, $0x100, v19;
	v0 =	vsel vm14, $0x80, v0  }
0x12: {  	v20 =	vsel vm14, $0x180, v20;
	v19 =	vsel vm13, $0x180, v19;
	v0 =	vsel vm13, $0x100, v0  }
0x13: {  	v20 =	vsel vm13, $0x200, v20;
	v19 =	vsel vm12, $0x200, v19;
	v0 =	vsel vm12, $0x180, v0  }
0x14: {  	v20 =	vsel vm12, $0x280, v20;
	v19 =	vsel vm11, $0x280, v19;
	v0 =	vsel vm11, $0x200, v0  }
0x15: {  	v20 =	vsel vm11, $0x300, v20;
	v19 =	vsel vm10, $0x300, v19;
	v0 =	vsel vm10, $0x280, v0  }
0x16: {  	v20 =	vsel vm10, $0x380, v20;
	v19 =	vsel vm9, $0x380, v19;
	v0 =	vsel vm9, $0x300, v0  }
0x17: {  	v20 =	vsel vm9, $0x1000, v20;
	v19 =	vsel vm8, $0x1000, v19;
	v0 =	vsel vm8, $0x380, v0  }
0x18: {  	v20 =	vsel vm8, $0x1080, v20;
	v19 =	vsel vm7, $0x1080, v19;
	v0 =	vsel vm7, $0x1000, v0  }
0x19: {  	v20 =	vsel vm7, $0x1100, v20;
	v19 =	vsel vm6, $0x1100, v19;
	v0 =	vsel vm6, $0x1080, v0  }
0x1a: {  	v20 =	vsel vm6, $0x1180, v20;
	v19 =	vsel vm5, $0x1180, v19;
	v0 =	vsel vm5, $0x1100, v0  }
0x1b: {  	v20 =	vsel vm5, $0x1200, v20;
	v19 =	vsel vm4, $0x1200, v19;
	v0 =	vsel vm4, $0x1180, v0  }
0x1c: {  	v20 =	vsel vm4, $0x1280, v20;
	v19 =	vsel vm3, $0x1280, v19;
	v0 =	vsel vm3, $0x1200, v0  }
0x1d: {  	v20 =	vsel vm3, $0x1300, v20;
	v19 =	vsel vm2, $0x1300, v19;
	v0 =	vsel vm2, $0x1280, v0  }
0x1e: {  	v20 =	vsel vm2, $0x1380, v20;
	v19 =	vsel vm1, $0x1380, v19;
	v0 =	vsel vm1, $0x1300, v0  }
0x1f: {  	v57 =	vsel vm0, $0x2000, v19;
	v55 =	vsel vm0, $0x1380, v0;
	v0 =	vsel vm1, $0x2000, v20  }
0x20: {  	v19 =	vimm.s32 $0x2200;
	v59 =	vsel vm0, $0x2080, v0;
	v0 =	vimm.s32 $0x2180  }
0x21: {  	v19 =	vsel vm14, $0x280, v19;
	v0 =	vsel vm14, $0x200, v0  }
0x22: {  	v19 =	vsel vm13, $0x300, v19;
	v20 =	vimm.s32 $0x2280;
	v0 =	vsel vm13, $0x280, v0  }
0x23: {  	v19 =	vsel vm12, $0x380, v19;
	v20 =	vsel vm14, $0x300, v20;
	v0 =	vsel vm12, $0x300, v0  }
0x24: {  	v19 =	vsel vm11, $0x1000, v19;
	v20 =	vsel vm13, $0x380, v20;
	v0 =	vsel vm11, $0x380, v0  }
0x25: {  	v19 =	vsel vm10, $0x1080, v19;
	v20 =	vsel vm12, $0x1000, v20;
	v0 =	vsel vm10, $0x1000, v0  }
0x26: {  	v19 =	vsel vm9, $0x1100, v19;
	v20 =	vsel vm11, $0x1080, v20;
	v0 =	vsel vm9, $0x1080, v0  }
0x27: {  	v19 =	vsel vm8, $0x1180, v19;
	v20 =	vsel vm10, $0x1100, v20;
	v0 =	vsel vm8, $0x1100, v0  }
0x28: {  	v19 =	vsel vm7, $0x1200, v19;
	v20 =	vsel vm9, $0x1180, v20;
	v0 =	vsel vm7, $0x1180, v0  }
0x29: {  	v19 =	vsel vm6, $0x1280, v19;
	v20 =	vsel vm8, $0x1200, v20;
	v0 =	vsel vm6, $0x1200, v0  }
0x2a: {  	v19 =	vsel vm5, $0x1300, v19;
	v20 =	vsel vm7, $0x1280, v20;
	v0 =	vsel vm5, $0x1280, v0  }
0x2b: {  	v19 =	vsel vm4, $0x1380, v19;
	v20 =	vsel vm6, $0x1300, v20;
	v0 =	vsel vm4, $0x1300, v0  }
0x2c: {  	v19 =	vsel vm3, $0x2000, v19;
	v20 =	vsel vm5, $0x1380, v20;
	v0 =	vsel vm3, $0x1380, v0  }
0x2d: {  	v19 =	vsel vm2, $0x2080, v19;
	v20 =	vsel vm4, $0x2000, v20;
	v0 =	vsel vm2, $0x2000, v0  }
0x2e: {  	v19 =	vsel vm1, $0x2100, v19;
	v20 =	vsel vm3, $0x2080, v20;
	v0 =	vsel vm1, $0x2080, v0  }
0x2f: {  	v20 =	vsel vm2, $0x2100, v20;
	v61 =	vsel vm0, $0x2100, v0;
	v0 =	vsel vm0, $0x2180, v19  }
0x30: {  	[tilespmem:$0x1FD10] =	vst v0;
	v0 =	vsel vm1, $0x2180, v20  }
0x31: {  	v0 =	vsel vm0, $0x2200, v0  }
0x32: {  	[tilespmem:$0x1FD20] =	vst v0;
	v0 =	vimm.s32 $0x2300  }
0x33: {  	v19 =	vimm.s32 $0x2380;
	v0 =	vsel vm14, $0x380, v0  }
0x34: {  	v19 =	vsel vm14, $0x1000, v19;
	v0 =	vsel vm13, $0x1000, v0  }
0x35: {  	v20 =	vimm.s32 $0x3000;
	v19 =	vsel vm13, $0x1080, v19;
	v0 =	vsel vm12, $0x1080, v0  }
0x36: {  	v20 =	vsel vm14, $0x1080, v20;
	v19 =	vsel vm12, $0x1100, v19;
	v0 =	vsel vm11, $0x1100, v0  }
0x37: {  	v20 =	vsel vm13, $0x1100, v20;
	v19 =	vsel vm11, $0x1180, v19;
	v0 =	vsel vm10, $0x1180, v0  }
0x38: {  	v20 =	vsel vm12, $0x1180, v20;
	v19 =	vsel vm10, $0x1200, v19;
	v0 =	vsel vm9, $0x1200, v0  }
0x39: {  	v20 =	vsel vm11, $0x1200, v20;
	v19 =	vsel vm9, $0x1280, v19;
	v0 =	vsel vm8, $0x1280, v0  }
0x3a: {  	v20 =	vsel vm10, $0x1280, v20;
	v19 =	vsel vm8, $0x1300, v19;
	v0 =	vsel vm7, $0x1300, v0  }
0x3b: {  	v20 =	vsel vm9, $0x1300, v20;
	v19 =	vsel vm7, $0x1380, v19;
	v0 =	vsel vm6, $0x1380, v0  }
0x3c: {  	v20 =	vsel vm8, $0x1380, v20;
	v19 =	vsel vm6, $0x2000, v19;
	v0 =	vsel vm5, $0x2000, v0  }
0x3d: {  	v20 =	vsel vm7, $0x2000, v20;
	v19 =	vsel vm5, $0x2080, v19;
	v0 =	vsel vm4, $0x2080, v0  }
0x3e: {  	v20 =	vsel vm6, $0x2080, v20;
	v19 =	vsel vm4, $0x2100, v19;
	v0 =	vsel vm3, $0x2100, v0  }
0x3f: {  	v20 =	vsel vm5, $0x2100, v20;
	v19 =	vsel vm3, $0x2180, v19;
	v0 =	vsel vm2, $0x2180, v0  }
0x40: {  	v20 =	vsel vm4, $0x2180, v20;
	v19 =	vsel vm2, $0x2200, v19;
	v0 =	vsel vm1, $0x2200, v0  }
0x41: {  	v20 =	vsel vm3, $0x2200, v20;
	v19 =	vsel vm1, $0x2280, v19;
	v0 =	vsel vm0, $0x2280, v0  }
0x42: {  	v20 =	vsel vm2, $0x2280, v20;
	[tilespmem:$0x1FD30] =	vst v0;
	v0 =	vsel vm0, $0x2300, v19  }
0x43: {  	[tilespmem:$0x1FD40] =	vst v0;
	v0 =	vsel vm1, $0x2300, v20  }
0x44: {  	v0 =	vsel vm0, $0x2380, v0  }
0x45: {  	[tilespmem:$0x1FD50] =	vst v0;
	v0 =	vimm.s32 $0x3080  }
0x46: {  	v19 =	vimm.s32 $0x3100;
	v0 =	vsel vm14, $0x1100, v0  }
0x47: {  	v19 =	vsel vm14, $0x1180, v19;
	v0 =	vsel vm13, $0x1180, v0  }
0x48: {  	v20 =	vimm.s32 $0x3180;
	v19 =	vsel vm13, $0x1200, v19;
	v0 =	vsel vm12, $0x1200, v0  }
0x49: {  	v20 =	vsel vm14, $0x1200, v20;
	v19 =	vsel vm12, $0x1280, v19;
	v0 =	vsel vm11, $0x1280, v0  }
0x4a: {  	v20 =	vsel vm13, $0x1280, v20;
	v19 =	vsel vm11, $0x1300, v19;
	v0 =	vsel vm10, $0x1300, v0  }
0x4b: {  	v20 =	vsel vm12, $0x1300, v20;
	v19 =	vsel vm10, $0x1380, v19;
	v0 =	vsel vm9, $0x1380, v0  }
0x4c: {  	v20 =	vsel vm11, $0x1380, v20;
	v19 =	vsel vm9, $0x2000, v19;
	v0 =	vsel vm8, $0x2000, v0  }
0x4d: {  	v20 =	vsel vm10, $0x2000, v20;
	v19 =	vsel vm8, $0x2080, v19;
	v0 =	vsel vm7, $0x2080, v0  }
0x4e: {  	v20 =	vsel vm9, $0x2080, v20;
	v19 =	vsel vm7, $0x2100, v19;
	v0 =	vsel vm6, $0x2100, v0  }
0x4f: {  	v20 =	vsel vm8, $0x2100, v20;
	v19 =	vsel vm6, $0x2180, v19;
	v0 =	vsel vm5, $0x2180, v0  }
0x50: {  	v20 =	vsel vm7, $0x2180, v20;
	v19 =	vsel vm5, $0x2200, v19;
	v0 =	vsel vm4, $0x2200, v0  }
0x51: {  	v20 =	vsel vm6, $0x2200, v20;
	v19 =	vsel vm4, $0x2280, v19;
	v0 =	vsel vm3, $0x2280, v0  }
0x52: {  	v20 =	vsel vm5, $0x2280, v20;
	v19 =	vsel vm3, $0x2300, v19;
	v0 =	vsel vm2, $0x2300, v0  }
0x53: {  	v20 =	vsel vm4, $0x2300, v20;
	v19 =	vsel vm2, $0x2380, v19;
	v0 =	vsel vm1, $0x2380, v0  }
0x54: {  	v20 =	vsel vm3, $0x2380, v20;
	v19 =	vsel vm1, $0x3000, v19;
	v0 =	vsel vm0, $0x3000, v0  }
0x55: {  	v20 =	vsel vm2, $0x3000, v20;
	[tilespmem:$0x1FD60] =	vst v0;
	v0 =	vsel vm0, $0x3080, v19  }
0x56: {  	[tilespmem:$0x1FD70] =	vst v0;
	v0 =	vsel vm1, $0x3080, v20  }
0x57: {  	v0 =	vsel vm0, $0x3100, v0  }
0x58: {  	[tilespmem:$0x1FD80] =	vst v0;
	v0 =	vimm.s32 $0x3200  }
0x59: {  	v19 =	vimm.s32 $0x3280;
	v0 =	vsel vm14, $0x1280, v0  }
0x5a: {  	v19 =	vsel vm14, $0x1300, v19;
	v0 =	vsel vm13, $0x1300, v0  }
0x5b: {  	v20 =	vimm.s32 $0x3300;
	v19 =	vsel vm13, $0x1380, v19;
	v0 =	vsel vm12, $0x1380, v0  }
0x5c: {  	v20 =	vsel vm14, $0x1380, v20;
	v19 =	vsel vm12, $0x2000, v19;
	v0 =	vsel vm11, $0x2000, v0  }
0x5d: {  	v20 =	vsel vm13, $0x2000, v20;
	v19 =	vsel vm11, $0x2080, v19;
	v0 =	vsel vm10, $0x2080, v0  }
0x5e: {  	v20 =	vsel vm12, $0x2080, v20;
	v19 =	vsel vm10, $0x2100, v19;
	v0 =	vsel vm9, $0x2100, v0  }
0x5f: {  	v20 =	vsel vm11, $0x2100, v20;
	v19 =	vsel vm9, $0x2180, v19;
	v0 =	vsel vm8, $0x2180, v0  }
0x60: {  	v20 =	vsel vm10, $0x2180, v20;
	v19 =	vsel vm8, $0x2200, v19;
	v0 =	vsel vm7, $0x2200, v0  }
0x61: {  	v20 =	vsel vm9, $0x2200, v20;
	v19 =	vsel vm7, $0x2280, v19;
	v0 =	vsel vm6, $0x2280, v0  }
0x62: {  	v20 =	vsel vm8, $0x2280, v20;
	v19 =	vsel vm6, $0x2300, v19;
	v0 =	vsel vm5, $0x2300, v0  }
0x63: {  	v20 =	vsel vm7, $0x2300, v20;
	v19 =	vsel vm5, $0x2380, v19;
	v0 =	vsel vm4, $0x2380, v0  }
0x64: {  	v20 =	vsel vm6, $0x2380, v20;
	v19 =	vsel vm4, $0x3000, v19;
	v0 =	vsel vm3, $0x3000, v0  }
0x65: {  	v20 =	vsel vm5, $0x3000, v20;
	v19 =	vsel vm3, $0x3080, v19;
	v0 =	vsel vm2, $0x3080, v0  }
0x66: {  	v20 =	vsel vm4, $0x3080, v20;
	v19 =	vsel vm2, $0x3100, v19;
	v0 =	vsel vm1, $0x3100, v0  }
0x67: {  	v20 =	vsel vm3, $0x3100, v20;
	v19 =	vsel vm1, $0x3180, v19;
	v0 =	vsel vm0, $0x3180, v0  }
0x68: {  	v20 =	vsel vm2, $0x3180, v20;
	[tilespmem:$0x1FD90] =	vst v0;
	v0 =	vsel vm0, $0x3200, v19  }
0x69: {  	[tilespmem:$0x1FDA0] =	vst v0;
	v0 =	vsel vm1, $0x3200, v20  }
0x6a: {  	v0 =	vsel vm0, $0x3280, v0  }
0x6b: {  	[tilespmem:$0x1FDB0] =	vst v0;
	v0 =	vimm.s32 $0x0  }
0x6c: {  	v20 =	vimm.s32 $0x80;
	v0 =	vsel vm14, $0x2080, v0  }
0x6d: {  	v20 =	vsel vm14, $0x2100, v20;
	v0 =	vsel vm13, $0x2100, v0  }
0x6e: {  	v19 =	vimm.s32 $0x3C00;
	v20 =	vsel vm13, $0x2180, v20;
	v0 =	vsel vm12, $0x2180, v0  }
0x6f: {  	v19 =	vsel vm14, $0x11, v19;
	v20 =	vsel vm12, $0x2200, v20;
	v0 =	vsel vm11, $0x2200, v0  }
0x70: {  	v19 =	vsel vm13, $0x412, v19;
	v20 =	vsel vm11, $0x2280, v20;
	v0 =	vsel vm10, $0x2280, v0  }
0x71: {  	v19 =	vsel vm12, $0x813, v19;
	v20 =	vsel vm10, $0x2300, v20;
	v0 =	vsel vm9, $0x2300, v0  }
0x72: {  	v19 =	vsel vm11, $0xC14, v19;
	v20 =	vsel vm9, $0x2380, v20;
	v0 =	vsel vm8, $0x2380, v0  }
0x73: {  	v19 =	vsel vm10, $0x1015, v19;
	v20 =	vsel vm8, $0x3000, v20;
	v0 =	vsel vm7, $0x3000, v0  }
0x74: {  	v19 =	vsel vm9, $0x1416, v19;
	v20 =	vsel vm7, $0x3080, v20;
	v0 =	vsel vm6, $0x3080, v0  }
0x75: {  	v19 =	vsel vm8, $0x1817, v19;
	v20 =	vsel vm6, $0x3100, v20;
	v0 =	vsel vm5, $0x3100, v0  }
0x76: {  	v19 =	vsel vm7, $0x1C18, v19;
	v20 =	vsel vm5, $0x3180, v20;
	v0 =	vsel vm4, $0x3180, v0  }
0x77: {  	v19 =	vsel vm6, $0x2019, v19;
	v20 =	vsel vm4, $0x3200, v20;
	v0 =	vsel vm3, $0x3200, v0  }
0x78: {  	v19 =	vsel vm5, $0x241A, v19;
	v20 =	vsel vm3, $0x3280, v20;
	v0 =	vsel vm2, $0x3280, v0  }
0x79: {  	v19 =	vsel vm4, $0x281B, v19;
	v20 =	vsel vm2, $0x3300, v20;
	v0 =	vsel vm1, $0x3300, v0  }
0x7a: {  	v19 =	vsel vm3, $0x2C1C, v19;
	v62 =	vsel vm0, $0x3380, v0;
	v0 =	vsel vm1, $0x3380, v20  }
0x7b: {  	v19 =	vsel vm2, $0x301D, v19;
	v0 =	vsel vm0, $0x0, v0  }
0x7c: {  	v19 =	vsel vm1, $0x341E, v19;
	[tilespmem:$0x1FDC0] =	vst v0;
	v0 =	vimm.s32 $0x3C01  }
0x7d: {  	v63 =	vsel vm0, $0x381F, v19;
	v19 =	vimm.s32 $0x100;
	v0 =	vsel vm14, $0x12, v0  }
0x7e: {  	v19 =	vsel vm14, $0x2180, v19;
	v0 =	vsel vm13, $0x413, v0  }
0x7f: {  	v19 =	vsel vm13, $0x2200, v19;
	v20 =	vimm.s32 $0x3C02;
	v0 =	vsel vm12, $0x814, v0  }
0x80: {  	v19 =	vsel vm12, $0x2280, v19;
	v20 =	vsel vm14, $0x13, v20;
	v0 =	vsel vm11, $0xC15, v0  }
0x81: {  	v19 =	vsel vm11, $0x2300, v19;
	v20 =	vsel vm13, $0x414, v20;
	v0 =	vsel vm10, $0x1016, v0  }
0x82: {  	v19 =	vsel vm10, $0x2380, v19;
	v20 =	vsel vm12, $0x815, v20;
	v0 =	vsel vm9, $0x1417, v0  }
0x83: {  	v19 =	vsel vm9, $0x3000, v19;
	v20 =	vsel vm11, $0xC16, v20;
	v0 =	vsel vm8, $0x1818, v0  }
0x84: {  	v19 =	vsel vm8, $0x3080, v19;
	v20 =	vsel vm10, $0x1017, v20;
	v0 =	vsel vm7, $0x1C19, v0  }
0x85: {  	v19 =	vsel vm7, $0x3100, v19;
	v20 =	vsel vm9, $0x1418, v20;
	v0 =	vsel vm6, $0x201A, v0  }
0x86: {  	v19 =	vsel vm6, $0x3180, v19;
	v20 =	vsel vm8, $0x1819, v20;
	v0 =	vsel vm5, $0x241B, v0  }
0x87: {  	v19 =	vsel vm5, $0x3200, v19;
	v20 =	vsel vm7, $0x1C1A, v20;
	v0 =	vsel vm4, $0x281C, v0  }
0x88: {  	v19 =	vsel vm4, $0x3280, v19;
	v20 =	vsel vm6, $0x201B, v20;
	v0 =	vsel vm3, $0x2C1D, v0  }
0x89: {  	v19 =	vsel vm3, $0x3300, v19;
	v20 =	vsel vm5, $0x241C, v20;
	v0 =	vsel vm2, $0x301E, v0  }
0x8a: {  	v19 =	vsel vm2, $0x3380, v19;
	v20 =	vsel vm4, $0x281D, v20;
	v0 =	vsel vm1, $0x341F, v0  }
0x8b: {  	v19 =	vsel vm1, $0x0, v19;
	v20 =	vsel vm3, $0x2C1E, v20;
	v0 =	vsel vm0, $0x3800, v0  }
0x8c: {  	v20 =	vsel vm2, $0x301F, v20;
	[tilespmem:$0x1FDD0] =	vst v0;
	v0 =	vsel vm0, $0x80, v19  }
0x8d: {  	[tilespmem:$0x1FDE0] =	vst v0;
	v0 =	vsel vm1, $0x3400, v20  }
0x8e: {  	v0 =	vsel vm0, $0x3801, v0  }
0x8f: {  	[tilespmem:$0x1FDF0] =	vst v0;
	v0 =	vimm.s32 $0x180  }
0x90: {  	v19 =	vimm.s32 $0x3C03;
	v0 =	vsel vm14, $0x2200, v0  }
0x91: {  	v19 =	vsel vm14, $0x14, v19;
	v0 =	vsel vm13, $0x2280, v0  }
0x92: {  	v20 =	vimm.s32 $0x200;
	v19 =	vsel vm13, $0x415, v19;
	v0 =	vsel vm12, $0x2300, v0  }
0x93: {  	v20 =	vsel vm14, $0x2280, v20;
	v19 =	vsel vm12, $0x816, v19;
	v0 =	vsel vm11, $0x2380, v0  }
0x94: {  	v20 =	vsel vm13, $0x2300, v20;
	v19 =	vsel vm11, $0xC17, v19;
	v0 =	vsel vm10, $0x3000, v0  }
0x95: {  	v20 =	vsel vm12, $0x2380, v20;
	v19 =	vsel vm10, $0x1018, v19;
	v0 =	vsel vm9, $0x3080, v0  }
0x96: {  	v20 =	vsel vm11, $0x3000, v20;
	v19 =	vsel vm9, $0x1419, v19;
	v0 =	vsel vm8, $0x3100, v0  }
0x97: {  	v20 =	vsel vm10, $0x3080, v20;
	v19 =	vsel vm8, $0x181A, v19;
	v0 =	vsel vm7, $0x3180, v0  }
0x98: {  	v20 =	vsel vm9, $0x3100, v20;
	v19 =	vsel vm7, $0x1C1B, v19;
	v0 =	vsel vm6, $0x3200, v0  }
0x99: {  	v20 =	vsel vm8, $0x3180, v20;
	v19 =	vsel vm6, $0x201C, v19;
	v0 =	vsel vm5, $0x3280, v0  }
0x9a: {  	v20 =	vsel vm7, $0x3200, v20;
	v19 =	vsel vm5, $0x241D, v19;
	v0 =	vsel vm4, $0x3300, v0  }
0x9b: {  	v20 =	vsel vm6, $0x3280, v20;
	v19 =	vsel vm4, $0x281E, v19;
	v0 =	vsel vm3, $0x3380, v0  }
0x9c: {  	v20 =	vsel vm5, $0x3300, v20;
	v19 =	vsel vm3, $0x2C1F, v19;
	v0 =	vsel vm2, $0x0, v0  }
0x9d: {  	v20 =	vsel vm4, $0x3380, v20;
	v19 =	vsel vm2, $0x3000, v19;
	v0 =	vsel vm1, $0x80, v0  }
0x9e: {  	v20 =	vsel vm3, $0x0, v20;
	v19 =	vsel vm1, $0x3401, v19;
	v0 =	vsel vm0, $0x100, v0  }
0x9f: {  	v20 =	vsel vm2, $0x80, v20;
	[tilespmem:$0x1FE00] =	vst v0;
	v0 =	vsel vm0, $0x3802, v19  }
0xa0: {  	[tilespmem:$0x1FE10] =	vst v0;
	v0 =	vsel vm1, $0x100, v20  }
0xa1: {  	v0 =	vsel vm0, $0x180, v0  }
0xa2: {  	[tilespmem:$0x1FE20] =	vst v0;
	v0 =	vimm.s32 $0x3C04  }
0xa3: {  	v19 =	vimm.s32 $0x280;
	v0 =	vsel vm14, $0x15, v0  }
0xa4: {  	v19 =	vsel vm14, $0x2300, v19;
	v0 =	vsel vm13, $0x416, v0  }
0xa5: {  	v20 =	vimm.s32 $0x3C05;
	v19 =	vsel vm13, $0x2380, v19;
	v0 =	vsel vm12, $0x817, v0  }
0xa6: {  	v20 =	vsel vm14, $0x16, v20;
	v19 =	vsel vm12, $0x3000, v19;
	v0 =	vsel vm11, $0xC18, v0  }
0xa7: {  	v20 =	vsel vm13, $0x417, v20;
	v19 =	vsel vm11, $0x3080, v19;
	v0 =	vsel vm10, $0x1019, v0  }
0xa8: {  	v20 =	vsel vm12, $0x818, v20;
	v19 =	vsel vm10, $0x3100, v19;
	v0 =	vsel vm9, $0x141A, v0  }
0xa9: {  	v20 =	vsel vm11, $0xC19, v20;
	v19 =	vsel vm9, $0x3180, v19;
	v0 =	vsel vm8, $0x181B, v0  }
0xaa: {  	v20 =	vsel vm10, $0x101A, v20;
	v19 =	vsel vm8, $0x3200, v19;
	v0 =	vsel vm7, $0x1C1C, v0  }
0xab: {  	v20 =	vsel vm9, $0x141B, v20;
	v19 =	vsel vm7, $0x3280, v19;
	v0 =	vsel vm6, $0x201D, v0  }
0xac: {  	v20 =	vsel vm8, $0x181C, v20;
	v19 =	vsel vm6, $0x3300, v19;
	v0 =	vsel vm5, $0x241E, v0  }
0xad: {  	v20 =	vsel vm7, $0x1C1D, v20;
	v19 =	vsel vm5, $0x3380, v19;
	v0 =	vsel vm4, $0x281F, v0  }
0xae: {  	v20 =	vsel vm6, $0x201E, v20;
	v19 =	vsel vm4, $0x0, v19;
	v0 =	vsel vm3, $0x2C00, v0  }
0xaf: {  	v20 =	vsel vm5, $0x241F, v20;
	v19 =	vsel vm3, $0x80, v19;
	v0 =	vsel vm2, $0x3001, v0  }
0xb0: {  	v20 =	vsel vm4, $0x2800, v20;
	v19 =	vsel vm2, $0x100, v19;
	v0 =	vsel vm1, $0x3402, v0  }
0xb1: {  	v20 =	vsel vm3, $0x2C01, v20;
	v19 =	vsel vm1, $0x180, v19;
	v0 =	vsel vm0, $0x3803, v0  }
0xb2: {  	v20 =	vsel vm2, $0x3002, v20;
	[tilespmem:$0x1FE30] =	vst v0;
	v0 =	vsel vm0, $0x200, v19  }
0xb3: {  	[tilespmem:$0x1FE40] =	vst v0;
	v0 =	vsel vm1, $0x3403, v20  }
0xb4: {  	v0 =	vsel vm0, $0x3804, v0  }
0xb5: {  	[tilespmem:$0x1FE50] =	vst v0;
	v0 =	vimm.s32 $0x300  }
0xb6: {  	v19 =	vimm.s32 $0x3C06;
	v0 =	vsel vm14, $0x2380, v0  }
0xb7: {  	v19 =	vsel vm14, $0x17, v19;
	v0 =	vsel vm13, $0x3000, v0  }
0xb8: {  	v20 =	vimm.s32 $0x380;
	v19 =	vsel vm13, $0x418, v19;
	v0 =	vsel vm12, $0x3080, v0  }
0xb9: {  	v20 =	vsel vm14, $0x3000, v20;
	v19 =	vsel vm12, $0x819, v19;
	v0 =	vsel vm11, $0x3100, v0  }
0xba: {  	v20 =	vsel vm13, $0x3080, v20;
	v19 =	vsel vm11, $0xC1A, v19;
	v0 =	vsel vm10, $0x3180, v0  }
0xbb: {  	v20 =	vsel vm12, $0x3100, v20;
	v19 =	vsel vm10, $0x101B, v19;
	v0 =	vsel vm9, $0x3200, v0  }
0xbc: {  	v20 =	vsel vm11, $0x3180, v20;
	v19 =	vsel vm9, $0x141C, v19;
	v0 =	vsel vm8, $0x3280, v0  }
0xbd: {  	v20 =	vsel vm10, $0x3200, v20;
	v19 =	vsel vm8, $0x181D, v19;
	v0 =	vsel vm7, $0x3300, v0  }
0xbe: {  	v20 =	vsel vm9, $0x3280, v20;
	v19 =	vsel vm7, $0x1C1E, v19;
	v0 =	vsel vm6, $0x3380, v0  }
0xbf: {  	v20 =	vsel vm8, $0x3300, v20;
	v19 =	vsel vm6, $0x201F, v19;
	v0 =	vsel vm5, $0x0, v0  }
0xc0: {  	v20 =	vsel vm7, $0x3380, v20;
	v19 =	vsel vm5, $0x2400, v19;
	v0 =	vsel vm4, $0x80, v0  }
0xc1: {  	v20 =	vsel vm6, $0x0, v20;
	v19 =	vsel vm4, $0x2801, v19;
	v0 =	vsel vm3, $0x100, v0  }
0xc2: {  	v20 =	vsel vm5, $0x80, v20;
	v19 =	vsel vm3, $0x2C02, v19;
	v0 =	vsel vm2, $0x180, v0  }
0xc3: {  	v20 =	vsel vm4, $0x100, v20;
	v19 =	vsel vm2, $0x3003, v19;
	v0 =	vsel vm1, $0x200, v0  }
0xc4: {  	v20 =	vsel vm3, $0x180, v20;
	v19 =	vsel vm1, $0x3404, v19;
	v0 =	vsel vm0, $0x280, v0  }
0xc5: {  	v20 =	vsel vm2, $0x200, v20;
	[tilespmem:$0x1FE60] =	vst v0;
	v0 =	vsel vm0, $0x3805, v19  }
0xc6: {  	[tilespmem:$0x1FE70] =	vst v0;
	v0 =	vsel vm1, $0x280, v20  }
0xc7: {  	v0 =	vsel vm0, $0x300, v0  }
0xc8: {  	[tilespmem:$0x1FE80] =	vst v0;
	v0 =	vimm.s32 $0x3C07  }
0xc9: {  	v19 =	vimm.s32 $0x1000;
	v0 =	vsel vm14, $0x18, v0  }
0xca: {  	v19 =	vsel vm14, $0x3080, v19;
	v0 =	vsel vm13, $0x419, v0  }
0xcb: {  	v20 =	vimm.s32 $0x3C08;
	v19 =	vsel vm13, $0x3100, v19;
	v0 =	vsel vm12, $0x81A, v0  }
0xcc: {  	v20 =	vsel vm14, $0x19, v20;
	v19 =	vsel vm12, $0x3180, v19;
	v0 =	vsel vm11, $0xC1B, v0  }
0xcd: {  	v20 =	vsel vm13, $0x41A, v20;
	v19 =	vsel vm11, $0x3200, v19;
	v0 =	vsel vm10, $0x101C, v0  }
0xce: {  	v20 =	vsel vm12, $0x81B, v20;
	v19 =	vsel vm10, $0x3280, v19;
	v0 =	vsel vm9, $0x141D, v0  }
0xcf: {  	v20 =	vsel vm11, $0xC1C, v20;
	v19 =	vsel vm9, $0x3300, v19;
	v0 =	vsel vm8, $0x181E, v0  }
0xd0: {  	v20 =	vsel vm10, $0x101D, v20;
	v19 =	vsel vm8, $0x3380, v19;
	v0 =	vsel vm7, $0x1C1F, v0  }
0xd1: {  	v20 =	vsel vm9, $0x141E, v20;
	v19 =	vsel vm7, $0x0, v19;
	v0 =	vsel vm6, $0x2000, v0  }
0xd2: {  	v20 =	vsel vm8, $0x181F, v20;
	v19 =	vsel vm6, $0x80, v19;
	v0 =	vsel vm5, $0x2401, v0  }
0xd3: {  	v20 =	vsel vm7, $0x1C00, v20;
	v19 =	vsel vm5, $0x100, v19;
	v0 =	vsel vm4, $0x2802, v0  }
0xd4: {  	v20 =	vsel vm6, $0x2001, v20;
	v19 =	vsel vm4, $0x180, v19;
	v0 =	vsel vm3, $0x2C03, v0  }
0xd5: {  	v20 =	vsel vm5, $0x2402, v20;
	v19 =	vsel vm3, $0x200, v19;
	v0 =	vsel vm2, $0x3004, v0  }
0xd6: {  	v20 =	vsel vm4, $0x2803, v20;
	v19 =	vsel vm2, $0x280, v19;
	v0 =	vsel vm1, $0x3405, v0  }
0xd7: {  	v20 =	vsel vm3, $0x2C04, v20;
	v19 =	vsel vm1, $0x300, v19;
	v0 =	vsel vm0, $0x3806, v0  }
0xd8: {  	v2 =	vlaneseq.u32;
	v20 =	vsel vm2, $0x3005, v20;
	[tilespmem:$0x1FE90] =	vst v0;
	v0 =	vsel vm0, $0x380, v19  }
0xd9: {  	v5 =	vmul.u32 $0x80, v2;
	[tilespmem:$0x1FEA0] =	vst v0;
	v0 =	vsel vm1, $0x3406, v20  }
0xda: {  	v0 =	vsel vm0, $0x3807, v0  }
0xdb: {  	v37 =	vmul.u32 $0x401, v2;
	v6 =	vor.u32 $0x800, v5;
	[tilespmem:$0x1FEB0] =	vst v0;
	v0 =	vimm.s32 $0x1080  }
0xdc: {  	v7 =	vor.u32 $0x1000, v5;
	v19 =	vimm.s32 $0x3C09;
	v0 =	vsel vm14, $0x3100, v0  }
0xdd: {  	v8 =	vor.u32 $0x1800, v5;
	v19 =	vsel vm14, $0x1A, v19;
	v0 =	vsel vm13, $0x3180, v0  }
0xde: {  	v20 =	vimm.s32 $0x1100;
	v19 =	vsel vm13, $0x41B, v19;
	v0 =	vsel vm12, $0x3200, v0  }
0xdf: {  	v20 =	vsel vm14, $0x3180, v20;
	v19 =	vsel vm12, $0x81C, v19;
	v0 =	vsel vm11, $0x3280, v0  }
0xe0: {  	v20 =	vsel vm13, $0x3200, v20;
	v19 =	vsel vm11, $0xC1D, v19;
	v0 =	vsel vm10, $0x3300, v0  }
0xe1: {  	v20 =	vsel vm12, $0x3280, v20;
	v19 =	vsel vm10, $0x101E, v19;
	v0 =	vsel vm9, $0x3380, v0  }
0xe2: {  	v20 =	vsel vm11, $0x3300, v20;
	v19 =	vsel vm9, $0x141F, v19;
	v0 =	vsel vm8, $0x0, v0  }
0xe3: {  	v20 =	vsel vm10, $0x3380, v20;
	v19 =	vsel vm8, $0x1800, v19;
	v0 =	vsel vm7, $0x80, v0  }
0xe4: {  	v20 =	vsel vm9, $0x0, v20;
	v19 =	vsel vm7, $0x1C01, v19;
	v0 =	vsel vm6, $0x100, v0  }
0xe5: {  	v20 =	vsel vm8, $0x80, v20;
	v19 =	vsel vm6, $0x2002, v19;
	v0 =	vsel vm5, $0x180, v0  }
0xe6: {  	v20 =	vsel vm7, $0x100, v20;
	v19 =	vsel vm5, $0x2403, v19;
	v0 =	vsel vm4, $0x200, v0  }
0xe7: {  	v20 =	vsel vm6, $0x180, v20;
	v19 =	vsel vm4, $0x2804, v19;
	v0 =	vsel vm3, $0x280, v0  }
0xe8: {  	v20 =	vsel vm5, $0x200, v20;
	v19 =	vsel vm3, $0x2C05, v19;
	v0 =	vsel vm2, $0x300, v0  }
0xe9: {  	v20 =	vsel vm4, $0x280, v20;
	v19 =	vsel vm2, $0x3006, v19;
	v0 =	vsel vm1, $0x380, v0  }
0xea: {  	v20 =	vsel vm3, $0x300, v20;
	v19 =	vsel vm1, $0x3407, v19;
	v0 =	vsel vm0, $0x1000, v0  }
0xeb: {  	v9 =	vor.u32 $0x2000, v5;
	v20 =	vsel vm2, $0x380, v20;
	[tilespmem:$0x1FEC0] =	vst v0;
	v0 =	vsel vm0, $0x3808, v19  }
0xec: {  	v10 =	vor.u32 $0x2800, v5;
	v11 =	vor.u32 $0x3000, v5;
	[tilespmem:$0x1FED0] =	vst v0;
	v0 =	vsel vm1, $0x1000, v20  }
0xed: {  	v12 =	vor.u32 $0x3800, v5;
	v13 =	vor.u32 $0x4000, v5;
	v0 =	vsel vm0, $0x1080, v0  }
0xee: {  	s6 =	rddreg [dreg:$0x0];
	v14 =	vor.u32 $0x4800, v5;
	v15 =	vor.u32 $0x5000, v5;
	[tilespmem:$0x1FEE0] =	vst v0;
	v0 =	vimm.s32 $0x3C0A  }
0xef: {  	s5 =	rddreg [dreg:$0x1];
	v1 =	vadd.s32 $0x5, v37;
	v19 =	vimm.s32 $0x1180;
	v0 =	vsel vm14, $0x1B, v0  }
0xf0: {  	s4 =	rddreg [dreg:$0x2];
	v19 =	vsel vm14, $0x3200, v19;
	v20 =	vimm.s32 $0x3C0B;
	v0 =	vsel vm13, $0x41C, v0  }
0xf1: {  	s1 =	rddreg [dreg:$0x3];
	v19 =	vsel vm13, $0x3280, v19;
	v20 =	vsel vm14, $0x1C, v20;
	v0 =	vsel vm12, $0x81D, v0  }
0xf2: {  	s0 =	rddreg [dreg:$0x4];
	s3 =	simm.s32 $0x0;
	v19 =	vsel vm12, $0x3300, v19;
	v20 =	vsel vm13, $0x41D, v20;
	v0 =	vsel vm11, $0xC1E, v0  }
0xf3: {  	[smem:$0x7FF] =	sst s3;
	v19 =	vsel vm11, $0x3380, v19;
	v20 =	vsel vm12, $0x81E, v20;
	v0 =	vsel vm10, $0x101F, v0  }
0xf4: {  	s2 =	rddreg [dreg:$0x5];
	_ =	strace $0x80000047;
	[tilespmem:$0x1FF60] =	vst v1;
	v1 =	vadd.s32 $0x6, v37;
	v19 =	vsel vm10, $0x0, v19;
	v0 =	vsel vm9, $0x1400, v0  }
0xf5: {  	v20 =	vsel vm11, $0xC1F, v20;
	v19 =	vsel vm9, $0x80, v19;
	v0 =	vsel vm8, $0x1801, v0  }
0xf6: {  	s8 =	sadd.s32 $0x4000, s2;
	v20 =	vsel vm10, $0x1000, v20;
	v19 =	vsel vm8, $0x100, v19;
	v0 =	vsel vm7, $0x1C02, v0  }
0xf7: {  	s16 =	simm.s32 $0xCC00;
	[dreg:$0x7] =	wrdreg s8;
	v20 =	vsel vm9, $0x1401, v20;
	v19 =	vsel vm7, $0x180, v19;
	v0 =	vsel vm6, $0x2003, v0  }
0xf8: {  	s11 =	simm.s32 $0x10C00;
	[dreg:$0x8] =	wrdreg s16;
	v20 =	vsel vm8, $0x1802, v20;
	v19 =	vsel vm6, $0x200, v19;
	v0 =	vsel vm5, $0x2404, v0  }
0xf9: {  	s18 =	simm.s32 $0xD000;
	[dreg:$0x9] =	wrdreg s11;
	v20 =	vsel vm7, $0x1C03, v20;
	v19 =	vsel vm5, $0x280, v19;
	v0 =	vsel vm4, $0x2805, v0  }
0xfa: {  	s19 =	simm.s32 $0x11000;
	[dreg:$0xa] =	wrdreg s18;
	v20 =	vsel vm6, $0x2004, v20;
	v19 =	vsel vm4, $0x300, v19;
	v0 =	vsel vm3, $0x2C06, v0  }
0xfb: {  	s7 =	srdreg.scid;
	s12 =	simm.s32 $0xD400;
	[dreg:$0xb] =	wrdreg s19;
	v20 =	vsel vm5, $0x2405, v20;
	v19 =	vsel vm3, $0x380, v19;
	v0 =	vsel vm2, $0x3007, v0  }
0xfc: {  	s10 =	stileid.u32;
	s21 =	simm.s32 $0x11400;
	[dreg:$0xc] =	wrdreg s12;
	v20 =	vsel vm4, $0x2806, v20;
	v19 =	vsel vm2, $0x1000, v19;
	v0 =	vsel vm1, $0x3408, v0  }
0xfd: {  	s22 =	simm.s32 $0xD800;
	s24 =	simm.s32 $0x11800;
	[dreg:$0xd] =	wrdreg s21;
	[tilespmem:$0x1FF70] =	vst v1;
	v20 =	vsel vm3, $0x2C07, v20;
	v19 =	vsel vm1, $0x1080, v19;
	v0 =	vsel vm0, $0x3809, v0  }
0xfe: {  	s26 =	simm.s32 $0xDC00;
	s13 =	simm.s32 $0x11C00;
	v16 =	vor.u32 $0x5800, v5;
	[dreg:$0xe] =	wrdreg s22;
	v20 =	vsel vm2, $0x3008, v20;
	[tilespmem:$0x1FEF0] =	vst v0;
	v0 =	vsel vm0, $0x1100, v19  }
0xff: {  	s9 =	sand.u32 $0x1, s7;
	s15 =	sshll.u32 s10, $0x1;
	v47 =	vor.u32 $0x6000, v5;
	[dreg:$0xf] =	wrdreg s24;
	v1 =	vadd.s32 $0x7, v37;
	[tilespmem:$0x1FF00] =	vst v0;
	v0 =	vsel vm1, $0x3409, v20  }
0x100: {  	s10 =	sor.u32 s9, s15;
	s9 =	ssub.s32 $0x2, s9;
	v18 =	vor.u32 $0x6800, v5;
	v35 =	vor.u32 $0x7000, v5;
	[dreg:$0x10] =	wrdreg s26;
	[tilespmem:$0x1FF80] =	vst v1;
	v0 =	vsel vm0, $0x380A, v0  }
0x101: {  	s15 =	simm.s32 $0xE000;
	s17 =	sshll.u32 s10, $0x7;
	v32 =	vor.u32 $0x7800, v5;
	[dreg:$0x11] =	wrdreg s13;
	v1 =	vadd.s32 $0x8, v37;
	[tilespmem:$0x1FF10] =	vst v0;
	v0 =	vimm.s32 $0x1200  }
0x102: {  	s7 =	sadd.s32 s17, s2;
	s17 =	simm.s32 $0x12000;
	[dreg:$0x12] =	wrdreg s15;
	[tilespmem:$0x1FF90] =	vst v1;
	v1 =	vadd.s32 $0x9, v37;
	v19 =	vimm.s32 $0x3C0C;
	v0 =	vsel vm14, $0x3280, v0  }
0x103: {  	s20 =	sshrl.u32 s9, $0x1;
	[dreg:$0x13] =	wrdreg s17;
	s19 =	simm.s32 $0xE400;
	[tilespmem:$0x1FFA0] =	vst v1;
	v1 =	vadd.s32 $0xA, v37;
	v19 =	vsel vm14, $0x1D, v19;
	v0 =	vsel vm13, $0x3300, v0  }
0x104: {  	s8 =	ssub.s32 s9, s20;
	s20 =	simm.s32 $0x12400;
	[dreg:$0x14] =	wrdreg s19;
	v20 =	vimm.s32 $0x1280;
	v19 =	vsel vm13, $0x41E, v19;
	v0 =	vsel vm12, $0x3380, v0  }
0x105: {  	s22 =	simm.s32 $0xE800;
	[dreg:$0x15] =	wrdreg s20;
	v20 =	vsel vm14, $0x3300, v20;
	v19 =	vsel vm12, $0x81F, v19;
	v0 =	vsel vm11, $0x0, v0  }
0x106: {  	s24 =	simm.s32 $0x12800;
	[dreg:$0x16] =	wrdreg s22;
	v20 =	vsel vm13, $0x3380, v20;
	v19 =	vsel vm11, $0xC00, v19;
	v0 =	vsel vm10, $0x80, v0  }
0x107: {  	s26 =	simm.s32 $0xEC00;
	[dreg:$0x17] =	wrdreg s24;
	v20 =	vsel vm12, $0x0, v20;
	v19 =	vsel vm10, $0x1001, v19;
	v0 =	vsel vm9, $0x100, v0  }
0x108: {  	s13 =	simm.s32 $0xF000;
	[dreg:$0x18] =	wrdreg s26;
	v20 =	vsel vm11, $0x80, v20;
	v19 =	vsel vm9, $0x1402, v19;
	v0 =	vsel vm8, $0x180, v0  }
0x109: {  	s15 =	simm.s32 $0xF400;
	[dreg:$0x1a] =	wrdreg s13;
	v20 =	vsel vm10, $0x100, v20;
	v19 =	vsel vm8, $0x1803, v19;
	v0 =	vsel vm7, $0x200, v0  }
0x10a: {  	s9 =	sshll.u32 s10, $0x6;
	s17 =	simm.s32 $0xF800;
	[dreg:$0x1c] =	wrdreg s15;
	v20 =	vsel vm9, $0x180, v20;
	v19 =	vsel vm7, $0x1C04, v19;
	v0 =	vsel vm6, $0x280, v0  }
0x10b: {  	s23 =	sadd.s32 s6, s9;
	[dreg:$0x1e] =	wrdreg s17;
	v20 =	vsel vm8, $0x200, v20;
	v19 =	vsel vm6, $0x2005, v19;
	v0 =	vsel vm5, $0x300, v0  }
0x10c: {  	s25 =	sadd.s32 s5, s9;
	[smem:$0x7E9] =	sst s23;
	v20 =	vsel vm7, $0x280, v20;
	v19 =	vsel vm5, $0x2406, v19;
	v0 =	vsel vm4, $0x380, v0  }
0x10d: {  	s12 =	sadd.s32 s4, s9;
	[smem:$0x7EA] =	sst s25;
	v20 =	vsel vm6, $0x300, v20;
	v19 =	vsel vm4, $0x2807, v19;
	v0 =	vsel vm3, $0x1000, v0  }
0x10e: {  	s1 =	sadd.s32 s1, s9;
	[smem:$0x7EB] =	sst s12;
	v20 =	vsel vm5, $0x380, v20;
	v19 =	vsel vm3, $0x2C08, v19;
	v0 =	vsel vm2, $0x1080, v0  }
0x10f: {  	s20 =	smax.u32 s8, $0x1;
	[smem:$0x7F5] =	sst s1;
	v20 =	vsel vm4, $0x1000, v20;
	v19 =	vsel vm2, $0x3009, v19;
	v0 =	vsel vm1, $0x1100, v0  }
0x110: {  	s19 =	simm.s32 $0x13800;
	[smem:$0x7F7] =	sst s20;
	[tilespmem:$0x1FFB0] =	vst v1;
	v20 =	vsel vm3, $0x1080, v20;
	v19 =	vsel vm1, $0x340A, v19;
	v0 =	vsel vm0, $0x1180, v0  }
0x111: {  	v33 =	vadd.s32 $0x1, v37;
	s22 =	simm.s32 $0x13C00;
	[dreg:$0x1f] =	wrdreg s19;
	v20 =	vsel vm2, $0x1100, v20;
	[tilespmem:$0x1FF20] =	vst v0;
	v0 =	vsel vm0, $0x380B, v19  }
0x112: {  	v34 =	vadd.s32 $0xF, v37;
	s24 =	simm.s32 $0x14000;
	[smem:$0x7F9] =	sst s22;
	v1 =	vadd.s32 $0xB, v37;
	[tilespmem:$0x1FF30] =	vst v0;
	v0 =	vsel vm1, $0x1180, v20  }
0x113: {  	v25 =	vadd.s32 $0x10, v37;
	v4 =	vsel vm0, $0x3300, v4;
	s14 =	sor.u32 $0x10, s9;
	s26 =	simm.s32 $0x14400;
	[smem:$0x7FB] =	sst s24;
	[tilespmem:$0x1FFC0] =	vst v1;
	v0 =	vsel vm0, $0x1200, v0  }
0x114: {  	s16 =	sadd.s32 s6, s14;
	[smem:$0x7FD] =	sst s26;
	v1 =	vadd.s32 $0xC, v37;
	v19 =	vimm.s32 $0x1300;
	[tilespmem:$0x1FF40] =	vst v0;
	v0 =	vimm.s32 $0x3C0D  }
0x115: {  	s18 =	sadd.s32 s5, s14;
	[smem:$0x7EC] =	sst s16;
	[tilespmem:$0x1FFD0] =	vst v1;
	v1 =	vadd.s32 $0xD, v37;
	v19 =	vsel vm14, $0x3380, v19;
	v0 =	vsel vm14, $0x1E, v0  }
0x116: {  	s21 =	sor.u32 $0x20, s9;
	s11 =	sadd.s32 s4, s14;
	[smem:$0x7ED] =	sst s18;
	v20 =	vimm.s32 $0x3C0E;
	v19 =	vsel vm13, $0x0, v19;
	v0 =	vsel vm13, $0x41F, v0  }
0x117: {  	s28 =	simm.s32 $0x5800;
	s23 =	sadd.s32 s6, s21;
	[smem:$0x7EE] =	sst s11;
	v20 =	vsel vm14, $0x1F, v20;
	v19 =	vsel vm12, $0x80, v19;
	v0 =	vsel vm12, $0x800, v0  }
0x118: {  	s29 =	simm.s32 $0x6800;
	s25 =	sadd.s32 s5, s21;
	[smem:$0x7EF] =	sst s23;
	v20 =	vsel vm13, $0x400, v20;
	v19 =	vsel vm11, $0x100, v19;
	v0 =	vsel vm11, $0xC01, v0  }
0x119: {  	s30 =	simm.s32 $0x7800;
	s14 =	simm.s32 $0x13000;
	[smem:$0x7F0] =	sst s25;
	v20 =	vsel vm12, $0x801, v20;
	v19 =	vsel vm10, $0x180, v19;
	v0 =	vsel vm10, $0x1002, v0  }
0x11a: {  	s12 =	sor.u32 $0x30, s9;
	s11 =	sadd.s32 s4, s21;
	[dreg:$0x1b] =	wrdreg s14;
	v20 =	vsel vm11, $0xC02, v20;
	v19 =	vsel vm9, $0x200, v19;
	v0 =	vsel vm9, $0x1403, v0  }
0x11b: {  	s31 =	simm.s32 $0xC800;
	s6 =	sadd.s32 s6, s12;
	[smem:$0x7F1] =	sst s11;
	v20 =	vsel vm10, $0x1003, v20;
	v19 =	vsel vm8, $0x280, v19;
	v0 =	vsel vm8, $0x1804, v0  }
0x11c: {  	s22 =	simm.s32 $0x400;
	s5 =	sadd.s32 s5, s12;
	[smem:$0x7F2] =	sst s6;
	v20 =	vsel vm9, $0x1404, v20;
	v19 =	vsel vm7, $0x300, v19;
	v0 =	vsel vm7, $0x1C05, v0  }
0x11d: {  	s24 =	simm.s32 $0x2800;
	s4 =	sadd.s32 s4, s12;
	[smem:$0x7F3] =	sst s5;
	v20 =	vsel vm8, $0x1805, v20;
	v19 =	vsel vm6, $0x380, v19;
	v0 =	vsel vm6, $0x2006, v0  }
0x11e: {  	s20 =	simm.s32 $0x3;
	s18 =	sadd.s32 $0x18AA00, s7;
	[smem:$0x7F4] =	sst s4;
	v20 =	vsel vm7, $0x1C06, v20;
	v19 =	vsel vm5, $0x1000, v19;
	v0 =	vsel vm5, $0x2407, v0  }
0x11f: {  	s26 =	simm.s32 $0x4800;
	s21 =	simm.s32 $0xFC00;
	[smem:$0x7F6] =	sst s18;
	v20 =	vsel vm6, $0x2007, v20;
	v19 =	vsel vm4, $0x1080, v19;
	v0 =	vsel vm4, $0x2808, v0  }
0x120: {  	s1 =	simm.s32 $0x10800;
	s23 =	simm.s32 $0x10000;
	[smem:$0x7F8] =	sst s21;
	v20 =	vsel vm5, $0x2408, v20;
	v19 =	vsel vm3, $0x1100, v19;
	v0 =	vsel vm3, $0x2C09, v0  }
0x121: {  	s9 =	simm.s32 $0x0;
	s25 =	simm.s32 $0x10400;
	[smem:$0x7FA] =	sst s23;
	v20 =	vsel vm4, $0x2809, v20;
	v19 =	vsel vm2, $0x1180, v19;
	v0 =	vsel vm2, $0x300A, v0  }
0x122: {  	s16 =	simm.s32 $0x13400;
	s11 =	simm.s32 $0x12C00;
	[smem:$0x7FC] =	sst s25;
	v20 =	vsel vm3, $0x2C0A, v20;
	v19 =	vsel vm1, $0x1200, v19;
	v0 =	vsel vm1, $0x340B, v0  }
0x123: {  	s7 =	simm.s32 $0x2;
	[dreg:$0x1d] =	wrdreg s16;
	s4 =	simm.s32 $0x7A1400;
	[tilespmem:$0x1FFE0] =	vst v1;
	v20 =	vsel vm2, $0x300B, v20;
	v31 =	vsel vm0, $0x380C, v0;
	v0 =	vsel vm0, $0x1280, v19  }
0x124: {  	v21 =	vadd.s32 $0x4, v37;
	s21 =	simm.s32 $0x800;
	s23 =	simm.s32 $0x1800;
	s25 =	simm.s32 $0x3800;
	v1 =	vadd.s32 $0xE, v37;
	[tilespmem:$0x1FF50] =	vst v0;
	v0 =	vsel vm1, $0x340C, v20  }
0x125: {  	s5 =	simm.s32 $0x1;
	s6 =	simm.s32 $0x8800;
	[dreg:$0x19] =	wrdreg s11;
	[tilespmem:$0x1FFF0] =	vst v1;
	v19 =	vadd.s32 $0x2, v37;
	v20 =	vadd.s32 $0x3, v37;
	v0 =	vsel vm0, $0x380D, v0  }
.LBB2_1:
0x126: {  	s8 =	sld [smem:$0x7E9];
	_ =	sdelay $0x1  }
0x127: {  	[smem:$0x7E8] =	sst s9  }
0x128: {  	[tilespmem:s3], [sflag:$0x3] =	stream.linear.gather [hbm4b:s8+s3], $0x80, $0x38;
	[tilespmem:$0x14C00] =	vst v63  }
0x129: {  	_ =	swait.ge [sflag:s20], $0x80  }
0x12a: {  	s18 =	sld [smem:$0x7EA]  }
0x12b: {  	[sflag:s20] =	ssyncset.done $0x0  }
0x12c: {  	s19 =	simm.s32 $0x200;
	[sflag:s20] =	ssyncadd.s32 $0xFFFFFF80  }
0x12d: {  	[tilespmem:s19], [sflag:$0x3] =	stream.linear.gather [hbm4b:s18+s3], $0x80, $0x38;
	[tilespmem:$0x14C00] =	vst v63  }
0x12e: {  	_ =	swait.ge [sflag:s20], $0x80  }
0x12f: {  	s9 =	sld [smem:$0x7EB]  }
0x130: {  	[sflag:s20] =	ssyncset.done $0x0  }
0x131: {  	[sflag:s20] =	ssyncadd.s32 $0xFFFFFF80  }
0x132: {  	[tilespmem:s22], [sflag:$0x3] =	stream.linear.gather [hbm4b:s9+s3], $0x80, $0x38;
	[tilespmem:$0x14C00] =	vst v63  }
0x133: {  	_ =	swait.ge [sflag:s20], $0x80  }
0x134: {  	s10 =	sld [smem:$0x7EC]  }
0x135: {  	[sflag:s20] =	ssyncset.done $0x0  }
0x136: {  	s11 =	simm.s32 $0x80;
	[sflag:s20] =	ssyncadd.s32 $0xFFFFFF80  }
0x137: {  	[tilespmem:s11], [sflag:$0x3] =	stream.linear.gather [hbm4b:s10+s3], $0x80, $0x38;
	[tilespmem:$0x14C00] =	vst v63  }
0x138: {  	_ =	swait.ge [sflag:s20], $0x80  }
0x139: {  	s12 =	sld [smem:$0x7ED]  }
0x13a: {  	[sflag:s20] =	ssyncset.done $0x0  }
0x13b: {  	s13 =	simm.s32 $0x280;
	[sflag:s20] =	ssyncadd.s32 $0xFFFFFF80  }
0x13c: {  	[tilespmem:s13], [sflag:$0x3] =	stream.linear.gather [hbm4b:s12+s3], $0x80, $0x38;
	[tilespmem:$0x14C00] =	vst v63  }
0x13d: {  	_ =	swait.ge [sflag:s20], $0x80  }
0x13e: {  	s14 =	sld [smem:$0x7EE]  }
0x13f: {  	[sflag:s20] =	ssyncset.done $0x0  }
0x140: {  	s15 =	simm.s32 $0x480;
	[sflag:s20] =	ssyncadd.s32 $0xFFFFFF80  }
0x141: {  	[tilespmem:s15], [sflag:$0x3] =	stream.linear.gather [hbm4b:s14+s3], $0x80, $0x38;
	[tilespmem:$0x14C00] =	vst v63  }
0x142: {  	_ =	swait.ge [sflag:s20], $0x80  }
0x143: {  	s16 =	sld [smem:$0x7EF]  }
0x144: {  	[sflag:s20] =	ssyncset.done $0x0  }
0x145: {  	s17 =	simm.s32 $0x100;
	[sflag:s20] =	ssyncadd.s32 $0xFFFFFF80  }
0x146: {  	[tilespmem:s17], [sflag:$0x3] =	stream.linear.gather [hbm4b:s16+s3], $0x80, $0x38;
	[tilespmem:$0x14C00] =	vst v63  }
0x147: {  	_ =	swait.ge [sflag:s20], $0x80  }
0x148: {  	s18 =	sld [smem:$0x7F0]  }
0x149: {  	[sflag:s20] =	ssyncset.done $0x0  }
0x14a: {  	s19 =	simm.s32 $0x300;
	[sflag:s20] =	ssyncadd.s32 $0xFFFFFF80  }
0x14b: {  	[tilespmem:s19], [sflag:$0x3] =	stream.linear.gather [hbm4b:s18+s3], $0x80, $0x38;
	[tilespmem:$0x14C00] =	vst v63  }
0x14c: {  	_ =	swait.ge [sflag:s20], $0x80  }
0x14d: {  	s10 =	sld [smem:$0x7F1]  }
0x14e: {  	[sflag:s20] =	ssyncset.done $0x0  }
0x14f: {  	s11 =	simm.s32 $0x500;
	[sflag:s20] =	ssyncadd.s32 $0xFFFFFF80  }
0x150: {  	[tilespmem:s11], [sflag:$0x3] =	stream.linear.gather [hbm4b:s10+s3], $0x80, $0x38;
	[tilespmem:$0x14C00] =	vst v63  }
0x151: {  	_ =	swait.ge [sflag:s20], $0x80  }
0x152: {  	s12 =	sld [smem:$0x7F2]  }
0x153: {  	[sflag:s20] =	ssyncset.done $0x0  }
0x154: {  	s13 =	simm.s32 $0x180;
	[sflag:s20] =	ssyncadd.s32 $0xFFFFFF80  }
0x155: {  	[tilespmem:s13], [sflag:$0x3] =	stream.linear.gather [hbm4b:s12+s3], $0x80, $0x38;
	[tilespmem:$0x14C00] =	vst v63  }
0x156: {  	_ =	swait.ge [sflag:s20], $0x80  }
0x157: {  	s14 =	sld [smem:$0x7F3]  }
0x158: {  	[sflag:s20] =	ssyncset.done $0x0  }
0x159: {  	s15 =	simm.s32 $0x380;
	[sflag:s20] =	ssyncadd.s32 $0xFFFFFF80  }
0x15a: {  	[tilespmem:s15], [sflag:$0x3] =	stream.linear.gather [hbm4b:s14+s3], $0x80, $0x38;
	[tilespmem:$0x14C00] =	vst v63  }
0x15b: {  	_ =	swait.ge [sflag:s20], $0x80  }
0x15c: {  	s16 =	sld [smem:$0x7F4]  }
0x15d: {  	[sflag:s20] =	ssyncset.done $0x0  }
0x15e: {  	s17 =	simm.s32 $0x580;
	[sflag:s20] =	ssyncadd.s32 $0xFFFFFF80  }
0x15f: {  	[tilespmem:s17], [sflag:$0x3] =	stream.linear.gather [hbm4b:s16+s3], $0x80, $0x38;
	[tilespmem:$0x14C00] =	vst v63  }
0x160: {  	_ =	swait.ge [sflag:s20], $0x80  }
0x161: {  	s18 =	sld [smem:$0x7F5]  }
0x162: {  	[sflag:s20] =	ssyncset.done $0x0  }
0x163: {  	s10 =	simm.s32 $0x600;
	[sflag:s20] =	ssyncadd.s32 $0xFFFFFF80  }
0x164: {  	[tilespmem:s10], [sflag:$0x3] =	stream.linear.gather [hbm4b:s18+s3], $0x200, $0x38;
	[tilespmem:$0x14C00] =	vst v63  }
0x165: {  	_ =	swait.ge [sflag:s20], $0x200  }
0x166: {  	[sflag:s20] =	ssyncset.done $0x0  }
0x167: {  	[sflag:s20] =	ssyncadd.s32 $0xFFFFFE00  }
0x168: {  	v36 =	vld [tilespmem:$0x0];
	_ =	sdelay $0x4  }
0x169: {  	(v2sf) =	vpush v36, $0x0  }
0x16a: {  	(v2sf) =	vpush v36, $0x1;
	_ =	sdelay $0x1  }
0x16b: {  	(v2sf) =	vpush v36, $0x2;
	_ =	sdelay $0x4  }
0x16c: {  	(v2sf) =	vpush v36, $0x3  }
0x16d: {  	(v2sf) =	vpush v36, $0x4;
	_ =	sdelay $0x5  }
0x16e: {  	s19 =	spop (v2sf);
	(v2sf) =	vpush v36, $0x5  }
0x16f: {  	s9 =	spop (v2sf);
	(v2sf) =	vpush v36, $0x6  }
0x170: {  	s8 =	sand.u32 $0xFFFFF80, s19  }
0x171: {  	s8 =	sadd.s32 s0, s8;
	s11 =	spop (v2sf)  }
0x172: {  	(v2sf) =	vpush v36, $0x7;
	[tilespmem:s21], [sflag:$0x1] =	stream.strided.gather [hbm4b:s8+s22], $0x1000, s4, s22, $0x38;
	[tilespmem:$0x14C00] =	vst v63  }
0x173: {  	s8 =	sand.u32 $0xFFFFF80, s9  }
0x174: {  	s8 =	sadd.s32 s0, s8  }
0x175: {  	[tilespmem:s23], [sflag:$0x1] =	stream.strided.gather [hbm4b:s8+s22], $0x1000, s4, s22, $0x38;
	[tilespmem:$0x14C00] =	vst v63  }
0x176: {  	s8 =	sand.u32 $0xFFFFF80, s11;
	s11 =	spop (v2sf)  }
0x177: {  	s8 =	sadd.s32 s0, s8;
	s12 =	sand.u32 $0xFFFFF80, s11;
	s13 =	spop (v2sf)  }
0x178: {  	[tilespmem:s24], [sflag:$0x1] =	stream.strided.gather [hbm4b:s8+s22], $0x1000, s4, s22, $0x38;
	[tilespmem:$0x14C00] =	vst v63  }
0x179: {  	s8 =	sadd.s32 s0, s12;
	s14 =	sand.u32 $0xFFFFF80, s13  }
0x17a: {  	[tilespmem:s25], [sflag:$0x1] =	stream.strided.gather [hbm4b:s8+s22], $0x1000, s4, s22, $0x38;
	[tilespmem:$0x14C00] =	vst v63  }
0x17b: {  	s8 =	sadd.s32 s0, s14  }
0x17c: {  	[tilespmem:s26], [sflag:$0x1] =	stream.strided.gather [hbm4b:s8+s22], $0x1000, s4, s22, $0x38;
	[tilespmem:$0x14C00] =	vst v63  }
0x17d: {  	s15 =	spop (v2sf)  }
0x17e: {  	s16 =	sand.u32 $0xFFFFF80, s15;
	s17 =	spop (v2sf)  }
0x17f: {  	s8 =	sadd.s32 s0, s16;
	s18 =	sand.u32 $0xFFFFF80, s17  }
0x180: {  	v30 =	vld [tilespmem:$0x1FF30];
	[tilespmem:s28], [sflag:$0x1] =	stream.strided.gather [hbm4b:s8+s22], $0x1000, s4, s22, $0x38  }
0x181: {  	v22 =	vld [tilespmem:$0x1FFB0];
	s19 =	spop (v2sf);
	s8 =	sadd.s32 s0, s18  }
0x182: {  	v27 =	vld [tilespmem:$0x1FFC0];
	[tilespmem:s29], [sflag:$0x1] =	stream.strided.gather [hbm4b:s8+s22], $0x1000, s4, s22, $0x38  }
0x183: {  	v23 =	vld [tilespmem:$0x1FFD0];
	s8 =	sand.u32 $0xFFFFF80, s19  }
0x184: {  	v24 =	vld [tilespmem:$0x1FFE0];
	s11 =	simm.s32 $0x1;
	s12 =	simm.s32 $0x0;
	s8 =	sadd.s32 s0, s8  }
0x185: {  	v38 =	vimm.f32 $0.0e+00;
	v28 =	vld [tilespmem:$0x1FFF0];
	v36 =	vimm.f32 $0.0e+00;
	[tilespmem:s30], [sflag:$0x1] =	stream.strided.gather [hbm4b:s8+s22], $0x1000, s4, s22, $0x38  }
.LBB2_2:
0x186: {  	s8 =	sand.u32 $0x1F0, s12  }
0x187: {  	v44 =	vld [tilespmem:s8+$0x200];
	_ =	sdelay $0x1  }
0x188: {  	v42 =	vld [tilespmem:s8+$0x400];
	_ =	sdelay $0x2  }
0x189: {  	v40 =	vand.u32 $0xFFFFFFF8, v44  }
0x18a: {  	s13 =	rddreg [dreg:$0x7];
	v40 =	vshll.u32 v40, $0x4  }
0x18b: {  	v46 =	vand.u32 $0xFFFFFFF8, v42;
	v40 =	vadd.s32 s13, v40  }
0x18c: {  	v46 =	vshll.u32 v46, $0x4;
	(v2sf) =	vpush v40, $0x0  }
0x18d: {  	v46 =	vadd.s32 s2, v46  }
0x18e: {  	(v2sf) =	vpush v46, $0x0;
	_ =	sdelay $0x1  }
0x18f: {  	(v2sf) =	vpush v40, $0x1;
	_ =	sdelay $0x1  }
0x190: {  	(v2sf) =	vpush v46, $0x1;
	_ =	sdelay $0x1  }
0x191: {  	(v2sf) =	vpush v40, $0x2;
	_ =	sdelay $0x1  }
0x192: {  	(v2sf) =	vpush v46, $0x2;
	_ =	sdelay $0x1  }
0x193: {  	(v2sf) =	vpush v40, $0x3;
	_ =	sdelay $0x1  }
0x194: {  	(v2sf) =	vpush v46, $0x3  }
0x195: {  	s16 =	spop (v2sf)  }
0x196: {  	(v2sf) =	vpush v40, $0x4;
	[tilespmem:s31], [sflag:$0x2] =	stream.linear.gather [hbm4b:s16+s3], $0x400, $0x38;
	[tilespmem:$0x14C00] =	vst v63  }
0x197: {  	s14 =	rddreg [dreg:$0x8];
	s17 =	spop (v2sf)  }
0x198: {  	(v2sf) =	vpush v46, $0x4;
	[tilespmem:s1], [sflag:$0x2] =	stream.linear.gather [hbm4b:s17+s3], $0x400, $0x38;
	[tilespmem:$0x14C00] =	vst v63  }
0x199: {  	s15 =	rddreg [dreg:$0x9];
	s18 =	spop (v2sf)  }
0x19a: {  	(v2sf) =	vpush v40, $0x5;
	[tilespmem:s14], [sflag:$0x2] =	stream.linear.gather [hbm4b:s18+s3], $0x400, $0x38;
	[tilespmem:$0x14C00] =	vst v63  }
0x19b: {  	s9 =	rddreg [dreg:$0xa];
	s19 =	spop (v2sf)  }
0x19c: {  	(v2sf) =	vpush v46, $0x5;
	[tilespmem:s15], [sflag:$0x2] =	stream.linear.gather [hbm4b:s19+s3], $0x400, $0x38;
	[tilespmem:$0x14C00] =	vst v63  }
0x19d: {  	s16 =	rddreg [dreg:$0xb];
	s15 =	spop (v2sf)  }
0x19e: {  	(v2sf) =	vpush v40, $0x6;
	[tilespmem:s9], [sflag:$0x2] =	stream.linear.gather [hbm4b:s15+s3], $0x400, $0x38;
	[tilespmem:$0x14C00] =	vst v63  }
0x19f: {  	s18 =	rddreg [dreg:$0xc];
	s17 =	spop (v2sf)  }
0x1a0: {  	(v2sf) =	vpush v46, $0x6;
	[tilespmem:s16], [sflag:$0x2] =	stream.linear.gather [hbm4b:s17+s3], $0x400, $0x38;
	[tilespmem:$0x14C00] =	vst v63  }
0x1a1: {  	s19 =	spop (v2sf);
	s9 =	rddreg [dreg:$0xd]  }
0x1a2: {  	(v2sf) =	vpush v40, $0x7;
	[tilespmem:s18], [sflag:$0x2] =	stream.linear.gather [hbm4b:s19+s3], $0x400, $0x38;
	[tilespmem:$0x14C00] =	vst v63  }
0x1a3: {  	s14 =	spop (v2sf);
	s16 =	rddreg [dreg:$0xe]  }
0x1a4: {  	(v2sf) =	vpush v46, $0x7;
	[tilespmem:s9], [sflag:$0x2] =	stream.linear.gather [hbm4b:s14+s3], $0x400, $0x38;
	[tilespmem:$0x14C00] =	vst v63  }
0x1a5: {  	s18 =	rddreg [dreg:$0xf];
	s17 =	spop (v2sf)  }
0x1a6: {  	(v2sf) =	vpush v40, $0x8;
	[tilespmem:s16], [sflag:$0x2] =	stream.linear.gather [hbm4b:s17+s3], $0x400, $0x38;
	[tilespmem:$0x14C00] =	vst v63  }
0x1a7: {  	s9 =	rddreg [dreg:$0x10];
	s19 =	spop (v2sf)  }
0x1a8: {  	(v2sf) =	vpush v46, $0x8;
	[tilespmem:s18], [sflag:$0x2] =	stream.linear.gather [hbm4b:s19+s3], $0x400, $0x38;
	[tilespmem:$0x14C00] =	vst v63  }
0x1a9: {  	s15 =	spop (v2sf);
	s16 =	rddreg [dreg:$0x11]  }
0x1aa: {  	(v2sf) =	vpush v40, $0x9;
	[tilespmem:s9], [sflag:$0x2] =	stream.linear.gather [hbm4b:s15+s3], $0x400, $0x38;
	[tilespmem:$0x14C00] =	vst v63  }
0x1ab: {  	s17 =	spop (v2sf);
	s18 =	rddreg [dreg:$0x12]  }
0x1ac: {  	(v2sf) =	vpush v46, $0x9;
	[tilespmem:s16], [sflag:$0x2] =	stream.linear.gather [hbm4b:s17+s3], $0x400, $0x38;
	[tilespmem:$0x14C00] =	vst v63  }
0x1ad: {  	s9 =	rddreg [dreg:$0x13];
	s19 =	spop (v2sf)  }
0x1ae: {  	(v2sf) =	vpush v40, $0xA;
	[tilespmem:s18], [sflag:$0x2] =	stream.linear.gather [hbm4b:s19+s3], $0x400, $0x38;
	[tilespmem:$0x14C00] =	vst v63  }
0x1af: {  	s14 =	spop (v2sf);
	s16 =	rddreg [dreg:$0x14]  }
0x1b0: {  	(v2sf) =	vpush v46, $0xA;
	[tilespmem:s9], [sflag:$0x2] =	stream.linear.gather [hbm4b:s14+s3], $0x400, $0x38;
	[tilespmem:$0x14C00] =	vst v63  }
0x1b1: {  	s17 =	spop (v2sf);
	s18 =	rddreg [dreg:$0x15]  }
0x1b2: {  	(v2sf) =	vpush v40, $0xB;
	[tilespmem:s16], [sflag:$0x2] =	stream.linear.gather [hbm4b:s17+s3], $0x400, $0x38;
	[tilespmem:$0x14C00] =	vst v63  }
0x1b3: {  	s19 =	spop (v2sf);
	s9 =	rddreg [dreg:$0x16]  }
0x1b4: {  	(v2sf) =	vpush v46, $0xB;
	[tilespmem:s18], [sflag:$0x2] =	stream.linear.gather [hbm4b:s19+s3], $0x400, $0x38;
	[tilespmem:$0x14C00] =	vst v63  }
0x1b5: {  	s16 =	rddreg [dreg:$0x17];
	s15 =	spop (v2sf)  }
0x1b6: {  	(v2sf) =	vpush v40, $0xC;
	[tilespmem:s9], [sflag:$0x2] =	stream.linear.gather [hbm4b:s15+s3], $0x400, $0x38;
	[tilespmem:$0x14C00] =	vst v63  }
0x1b7: {  	s17 =	spop (v2sf);
	s18 =	rddreg [dreg:$0x18]  }
0x1b8: {  	(v2sf) =	vpush v46, $0xC;
	[tilespmem:s16], [sflag:$0x2] =	stream.linear.gather [hbm4b:s17+s3], $0x400, $0x38;
	[tilespmem:$0x14C00] =	vst v63  }
0x1b9: {  	s19 =	spop (v2sf);
	s9 =	rddreg [dreg:$0x19]  }
0x1ba: {  	(v2sf) =	vpush v40, $0xD;
	[tilespmem:s18], [sflag:$0x2] =	stream.linear.gather [hbm4b:s19+s3], $0x400, $0x38;
	[tilespmem:$0x14C00] =	vst v63  }
0x1bb: {  	s14 =	spop (v2sf);
	s16 =	rddreg [dreg:$0x1a]  }
0x1bc: {  	(v2sf) =	vpush v46, $0xD;
	[tilespmem:s9], [sflag:$0x2] =	stream.linear.gather [hbm4b:s14+s3], $0x400, $0x38;
	[tilespmem:$0x14C00] =	vst v63  }
0x1bd: {  	s17 =	spop (v2sf);
	s18 =	rddreg [dreg:$0x1b]  }
0x1be: {  	(v2sf) =	vpush v40, $0xE;
	[tilespmem:s16], [sflag:$0x2] =	stream.linear.gather [hbm4b:s17+s3], $0x400, $0x38;
	[tilespmem:$0x14C00] =	vst v63  }
0x1bf: {  	s19 =	spop (v2sf);
	s9 =	rddreg [dreg:$0x1c]  }
0x1c0: {  	(v2sf) =	vpush v46, $0xE;
	[tilespmem:s18], [sflag:$0x2] =	stream.linear.gather [hbm4b:s19+s3], $0x400, $0x38;
	[tilespmem:$0x14C00] =	vst v63  }
0x1c1: {  	s15 =	spop (v2sf);
	s16 =	rddreg [dreg:$0x1d]  }
0x1c2: {  	(v2sf) =	vpush v40, $0xF;
	[tilespmem:s9], [sflag:$0x2] =	stream.linear.gather [hbm4b:s15+s3], $0x400, $0x38;
	[tilespmem:$0x14C00] =	vst v63  }
0x1c3: {  	s17 =	spop (v2sf);
	s18 =	rddreg [dreg:$0x1e]  }
0x1c4: {  	(v2sf) =	vpush v46, $0xF;
	[tilespmem:s16], [sflag:$0x2] =	stream.linear.gather [hbm4b:s17+s3], $0x400, $0x38;
	[tilespmem:$0x14C00] =	vst v63  }
0x1c5: {  	s19 =	spop (v2sf);
	s9 =	rddreg [dreg:$0x1f]  }
0x1c6: {  	[tilespmem:s18], [sflag:$0x2] =	stream.linear.gather [hbm4b:s19+s3], $0x400, $0x38;
	[tilespmem:$0x14C00] =	vst v63  }
0x1c7: {  	s14 =	spop (v2sf);
	s16 =	sld [smem:$0x7F8]  }
0x1c8: {  	[tilespmem:s9], [sflag:$0x2] =	stream.linear.gather [hbm4b:s14+s3], $0x400, $0x38;
	[tilespmem:$0x14C00] =	vst v63  }
0x1c9: {  	s17 =	spop (v2sf);
	s18 =	sld [smem:$0x7F9]  }
0x1ca: {  	[tilespmem:s16], [sflag:$0x2] =	stream.linear.gather [hbm4b:s17+s3], $0x400, $0x38;
	[tilespmem:$0x14C00] =	vst v63  }
0x1cb: {  	s19 =	spop (v2sf);
	s9 =	sld [smem:$0x7FA]  }
0x1cc: {  	[tilespmem:s18], [sflag:$0x2] =	stream.linear.gather [hbm4b:s19+s3], $0x400, $0x38;
	[tilespmem:$0x14C00] =	vst v63  }
0x1cd: {  	s15 =	spop (v2sf);
	s16 =	sld [smem:$0x7FB]  }
0x1ce: {  	[tilespmem:s9], [sflag:$0x2] =	stream.linear.gather [hbm4b:s15+s3], $0x400, $0x38;
	[tilespmem:$0x14C00] =	vst v63  }
0x1cf: {  	s17 =	spop (v2sf);
	s18 =	sld [smem:$0x7FC]  }
0x1d0: {  	[tilespmem:s16], [sflag:$0x2] =	stream.linear.gather [hbm4b:s17+s3], $0x400, $0x38;
	[tilespmem:$0x14C00] =	vst v63  }
0x1d1: {  	s19 =	spop (v2sf);
	s9 =	sld [smem:$0x7FD]  }
0x1d2: {  	[tilespmem:s18], [sflag:$0x2] =	stream.linear.gather [hbm4b:s19+s3], $0x400, $0x38;
	[tilespmem:$0x14C00] =	vst v63  }
0x1d3: {  	s14 =	spop (v2sf)  }
0x1d4: {  	[tilespmem:s9], [sflag:$0x2] =	stream.linear.gather [hbm4b:s14+s3], $0x400, $0x38;
	[tilespmem:$0x14C00] =	vst v63  }
0x1d5: {  	v52 =	vld [tilespmem:s8+$0x0];
	_ =	sdelay $0x1  }
0x1d6: {  	s16 =	smin.u32 s11, $0x1F  }
0x1d7: {  	s8 =	sshll.u32 s16, $0x4  }
0x1d8: {  	v50 =	vld [tilespmem:s8+$0x0];
	_ =	swait.ge [sflag:s5], $0x1000  }
0x1d9: {  	(v2sf) =	vpush v52, $0x0;
	_ =	sdelay $0xa  }
0x1da: {  	(v2sf) =	vpush v52, $0x8;
	_ =	sdelay $0x3  }
0x1db: {  	s17 =	spop (v2sf)  }
0x1dc: {  	s8 =	sand.u32 $0x7F, s17  }
0x1dd: {  	v60 =	vor.u32 s8, v5  }
0x1de: {  	v48 =	vmov s12;
	v54 =	vor.u32 s8, v6  }
0x1df: {  	v39 =	vshll.u32 v48, $0x3  }
0x1e0: {  	v46 =	vand.u32 $0xC00, v39;
	[sflag:s5] =	ssyncset.done $0x0  }
0x1e1: {  	v56 =	vand.u32 $0x70, v48;
	v48 =	vor.u32 v3, v46;
	[sflag:s5] =	ssyncadd.s32 $0xFFFFF000  }
0x1e2: {  	v40 =	vor.u32 v4, v46;
	v58 =	vld.idx.msk [tilespmem:v60+s21+$0x0], $0xffff;
	v60 =	vor.u32 v56, v48  }
0x1e3: {  	v54 =	vld.idx.msk [tilespmem:v54+s21+$0x0], $0xffff;
	v56 =	vor.u32 v56, v40;
	_ =	sdelay $0x2  }
0x1e4: {  	s13 =	spop (v2sf)  }
0x1e5: {  	s18 =	sand.u32 $0xFFFFF80, s13;
	[tilespmem:v60+s6+$0x0] =	vst.idx.msk $0xffff, v58  }
0x1e6: {  	s8 =	sadd.s32 s0, s18;
	[tilespmem:v56+s6+$0x0] =	vst.idx.msk $0xffff, v54  }
0x1e7: {  	[tilespmem:s21], [sflag:$0x1] =	stream.strided.gather [hbm4b:s8+s22], $0x1000, s4, s22, $0x38;
	[tilespmem:$0x14C00] =	vst v63  }
0x1e8: {  	_ =	swait.ge [sflag:s5], $0x1000  }
0x1e9: {  	(v2sf) =	vpush v52, $0x1;
	_ =	sdelay $0xa  }
0x1ea: {  	(v2sf) =	vpush v52, $0x9;
	_ =	sdelay $0x3  }
0x1eb: {  	s19 =	spop (v2sf)  }
0x1ec: {  	s8 =	sand.u32 $0x7F, s19  }
0x1ed: {  	s9 =	sadd.s32 $0x1, s12;
	v41 =	vor.u32 s8, v7  }
0x1ee: {  	v43 =	vmov s9;
	v45 =	vor.u32 s8, v8  }
0x1ef: {  	v49 =	vshll.u32 v43, $0x3  }
0x1f0: {  	v60 =	vand.u32 $0xC00, v49;
	v56 =	vand.u32 $0x71, v43;
	[sflag:s5] =	ssyncset.done $0x0  }
0x1f1: {  	v56 =	vor.u32 v56, v60;
	[sflag:s5] =	ssyncadd.s32 $0xFFFFF000  }
0x1f2: {  	v60 =	vor.u32 v3, v56;
	v54 =	vld.idx.msk [tilespmem:v41+s21+$0x0], $0xffff  }
0x1f3: {  	v56 =	vor.u32 v4, v56;
	v58 =	vld.idx.msk [tilespmem:v45+s21+$0x0], $0xffff;
	_ =	sdelay $0x2  }
0x1f4: {  	s14 =	spop (v2sf)  }
0x1f5: {  	s15 =	sand.u32 $0xFFFFF80, s14;
	[tilespmem:v60+s6+$0x0] =	vst.idx.msk $0xffff, v54  }
0x1f6: {  	s8 =	sadd.s32 s0, s15;
	[tilespmem:v56+s6+$0x0] =	vst.idx.msk $0xffff, v58  }
0x1f7: {  	[tilespmem:s23], [sflag:$0x1] =	stream.strided.gather [hbm4b:s8+s22], $0x1000, s4, s22, $0x38;
	[tilespmem:$0x14C00] =	vst v63  }
0x1f8: {  	_ =	swait.ge [sflag:s5], $0x1000  }
0x1f9: {  	(v2sf) =	vpush v52, $0x2;
	_ =	sdelay $0xa  }
0x1fa: {  	(v2sf) =	vpush v52, $0xA;
	_ =	sdelay $0x3  }
0x1fb: {  	s16 =	spop (v2sf)  }
0x1fc: {  	s8 =	sand.u32 $0x7F, s16  }
0x1fd: {  	s17 =	sadd.s32 $0x2, s12;
	v51 =	vor.u32 s8, v9  }
0x1fe: {  	v39 =	vmov s17;
	v41 =	vor.u32 s8, v10  }
0x1ff: {  	v43 =	vshll.u32 v39, $0x3  }
0x200: {  	v60 =	vand.u32 $0xC00, v43;
	v56 =	vand.u32 $0x72, v39;
	[sflag:s5] =	ssyncset.done $0x0  }
0x201: {  	v56 =	vor.u32 v56, v60;
	[sflag:s5] =	ssyncadd.s32 $0xFFFFF000  }
0x202: {  	v60 =	vor.u32 v3, v56;
	v54 =	vld.idx.msk [tilespmem:v51+s21+$0x0], $0xffff  }
0x203: {  	v56 =	vor.u32 v4, v56;
	v58 =	vld.idx.msk [tilespmem:v41+s21+$0x0], $0xffff;
	_ =	sdelay $0x2  }
0x204: {  	s15 =	spop (v2sf)  }
0x205: {  	s18 =	sand.u32 $0xFFFFF80, s15;
	[tilespmem:v60+s6+$0x0] =	vst.idx.msk $0xffff, v54  }
0x206: {  	s8 =	sadd.s32 s0, s18;
	[tilespmem:v56+s6+$0x0] =	vst.idx.msk $0xffff, v58  }
0x207: {  	[tilespmem:s24], [sflag:$0x1] =	stream.strided.gather [hbm4b:s8+s22], $0x1000, s4, s22, $0x38;
	[tilespmem:$0x14C00] =	vst v63  }
0x208: {  	_ =	swait.ge [sflag:s5], $0x1000  }
0x209: {  	(v2sf) =	vpush v52, $0x3;
	_ =	sdelay $0xa  }
0x20a: {  	(v2sf) =	vpush v52, $0xB;
	_ =	sdelay $0x3  }
0x20b: {  	s19 =	spop (v2sf)  }
0x20c: {  	s8 =	sand.u32 $0x7F, s19  }
0x20d: {  	s16 =	sadd.s32 $0x3, s12;
	v45 =	vor.u32 s8, v11  }
0x20e: {  	v49 =	vmov s16;
	v51 =	vor.u32 s8, v12  }
0x20f: {  	v39 =	vshll.u32 v49, $0x3  }
0x210: {  	v60 =	vand.u32 $0xC00, v39;
	v56 =	vand.u32 $0x73, v49;
	[sflag:s5] =	ssyncset.done $0x0  }
0x211: {  	v56 =	vor.u32 v56, v60;
	[sflag:s5] =	ssyncadd.s32 $0xFFFFF000  }
0x212: {  	v60 =	vor.u32 v3, v56;
	v54 =	vld.idx.msk [tilespmem:v45+s21+$0x0], $0xffff  }
0x213: {  	v56 =	vor.u32 v4, v56;
	v58 =	vld.idx.msk [tilespmem:v51+s21+$0x0], $0xffff;
	_ =	sdelay $0x2  }
0x214: {  	s16 =	spop (v2sf)  }
0x215: {  	s9 =	sand.u32 $0xFFFFF80, s16;
	[tilespmem:v60+s6+$0x0] =	vst.idx.msk $0xffff, v54  }
0x216: {  	s8 =	sadd.s32 s0, s9;
	[tilespmem:v56+s6+$0x0] =	vst.idx.msk $0xffff, v58  }
0x217: {  	[tilespmem:s25], [sflag:$0x1] =	stream.strided.gather [hbm4b:s8+s22], $0x1000, s4, s22, $0x38;
	[tilespmem:$0x14C00] =	vst v63  }
0x218: {  	_ =	swait.ge [sflag:s5], $0x1000  }
0x219: {  	(v2sf) =	vpush v52, $0x4;
	_ =	sdelay $0xa  }
0x21a: {  	(v2sf) =	vpush v52, $0xC;
	_ =	sdelay $0x3  }
0x21b: {  	s17 =	spop (v2sf)  }
0x21c: {  	s8 =	sand.u32 $0x7F, s17  }
0x21d: {  	s17 =	sadd.s32 $0x4, s12;
	v41 =	vor.u32 s8, v13  }
0x21e: {  	v43 =	vmov s17;
	v45 =	vor.u32 s8, v14  }
0x21f: {  	v49 =	vshll.u32 v43, $0x3  }
0x220: {  	[sflag:s5] =	ssyncset.done $0x0;
	v56 =	vand.u32 $0x74, v43;
	v60 =	vand.u32 $0xC00, v49  }
0x221: {  	[sflag:s5] =	ssyncadd.s32 $0xFFFFF000;
	v56 =	vor.u32 v56, v60  }
0x222: {  	v60 =	vor.u32 v3, v56;
	v54 =	vld.idx.msk [tilespmem:v41+s21+$0x0], $0xffff  }
0x223: {  	v56 =	vor.u32 v4, v56;
	v58 =	vld.idx.msk [tilespmem:v45+s21+$0x0], $0xffff;
	_ =	sdelay $0x2  }
0x224: {  	s17 =	spop (v2sf)  }
0x225: {  	s18 =	sand.u32 $0xFFFFF80, s17;
	[tilespmem:v60+s6+$0x0] =	vst.idx.msk $0xffff, v54  }
0x226: {  	s8 =	sadd.s32 s0, s18;
	[tilespmem:v56+s6+$0x0] =	vst.idx.msk $0xffff, v58  }
0x227: {  	[tilespmem:s26], [sflag:$0x1] =	stream.strided.gather [hbm4b:s8+s22], $0x1000, s4, s22, $0x38;
	[tilespmem:$0x14C00] =	vst v63  }
0x228: {  	_ =	swait.ge [sflag:s5], $0x1000  }
0x229: {  	(v2sf) =	vpush v52, $0x5;
	_ =	sdelay $0xa  }
0x22a: {  	(v2sf) =	vpush v52, $0xD;
	_ =	sdelay $0x3  }
0x22b: {  	s19 =	spop (v2sf)  }
0x22c: {  	s8 =	sand.u32 $0x7F, s19  }
0x22d: {  	s18 =	sadd.s32 $0x5, s12;
	v51 =	vor.u32 s8, v15  }
0x22e: {  	v39 =	vmov s18;
	v41 =	vor.u32 s8, v16  }
0x22f: {  	v43 =	vshll.u32 v39, $0x3  }
0x230: {  	v60 =	vand.u32 $0xC00, v43;
	v56 =	vand.u32 $0x75, v39;
	[sflag:s5] =	ssyncset.done $0x0  }
0x231: {  	v56 =	vor.u32 v56, v60;
	[sflag:s5] =	ssyncadd.s32 $0xFFFFF000  }
0x232: {  	v60 =	vor.u32 v3, v56;
	v54 =	vld.idx.msk [tilespmem:v51+s21+$0x0], $0xffff  }
0x233: {  	v56 =	vor.u32 v4, v56;
	v58 =	vld.idx.msk [tilespmem:v41+s21+$0x0], $0xffff;
	_ =	sdelay $0x2  }
0x234: {  	s18 =	spop (v2sf)  }
0x235: {  	s9 =	sand.u32 $0xFFFFF80, s18;
	[tilespmem:v60+s6+$0x0] =	vst.idx.msk $0xffff, v54  }
0x236: {  	s8 =	sadd.s32 s0, s9;
	[tilespmem:v56+s6+$0x0] =	vst.idx.msk $0xffff, v58  }
0x237: {  	[tilespmem:s28], [sflag:$0x1] =	stream.strided.gather [hbm4b:s8+s22], $0x1000, s4, s22, $0x38;
	[tilespmem:$0x14C00] =	vst v63  }
0x238: {  	_ =	swait.ge [sflag:s5], $0x1000  }
0x239: {  	(v2sf) =	vpush v52, $0x6;
	_ =	sdelay $0xa  }
0x23a: {  	(v2sf) =	vpush v52, $0xE;
	_ =	sdelay $0x3  }
0x23b: {  	s19 =	spop (v2sf)  }
0x23c: {  	s8 =	sand.u32 $0x7F, s19  }
0x23d: {  	s19 =	sadd.s32 $0x6, s12;
	v45 =	vor.u32 s8, v47  }
0x23e: {  	v49 =	vmov s19;
	v51 =	vor.u32 s8, v18  }
0x23f: {  	v53 =	vshll.u32 v49, $0x3  }
0x240: {  	[sflag:s5] =	ssyncset.done $0x0;
	v56 =	vand.u32 $0x76, v49;
	v60 =	vand.u32 $0xC00, v53  }
0x241: {  	[sflag:s5] =	ssyncadd.s32 $0xFFFFF000;
	v56 =	vor.u32 v56, v60  }
0x242: {  	v60 =	vor.u32 v3, v56;
	v54 =	vld.idx.msk [tilespmem:v45+s21+$0x0], $0xffff  }
0x243: {  	v56 =	vor.u32 v4, v56;
	v58 =	vld.idx.msk [tilespmem:v51+s21+$0x0], $0xffff;
	_ =	sdelay $0x2  }
0x244: {  	s19 =	spop (v2sf)  }
0x245: {  	s9 =	sand.u32 $0xFFFFF80, s19;
	[tilespmem:v60+s6+$0x0] =	vst.idx.msk $0xffff, v54  }
0x246: {  	s8 =	sadd.s32 s0, s9;
	[tilespmem:v56+s6+$0x0] =	vst.idx.msk $0xffff, v58  }
0x247: {  	[tilespmem:s29], [sflag:$0x1] =	stream.strided.gather [hbm4b:s8+s22], $0x1000, s4, s22, $0x38;
	[tilespmem:$0x14C00] =	vst v63  }
0x248: {  	_ =	swait.ge [sflag:s5], $0x1000  }
0x249: {  	(v2sf) =	vpush v52, $0x7;
	_ =	sdelay $0xa  }
0x24a: {  	(v2sf) =	vpush v52, $0xF;
	_ =	sdelay $0x3  }
0x24b: {  	s9 =	spop (v2sf)  }
0x24c: {  	s8 =	sand.u32 $0x7F, s9  }
0x24d: {  	s9 =	sadd.s32 $0x7, s12;
	v39 =	vor.u32 s8, v35  }
0x24e: {  	v41 =	vmov s9;
	v43 =	vor.u32 s8, v32  }
0x24f: {  	v45 =	vshll.u32 v41, $0x3  }
0x250: {  	[sflag:s5] =	ssyncset.done $0x0;
	v54 =	vand.u32 $0x77, v41;
	v58 =	vand.u32 $0xC00, v45  }
0x251: {  	[sflag:s5] =	ssyncadd.s32 $0xFFFFF000;
	v54 =	vor.u32 v54, v58  }
0x252: {  	v58 =	vor.u32 v3, v54;
	v52 =	vld.idx.msk [tilespmem:v39+s21+$0x0], $0xffff  }
0x253: {  	v54 =	vor.u32 v4, v54;
	v56 =	vld.idx.msk [tilespmem:v43+s21+$0x0], $0xffff;
	_ =	sdelay $0x2  }
0x254: {  	s8 =	spop (v2sf)  }
0x255: {  	s9 =	sand.u32 $0xFFFFF80, s8;
	[tilespmem:v58+s6+$0x0] =	vst.idx.msk $0xffff, v52  }
0x256: {  	s9 =	sadd.s32 s0, s9;
	[tilespmem:v54+s6+$0x0] =	vst.idx.msk $0xffff, v56  }
0x257: {  	[tilespmem:s30], [sflag:$0x1] =	stream.strided.gather [hbm4b:s9+s22], $0x1000, s4, s22, $0x38;
	[tilespmem:$0x14C00] =	vst v63  }
0x258: {  	_ =	swait.ge [sflag:s5], $0x1000  }
0x259: {  	(v2sf) =	vpush v50, $0x0;
	_ =	sdelay $0x4  }
0x25a: {  	s9 =	sand.u32 $0x7F, s13  }
0x25b: {  	s13 =	sadd.s32 $0x8, s12;
	v49 =	vor.u32 s9, v5  }
0x25c: {  	v60 =	vmov s13;
	v39 =	vor.u32 s9, v6  }
0x25d: {  	v41 =	vshll.u32 v60, $0x3  }
0x25e: {  	[sflag:s5] =	ssyncset.done $0x0;
	v54 =	vand.u32 $0x78, v60;
	v58 =	vand.u32 $0xC00, v41  }
0x25f: {  	[sflag:s5] =	ssyncadd.s32 $0xFFFFF000;
	v54 =	vor.u32 v54, v58  }
0x260: {  	v58 =	vor.u32 v3, v54;
	v52 =	vld.idx.msk [tilespmem:v49+s21+$0x0], $0xffff  }
0x261: {  	v54 =	vor.u32 v4, v54;
	v56 =	vld.idx.msk [tilespmem:v39+s21+$0x0], $0xffff;
	_ =	sdelay $0x2  }
0x262: {  	s13 =	spop (v2sf)  }
0x263: {  	[tilespmem:v58+s6+$0x0] =	vst.idx.msk $0xffff, v52;
	s9 =	sand.u32 $0xFFFFF80, s13  }
0x264: {  	[tilespmem:v54+s6+$0x0] =	vst.idx.msk $0xffff, v56;
	s9 =	sadd.s32 s0, s9  }
0x265: {  	[tilespmem:s21], [sflag:$0x1] =	stream.strided.gather [hbm4b:s9+s22], $0x1000, s4, s22, $0x38;
	[tilespmem:$0x14C00] =	vst v63  }
0x266: {  	_ =	swait.ge [sflag:s5], $0x1000  }
0x267: {  	(v2sf) =	vpush v50, $0x1;
	_ =	sdelay $0x4  }
0x268: {  	s9 =	sand.u32 $0x7F, s14  }
0x269: {  	s14 =	sadd.s32 $0x9, s12;
	v43 =	vor.u32 s9, v7  }
0x26a: {  	v45 =	vmov s14;
	v49 =	vor.u32 s9, v8  }
0x26b: {  	v60 =	vshll.u32 v45, $0x3  }
0x26c: {  	[sflag:s5] =	ssyncset.done $0x0;
	v54 =	vand.u32 $0x79, v45;
	v58 =	vand.u32 $0xC00, v60  }
0x26d: {  	[sflag:s5] =	ssyncadd.s32 $0xFFFFF000;
	v54 =	vor.u32 v54, v58  }
0x26e: {  	v58 =	vor.u32 v3, v54;
	v52 =	vld.idx.msk [tilespmem:v43+s21+$0x0], $0xffff  }
0x26f: {  	v54 =	vor.u32 v4, v54;
	v56 =	vld.idx.msk [tilespmem:v49+s21+$0x0], $0xffff;
	_ =	sdelay $0x2  }
0x270: {  	s13 =	spop (v2sf)  }
0x271: {  	[tilespmem:v58+s6+$0x0] =	vst.idx.msk $0xffff, v52;
	s9 =	sand.u32 $0xFFFFF80, s13  }
0x272: {  	[tilespmem:v54+s6+$0x0] =	vst.idx.msk $0xffff, v56;
	s9 =	sadd.s32 s0, s9  }
0x273: {  	[tilespmem:s23], [sflag:$0x1] =	stream.strided.gather [hbm4b:s9+s22], $0x1000, s4, s22, $0x38;
	[tilespmem:$0x14C00] =	vst v63  }
0x274: {  	_ =	swait.ge [sflag:s5], $0x1000  }
0x275: {  	(v2sf) =	vpush v50, $0x2;
	_ =	sdelay $0x4  }
0x276: {  	s14 =	sand.u32 $0x7F, s15  }
0x277: {  	s15 =	sadd.s32 $0xA, s12;
	v39 =	vor.u32 s14, v9  }
0x278: {  	v41 =	vmov s15;
	v43 =	vor.u32 s14, v10  }
0x279: {  	v45 =	vshll.u32 v41, $0x3  }
0x27a: {  	v58 =	vand.u32 $0xC00, v45;
	v54 =	vand.u32 $0x7A, v41;
	[sflag:s5] =	ssyncset.done $0x0  }
0x27b: {  	v54 =	vor.u32 v54, v58;
	[sflag:s5] =	ssyncadd.s32 $0xFFFFF000  }
0x27c: {  	v58 =	vor.u32 v3, v54;
	v52 =	vld.idx.msk [tilespmem:v39+s21+$0x0], $0xffff  }
0x27d: {  	v54 =	vor.u32 v4, v54;
	v56 =	vld.idx.msk [tilespmem:v43+s21+$0x0], $0xffff;
	_ =	sdelay $0x2  }
0x27e: {  	s14 =	spop (v2sf)  }
0x27f: {  	[tilespmem:v58+s6+$0x0] =	vst.idx.msk $0xffff, v52;
	s9 =	sand.u32 $0xFFFFF80, s14  }
0x280: {  	[tilespmem:v54+s6+$0x0] =	vst.idx.msk $0xffff, v56;
	s9 =	sadd.s32 s0, s9  }
0x281: {  	[tilespmem:s24], [sflag:$0x1] =	stream.strided.gather [hbm4b:s9+s22], $0x1000, s4, s22, $0x38;
	[tilespmem:$0x14C00] =	vst v63  }
0x282: {  	_ =	swait.ge [sflag:s5], $0x1000  }
0x283: {  	(v2sf) =	vpush v50, $0x3;
	_ =	sdelay $0x4  }
0x284: {  	s15 =	sand.u32 $0x7F, s16  }
0x285: {  	s16 =	sadd.s32 $0xB, s12;
	v49 =	vor.u32 s15, v11  }
0x286: {  	v60 =	vmov s16;
	v39 =	vor.u32 s15, v12  }
0x287: {  	v41 =	vshll.u32 v60, $0x3  }
0x288: {  	v58 =	vand.u32 $0xC00, v41;
	v54 =	vand.u32 $0x7B, v60;
	[sflag:s5] =	ssyncset.done $0x0  }
0x289: {  	v54 =	vor.u32 v54, v58;
	[sflag:s5] =	ssyncadd.s32 $0xFFFFF000  }
0x28a: {  	v58 =	vor.u32 v3, v54;
	v52 =	vld.idx.msk [tilespmem:v49+s21+$0x0], $0xffff  }
0x28b: {  	v54 =	vor.u32 v4, v54;
	v56 =	vld.idx.msk [tilespmem:v39+s21+$0x0], $0xffff;
	_ =	sdelay $0x2  }
0x28c: {  	s13 =	spop (v2sf)  }
0x28d: {  	[tilespmem:v58+s6+$0x0] =	vst.idx.msk $0xffff, v52;
	s9 =	sand.u32 $0xFFFFF80, s13  }
0x28e: {  	[tilespmem:v54+s6+$0x0] =	vst.idx.msk $0xffff, v56;
	s9 =	sadd.s32 s0, s9  }
0x28f: {  	[tilespmem:s25], [sflag:$0x1] =	stream.strided.gather [hbm4b:s9+s22], $0x1000, s4, s22, $0x38;
	[tilespmem:$0x14C00] =	vst v63  }
0x290: {  	_ =	swait.ge [sflag:s5], $0x1000  }
0x291: {  	(v2sf) =	vpush v50, $0x4;
	_ =	sdelay $0x4  }
0x292: {  	s14 =	sand.u32 $0x7F, s17  }
0x293: {  	s15 =	sadd.s32 $0xC, s12;
	v43 =	vor.u32 s14, v13  }
0x294: {  	v45 =	vmov s15;
	v49 =	vor.u32 s14, v14  }
0x295: {  	v60 =	vshll.u32 v45, $0x3  }
0x296: {  	v58 =	vand.u32 $0xC00, v60;
	v54 =	vand.u32 $0x7C, v45;
	[sflag:s5] =	ssyncset.done $0x0  }
0x297: {  	v54 =	vor.u32 v54, v58;
	[sflag:s5] =	ssyncadd.s32 $0xFFFFF000  }
0x298: {  	v58 =	vor.u32 v3, v54;
	v52 =	vld.idx.msk [tilespmem:v43+s21+$0x0], $0xffff  }
0x299: {  	v54 =	vor.u32 v4, v54;
	v56 =	vld.idx.msk [tilespmem:v49+s21+$0x0], $0xffff;
	_ =	sdelay $0x2  }
0x29a: {  	s16 =	spop (v2sf)  }
0x29b: {  	[tilespmem:v58+s6+$0x0] =	vst.idx.msk $0xffff, v52;
	s9 =	sand.u32 $0xFFFFF80, s16  }
0x29c: {  	[tilespmem:v54+s6+$0x0] =	vst.idx.msk $0xffff, v56;
	s9 =	sadd.s32 s0, s9  }
0x29d: {  	[tilespmem:s26], [sflag:$0x1] =	stream.strided.gather [hbm4b:s9+s22], $0x1000, s4, s22, $0x38;
	[tilespmem:$0x14C00] =	vst v63  }
0x29e: {  	_ =	swait.ge [sflag:s5], $0x1000  }
0x29f: {  	(v2sf) =	vpush v50, $0x5;
	_ =	sdelay $0x4  }
0x2a0: {  	s17 =	sand.u32 $0x7F, s18  }
0x2a1: {  	s18 =	sadd.s32 $0xD, s12;
	v39 =	vor.u32 s17, v15  }
0x2a2: {  	v41 =	vmov s18;
	v43 =	vor.u32 s17, v16  }
0x2a3: {  	v45 =	vshll.u32 v41, $0x3  }
0x2a4: {  	v58 =	vand.u32 $0xC00, v45;
	v54 =	vand.u32 $0x7D, v41;
	[sflag:s5] =	ssyncset.done $0x0  }
0x2a5: {  	v54 =	vor.u32 v54, v58;
	[sflag:s5] =	ssyncadd.s32 $0xFFFFF000  }
0x2a6: {  	v58 =	vor.u32 v3, v54;
	v52 =	vld.idx.msk [tilespmem:v39+s21+$0x0], $0xffff  }
0x2a7: {  	v54 =	vor.u32 v4, v54;
	v56 =	vld.idx.msk [tilespmem:v43+s21+$0x0], $0xffff;
	_ =	sdelay $0x2  }
0x2a8: {  	s14 =	spop (v2sf)  }
0x2a9: {  	[tilespmem:v58+s6+$0x0] =	vst.idx.msk $0xffff, v52;
	s9 =	sand.u32 $0xFFFFF80, s14  }
0x2aa: {  	[tilespmem:v54+s6+$0x0] =	vst.idx.msk $0xffff, v56;
	s9 =	sadd.s32 s0, s9  }
0x2ab: {  	[tilespmem:s28], [sflag:$0x1] =	stream.strided.gather [hbm4b:s9+s22], $0x1000, s4, s22, $0x38;
	[tilespmem:$0x14C00] =	vst v63  }
0x2ac: {  	_ =	swait.ge [sflag:s5], $0x1000  }
0x2ad: {  	(v2sf) =	vpush v50, $0x6;
	_ =	sdelay $0x4  }
0x2ae: {  	s15 =	sand.u32 $0x7F, s19  }
0x2af: {  	v49 =	vor.u32 s15, v47;
	s16 =	sadd.s32 $0xE, s12  }
0x2b0: {  	v60 =	vor.u32 s15, v18;
	v51 =	vmov s16  }
0x2b1: {  	v39 =	vshll.u32 v51, $0x3  }
0x2b2: {  	v58 =	vand.u32 $0xC00, v39;
	v54 =	vand.u32 $0x7E, v51;
	[sflag:s5] =	ssyncset.done $0x0  }
0x2b3: {  	v54 =	vor.u32 v54, v58;
	[sflag:s5] =	ssyncadd.s32 $0xFFFFF000  }
0x2b4: {  	v58 =	vor.u32 v3, v54;
	v52 =	vld.idx.msk [tilespmem:v49+s21+$0x0], $0xffff  }
0x2b5: {  	v54 =	vor.u32 v4, v54;
	v56 =	vld.idx.msk [tilespmem:v60+s21+$0x0], $0xffff;
	_ =	sdelay $0x2  }
0x2b6: {  	s17 =	spop (v2sf)  }
0x2b7: {  	[tilespmem:v58+s6+$0x0] =	vst.idx.msk $0xffff, v52;
	s9 =	sand.u32 $0xFFFFF80, s17  }
0x2b8: {  	[tilespmem:v54+s6+$0x0] =	vst.idx.msk $0xffff, v56;
	s9 =	sadd.s32 s0, s9  }
0x2b9: {  	[tilespmem:s29], [sflag:$0x1] =	stream.strided.gather [hbm4b:s9+s22], $0x1000, s4, s22, $0x38;
	[tilespmem:$0x14C00] =	vst v63  }
0x2ba: {  	_ =	swait.ge [sflag:s5], $0x1000  }
0x2bb: {  	(v2sf) =	vpush v50, $0x7;
	_ =	sdelay $0x4  }
0x2bc: {  	s8 =	sand.u32 $0x7F, s8  }
0x2bd: {  	s18 =	sadd.s32 $0xF, s12;
	v41 =	vor.u32 s8, v35  }
0x2be: {  	v45 =	vor.u32 s8, v32;
	v43 =	vmov s18  }
0x2bf: {  	v49 =	vshll.u32 v43, $0x3  }
0x2c0: {  	v52 =	vand.u32 $0x7F, v43;
	v56 =	vand.u32 $0xC00, v49;
	[sflag:s5] =	ssyncset.done $0x0  }
0x2c1: {  	v52 =	vor.u32 v52, v56;
	[sflag:s5] =	ssyncadd.s32 $0xFFFFF000  }
0x2c2: {  	v56 =	vor.u32 v3, v52;
	v50 =	vld.idx.msk [tilespmem:v41+s21+$0x0], $0xffff  }
0x2c3: {  	v52 =	vor.u32 v4, v52;
	v54 =	vld.idx.msk [tilespmem:v45+s21+$0x0], $0xffff;
	_ =	sdelay $0x2  }
0x2c4: {  	s19 =	spop (v2sf)  }
0x2c5: {  	[tilespmem:v56+s6+$0x0] =	vst.idx.msk $0xffff, v50;
	s8 =	sand.u32 $0xFFFFF80, s19  }
0x2c6: {  	[tilespmem:v52+s6+$0x0] =	vst.idx.msk $0xffff, v54;
	s8 =	sadd.s32 s0, s8  }
0x2c7: {  	[tilespmem:s30], [sflag:$0x1] =	stream.strided.gather [hbm4b:s8+s22], $0x1000, s4, s22, $0x38;
	[tilespmem:$0x14C00] =	vst v63  }
0x2c8: {  	_ =	swait.ge [sflag:s7], $0x400  }
0x2c9: {  	[sflag:s7] =	ssyncset.done $0x0  }
0x2ca: {  	[sflag:s7] =	ssyncadd.s32 $0xFFFFFC00  }
0x2cb: {  	_ =	swait.ge [sflag:s7], $0x400  }
0x2cc: {  	[sflag:s7] =	ssyncset.done $0x0  }
0x2cd: {  	[sflag:s7] =	ssyncadd.s32 $0xFFFFFC00  }
0x2ce: {  	_ =	swait.ge [sflag:s7], $0x400  }
0x2cf: {  	[sflag:s7] =	ssyncset.done $0x0  }
0x2d0: {  	[sflag:s7] =	ssyncadd.s32 $0xFFFFFC00  }
0x2d1: {  	_ =	swait.ge [sflag:s7], $0x400  }
0x2d2: {  	[sflag:s7] =	ssyncset.done $0x0  }
0x2d3: {  	[sflag:s7] =	ssyncadd.s32 $0xFFFFFC00  }
0x2d4: {  	_ =	swait.ge [sflag:s7], $0x400  }
0x2d5: {  	[sflag:s7] =	ssyncset.done $0x0  }
0x2d6: {  	[sflag:s7] =	ssyncadd.s32 $0xFFFFFC00  }
0x2d7: {  	_ =	swait.ge [sflag:s7], $0x400  }
0x2d8: {  	[sflag:s7] =	ssyncset.done $0x0  }
0x2d9: {  	[sflag:s7] =	ssyncadd.s32 $0xFFFFFC00  }
0x2da: {  	_ =	swait.ge [sflag:s7], $0x400  }
0x2db: {  	[sflag:s7] =	ssyncset.done $0x0  }
0x2dc: {  	[sflag:s7] =	ssyncadd.s32 $0xFFFFFC00  }
0x2dd: {  	_ =	swait.ge [sflag:s7], $0x400  }
0x2de: {  	[sflag:s7] =	ssyncset.done $0x0  }
0x2df: {  	[sflag:s7] =	ssyncadd.s32 $0xFFFFFC00  }
0x2e0: {  	_ =	swait.ge [sflag:s7], $0x400  }
0x2e1: {  	[sflag:s7] =	ssyncset.done $0x0  }
0x2e2: {  	[sflag:s7] =	ssyncadd.s32 $0xFFFFFC00  }
0x2e3: {  	_ =	swait.ge [sflag:s7], $0x400  }
0x2e4: {  	[sflag:s7] =	ssyncset.done $0x0  }
0x2e5: {  	[sflag:s7] =	ssyncadd.s32 $0xFFFFFC00  }
0x2e6: {  	_ =	swait.ge [sflag:s7], $0x400  }
0x2e7: {  	[sflag:s7] =	ssyncset.done $0x0  }
0x2e8: {  	[sflag:s7] =	ssyncadd.s32 $0xFFFFFC00  }
0x2e9: {  	_ =	swait.ge [sflag:s7], $0x400  }
0x2ea: {  	[sflag:s7] =	ssyncset.done $0x0  }
0x2eb: {  	[sflag:s7] =	ssyncadd.s32 $0xFFFFFC00  }
0x2ec: {  	_ =	swait.ge [sflag:s7], $0x400  }
0x2ed: {  	[sflag:s7] =	ssyncset.done $0x0  }
0x2ee: {  	[sflag:s7] =	ssyncadd.s32 $0xFFFFFC00  }
0x2ef: {  	_ =	swait.ge [sflag:s7], $0x400  }
0x2f0: {  	[sflag:s7] =	ssyncset.done $0x0  }
0x2f1: {  	[sflag:s7] =	ssyncadd.s32 $0xFFFFFC00  }
0x2f2: {  	_ =	swait.ge [sflag:s7], $0x400  }
0x2f3: {  	[sflag:s7] =	ssyncset.done $0x0  }
0x2f4: {  	[sflag:s7] =	ssyncadd.s32 $0xFFFFFC00  }
0x2f5: {  	_ =	swait.ge [sflag:s7], $0x400  }
0x2f6: {  	[sflag:s7] =	ssyncset.done $0x0  }
0x2f7: {  	[sflag:s7] =	ssyncadd.s32 $0xFFFFFC00  }
0x2f8: {  	_ =	swait.ge [sflag:s7], $0x400  }
0x2f9: {  	[sflag:s7] =	ssyncset.done $0x0  }
0x2fa: {  	[sflag:s7] =	ssyncadd.s32 $0xFFFFFC00  }
0x2fb: {  	_ =	swait.ge [sflag:s7], $0x400  }
0x2fc: {  	[sflag:s7] =	ssyncset.done $0x0  }
0x2fd: {  	[sflag:s7] =	ssyncadd.s32 $0xFFFFFC00  }
0x2fe: {  	_ =	swait.ge [sflag:s7], $0x400  }
0x2ff: {  	[sflag:s7] =	ssyncset.done $0x0  }
0x300: {  	[sflag:s7] =	ssyncadd.s32 $0xFFFFFC00  }
0x301: {  	_ =	swait.ge [sflag:s7], $0x400  }
0x302: {  	[sflag:s7] =	ssyncset.done $0x0  }
0x303: {  	[sflag:s7] =	ssyncadd.s32 $0xFFFFFC00  }
0x304: {  	_ =	swait.ge [sflag:s7], $0x400  }
0x305: {  	[sflag:s7] =	ssyncset.done $0x0  }
0x306: {  	[sflag:s7] =	ssyncadd.s32 $0xFFFFFC00  }
0x307: {  	_ =	swait.ge [sflag:s7], $0x400  }
0x308: {  	[sflag:s7] =	ssyncset.done $0x0  }
0x309: {  	[sflag:s7] =	ssyncadd.s32 $0xFFFFFC00  }
0x30a: {  	_ =	swait.ge [sflag:s7], $0x400  }
0x30b: {  	[sflag:s7] =	ssyncset.done $0x0  }
0x30c: {  	[sflag:s7] =	ssyncadd.s32 $0xFFFFFC00  }
0x30d: {  	_ =	swait.ge [sflag:s7], $0x400  }
0x30e: {  	[sflag:s7] =	ssyncset.done $0x0  }
0x30f: {  	[sflag:s7] =	ssyncadd.s32 $0xFFFFFC00  }
0x310: {  	_ =	swait.ge [sflag:s7], $0x400  }
0x311: {  	[sflag:s7] =	ssyncset.done $0x0  }
0x312: {  	[sflag:s7] =	ssyncadd.s32 $0xFFFFFC00  }
0x313: {  	_ =	swait.ge [sflag:s7], $0x400  }
0x314: {  	[sflag:s7] =	ssyncset.done $0x0  }
0x315: {  	[sflag:s7] =	ssyncadd.s32 $0xFFFFFC00  }
0x316: {  	_ =	swait.ge [sflag:s7], $0x400  }
0x317: {  	[sflag:s7] =	ssyncset.done $0x0  }
0x318: {  	[sflag:s7] =	ssyncadd.s32 $0xFFFFFC00  }
0x319: {  	_ =	swait.ge [sflag:s7], $0x400  }
0x31a: {  	[sflag:s7] =	ssyncset.done $0x0  }
0x31b: {  	[sflag:s7] =	ssyncadd.s32 $0xFFFFFC00  }
0x31c: {  	_ =	swait.ge [sflag:s7], $0x400  }
0x31d: {  	[sflag:s7] =	ssyncset.done $0x0  }
0x31e: {  	[sflag:s7] =	ssyncadd.s32 $0xFFFFFC00  }
0x31f: {  	_ =	swait.ge [sflag:s7], $0x400  }
0x320: {  	[sflag:s7] =	ssyncset.done $0x0  }
0x321: {  	v60 =	vor.u32 s12, v2;
	[sflag:s7] =	ssyncadd.s32 $0xFFFFFC00  }
0x322: {  	v44 =	vshll.u32 v44, $0x7;
	v50 =	vand.u32 $0x7F, v60;
	_ =	swait.ge [sflag:s7], $0x400  }
0x323: {  	v42 =	vshll.u32 v42, $0x7;
	v44 =	vand.u32 $0x380, v44;
	v48 =	vor.u32 v50, v48;
	[sflag:s7] =	ssyncset.done $0x0  }
0x324: {  	v42 =	vand.u32 $0x380, v42;
	v39 =	vor.u32 v37, v44;
	[sflag:s7] =	ssyncadd.s32 $0xFFFFFC00  }
0x325: {  	v41 =	vor.u32 v37, v42;
	v46 =	vor.u32 v46, v50;
	_ =	swait.ge [sflag:s7], $0x400  }
0x326: {  	v43 =	vor.u32 v55, v46;
	[sflag:s7] =	ssyncset.done $0x0  }
0x327: {  	v45 =	vor.u32 v33, v44;
	[sflag:s7] =	ssyncadd.s32 $0xFFFFFC00  }
0x328: {  	v51 =	vor.u32 v33, v42;
	v48 =	vld.idx.msk [tilespmem:v48+s6+$0x0], $0xffff  }
0x329: {  	v53 =	vor.u32 v57, v46;
	v52 =	vld.idx.msk [tilespmem:v39+s31+$0x0], $0xffff  }
0x32a: {  	v2 =	vor.u32 v19, v44;
	v54 =	vld.idx.msk [tilespmem:v41+s1+$0x0], $0xffff  }
0x32b: {  	v26 =	vmovc v25;
	v25 =	vmov v34;
	v34 =	vmov v33;
	v1 =	vor.u32 v19, v42;
	v56 =	vld.idx.msk [tilespmem:v43+s6+$0x0], $0xffff  }
0x32c: {  	v17 =	vmovc v9;
	v9 =	vor.u32 v20, v42;
	v49 =	vmovc v18;
	v18 =	vmov v10;
	v33 =	vmov v32;
	v58 =	vld.idx.msk [tilespmem:v45+s31+$0x0], $0xffff  }
0x32d: {  	v32 =	vmovc v0;
	v0 =	vmovc v63;
	v63 =	vmov v62;
	v10 =	vor.u32 v61, v46;
	v39 =	vmov v13;
	v60 =	vld.idx.msk [tilespmem:v51+s1+$0x0], $0xffff  }
0x32e: {  	v13 =	vmovc v5;
	v41 =	vmovc v14;
	v14 =	vmov v6;
	v6 =	vor.u32 v59, v46;
	v62 =	vld.idx.msk [tilespmem:v53+s6+$0x0], $0xffff;
	v43 =	vmov v15  }
0x32f: {  	v15 =	vmovc v7;
	v7 =	vor.u32 v20, v44;
	v2 =	vld.idx.msk [tilespmem:v2+s31+$0x0], $0xffff;
	v45 =	vmov v16;
	v5 =	vmul.f32 v52, v48  }
0x330: {  	v16 =	vmovc v8;
	v1 =	vld.idx.msk [tilespmem:v1+s1+$0x0], $0xffff;
	v51 =	vmov v35;
	v48 =	vmul.f32 v48, v48;
	v52 =	vmul.f32 v52, v52  }
0x331: {  	v29 =	vld [tilespmem:$0x1FF60];
	v35 =	vmovc v11;
	v11 =	vor.u32 v21, v42;
	v8 =	vmul.f32 v58, v56;
	v56 =	vmul.f32 v56, v56  }
0x332: {  	v53 =	vmovc v37;
	v37 =	vmov v12;
	v12 =	vld [tilespmem:$0x1FD10];
	v58 =	vmul.f32 v58, v58;
	v5 =	vmul.f32 v54, v5  }
0x333: {  	v6 =	vld.idx.msk [tilespmem:v6+s6+$0x0], $0xffff;
	v48 =	vadd.f32 v52, v48;
	v54 =	vmul.f32 v54, v54;
	v8 =	vmul.f32 v60, v8  }
0x334: {  	v7 =	vld.idx.msk [tilespmem:v7+s31+$0x0], $0xffff;
	v56 =	vadd.f32 v58, v56;
	v58 =	vmul.f32 v60, v60;
	v60 =	vmul.f32 v2, v62  }
0x335: {  	v62 =	vmul.f32 v62, v62;
	v2 =	vmul.f32 v2, v2;
	v48 =	vadd.f32 v54, v48  }
0x336: {  	v9 =	vld.idx.msk [tilespmem:v9+s1+$0x0], $0xffff;
	v54 =	vadd.f32 v58, v56;
	v56 =	vmul.f32 v1, v60;
	v60 =	vor.u32 v29, v42  }
0x337: {  	v5 =	vadd.f32 $0.0e+00, v5;
	v2 =	vadd.f32 v2, v62;
	v62 =	vld [tilespmem:$0x1FD20]  }
0x338: {  	v12 =	vor.u32 v12, v46;
	v11 =	vld.idx.msk [tilespmem:v11+s1+$0x0], $0xffff;
	v52 =	vor.u32 v21, v44  }
0x339: {  	v1 =	vmul.f32 v1, v1;
	v58 =	vmul.f32 v7, v6;
	v5 =	vadd.f32 v8, v5;
	v8 =	vld.idx.msk [tilespmem:v10+s6+$0x0], $0xffff  }
0x33a: {  	v10 =	vor.u32 v29, v44;
	v29 =	vld [tilespmem:$0x1FF70]  }
0x33b: {  	v1 =	vadd.f32 v1, v2;
	v2 =	vmul.f32 v9, v58;
	v58 =	vld.idx.msk [tilespmem:v60+s1+$0x0], $0xffff  }
0x33c: {  	v62 =	vor.u32 v62, v46;
	v60 =	vld [tilespmem:$0x1FD30]  }
0x33d: {  	v6 =	vmul.f32 v6, v6;
	v7 =	vmul.f32 v7, v7;
	v52 =	vld.idx.msk [tilespmem:v52+s31+$0x0], $0xffff  }
0x33e: {  	v12 =	vld.idx.msk [tilespmem:v12+s6+$0x0], $0xffff;
	v48 =	vadd.f32 v54, v48  }
0x33f: {  	v6 =	vadd.f32 v7, v6;
	v5 =	vadd.f32 v56, v5;
	v54 =	vor.u32 v29, v44;
	v7 =	vld.idx.msk [tilespmem:v10+s31+$0x0], $0xffff  }
0x340: {  	v56 =	vor.u32 v29, v42;
	v29 =	vld [tilespmem:$0x1FF80]  }
0x341: {  	v2 =	vadd.f32 v2, v5;
	v60 =	vor.u32 v60, v46;
	v5 =	vld.idx.msk [tilespmem:v62+s6+$0x0], $0xffff  }
0x342: {  	v9 =	vmul.f32 v9, v9;
	v10 =	vmul.f32 v52, v8;
	v62 =	vld [tilespmem:$0x1FD40]  }
0x343: {  	v1 =	vadd.f32 v1, v48;
	v8 =	vmul.f32 v8, v8  }
0x344: {  	v6 =	vadd.f32 v9, v6;
	v52 =	vmul.f32 v52, v52;
	v9 =	vmul.f32 v11, v10;
	v10 =	vld.idx.msk [tilespmem:v54+s31+$0x0], $0xffff  }
0x345: {  	v48 =	vor.u32 v29, v44;
	v54 =	vor.u32 v29, v42;
	v29 =	vld [tilespmem:$0x1FF90]  }
0x346: {  	v1 =	vadd.f32 v6, v1;
	v8 =	vadd.f32 v52, v8;
	v6 =	vld.idx.msk [tilespmem:v60+s6+$0x0], $0xffff  }
0x347: {  	v11 =	vmul.f32 v11, v11;
	v52 =	vmul.f32 v7, v12;
	v62 =	vor.u32 v62, v46;
	v60 =	vld [tilespmem:$0x1FD50]  }
0x348: {  	v12 =	vmul.f32 v12, v12;
	v7 =	vmul.f32 v7, v7  }
0x349: {  	v56 =	vld.idx.msk [tilespmem:v56+s1+$0x0], $0xffff;
	v2 =	vadd.f32 v9, v2  }
0x34a: {  	v8 =	vadd.f32 v11, v8;
	v11 =	vmul.f32 v58, v52;
	v7 =	vadd.f32 v7, v12;
	v12 =	vld.idx.msk [tilespmem:v48+s31+$0x0], $0xffff  }
0x34b: {  	v9 =	vor.u32 v29, v44;
	v48 =	vmul.f32 v58, v58;
	v58 =	vor.u32 v29, v42;
	v29 =	vld [tilespmem:$0x1FFA0]  }
0x34c: {  	v1 =	vadd.f32 v8, v1;
	v60 =	vor.u32 v60, v46;
	v8 =	vld.idx.msk [tilespmem:v62+s6+$0x0], $0xffff  }
0x34d: {  	v62 =	vld [tilespmem:$0x1FD60];
	_ =	sdelay $0x1  }
0x34e: {  	v52 =	vmul.f32 v10, v5;
	v7 =	vadd.f32 v48, v7  }
0x34f: {  	v5 =	vmul.f32 v5, v5;
	v10 =	vmul.f32 v10, v10;
	v54 =	vld.idx.msk [tilespmem:v54+s1+$0x0], $0xffff  }
0x350: {  	v2 =	vadd.f32 v11, v2;
	v1 =	vadd.f32 v7, v1;
	v11 =	vor.u32 v29, v44;
	v7 =	vld.idx.msk [tilespmem:v60+s6+$0x0], $0xffff  }
0x351: {  	v5 =	vadd.f32 v10, v5;
	v10 =	vmul.f32 v56, v56;
	v62 =	vor.u32 v62, v46;
	v60 =	vld [tilespmem:$0x1FD70]  }
0x352: {  	v9 =	vld.idx.msk [tilespmem:v9+s31+$0x0], $0xffff  }
0x353: {  	v48 =	vmul.f32 v56, v52;
	v5 =	vadd.f32 v10, v5;
	v52 =	vmul.f32 v12, v6  }
0x354: {  	v56 =	vor.u32 v29, v42;
	v6 =	vmul.f32 v6, v6;
	v12 =	vmul.f32 v12, v12;
	v58 =	vld.idx.msk [tilespmem:v58+s1+$0x0], $0xffff  }
0x355: {  	v2 =	vadd.f32 v48, v2;
	v48 =	vor.u32 v22, v44;
	v1 =	vadd.f32 v5, v1;
	v11 =	vld.idx.msk [tilespmem:v11+s31+$0x0], $0xffff  }
0x356: {  	v6 =	vadd.f32 v12, v6;
	v12 =	vmul.f32 v54, v54;
	v60 =	vor.u32 v60, v46;
	v5 =	vld.idx.msk [tilespmem:v62+s6+$0x0], $0xffff  }
0x357: {  	v10 =	vmul.f32 v54, v52;
	v52 =	vmul.f32 v9, v8;
	v62 =	vld [tilespmem:$0x1FD80]  }
0x358: {  	v6 =	vadd.f32 v12, v6;
	v8 =	vmul.f32 v8, v8;
	v9 =	vmul.f32 v9, v9  }
0x359: {  	v54 =	vor.u32 v22, v42;
	v2 =	vadd.f32 v10, v2;
	v56 =	vld.idx.msk [tilespmem:v56+s1+$0x0], $0xffff  }
0x35a: {  	v10 =	vor.u32 v27, v44;
	v1 =	vadd.f32 v6, v1;
	v8 =	vadd.f32 v9, v8;
	v9 =	vld.idx.msk [tilespmem:v48+s31+$0x0], $0xffff  }
0x35b: {  	v12 =	vmul.f32 v58, v52;
	v48 =	vmul.f32 v58, v58;
	v58 =	vor.u32 v27, v42;
	v6 =	vld.idx.msk [tilespmem:v60+s6+$0x0], $0xffff  }
0x35c: {  	v52 =	vmul.f32 v11, v7;
	v62 =	vor.u32 v62, v46;
	v60 =	vld [tilespmem:$0x1FD90]  }
0x35d: {  	v8 =	vadd.f32 v48, v8;
	v7 =	vmul.f32 v7, v7;
	v11 =	vmul.f32 v11, v11  }
0x35e: {  	v54 =	vld.idx.msk [tilespmem:v54+s1+$0x0], $0xffff;
	v2 =	vadd.f32 v12, v2;
	v12 =	vor.u32 v23, v44  }
0x35f: {  	v10 =	vld.idx.msk [tilespmem:v10+s31+$0x0], $0xffff;
	v1 =	vadd.f32 v8, v1;
	v48 =	vmul.f32 v56, v52;
	v7 =	vadd.f32 v11, v7  }
0x360: {  	v11 =	vmul.f32 v56, v56;
	v56 =	vor.u32 v23, v42;
	v58 =	vld.idx.msk [tilespmem:v58+s1+$0x0], $0xffff;
	v52 =	vmul.f32 v9, v5  }
0x361: {  	v5 =	vmul.f32 v5, v5;
	v9 =	vmul.f32 v9, v9;
	v60 =	vor.u32 v60, v46;
	v8 =	vld.idx.msk [tilespmem:v62+s6+$0x0], $0xffff  }
0x362: {  	v2 =	vadd.f32 v48, v2;
	v48 =	vor.u32 v24, v44;
	v62 =	vld [tilespmem:$0x1FDA0]  }
0x363: {  	v7 =	vadd.f32 v11, v7;
	v11 =	vmul.f32 v54, v52;
	v5 =	vadd.f32 v9, v5;
	v9 =	vld.idx.msk [tilespmem:v12+s31+$0x0], $0xffff  }
0x364: {  	v12 =	vmul.f32 v54, v54;
	v54 =	vor.u32 v24, v42  }
0x365: {  	v1 =	vadd.f32 v7, v1;
	v56 =	vld.idx.msk [tilespmem:v56+s1+$0x0], $0xffff;
	v2 =	vadd.f32 v11, v2;
	v52 =	vmul.f32 v10, v6  }
0x366: {  	v11 =	vor.u32 v28, v44;
	v6 =	vmul.f32 v6, v6;
	v10 =	vmul.f32 v10, v10;
	v7 =	vld.idx.msk [tilespmem:v60+s6+$0x0], $0xffff  }
0x367: {  	v5 =	vadd.f32 v12, v5;
	v12 =	vmul.f32 v58, v52;
	v62 =	vor.u32 v62, v46;
	v60 =	vld [tilespmem:$0x1FDB0]  }
0x368: {  	v6 =	vadd.f32 v10, v6;
	v10 =	vld.idx.msk [tilespmem:v48+s31+$0x0], $0xffff;
	v48 =	vmul.f32 v58, v58;
	v52 =	vmul.f32 v9, v8  }
0x369: {  	v58 =	vor.u32 v28, v42;
	v8 =	vmul.f32 v8, v8;
	v9 =	vmul.f32 v9, v9  }
0x36a: {  	v40 =	vor.u32 v50, v40;
	v1 =	vadd.f32 v5, v1;
	v54 =	vld.idx.msk [tilespmem:v54+s1+$0x0], $0xffff;
	v2 =	vadd.f32 v12, v2  }
0x36b: {  	v6 =	vadd.f32 v48, v6;
	v48 =	vmul.f32 v56, v52;
	v8 =	vadd.f32 v9, v8;
	v9 =	vld.idx.msk [tilespmem:v11+s31+$0x0], $0xffff  }
0x36c: {  	v11 =	vmul.f32 v56, v56;
	v60 =	vor.u32 v60, v46;
	v5 =	vld.idx.msk [tilespmem:v62+s6+$0x0], $0xffff;
	v62 =	vmov v63  }
0x36d: {  	v63 =	vmovc v0;
	v0 =	vmovc v32;
	v32 =	vmov v33;
	v33 =	vmov v34;
	v34 =	vmov v25  }
0x36e: {  	v1 =	vadd.f32 v6, v1;
	v58 =	vld.idx.msk [tilespmem:v58+s1+$0x0], $0xffff;
	v8 =	vadd.f32 v11, v8;
	v12 =	vor.u32 v34, v44  }
0x36f: {  	v2 =	vadd.f32 v48, v2;
	v52 =	vmul.f32 v10, v7  }
0x370: {  	v48 =	vor.u32 v26, v44;
	v7 =	vmul.f32 v7, v7;
	v1 =	vadd.f32 v8, v1;
	v8 =	vld.idx.msk [tilespmem:v40+s6+$0x0], $0xffff  }
0x371: {  	v25 =	vmovc v26;
	v10 =	vmul.f32 v10, v10;
	v11 =	vmul.f32 v54, v52;
	v52 =	vor.u32 v26, v42;
	v26 =	vld [tilespmem:$0x1FDC0]  }
0x372: {  	v56 =	vor.u32 v34, v42;
	v6 =	vld.idx.msk [tilespmem:v60+s6+$0x0], $0xffff  }
0x373: {  	v7 =	vadd.f32 v10, v7;
	v40 =	vmul.f32 v58, v58;
	v10 =	vld.idx.msk [tilespmem:v12+s31+$0x0], $0xffff  }
0x374: {  	v2 =	vadd.f32 v11, v2;
	v60 =	vmul.f32 v9, v5;
	v12 =	vmul.f32 v54, v54  }
0x375: {  	v11 =	vor.u32 v63, v44;
	v5 =	vmul.f32 v5, v5;
	v9 =	vmul.f32 v9, v9  }
0x376: {  	v7 =	vadd.f32 v12, v7;
	v12 =	vmul.f32 v58, v60;
	v58 =	vor.u32 v26, v46;
	v26 =	vld [tilespmem:$0x1FDD0]  }
0x377: {  	v54 =	vld.idx.msk [tilespmem:v56+s1+$0x0], $0xffff  }
0x378: {  	v5 =	vadd.f32 v9, v5;
	v60 =	vmul.f32 v10, v6  }
0x379: {  	v6 =	vmul.f32 v6, v6;
	v10 =	vmul.f32 v10, v10  }
0x37a: {  	v56 =	vor.u32 v62, v46;
	v5 =	vadd.f32 v40, v5  }
0x37b: {  	v2 =	vadd.f32 v12, v2;
	v12 =	vor.u32 v26, v44;
	v6 =	vadd.f32 v10, v6;
	v10 =	vld.idx.msk [tilespmem:v11+s31+$0x0], $0xffff  }
0x37c: {  	v40 =	vmul.f32 v54, v60;
	v11 =	vmul.f32 v54, v54;
	v54 =	vor.u32 v26, v42;
	v26 =	vld [tilespmem:$0x1FDE0]  }
0x37d: {  	v9 =	vld.idx.msk [tilespmem:v48+s31+$0x0], $0xffff;
	_ =	sdelay $0x1  }
0x37e: {  	v52 =	vld.idx.msk [tilespmem:v52+s1+$0x0], $0xffff  }
0x37f: {  	v1 =	vadd.f32 v7, v1;
	v7 =	vld.idx.msk [tilespmem:v56+s6+$0x0], $0xffff  }
0x380: {  	v56 =	vor.u32 v26, v46;
	v26 =	vld [tilespmem:$0x1FDF0]  }
0x381: {  	v60 =	vmul.f32 v9, v8  }
0x382: {  	v8 =	vmul.f32 v8, v8;
	v9 =	vmul.f32 v9, v9  }
0x383: {  	v50 =	vor.u32 v63, v42;
	v2 =	vadd.f32 v40, v2  }
0x384: {  	v6 =	vadd.f32 v11, v6;
	v11 =	vmul.f32 v52, v60;
	v8 =	vadd.f32 v9, v8;
	v9 =	vld.idx.msk [tilespmem:v12+s31+$0x0], $0xffff  }
0x385: {  	v12 =	vmul.f32 v52, v52;
	v40 =	vor.u32 v26, v44;
	v52 =	vor.u32 v26, v42;
	v26 =	vld [tilespmem:$0x1FE00];
	_ =	sdelay $0x2  }
0x386: {  	v50 =	vld.idx.msk [tilespmem:v50+s1+$0x0], $0xffff  }
0x387: {  	v1 =	vadd.f32 v5, v1;
	v5 =	vld.idx.msk [tilespmem:v58+s6+$0x0], $0xffff  }
0x388: {  	v58 =	vor.u32 v26, v46;
	v26 =	vld [tilespmem:$0x1FE10]  }
0x389: {  	v60 =	vmul.f32 v10, v7  }
0x38a: {  	v7 =	vmul.f32 v7, v7;
	v10 =	vmul.f32 v10, v10  }
0x38b: {  	v2 =	vadd.f32 v11, v2  }
0x38c: {  	v8 =	vadd.f32 v12, v8;
	v12 =	vmul.f32 v50, v60;
	v7 =	vadd.f32 v10, v7;
	v10 =	vld.idx.msk [tilespmem:v40+s31+$0x0], $0xffff  }
0x38d: {  	v40 =	vmul.f32 v50, v50;
	v11 =	vor.u32 v26, v44;
	v50 =	vor.u32 v26, v42;
	v26 =	vld [tilespmem:$0x1FE20];
	_ =	sdelay $0x2  }
0x38e: {  	v54 =	vld.idx.msk [tilespmem:v54+s1+$0x0], $0xffff  }
0x38f: {  	v1 =	vadd.f32 v6, v1;
	v6 =	vld.idx.msk [tilespmem:v56+s6+$0x0], $0xffff  }
0x390: {  	v56 =	vor.u32 v26, v46;
	v26 =	vld [tilespmem:$0x1FE30]  }
0x391: {  	v60 =	vmul.f32 v9, v5  }
0x392: {  	v5 =	vmul.f32 v5, v5;
	v9 =	vmul.f32 v9, v9  }
0x393: {  	v2 =	vadd.f32 v12, v2  }
0x394: {  	v5 =	vadd.f32 v9, v5;
	v7 =	vadd.f32 v40, v7;
	v40 =	vmul.f32 v54, v60;
	v9 =	vld.idx.msk [tilespmem:v11+s31+$0x0], $0xffff  }
0x395: {  	v11 =	vmul.f32 v54, v54;
	v12 =	vor.u32 v26, v44;
	v54 =	vor.u32 v26, v42;
	v26 =	vld [tilespmem:$0x1FE40];
	_ =	sdelay $0x2  }
0x396: {  	v52 =	vld.idx.msk [tilespmem:v52+s1+$0x0], $0xffff  }
0x397: {  	v1 =	vadd.f32 v8, v1;
	v8 =	vld.idx.msk [tilespmem:v58+s6+$0x0], $0xffff  }
0x398: {  	v58 =	vor.u32 v26, v46;
	v26 =	vld [tilespmem:$0x1FE50]  }
0x399: {  	v60 =	vmul.f32 v10, v6  }
0x39a: {  	v6 =	vmul.f32 v6, v6;
	v10 =	vmul.f32 v10, v10  }
0x39b: {  	v2 =	vadd.f32 v40, v2  }
0x39c: {  	v6 =	vadd.f32 v10, v6;
	v5 =	vadd.f32 v11, v5;
	v11 =	vmul.f32 v52, v60;
	v10 =	vld.idx.msk [tilespmem:v12+s31+$0x0], $0xffff  }
0x39d: {  	v12 =	vmul.f32 v52, v52;
	v40 =	vor.u32 v26, v44;
	v52 =	vor.u32 v26, v42;
	v26 =	vld [tilespmem:$0x1FE60];
	_ =	sdelay $0x2  }
0x39e: {  	v50 =	vld.idx.msk [tilespmem:v50+s1+$0x0], $0xffff  }
0x39f: {  	v1 =	vadd.f32 v7, v1;
	v7 =	vld.idx.msk [tilespmem:v56+s6+$0x0], $0xffff  }
0x3a0: {  	v56 =	vor.u32 v26, v46;
	v26 =	vld [tilespmem:$0x1FE70]  }
0x3a1: {  	v60 =	vmul.f32 v9, v8  }
0x3a2: {  	v8 =	vmul.f32 v8, v8;
	v9 =	vmul.f32 v9, v9  }
0x3a3: {  	v2 =	vadd.f32 v11, v2  }
0x3a4: {  	v8 =	vadd.f32 v9, v8;
	v6 =	vadd.f32 v12, v6;
	v12 =	vmul.f32 v50, v60;
	v9 =	vld.idx.msk [tilespmem:v40+s31+$0x0], $0xffff  }
0x3a5: {  	v40 =	vmul.f32 v50, v50;
	v11 =	vor.u32 v26, v44;
	v50 =	vor.u32 v26, v42;
	v26 =	vld [tilespmem:$0x1FE80];
	_ =	sdelay $0x2  }
0x3a6: {  	v54 =	vld.idx.msk [tilespmem:v54+s1+$0x0], $0xffff  }
0x3a7: {  	v1 =	vadd.f32 v5, v1;
	v5 =	vld.idx.msk [tilespmem:v58+s6+$0x0], $0xffff  }
0x3a8: {  	v58 =	vor.u32 v26, v46;
	v26 =	vld [tilespmem:$0x1FE90]  }
0x3a9: {  	v60 =	vmul.f32 v10, v7  }
0x3aa: {  	v7 =	vmul.f32 v7, v7;
	v10 =	vmul.f32 v10, v10  }
0x3ab: {  	v2 =	vadd.f32 v12, v2  }
0x3ac: {  	v7 =	vadd.f32 v10, v7;
	v8 =	vadd.f32 v40, v8;
	v40 =	vmul.f32 v54, v60;
	v10 =	vld.idx.msk [tilespmem:v11+s31+$0x0], $0xffff  }
0x3ad: {  	v11 =	vmul.f32 v54, v54;
	v12 =	vor.u32 v26, v44;
	v54 =	vor.u32 v26, v42;
	v26 =	vld [tilespmem:$0x1FEA0];
	_ =	sdelay $0x4  }
0x3ae: {  	v48 =	vor.u32 v26, v46;
	v26 =	vld [tilespmem:$0x1FEB0]  }
0x3af: {  	v1 =	vadd.f32 v6, v1  }
0x3b0: {  	v52 =	vld.idx.msk [tilespmem:v52+s1+$0x0], $0xffff  }
0x3b1: {  	v1 =	vadd.f32 v8, v1;
	v6 =	vld.idx.msk [tilespmem:v56+s6+$0x0], $0xffff;
	v7 =	vadd.f32 v11, v7  }
0x3b2: {  	v8 =	vld.idx.msk [tilespmem:v50+s1+$0x0], $0xffff  }
0x3b3: {  	v1 =	vadd.f32 v7, v1;
	v56 =	vor.u32 v26, v44;
	v7 =	vor.u32 v26, v42;
	v26 =	vld [tilespmem:$0x1FEC0]  }
0x3b4: {  	v60 =	vmul.f32 v9, v5;
	_ =	sdelay $0x1  }
0x3b5: {  	v2 =	vadd.f32 v40, v2;
	v11 =	vmul.f32 v52, v60;
	v40 =	vld.idx.msk [tilespmem:v58+s6+$0x0], $0xffff;
	v60 =	vmul.f32 v10, v6  }
0x3b6: {  	v5 =	vmul.f32 v5, v5;
	v9 =	vmul.f32 v9, v9;
	v12 =	vld.idx.msk [tilespmem:v12+s31+$0x0], $0xffff  }
0x3b7: {  	v2 =	vadd.f32 v11, v2;
	v11 =	vmul.f32 v8, v60;
	v60 =	vor.u32 v26, v46;
	v26 =	vld [tilespmem:$0x1FED0]  }
0x3b8: {  	v5 =	vadd.f32 v9, v5;
	v6 =	vmul.f32 v6, v6;
	v9 =	vmul.f32 v10, v10  }
0x3b9: {  	v10 =	vld.idx.msk [tilespmem:v54+s1+$0x0], $0xffff  }
0x3ba: {  	v50 =	vmul.f32 v52, v52;
	v6 =	vadd.f32 v9, v6  }
0x3bb: {  	v8 =	vmul.f32 v8, v8;
	v2 =	vadd.f32 v11, v2;
	v9 =	vmul.f32 v12, v40  }
0x3bc: {  	v11 =	vmul.f32 v12, v12;
	v58 =	vor.u32 v26, v44;
	v12 =	vor.u32 v26, v42;
	v26 =	vld [tilespmem:$0x1FEF0];
	_ =	sdelay $0x1  }
0x3bd: {  	v5 =	vadd.f32 v50, v5;
	v6 =	vadd.f32 v8, v6;
	v8 =	vmul.f32 v10, v9  }
0x3be: {  	v48 =	vld.idx.msk [tilespmem:v48+s6+$0x0], $0xffff;
	v9 =	vmul.f32 v40, v40  }
0x3bf: {  	v1 =	vadd.f32 v5, v1;
	v2 =	vadd.f32 v8, v2;
	v5 =	vld.idx.msk [tilespmem:v56+s31+$0x0], $0xffff  }
0x3c0: {  	v8 =	vadd.f32 v11, v9;
	v11 =	vor.u32 v26, v44;
	v52 =	vor.u32 v26, v42;
	v26 =	vld [tilespmem:$0x1FF00]  }
0x3c1: {  	v1 =	vadd.f32 v6, v1;
	v6 =	vld [tilespmem:$0x1FEE0]  }
0x3c2: {  	v7 =	vld.idx.msk [tilespmem:v7+s1+$0x0], $0xffff  }
0x3c3: {  	v9 =	vld.idx.msk [tilespmem:v60+s6+$0x0], $0xffff  }
0x3c4: {  	v50 =	vld.idx.msk [tilespmem:v58+s31+$0x0], $0xffff  }
0x3c5: {  	v10 =	vmul.f32 v10, v10;
	v60 =	vmul.f32 v5, v48;
	v58 =	vor.u32 v26, v46;
	v26 =	vld [tilespmem:$0x1FF10];
	_ =	sdelay $0x1  }
0x3c6: {  	v6 =	vor.u32 v6, v46;
	v8 =	vadd.f32 v10, v8;
	v10 =	vmul.f32 v7, v60  }
0x3c7: {  	v48 =	vmul.f32 v48, v48;
	v5 =	vmul.f32 v5, v5  }
0x3c8: {  	v2 =	vadd.f32 v10, v2;
	v10 =	vld [tilespmem:$0x1FF20]  }
0x3c9: {  	v5 =	vadd.f32 v5, v48;
	v7 =	vmul.f32 v7, v7;
	v12 =	vld.idx.msk [tilespmem:v12+s1+$0x0], $0xffff;
	v40 =	vor.u32 v26, v44  }
0x3ca: {  	v60 =	vor.u32 v26, v42;
	v26 =	vld [tilespmem:$0x1FF40]  }
0x3cb: {  	v6 =	vld.idx.msk [tilespmem:v6+s6+$0x0], $0xffff;
	v1 =	vadd.f32 v8, v1;
	v5 =	vadd.f32 v7, v5  }
0x3cc: {  	v8 =	vld.idx.msk [tilespmem:v11+s31+$0x0], $0xffff;
	v7 =	vmul.f32 v50, v9  }
0x3cd: {  	v1 =	vadd.f32 v5, v1;
	v10 =	vor.u32 v10, v46;
	v11 =	vld.idx.msk [tilespmem:v52+s1+$0x0], $0xffff;
	v9 =	vmul.f32 v9, v9  }
0x3ce: {  	v52 =	vor.u32 v30, v44;
	v50 =	vmul.f32 v50, v50;
	v5 =	vmul.f32 v12, v7;
	v7 =	vld.idx.msk [tilespmem:v40+s31+$0x0], $0xffff  }
0x3cf: {  	v56 =	vor.u32 v30, v42;
	v40 =	vor.u32 v26, v46;
	v26 =	vld [tilespmem:$0x1FF50]  }
0x3d0: {  	v9 =	vadd.f32 v50, v9;
	v12 =	vmul.f32 v12, v12;
	v50 =	vor.u32 v31, v44;
	v54 =	vld.idx.msk [tilespmem:v58+s6+$0x0], $0xffff  }
0x3d1: {  	v58 =	vmul.f32 v6, v6;
	v48 =	vld.idx.msk [tilespmem:v60+s1+$0x0], $0xffff;
	v60 =	vmul.f32 v8, v8  }
0x3d2: {  	v10 =	vld.idx.msk [tilespmem:v10+s6+$0x0], $0xffff;
	v9 =	vadd.f32 v12, v9;
	v12 =	vor.u32 v0, v44;
	v6 =	vmul.f32 v8, v6  }
0x3d3: {  	v8 =	vld.idx.msk [tilespmem:v52+s31+$0x0], $0xffff;
	v44 =	vadd.f32 v60, v58;
	v60 =	vmul.f32 v11, v11;
	v58 =	vor.u32 v31, v42  }
0x3d4: {  	v56 =	vld.idx.msk [tilespmem:v56+s1+$0x0], $0xffff;
	v2 =	vadd.f32 v5, v2;
	v1 =	vadd.f32 v9, v1;
	v46 =	vor.u32 v26, v46  }
0x3d5: {  	v6 =	vmul.f32 v11, v6;
	v50 =	vld.idx.msk [tilespmem:v50+s31+$0x0], $0xffff;
	v11 =	vadd.f32 v60, v44;
	v60 =	vmul.f32 v7, v54  }
0x3d6: {  	v9 =	vor.u32 v0, v42;
	v52 =	vmul.f32 v54, v54;
	v5 =	vld.idx.msk [tilespmem:v40+s6+$0x0], $0xffff;
	v7 =	vmul.f32 v7, v7  }
0x3d7: {  	v2 =	vadd.f32 v6, v2;
	v1 =	vadd.f32 v11, v1;
	v11 =	vld.idx.msk [tilespmem:v12+s31+$0x0], $0xffff;
	v6 =	vmul.f32 v48, v60  }
0x3d8: {  	v54 =	vmul.f32 v8, v10;
	v12 =	vmul.f32 v48, v48;
	v7 =	vadd.f32 v7, v52;
	v58 =	vld.idx.msk [tilespmem:v58+s1+$0x0], $0xffff  }
0x3d9: {  	v8 =	vmul.f32 v8, v8;
	v2 =	vadd.f32 v6, v2;
	v6 =	vmul.f32 v10, v10;
	v46 =	vld.idx.msk [tilespmem:v46+s6+$0x0], $0xffff  }
0x3da: {  	v7 =	vadd.f32 v12, v7;
	v10 =	vmul.f32 v56, v54  }
0x3db: {  	v9 =	vld.idx.msk [tilespmem:v9+s1+$0x0], $0xffff;
	v12 =	vmul.f32 v56, v56;
	v6 =	vadd.f32 v8, v6;
	v8 =	vmul.f32 v50, v5  }
0x3dc: {  	v5 =	vmul.f32 v5, v5;
	v1 =	vadd.f32 v7, v1;
	v7 =	vmul.f32 v50, v50  }
0x3dd: {  	v2 =	vadd.f32 v10, v2;
	v8 =	vmul.f32 v58, v8  }
0x3de: {  	v6 =	vadd.f32 v12, v6;
	v5 =	vadd.f32 v7, v5;
	v60 =	vmul.f32 v11, v46  }
0x3df: {  	v7 =	vmul.f32 v58, v58;
	v12 =	vld [tilespmem:s10+$0x0];
	v2 =	vadd.f32 v8, v2;
	v8 =	vmul.f32 v46, v46  }
0x3e0: {  	v11 =	vmul.f32 v11, v11;
	v10 =	vmul.f32 v9, v60  }
0x3e1: {  	v1 =	vadd.f32 v6, v1;
	v5 =	vadd.f32 v7, v5  }
0x3e2: {  	v7 =	vmul.f32 v9, v9;
	v6 =	vadd.f32 v11, v8;
	v2 =	vadd.f32 v10, v2  }
0x3e3: {  	p0 =	sne.s32 s12, $0x1F0;
	v1 =	vadd.f32 v5, v1  }
.Ltmp0:
0x3e4: {  	v5 =	vadd.f32 v7, v6;
	v2 =	vsub.f32 v2, v12;
	(pc) =	sbr.rel @p0 .LBB2_2-.Ltmp0, $4  }
0x3e5: {  	v9 =	vmovc v17;
	v11 =	vmovc v35;
	v35 =	vmov v51;
	v8 =	vmov v16;
	v16 =	vmov v45  }
0x3e6: {  	v7 =	vmovc v15;
	v15 =	vmovc v43;
	v10 =	vmov v18;
	v1 =	vadd.f32 v5, v1;
	v2 =	vmul.f32 v2, v2  }
0x3e7: {  	v18 =	vmovc v49;
	v6 =	vmovc v14;
	v14 =	vmov v41;
	v12 =	vmov v37;
	v37 =	vmov v53  }
0x3e8: {  	s11 =	sadd.s32 $0x1, s11;
	s12 =	sadd.s32 $0x10, s12;
	s10 =	sadd.s32 $0x10, s10;
	v5 =	vmovc v13;
	v13 =	vmovc v39;
	v38 =	vadd.f32 v1, v38;
	v36 =	vadd.f32 v2, v36;
	v2 =	vlaneseq.u32  }
0x3e9: {  	_ =	swait.ge [sflag:s5], $0x1000  }
0x3ea: {  	[sflag:s5] =	ssyncset.done $0x0  }
0x3eb: {  	[sflag:s5] =	ssyncadd.s32 $0xFFFFF000  }
0x3ec: {  	_ =	swait.ge [sflag:s5], $0x1000  }
0x3ed: {  	[sflag:s5] =	ssyncset.done $0x0  }
0x3ee: {  	[sflag:s5] =	ssyncadd.s32 $0xFFFFF000  }
0x3ef: {  	_ =	swait.ge [sflag:s5], $0x1000  }
0x3f0: {  	[sflag:s5] =	ssyncset.done $0x0  }
0x3f1: {  	[sflag:s5] =	ssyncadd.s32 $0xFFFFF000  }
0x3f2: {  	_ =	swait.ge [sflag:s5], $0x1000  }
0x3f3: {  	[sflag:s5] =	ssyncset.done $0x0  }
0x3f4: {  	[sflag:s5] =	ssyncadd.s32 $0xFFFFF000  }
0x3f5: {  	_ =	swait.ge [sflag:s5], $0x1000  }
0x3f6: {  	[sflag:s5] =	ssyncset.done $0x0  }
0x3f7: {  	[sflag:s5] =	ssyncadd.s32 $0xFFFFF000  }
0x3f8: {  	_ =	swait.ge [sflag:s5], $0x1000  }
0x3f9: {  	[sflag:s5] =	ssyncset.done $0x0  }
0x3fa: {  	[sflag:s5] =	ssyncadd.s32 $0xFFFFF000  }
0x3fb: {  	_ =	swait.ge [sflag:s5], $0x1000  }
0x3fc: {  	[sflag:s5] =	ssyncset.done $0x0  }
0x3fd: {  	v1 =	vmul.f32 $9.999999770e-03, v38;
	[sflag:s5] =	ssyncadd.s32 $0xFFFFF000  }
0x3fe: {  	_ =	swait.ge [sflag:s5], $0x1000  }
0x3ff: {  	v1 =	vadd.f32 v1, v36;
	[sflag:s5] =	ssyncset.done $0x0;
	s8 =	sld [smem:$0x7F6]  }
0x400: {  	s9 =	simm.s32 $0x14800;
	[sflag:s5] =	ssyncadd.s32 $0xFFFFF000  }
0x401: {  	[tilespmem:v2+s9+$0x0] =	vst.idx.msk $0xffff, v1  }
0x402: {  	[hbm4b:s8+s3] =	stream.linear.scatter [tilespmem:s9], [sflag:$0x3], $0x400, $0x38;
	[tilespmem:$0x14C00] =	vst v63  }
0x403: {  	_ =	swait.ge [sflag:s20], $0x400  }
0x404: {  	s18 =	sld [smem:$0x7E8]  }
0x405: {  	s19 =	sld [smem:$0x7F7];
	_ =	sdelay $0x1  }
0x406: {  	s9 =	sadd.s32 $0x1, s18  }
0x407: {  	p0 =	sne.s32 s9, s19  }
.Ltmp1:
0x408: {  	_ = 	snop;
	(pc) =	sbr.rel @p0 .LBB2_1-.Ltmp1, $3  }
0x409: {  	_ =	sdelay $0x1  }
0x40a: {  	[sflag:s20] =	ssyncset.done $0x0  }
0x40b: {  	[sflag:s20] =	ssyncadd.s32 $0xFFFFFC00  }
0x40c: {  	_ =	sfence.sel $0x180000  }
0x40d: {  	[bflag:$0x0] =	sbarrier.arrive $0xFFFF  }
0x40e: {  	_ =	strace $0x90000047  }
0x40f: {  	s0 =	stileid.u32;
	[bflag:$0x2] =	sbarrier.arrive $0xFFFF  }
0x410: {  	p0 =	sne.s32 s0, $0x0;
	s0 =	rddreg [dreg:$0x6]  }
0x411: {  	s0 =	sadd.s32 @!p0 $0x100000, s0  }
0x412: {  	[sflag:s0] =	ssyncadd.tile.s32 @!p0 $0x1;
	_ =	shalt  }
.Lfunc_end2:
_tile_overlayer_lowered:
.L_overlay_start_2:
0x413: {  	(tag) =	ssettag $0x2  }
0x414: {  	s0 =	rddreg [dreg:$0x0];
	s2 =	stileid.u32  }
0x415: {  	s1 =	rddreg [dreg:$0x1];
	p0 =	sne.s32 s2, $0x0  }
0x416: {  	s3 =	rddreg [dreg:$0x2];
	[bflag:$0x3] =	sbarrier.arrive $0xFFFF;
	s2 =	simm.s32 @!p0 $0x1C03  }
0x417: {  	[timem:s3], [sflag:s2] =	dma.local @!p0 [hbm:s0], s1  }
0x418: {  	s0 =	simm.s32 @!p0 $0x3  }
0x419: {  	_ =	swait.ge @!p0 [sflag:s0], s1  }
0x41a: {  	s1 =	ssub.s32 @!p0 $0x0, s1;
	[sflag:s0] =	ssyncset.done @!p0 $0x0  }
0x41b: {  	[sflag:s0] =	ssyncadd.s32 @!p0 s1  }
0x41c: {  	[bflag:$0x3] =	sbarrier.arrive $0xFFFF  }
0x41d: {  	_ =	shalt  }

</sc_bundles>
